<compile_context>
chip_gen: v7x
topology: tpu7x:2x2x1
jax: 0.10.2.dev20260603
libtpu: 0.0.44.dev20260713+nightly
codegen_flags: <defaults>
</compile_context>

<pallas_src>
import functools

import jax
import jax.numpy as jnp
from jax import lax
from jax.experimental import pallas as pl
from jax.experimental.pallas import tpu as pltpu
from jax.experimental.pallas import tpu_sc as plsc

HIDDEN = 128
NUM_GRAPHS = 125
VARS_PER_GRAPH = 2000
NUM_VARS = NUM_GRAPHS * VARS_PER_GRAPH
NUM_LITS = 2 * NUM_VARS

NUM_WORKERS = 32
TC_GRAPHS = 61
SC_GRAPHS = NUM_GRAPHS - TC_GRAPHS
GRAPHS_PER_WORKER = -(-SC_GRAPHS // NUM_WORKERS)
CHUNK = 250
CHUNKS_PER_GRAPH = (2 * VARS_PER_GRAPH) // CHUNK
LANES = 16
VREGS_PER_ROW = HIDDEN // LANES


NBUF = 2


def _sc_segment_sum_body(l_hbm, out_hbm, buf0, buf1, row_v, sem0, sem1):
    wid = lax.axis_index("s") * 2 + lax.axis_index("c")
    bufs = (buf0, buf1)
    sems = (sem0, sem1)

    for gi in range(GRAPHS_PER_WORKER):
        g = TC_GRAPHS + wid + NUM_WORKERS * gi

        @pl.when(g < NUM_GRAPHS)
        def _():
            def chunk_src(i):
                half = i // (CHUNKS_PER_GRAPH // 2)
                c = i % (CHUNKS_PER_GRAPH // 2)
                start = (half * NUM_VARS + g * VARS_PER_GRAPH
                         + c * CHUNK) * HIDDEN
                return l_hbm.at[pl.ds(start, CHUNK * HIDDEN)]

            copies = [None] * CHUNKS_PER_GRAPH
            for i in range(NBUF - 1):
                copies[i] = pltpu.async_copy(
                    chunk_src(i), bufs[i % NBUF], sems[i % NBUF])
            acc = tuple(jnp.zeros((LANES,), jnp.float32)
                        for _ in range(VREGS_PER_ROW))
            for i in range(CHUNKS_PER_GRAPH):
                j = i + NBUF - 1
                if j < CHUNKS_PER_GRAPH:
                    copies[j] = pltpu.async_copy(
                        chunk_src(j), bufs[j % NBUF], sems[j % NBUF])
                copies[i].wait()
                buf = bufs[i % NBUF]

                def body(r, a):
                    base = r * HIDDEN
                    return tuple(
                        a[j] + buf[pl.ds(base + LANES * j, LANES)]
                        for j in range(VREGS_PER_ROW))

                acc = lax.fori_loop(0, CHUNK, body, acc, unroll=2)

            for j in range(VREGS_PER_ROW):
                row_v[pl.ds(LANES * j, LANES)] = acc[j]
            pltpu.sync_copy(row_v, out_hbm.at[pl.ds(g * HIDDEN, HIDDEN)])


@functools.partial(
    pl.kernel,
    out_type=jax.ShapeDtypeStruct((NUM_GRAPHS * HIDDEN,), jnp.float32),
    mesh=plsc.VectorSubcoreMesh(core_axis_name="c", subcore_axis_name="s"),
    scratch_types=[
        pltpu.VMEM((CHUNK * HIDDEN,), jnp.float32),
        pltpu.VMEM((CHUNK * HIDDEN,), jnp.float32),
        pltpu.VMEM((HIDDEN,), jnp.float32),
        pltpu.SemaphoreType.DMA,
        pltpu.SemaphoreType.DMA,
    ],
)
def _sc_segment_sum(l_hbm, out_hbm, buf0, buf1, row_v, sem0, sem1):
    _sc_segment_sum_body(l_hbm, out_hbm, buf0, buf1, row_v, sem0, sem1)


def _tc_sum_kernel(x_ref, o_ref):
    o_ref[...] = jnp.sum(x_ref[0, 0] + x_ref[1, 0], axis=0,
                         keepdims=True)[None]


def _tc_graph_sums(l4):
    return pl.pallas_call(
        _tc_sum_kernel,
        grid=(TC_GRAPHS,),
        in_specs=[pl.BlockSpec((2, 1, VARS_PER_GRAPH, HIDDEN),
                               lambda g: (0, g, 0, 0))],
        out_specs=pl.BlockSpec((1, 1, HIDDEN), lambda g: (g, 0, 0)),
        out_shape=jax.ShapeDtypeStruct((TC_GRAPHS, 1, HIDDEN), jnp.float32),
    )(l4)


def _mlp_kernel(tc_ref, sc_ref, nv_ref, w1_ref, b1_ref, w2_ref, b2_ref,
                w3t_ref, b3_ref, o_ref):
    sums = jnp.concatenate(
        [tc_ref[:, 0, :], sc_ref[TC_GRAPHS:, :]], axis=0)
    x = sums * (0.5 / nv_ref[...])
    h = jnp.maximum(
        jnp.dot(x, w1_ref[...], preferred_element_type=jnp.float32)
        + b1_ref[...], 0.0)
    h = jnp.maximum(
        jnp.dot(h, w2_ref[...], preferred_element_type=jnp.float32)
        + b2_ref[...], 0.0)
    o = jnp.sum(h * w3t_ref[...], axis=1, keepdims=True) + b3_ref[...]
    o_ref[...] = jax.nn.sigmoid(o)


def kernel(l_embedding, num_variable, W1, b1, W2, b2, W3, b3):
    sc_sums = _sc_segment_sum(l_embedding.reshape(NUM_LITS * HIDDEN))
    tc_sums = _tc_graph_sums(
        l_embedding.reshape(2, NUM_GRAPHS, VARS_PER_GRAPH, HIDDEN))
    nv = num_variable.astype(jnp.float32).reshape(NUM_GRAPHS, 1)
    out = pl.pallas_call(
        _mlp_kernel,
        out_shape=jax.ShapeDtypeStruct((NUM_GRAPHS, 1), jnp.float32),
    )(tc_sums, sc_sums.reshape(NUM_GRAPHS, HIDDEN), nv, W1,
      b1.reshape(1, HIDDEN), W2, b2.reshape(1, HIDDEN),
      W3.reshape(1, HIDDEN), b3.reshape(1, 1))
    return out.reshape(NUM_GRAPHS)

# --- scband reference (transcript-rebuilt; emitter-appended) ---
"""Pipeline reference for scband-lcgwrapper-27144193311183 (READ-ONLY COPY).

The authoritative reference and input builder live on the scoring server;
editing this copy changes nothing except your own understanding.
"""

import jax, jax.numpy as jnp
import numpy as np

HIDDEN = 128
NUM_GRAPHS = 125
VARS_PER_GRAPH = 2000
NUM_VARS = NUM_GRAPHS * VARS_PER_GRAPH  # 250000 variables
NUM_LITS = 2 * NUM_VARS                 # 500000 literals (pos block then neg block)


def setup_inputs(seed: int = 0) -> dict:
    key = jax.random.key(seed)
    ks = jax.random.split(key, 8)
    # post-GNN literal embeddings fed into graph_pooling (the segment_reduce core of LCGWrapper)
    l_embedding = jax.random.normal(ks[0], (NUM_LITS, HIDDEN), dtype=jnp.float32)
    # per-graph variable counts (dgl.ops.segment_reduce segment sizes); uniform batch of SAT instances
    num_variable = jnp.full((NUM_GRAPHS,), VARS_PER_GRAPH, dtype=jnp.int32)
    # graph_readout = MLP(hidden, hidden, 1, num_layer=3): Lin+ReLU, Lin+ReLU, Lin
    W1 = jax.random.normal(ks[1], (HIDDEN, HIDDEN), dtype=jnp.float32) * 0.02
    b1 = jnp.zeros((HIDDEN,), dtype=jnp.float32)
    W2 = jax.random.normal(ks[2], (HIDDEN, HIDDEN), dtype=jnp.float32) * 0.02
    b2 = jnp.zeros((HIDDEN,), dtype=jnp.float32)
    W3 = jax.random.normal(ks[3], (HIDDEN, 1), dtype=jnp.float32) * 0.02
    b3 = jnp.zeros((1,), dtype=jnp.float32)
    return {"l_embedding": l_embedding, "num_variable": num_variable,
            "W1": W1, "b1": b1, "W2": W2, "b2": b2, "W3": W3, "b3": b3}


def _mlp(x, W1, b1, W2, b2, W3, b3):
    h = jax.nn.relu(x @ W1 + b1)
    h = jax.nn.relu(h @ W2 + b2)
    return h @ W3 + b3


def reference(l_embedding, num_variable, W1, b1, W2, b2, W3, b3):
    # torch.chunk(l_embedding, 2, dim=0)
    pos_l, neg_l = jnp.split(l_embedding, 2, axis=0)
    mean_v = (pos_l + neg_l) / 2.0
    # dgl.ops.segment_reduce(num_variable, mean_v, reducer='mean')
    num_graphs = num_variable.shape[0]
    seg_ids = jnp.repeat(jnp.arange(num_graphs, dtype=jnp.int32), num_variable,
                         total_repeat_length=mean_v.shape[0])
    seg_sum = jax.ops.segment_sum(mean_v, seg_ids, num_segments=num_graphs)
    g_pooling = seg_sum / num_variable.astype(jnp.float32)[:, None]
    # graph_readout MLP -> squeeze(-1) -> sigmoid (config['model_settings']['sigmoid'] == True)
    g_embedding = _mlp(g_pooling, W1, b1, W2, b2, W3, b3).squeeze(-1)
    g_embedding = jax.nn.sigmoid(g_embedding)
    return g_embedding

if __name__ == "__main__":
    import jax
    _d = setup_inputs()
    print(jax.jit(kernel)(*tuple(_d.values())))

</pallas_src>

<mosaic_0001>
#map = affine_map<(d0, d1) -> (0)>
module attributes {stable_mosaic.version = 14 : i64} {
  func.func @_sc_segment_sum(%arg0: i32, %arg1: i32, %arg2: memref<64000000xf32, #tpu.memory_space<hbm>>, %arg3: memref<16000xf32, #tpu.memory_space<hbm>>, %arg4: memref<32000xf32, #tpu.memory_space<vmem>>, %arg5: memref<32000xf32, #tpu.memory_space<vmem>>, %arg6: memref<128xf32, #tpu.memory_space<vmem>>, %arg7: memref<!tpu.dma_semaphore, #tpu.memory_space<semaphore_mem>>, %arg8: memref<!tpu.dma_semaphore, #tpu.memory_space<semaphore_mem>>) attributes {dimension_semantics = [#tpu.dimension_semantics<core_parallel>, #tpu.dimension_semantics<subcore_parallel>], iteration_bounds = array<i64: 2, 16>, scalar_prefetch = 0 : i64, scratch_operands = 5 : i64, tpu.core_type = #tpu.core_type<sc_vector_subcore>, window_params = [{transform_indices = #map}, {transform_indices = #map}]} {
    %mul3A = arith.constant 2 : i32
    %mul3A_0 = arith.muli %arg1, %mul3A : i32
    %add3A = arith.addi %mul3A_0, %arg0 : i32
    %add3A_1 = arith.constant 61 : i32
    %add3A_2 = arith.addi %add3A_1, %add3A : i32
    %add3A_3 = arith.constant 0 : i32
    %add3A_4 = arith.addi %add3A_2, %add3A_3 : i32
    %lt3A = arith.constant 125 : i32
    %lt3A_5 = arith.cmpi slt, %add3A_4, %lt3A : i32
    %convert_element_type3A = arith.extui %lt3A_5 : i1 to i32
    %cond3A = arith.constant 0 : i32
    %cond3A_6 = arith.cmpi ne, %convert_element_type3A, %cond3A : i32
    scf.if %cond3A_6 {
      %mul3A_16 = arith.constant 2000 : i32
      %mul3A_17 = arith.muli %add3A_4, %mul3A_16 : i32
      %add3A_18 = arith.constant 0 : i32
      %add3A_19 = arith.addi %add3A_18, %mul3A_17 : i32
      %add3A_20 = arith.constant 0 : i32
      %add3A_21 = arith.addi %add3A_19, %add3A_20 : i32
      %mul3A_22 = arith.constant 128 : i32
      %mul3A_23 = arith.muli %add3A_21, %mul3A_22 : i32
      %dma_start3A = tpu.memref_slice %arg2[%mul3A_23] : memref<64000000xf32, #tpu.memory_space<hbm>> -> memref<32000xf32, #tpu.memory_space<hbm>>
      %dma_start3A_24 = tpu.memref_slice %arg2[%mul3A_23] : memref<64000000xf32, #tpu.memory_space<hbm>> -> memref<32000xf32, #tpu.memory_space<hbm>>
      tpu.enqueue_dma source(%dma_start3A_24 : memref<32000xf32, #tpu.memory_space<hbm>>) target(%arg4 : memref<32000xf32, #tpu.memory_space<vmem>>) target_semaphore(%arg7 : memref<!tpu.dma_semaphore, #tpu.memory_space<semaphore_mem>>)
      %broadcast_in_dim3A = arith.constant 0.000000e+00 : f32
      %broadcast_in_dim3A_25 = vector.broadcast %broadcast_in_dim3A : f32 to vector<16xf32>
      %broadcast_in_dim3A_26 = arith.constant 0.000000e+00 : f32
      %broadcast_in_dim3A_27 = vector.broadcast %broadcast_in_dim3A_26 : f32 to vector<16xf32>
      %broadcast_in_dim3A_28 = arith.constant 0.000000e+00 : f32
      %broadcast_in_dim3A_29 = vector.broadcast %broadcast_in_dim3A_28 : f32 to vector<16xf32>
      %broadcast_in_dim3A_30 = arith.constant 0.000000e+00 : f32
      %broadcast_in_dim3A_31 = vector.broadcast %broadcast_in_dim3A_30 : f32 to vector<16xf32>
      %broadcast_in_dim3A_32 = arith.constant 0.000000e+00 : f32
      %broadcast_in_dim3A_33 = vector.broadcast %broadcast_in_dim3A_32 : f32 to vector<16xf32>
      %broadcast_in_dim3A_34 = arith.constant 0.000000e+00 : f32
      %broadcast_in_dim3A_35 = vector.broadcast %broadcast_in_dim3A_34 : f32 to vector<16xf32>
      %broadcast_in_dim3A_36 = arith.constant 0.000000e+00 : f32
      %broadcast_in_dim3A_37 = vector.broadcast %broadcast_in_dim3A_36 : f32 to vector<16xf32>
      %broadcast_in_dim3A_38 = arith.constant 0.000000e+00 : f32
      %broadcast_in_dim3A_39 = vector.broadcast %broadcast_in_dim3A_38 : f32 to vector<16xf32>
      %mul3A_40 = arith.constant 2000 : i32
      %mul3A_41 = arith.muli %add3A_4, %mul3A_40 : i32
      %add3A_42 = arith.constant 0 : i32
      %add3A_43 = arith.addi %add3A_42, %mul3A_41 : i32
      %add3A_44 = arith.constant 250 : i32
      %add3A_45 = arith.addi %add3A_43, %add3A_44 : i32
      %mul3A_46 = arith.constant 128 : i32
      %mul3A_47 = arith.muli %add3A_45, %mul3A_46 : i32
      %dma_start3A_48 = tpu.memref_slice %arg2[%mul3A_47] : memref<64000000xf32, #tpu.memory_space<hbm>> -> memref<32000xf32, #tpu.memory_space<hbm>>
      %dma_start3A_49 = tpu.memref_slice %arg2[%mul3A_47] : memref<64000000xf32, #tpu.memory_space<hbm>> -> memref<32000xf32, #tpu.memory_space<hbm>>
      tpu.enqueue_dma source(%dma_start3A_49 : memref<32000xf32, #tpu.memory_space<hbm>>) target(%arg5 : memref<32000xf32, #tpu.memory_space<vmem>>) target_semaphore(%arg8 : memref<!tpu.dma_semaphore, #tpu.memory_space<semaphore_mem>>)
      %dma_wait3A = tpu.memref_slice %arg2[%mul3A_23] : memref<64000000xf32, #tpu.memory_space<hbm>> -> memref<32000xf32, #tpu.memory_space<hbm>>
      %dma_wait3A_50 = tpu.memref_slice %arg2[%mul3A_23] : memref<64000000xf32, #tpu.memory_space<hbm>> -> memref<32000xf32, #tpu.memory_space<hbm>>
      tpu.wait_dma2 semaphore(%arg7 : memref<!tpu.dma_semaphore, #tpu.memory_space<semaphore_mem>>) src(%dma_wait3A_50 : memref<32000xf32, #tpu.memory_space<hbm>>) dst(%arg4 : memref<32000xf32, #tpu.memory_space<vmem>>)
      %scan3A = arith.constant 0 : i32
      %scan3A_51 = arith.constant 250 : i32
      %scan3A_52 = arith.addi %scan3A, %scan3A_51 : i32
      %scan3A_53 = arith.constant 2 : i32
      %scan3A_54:8 = scf.for %scan3A_349 = %scan3A to %scan3A_52 step %scan3A_53 iter_args(%scan3A_350 = %broadcast_in_dim3A_25, %scan3A_351 = %broadcast_in_dim3A_27, %scan3A_352 = %broadcast_in_dim3A_29, %scan3A_353 = %broadcast_in_dim3A_31, %scan3A_354 = %broadcast_in_dim3A_33, %scan3A_355 = %broadcast_in_dim3A_35, %scan3A_356 = %broadcast_in_dim3A_37, %scan3A_357 = %broadcast_in_dim3A_39) -> (vector<16xf32>, vector<16xf32>, vector<16xf32>, vector<16xf32>, vector<16xf32>, vector<16xf32>, vector<16xf32>, vector<16xf32>)  : i32 {
        %mul3A_358 = arith.constant 128 : i32
        %mul3A_359 = arith.muli %scan3A_349, %mul3A_358 : i32
        %add3A_360 = arith.constant 0 : i32
        %add3A_361 = arith.addi %mul3A_359, %add3A_360 : i32
        %get3A = arith.index_cast %add3A_361 : i32 to index
        %get3A_362 = tpu.vector_load %arg4[%get3A] {strides = array<i32>} : memref<32000xf32, #tpu.memory_space<vmem>>, vector<16xf32>,
        %get3A_363 = vector.shape_cast %get3A_362 : vector<16xf32> to vector<16xf32>
        %add3A_364 = arith.addf %scan3A_350, %get3A_363 : vector<16xf32>
        %add3A_365 = arith.constant 16 : i32
        %add3A_366 = arith.addi %mul3A_359, %add3A_365 : i32
        %get3A_367 = arith.index_cast %add3A_366 : i32 to index
        %get3A_368 = tpu.vector_load %arg4[%get3A_367] {strides = array<i32>} : memref<32000xf32, #tpu.memory_space<vmem>>, vector<16xf32>,
        %get3A_369 = vector.shape_cast %get3A_368 : vector<16xf32> to vector<16xf32>
        %add3A_370 = arith.addf %scan3A_351, %get3A_369 : vector<16xf32>
        %add3A_371 = arith.constant 32 : i32
        %add3A_372 = arith.addi %mul3A_359, %add3A_371 : i32
        %get3A_373 = arith.index_cast %add3A_372 : i32 to index
        %get3A_374 = tpu.vector_load %arg4[%get3A_373] {strides = array<i32>} : memref<32000xf32, #tpu.memory_space<vmem>>, vector<16xf32>,
        %get3A_375 = vector.shape_cast %get3A_374 : vector<16xf32> to vector<16xf32>
        %add3A_376 = arith.addf %scan3A_352, %get3A_375 : vector<16xf32>
        %add3A_377 = arith.constant 48 : i32
        %add3A_378 = arith.addi %mul3A_359, %add3A_377 : i32
        %get3A_379 = arith.index_cast %add3A_378 : i32 to index
        %get3A_380 = tpu.vector_load %arg4[%get3A_379] {strides = array<i32>} : memref<32000xf32, #tpu.memory_space<vmem>>, vector<16xf32>,
        %get3A_381 = vector.shape_cast %get3A_380 : vector<16xf32> to vector<16xf32>
        %add3A_382 = arith.addf %scan3A_353, %get3A_381 : vector<16xf32>
        %add3A_383 = arith.constant 64 : i32
        %add3A_384 = arith.addi %mul3A_359, %add3A_383 : i32
        %get3A_385 = arith.index_cast %add3A_384 : i32 to index
        %get3A_386 = tpu.vector_load %arg4[%get3A_385] {strides = array<i32>} : memref<32000xf32, #tpu.memory_space<vmem>>, vector<16xf32>,
        %get3A_387 = vector.shape_cast %get3A_386 : vector<16xf32> to vector<16xf32>
        %add3A_388 = arith.addf %scan3A_354, %get3A_387 : vector<16xf32>
        %add3A_389 = arith.constant 80 : i32
        %add3A_390 = arith.addi %mul3A_359, %add3A_389 : i32
        %get3A_391 = arith.index_cast %add3A_390 : i32 to index
        %get3A_392 = tpu.vector_load %arg4[%get3A_391] {strides = array<i32>} : memref<32000xf32, #tpu.memory_space<vmem>>, vector<16xf32>,
        %get3A_393 = vector.shape_cast %get3A_392 : vector<16xf32> to vector<16xf32>
        %add3A_394 = arith.addf %scan3A_355, %get3A_393 : vector<16xf32>
        %add3A_395 = arith.constant 96 : i32
        %add3A_396 = arith.addi %mul3A_359, %add3A_395 : i32
        %get3A_397 = arith.index_cast %add3A_396 : i32 to index
        %get3A_398 = tpu.vector_load %arg4[%get3A_397] {strides = array<i32>} : memref<32000xf32, #tpu.memory_space<vmem>>, vector<16xf32>,
        %get3A_399 = vector.shape_cast %get3A_398 : vector<16xf32> to vector<16xf32>
        %add3A_400 = arith.addf %scan3A_356, %get3A_399 : vector<16xf32>
        %add3A_401 = arith.constant 112 : i32
        %add3A_402 = arith.addi %mul3A_359, %add3A_401 : i32
        %get3A_403 = arith.index_cast %add3A_402 : i32 to index
        %get3A_404 = tpu.vector_load %arg4[%get3A_403] {strides = array<i32>} : memref<32000xf32, #tpu.memory_space<vmem>>, vector<16xf32>,
        %get3A_405 = vector.shape_cast %get3A_404 : vector<16xf32> to vector<16xf32>
        %add3A_406 = arith.addf %scan3A_357, %get3A_405 : vector<16xf32>
        %scan3A_407 = arith.constant 1 : i32
        %scan3A_408 = arith.addi %scan3A_349, %scan3A_407 : i32
        %mul3A_409 = arith.constant 128 : i32
        %mul3A_410 = arith.muli %scan3A_408, %mul3A_409 : i32
        %add3A_411 = arith.constant 0 : i32
        %add3A_412 = arith.addi %mul3A_410, %add3A_411 : i32
        %get3A_413 = arith.index_cast %add3A_412 : i32 to index
        %get3A_414 = tpu.vector_load %arg4[%get3A_413] {strides = array<i32>} : memref<32000xf32, #tpu.memory_space<vmem>>, vector<16xf32>,
        %get3A_415 = vector.shape_cast %get3A_414 : vector<16xf32> to vector<16xf32>
        %add3A_416 = arith.addf %add3A_364, %get3A_415 : vector<16xf32>
        %add3A_417 = arith.constant 16 : i32
        %add3A_418 = arith.addi %mul3A_410, %add3A_417 : i32
        %get3A_419 = arith.index_cast %add3A_418 : i32 to index
        %get3A_420 = tpu.vector_load %arg4[%get3A_419] {strides = array<i32>} : memref<32000xf32, #tpu.memory_space<vmem>>, vector<16xf32>,
        %get3A_421 = vector.shape_cast %get3A_420 : vector<16xf32> to vector<16xf32>
        %add3A_422 = arith.addf %add3A_370, %get3A_421 : vector<16xf32>
        %add3A_423 = arith.constant 32 : i32
        %add3A_424 = arith.addi %mul3A_410, %add3A_423 : i32
        %get3A_425 = arith.index_cast %add3A_424 : i32 to index
        %get3A_426 = tpu.vector_load %arg4[%get3A_425] {strides = array<i32>} : memref<32000xf32, #tpu.memory_space<vmem>>, vector<16xf32>,
        %get3A_427 = vector.shape_cast %get3A_426 : vector<16xf32> to vector<16xf32>
        %add3A_428 = arith.addf %add3A_376, %get3A_427 : vector<16xf32>
        %add3A_429 = arith.constant 48 : i32
        %add3A_430 = arith.addi %mul3A_410, %add3A_429 : i32
        %get3A_431 = arith.index_cast %add3A_430 : i32 to index
        %get3A_432 = tpu.vector_load %arg4[%get3A_431] {strides = array<i32>} : memref<32000xf32, #tpu.memory_space<vmem>>, vector<16xf32>,
        %get3A_433 = vector.shape_cast %get3A_432 : vector<16xf32> to vector<16xf32>
        %add3A_434 = arith.addf %add3A_382, %get3A_433 : vector<16xf32>
        %add3A_435 = arith.constant 64 : i32
        %add3A_436 = arith.addi %mul3A_410, %add3A_435 : i32
        %get3A_437 = arith.index_cast %add3A_436 : i32 to index
        %get3A_438 = tpu.vector_load %arg4[%get3A_437] {strides = array<i32>} : memref<32000xf32, #tpu.memory_space<vmem>>, vector<16xf32>,
        %get3A_439 = vector.shape_cast %get3A_438 : vector<16xf32> to vector<16xf32>
        %add3A_440 = arith.addf %add3A_388, %get3A_439 : vector<16xf32>
        %add3A_441 = arith.constant 80 : i32
        %add3A_442 = arith.addi %mul3A_410, %add3A_441 : i32
        %get3A_443 = arith.index_cast %add3A_442 : i32 to index
        %get3A_444 = tpu.vector_load %arg4[%get3A_443] {strides = array<i32>} : memref<32000xf32, #tpu.memory_space<vmem>>, vector<16xf32>,
        %get3A_445 = vector.shape_cast %get3A_444 : vector<16xf32> to vector<16xf32>
        %add3A_446 = arith.addf %add3A_394, %get3A_445 : vector<16xf32>
        %add3A_447 = arith.constant 96 : i32
        %add3A_448 = arith.addi %mul3A_410, %add3A_447 : i32
        %get3A_449 = arith.index_cast %add3A_448 : i32 to index
        %get3A_450 = tpu.vector_load %arg4[%get3A_449] {strides = array<i32>} : memref<32000xf32, #tpu.memory_space<vmem>>, vector<16xf32>,
        %get3A_451 = vector.shape_cast %get3A_450 : vector<16xf32> to vector<16xf32>
        %add3A_452 = arith.addf %add3A_400, %get3A_451 : vector<16xf32>
        %add3A_453 = arith.constant 112 : i32
        %add3A_454 = arith.addi %mul3A_410, %add3A_453 : i32
        %get3A_455 = arith.index_cast %add3A_454 : i32 to index
        %get3A_456 = tpu.vector_load %arg4[%get3A_455] {strides = array<i32>} : memref<32000xf32, #tpu.memory_space<vmem>>, vector<16xf32>,
        %get3A_457 = vector.shape_cast %get3A_456 : vector<16xf32> to vector<16xf32>
        %add3A_458 = arith.addf %add3A_406, %get3A_457 : vector<16xf32>
        scf.yield %add3A_416, %add3A_422, %add3A_428, %add3A_434, %add3A_440, %add3A_446, %add3A_452, %add3A_458 : vector<16xf32>, vector<16xf32>, vector<16xf32>, vector<16xf32>, vector<16xf32>, vector<16xf32>, vector<16xf32>, vector<16xf32>
      }
      %scan3A_55 = arith.constant 250 : i32
      %mul3A_56 = arith.constant 2000 : i32
      %mul3A_57 = arith.muli %add3A_4, %mul3A_56 : i32
      %add3A_58 = arith.constant 0 : i32
      %add3A_59 = arith.addi %add3A_58, %mul3A_57 : i32
      %add3A_60 = arith.constant 500 : i32
      %add3A_61 = arith.addi %add3A_59, %add3A_60 : i32
      %mul3A_62 = arith.constant 128 : i32
      %mul3A_63 = arith.muli %add3A_61, %mul3A_62 : i32
      %dma_start3A_64 = tpu.memref_slice %arg2[%mul3A_63] : memref<64000000xf32, #tpu.memory_space<hbm>> -> memref<32000xf32, #tpu.memory_space<hbm>>
      %dma_start3A_65 = tpu.memref_slice %arg2[%mul3A_63] : memref<64000000xf32, #tpu.memory_space<hbm>> -> memref<32000xf32, #tpu.memory_space<hbm>>
      tpu.enqueue_dma source(%dma_start3A_65 : memref<32000xf32, #tpu.memory_space<hbm>>) target(%arg4 : memref<32000xf32, #tpu.memory_space<vmem>>) target_semaphore(%arg7 : memref<!tpu.dma_semaphore, #tpu.memory_space<semaphore_mem>>)
      %dma_wait3A_66 = tpu.memref_slice %arg2[%mul3A_47] : memref<64000000xf32, #tpu.memory_space<hbm>> -> memref<32000xf32, #tpu.memory_space<hbm>>
      %dma_wait3A_67 = tpu.memref_slice %arg2[%mul3A_47] : memref<64000000xf32, #tpu.memory_space<hbm>> -> memref<32000xf32, #tpu.memory_space<hbm>>
      tpu.wait_dma2 semaphore(%arg8 : memref<!tpu.dma_semaphore, #tpu.memory_space<semaphore_mem>>) src(%dma_wait3A_67 : memref<32000xf32, #tpu.memory_space<hbm>>) dst(%arg5 : memref<32000xf32, #tpu.memory_space<vmem>>)
      %scan3A_68 = arith.constant 0 : i32
      %scan3A_69 = arith.constant 250 : i32
      %scan3A_70 = arith.addi %scan3A_68, %scan3A_69 : i32
      %scan3A_71 = arith.constant 2 : i32
      %scan3A_72:8 = scf.for %scan3A_349 = %scan3A_68 to %scan3A_70 step %scan3A_71 iter_args(%scan3A_350 = %scan3A_54#0, %scan3A_351 = %scan3A_54#1, %scan3A_352 = %scan3A_54#2, %scan3A_353 = %scan3A_54#3, %scan3A_354 = %scan3A_54#4, %scan3A_355 = %scan3A_54#5, %scan3A_356 = %scan3A_54#6, %scan3A_357 = %scan3A_54#7) -> (vector<16xf32>, vector<16xf32>, vector<16xf32>, vector<16xf32>, vector<16xf32>, vector<16xf32>, vector<16xf32>, vector<16xf32>)  : i32 {
        %mul3A_358 = arith.constant 128 : i32
        %mul3A_359 = arith.muli %scan3A_349, %mul3A_358 : i32
        %add3A_360 = arith.constant 0 : i32
        %add3A_361 = arith.addi %mul3A_359, %add3A_360 : i32
        %get3A = arith.index_cast %add3A_361 : i32 to index
        %get3A_362 = tpu.vector_load %arg5[%get3A] {strides = array<i32>} : memref<32000xf32, #tpu.memory_space<vmem>>, vector<16xf32>,
        %get3A_363 = vector.shape_cast %get3A_362 : vector<16xf32> to vector<16xf32>
        %add3A_364 = arith.addf %scan3A_350, %get3A_363 : vector<16xf32>
        %add3A_365 = arith.constant 16 : i32
        %add3A_366 = arith.addi %mul3A_359, %add3A_365 : i32
        %get3A_367 = arith.index_cast %add3A_366 : i32 to index
        %get3A_368 = tpu.vector_load %arg5[%get3A_367] {strides = array<i32>} : memref<32000xf32, #tpu.memory_space<vmem>>, vector<16xf32>,
        %get3A_369 = vector.shape_cast %get3A_368 : vector<16xf32> to vector<16xf32>
        %add3A_370 = arith.addf %scan3A_351, %get3A_369 : vector<16xf32>
        %add3A_371 = arith.constant 32 : i32
        %add3A_372 = arith.addi %mul3A_359, %add3A_371 : i32
        %get3A_373 = arith.index_cast %add3A_372 : i32 to index
        %get3A_374 = tpu.vector_load %arg5[%get3A_373] {strides = array<i32>} : memref<32000xf32, #tpu.memory_space<vmem>>, vector<16xf32>,
        %get3A_375 = vector.shape_cast %get3A_374 : vector<16xf32> to vector<16xf32>
        %add3A_376 = arith.addf %scan3A_352, %get3A_375 : vector<16xf32>
        %add3A_377 = arith.constant 48 : i32
        %add3A_378 = arith.addi %mul3A_359, %add3A_377 : i32
        %get3A_379 = arith.index_cast %add3A_378 : i32 to index
        %get3A_380 = tpu.vector_load %arg5[%get3A_379] {strides = array<i32>} : memref<32000xf32, #tpu.memory_space<vmem>>, vector<16xf32>,
        %get3A_381 = vector.shape_cast %get3A_380 : vector<16xf32> to vector<16xf32>
        %add3A_382 = arith.addf %scan3A_353, %get3A_381 : vector<16xf32>
        %add3A_383 = arith.constant 64 : i32
        %add3A_384 = arith.addi %mul3A_359, %add3A_383 : i32
        %get3A_385 = arith.index_cast %add3A_384 : i32 to index
        %get3A_386 = tpu.vector_load %arg5[%get3A_385] {strides = array<i32>} : memref<32000xf32, #tpu.memory_space<vmem>>, vector<16xf32>,
        %get3A_387 = vector.shape_cast %get3A_386 : vector<16xf32> to vector<16xf32>
        %add3A_388 = arith.addf %scan3A_354, %get3A_387 : vector<16xf32>
        %add3A_389 = arith.constant 80 : i32
        %add3A_390 = arith.addi %mul3A_359, %add3A_389 : i32
        %get3A_391 = arith.index_cast %add3A_390 : i32 to index
        %get3A_392 = tpu.vector_load %arg5[%get3A_391] {strides = array<i32>} : memref<32000xf32, #tpu.memory_space<vmem>>, vector<16xf32>,
        %get3A_393 = vector.shape_cast %get3A_392 : vector<16xf32> to vector<16xf32>
        %add3A_394 = arith.addf %scan3A_355, %get3A_393 : vector<16xf32>
        %add3A_395 = arith.constant 96 : i32
        %add3A_396 = arith.addi %mul3A_359, %add3A_395 : i32
        %get3A_397 = arith.index_cast %add3A_396 : i32 to index
        %get3A_398 = tpu.vector_load %arg5[%get3A_397] {strides = array<i32>} : memref<32000xf32, #tpu.memory_space<vmem>>, vector<16xf32>,
        %get3A_399 = vector.shape_cast %get3A_398 : vector<16xf32> to vector<16xf32>
        %add3A_400 = arith.addf %scan3A_356, %get3A_399 : vector<16xf32>
        %add3A_401 = arith.constant 112 : i32
        %add3A_402 = arith.addi %mul3A_359, %add3A_401 : i32
        %get3A_403 = arith.index_cast %add3A_402 : i32 to index
        %get3A_404 = tpu.vector_load %arg5[%get3A_403] {strides = array<i32>} : memref<32000xf32, #tpu.memory_space<vmem>>, vector<16xf32>,
        %get3A_405 = vector.shape_cast %get3A_404 : vector<16xf32> to vector<16xf32>
        %add3A_406 = arith.addf %scan3A_357, %get3A_405 : vector<16xf32>
        %scan3A_407 = arith.constant 1 : i32
        %scan3A_408 = arith.addi %scan3A_349, %scan3A_407 : i32
        %mul3A_409 = arith.constant 128 : i32
        %mul3A_410 = arith.muli %scan3A_408, %mul3A_409 : i32
        %add3A_411 = arith.constant 0 : i32
        %add3A_412 = arith.addi %mul3A_410, %add3A_411 : i32
        %get3A_413 = arith.index_cast %add3A_412 : i32 to index
        %get3A_414 = tpu.vector_load %arg5[%get3A_413] {strides = array<i32>} : memref<32000xf32, #tpu.memory_space<vmem>>, vector<16xf32>,
        %get3A_415 = vector.shape_cast %get3A_414 : vector<16xf32> to vector<16xf32>
        %add3A_416 = arith.addf %add3A_364, %get3A_415 : vector<16xf32>
        %add3A_417 = arith.constant 16 : i32
        %add3A_418 = arith.addi %mul3A_410, %add3A_417 : i32
        %get3A_419 = arith.index_cast %add3A_418 : i32 to index
        %get3A_420 = tpu.vector_load %arg5[%get3A_419] {strides = array<i32>} : memref<32000xf32, #tpu.memory_space<vmem>>, vector<16xf32>,
        %get3A_421 = vector.shape_cast %get3A_420 : vector<16xf32> to vector<16xf32>
        %add3A_422 = arith.addf %add3A_370, %get3A_421 : vector<16xf32>
        %add3A_423 = arith.constant 32 : i32
        %add3A_424 = arith.addi %mul3A_410, %add3A_423 : i32
        %get3A_425 = arith.index_cast %add3A_424 : i32 to index
        %get3A_426 = tpu.vector_load %arg5[%get3A_425] {strides = array<i32>} : memref<32000xf32, #tpu.memory_space<vmem>>, vector<16xf32>,
        %get3A_427 = vector.shape_cast %get3A_426 : vector<16xf32> to vector<16xf32>
        %add3A_428 = arith.addf %add3A_376, %get3A_427 : vector<16xf32>
        %add3A_429 = arith.constant 48 : i32
        %add3A_430 = arith.addi %mul3A_410, %add3A_429 : i32
        %get3A_431 = arith.index_cast %add3A_430 : i32 to index
        %get3A_432 = tpu.vector_load %arg5[%get3A_431] {strides = array<i32>} : memref<32000xf32, #tpu.memory_space<vmem>>, vector<16xf32>,
        %get3A_433 = vector.shape_cast %get3A_432 : vector<16xf32> to vector<16xf32>
        %add3A_434 = arith.addf %add3A_382, %get3A_433 : vector<16xf32>
        %add3A_435 = arith.constant 64 : i32
        %add3A_436 = arith.addi %mul3A_410, %add3A_435 : i32
        %get3A_437 = arith.index_cast %add3A_436 : i32 to index
        %get3A_438 = tpu.vector_load %arg5[%get3A_437] {strides = array<i32>} : memref<32000xf32, #tpu.memory_space<vmem>>, vector<16xf32>,
        %get3A_439 = vector.shape_cast %get3A_438 : vector<16xf32> to vector<16xf32>
        %add3A_440 = arith.addf %add3A_388, %get3A_439 : vector<16xf32>
        %add3A_441 = arith.constant 80 : i32
        %add3A_442 = arith.addi %mul3A_410, %add3A_441 : i32
        %get3A_443 = arith.index_cast %add3A_442 : i32 to index
        %get3A_444 = tpu.vector_load %arg5[%get3A_443] {strides = array<i32>} : memref<32000xf32, #tpu.memory_space<vmem>>, vector<16xf32>,
        %get3A_445 = vector.shape_cast %get3A_444 : vector<16xf32> to vector<16xf32>
        %add3A_446 = arith.addf %add3A_394, %get3A_445 : vector<16xf32>
        %add3A_447 = arith.constant 96 : i32
        %add3A_448 = arith.addi %mul3A_410, %add3A_447 : i32
        %get3A_449 = arith.index_cast %add3A_448 : i32 to index
        %get3A_450 = tpu.vector_load %arg5[%get3A_449] {strides = array<i32>} : memref<32000xf32, #tpu.memory_space<vmem>>, vector<16xf32>,
        %get3A_451 = vector.shape_cast %get3A_450 : vector<16xf32> to vector<16xf32>
        %add3A_452 = arith.addf %add3A_400, %get3A_451 : vector<16xf32>
        %add3A_453 = arith.constant 112 : i32
        %add3A_454 = arith.addi %mul3A_410, %add3A_453 : i32
        %get3A_455 = arith.index_cast %add3A_454 : i32 to index
        %get3A_456 = tpu.vector_load %arg5[%get3A_455] {strides = array<i32>} : memref<32000xf32, #tpu.memory_space<vmem>>, vector<16xf32>,
        %get3A_457 = vector.shape_cast %get3A_456 : vector<16xf32> to vector<16xf32>
        %add3A_458 = arith.addf %add3A_406, %get3A_457 : vector<16xf32>
        scf.yield %add3A_416, %add3A_422, %add3A_428, %add3A_434, %add3A_440, %add3A_446, %add3A_452, %add3A_458 : vector<16xf32>, vector<16xf32>, vector<16xf32>, vector<16xf32>, vector<16xf32>, vector<16xf32>, vector<16xf32>, vector<16xf32>
      }
      %scan3A_73 = arith.constant 250 : i32
      %mul3A_74 = arith.constant 2000 : i32
      %mul3A_75 = arith.muli %add3A_4, %mul3A_74 : i32
      %add3A_76 = arith.constant 0 : i32
      %add3A_77 = arith.addi %add3A_76, %mul3A_75 : i32
      %add3A_78 = arith.constant 750 : i32
      %add3A_79 = arith.addi %add3A_77, %add3A_78 : i32
      %mul3A_80 = arith.constant 128 : i32
      %mul3A_81 = arith.muli %add3A_79, %mul3A_80 : i32
      %dma_start3A_82 = tpu.memref_slice %arg2[%mul3A_81] : memref<64000000xf32, #tpu.memory_space<hbm>> -> memref<32000xf32, #tpu.memory_space<hbm>>
      %dma_start3A_83 = tpu.memref_slice %arg2[%mul3A_81] : memref<64000000xf32, #tpu.memory_space<hbm>> -> memref<32000xf32, #tpu.memory_space<hbm>>
      tpu.enqueue_dma source(%dma_start3A_83 : memref<32000xf32, #tpu.memory_space<hbm>>) target(%arg5 : memref<32000xf32, #tpu.memory_space<vmem>>) target_semaphore(%arg8 : memref<!tpu.dma_semaphore, #tpu.memory_space<semaphore_mem>>)
      %dma_wait3A_84 = tpu.memref_slice %arg2[%mul3A_63] : memref<64000000xf32, #tpu.memory_space<hbm>> -> memref<32000xf32, #tpu.memory_space<hbm>>
      %dma_wait3A_85 = tpu.memref_slice %arg2[%mul3A_63] : memref<64000000xf32, #tpu.memory_space<hbm>> -> memref<32000xf32, #tpu.memory_space<hbm>>
      tpu.wait_dma2 semaphore(%arg7 : memref<!tpu.dma_semaphore, #tpu.memory_space<semaphore_mem>>) src(%dma_wait3A_85 : memref<32000xf32, #tpu.memory_space<hbm>>) dst(%arg4 : memref<32000xf32, #tpu.memory_space<vmem>>)
      %scan3A_86 = arith.constant 0 : i32
      %scan3A_87 = arith.constant 250 : i32
      %scan3A_88 = arith.addi %scan3A_86, %scan3A_87 : i32
      %scan3A_89 = arith.constant 2 : i32
      %scan3A_90:8 = scf.for %scan3A_349 = %scan3A_86 to %scan3A_88 step %scan3A_89 iter_args(%scan3A_350 = %scan3A_72#0, %scan3A_351 = %scan3A_72#1, %scan3A_352 = %scan3A_72#2, %scan3A_353 = %scan3A_72#3, %scan3A_354 = %scan3A_72#4, %scan3A_355 = %scan3A_72#5, %scan3A_356 = %scan3A_72#6, %scan3A_357 = %scan3A_72#7) -> (vector<16xf32>, vector<16xf32>, vector<16xf32>, vector<16xf32>, vector<16xf32>, vector<16xf32>, vector<16xf32>, vector<16xf32>)  : i32 {
        %mul3A_358 = arith.constant 128 : i32
        %mul3A_359 = arith.muli %scan3A_349, %mul3A_358 : i32
        %add3A_360 = arith.constant 0 : i32
        %add3A_361 = arith.addi %mul3A_359, %add3A_360 : i32
        %get3A = arith.index_cast %add3A_361 : i32 to index
        %get3A_362 = tpu.vector_load %arg4[%get3A] {strides = array<i32>} : memref<32000xf32, #tpu.memory_space<vmem>>, vector<16xf32>,
        %get3A_363 = vector.shape_cast %get3A_362 : vector<16xf32> to vector<16xf32>
        %add3A_364 = arith.addf %scan3A_350, %get3A_363 : vector<16xf32>
        %add3A_365 = arith.constant 16 : i32
        %add3A_366 = arith.addi %mul3A_359, %add3A_365 : i32
        %get3A_367 = arith.index_cast %add3A_366 : i32 to index
        %get3A_368 = tpu.vector_load %arg4[%get3A_367] {strides = array<i32>} : memref<32000xf32, #tpu.memory_space<vmem>>, vector<16xf32>,
        %get3A_369 = vector.shape_cast %get3A_368 : vector<16xf32> to vector<16xf32>
        %add3A_370 = arith.addf %scan3A_351, %get3A_369 : vector<16xf32>
        %add3A_371 = arith.constant 32 : i32
        %add3A_372 = arith.addi %mul3A_359, %add3A_371 : i32
        %get3A_373 = arith.index_cast %add3A_372 : i32 to index
        %get3A_374 = tpu.vector_load %arg4[%get3A_373] {strides = array<i32>} : memref<32000xf32, #tpu.memory_space<vmem>>, vector<16xf32>,
        %get3A_375 = vector.shape_cast %get3A_374 : vector<16xf32> to vector<16xf32>
        %add3A_376 = arith.addf %scan3A_352, %get3A_375 : vector<16xf32>
        %add3A_377 = arith.constant 48 : i32
        %add3A_378 = arith.addi %mul3A_359, %add3A_377 : i32
        %get3A_379 = arith.index_cast %add3A_378 : i32 to index
        %get3A_380 = tpu.vector_load %arg4[%get3A_379] {strides = array<i32>} : memref<32000xf32, #tpu.memory_space<vmem>>, vector<16xf32>,
        %get3A_381 = vector.shape_cast %get3A_380 : vector<16xf32> to vector<16xf32>
        %add3A_382 = arith.addf %scan3A_353, %get3A_381 : vector<16xf32>
        %add3A_383 = arith.constant 64 : i32
        %add3A_384 = arith.addi %mul3A_359, %add3A_383 : i32
        %get3A_385 = arith.index_cast %add3A_384 : i32 to index
        %get3A_386 = tpu.vector_load %arg4[%get3A_385] {strides = array<i32>} : memref<32000xf32, #tpu.memory_space<vmem>>, vector<16xf32>,
        %get3A_387 = vector.shape_cast %get3A_386 : vector<16xf32> to vector<16xf32>
        %add3A_388 = arith.addf %scan3A_354, %get3A_387 : vector<16xf32>
        %add3A_389 = arith.constant 80 : i32
        %add3A_390 = arith.addi %mul3A_359, %add3A_389 : i32
        %get3A_391 = arith.index_cast %add3A_390 : i32 to index
        %get3A_392 = tpu.vector_load %arg4[%get3A_391] {strides = array<i32>} : memref<32000xf32, #tpu.memory_space<vmem>>, vector<16xf32>,
        %get3A_393 = vector.shape_cast %get3A_392 : vector<16xf32> to vector<16xf32>
        %add3A_394 = arith.addf %scan3A_355, %get3A_393 : vector<16xf32>
        %add3A_395 = arith.constant 96 : i32
        %add3A_396 = arith.addi %mul3A_359, %add3A_395 : i32
        %get3A_397 = arith.index_cast %add3A_396 : i32 to index
        %get3A_398 = tpu.vector_load %arg4[%get3A_397] {strides = array<i32>} : memref<32000xf32, #tpu.memory_space<vmem>>, vector<16xf32>,
        %get3A_399 = vector.shape_cast %get3A_398 : vector<16xf32> to vector<16xf32>
        %add3A_400 = arith.addf %scan3A_356, %get3A_399 : vector<16xf32>
        %add3A_401 = arith.constant 112 : i32
        %add3A_402 = arith.addi %mul3A_359, %add3A_401 : i32
        %get3A_403 = arith.index_cast %add3A_402 : i32 to index
        %get3A_404 = tpu.vector_load %arg4[%get3A_403] {strides = array<i32>} : memref<32000xf32, #tpu.memory_space<vmem>>, vector<16xf32>,
        %get3A_405 = vector.shape_cast %get3A_404 : vector<16xf32> to vector<16xf32>
        %add3A_406 = arith.addf %scan3A_357, %get3A_405 : vector<16xf32>
        %scan3A_407 = arith.constant 1 : i32
        %scan3A_408 = arith.addi %scan3A_349, %scan3A_407 : i32
        %mul3A_409 = arith.constant 128 : i32
        %mul3A_410 = arith.muli %scan3A_408, %mul3A_409 : i32
        %add3A_411 = arith.constant 0 : i32
        %add3A_412 = arith.addi %mul3A_410, %add3A_411 : i32
        %get3A_413 = arith.index_cast %add3A_412 : i32 to index
        %get3A_414 = tpu.vector_load %arg4[%get3A_413] {strides = array<i32>} : memref<32000xf32, #tpu.memory_space<vmem>>, vector<16xf32>,
        %get3A_415 = vector.shape_cast %get3A_414 : vector<16xf32> to vector<16xf32>
        %add3A_416 = arith.addf %add3A_364, %get3A_415 : vector<16xf32>
        %add3A_417 = arith.constant 16 : i32
        %add3A_418 = arith.addi %mul3A_410, %add3A_417 : i32
        %get3A_419 = arith.index_cast %add3A_418 : i32 to index
        %get3A_420 = tpu.vector_load %arg4[%get3A_419] {strides = array<i32>} : memref<32000xf32, #tpu.memory_space<vmem>>, vector<16xf32>,
        %get3A_421 = vector.shape_cast %get3A_420 : vector<16xf32> to vector<16xf32>
        %add3A_422 = arith.addf %add3A_370, %get3A_421 : vector<16xf32>
        %add3A_423 = arith.constant 32 : i32
        %add3A_424 = arith.addi %mul3A_410, %add3A_423 : i32
        %get3A_425 = arith.index_cast %add3A_424 : i32 to index
        %get3A_426 = tpu.vector_load %arg4[%get3A_425] {strides = array<i32>} : memref<32000xf32, #tpu.memory_space<vmem>>, vector<16xf32>,
        %get3A_427 = vector.shape_cast %get3A_426 : vector<16xf32> to vector<16xf32>
        %add3A_428 = arith.addf %add3A_376, %get3A_427 : vector<16xf32>
        %add3A_429 = arith.constant 48 : i32
        %add3A_430 = arith.addi %mul3A_410, %add3A_429 : i32
        %get3A_431 = arith.index_cast %add3A_430 : i32 to index
        %get3A_432 = tpu.vector_load %arg4[%get3A_431] {strides = array<i32>} : memref<32000xf32, #tpu.memory_space<vmem>>, vector<16xf32>,
        %get3A_433 = vector.shape_cast %get3A_432 : vector<16xf32> to vector<16xf32>
        %add3A_434 = arith.addf %add3A_382, %get3A_433 : vector<16xf32>
        %add3A_435 = arith.constant 64 : i32
        %add3A_436 = arith.addi %mul3A_410, %add3A_435 : i32
        %get3A_437 = arith.index_cast %add3A_436 : i32 to index
        %get3A_438 = tpu.vector_load %arg4[%get3A_437] {strides = array<i32>} : memref<32000xf32, #tpu.memory_space<vmem>>, vector<16xf32>,
        %get3A_439 = vector.shape_cast %get3A_438 : vector<16xf32> to vector<16xf32>
        %add3A_440 = arith.addf %add3A_388, %get3A_439 : vector<16xf32>
        %add3A_441 = arith.constant 80 : i32
        %add3A_442 = arith.addi %mul3A_410, %add3A_441 : i32
        %get3A_443 = arith.index_cast %add3A_442 : i32 to index
        %get3A_444 = tpu.vector_load %arg4[%get3A_443] {strides = array<i32>} : memref<32000xf32, #tpu.memory_space<vmem>>, vector<16xf32>,
        %get3A_445 = vector.shape_cast %get3A_444 : vector<16xf32> to vector<16xf32>
        %add3A_446 = arith.addf %add3A_394, %get3A_445 : vector<16xf32>
        %add3A_447 = arith.constant 96 : i32
        %add3A_448 = arith.addi %mul3A_410, %add3A_447 : i32
        %get3A_449 = arith.index_cast %add3A_448 : i32 to index
        %get3A_450 = tpu.vector_load %arg4[%get3A_449] {strides = array<i32>} : memref<32000xf32, #tpu.memory_space<vmem>>, vector<16xf32>,
        %get3A_451 = vector.shape_cast %get3A_450 : vector<16xf32> to vector<16xf32>
        %add3A_452 = arith.addf %add3A_400, %get3A_451 : vector<16xf32>
        %add3A_453 = arith.constant 112 : i32
        %add3A_454 = arith.addi %mul3A_410, %add3A_453 : i32
        %get3A_455 = arith.index_cast %add3A_454 : i32 to index
        %get3A_456 = tpu.vector_load %arg4[%get3A_455] {strides = array<i32>} : memref<32000xf32, #tpu.memory_space<vmem>>, vector<16xf32>,
        %get3A_457 = vector.shape_cast %get3A_456 : vector<16xf32> to vector<16xf32>
        %add3A_458 = arith.addf %add3A_406, %get3A_457 : vector<16xf32>
        scf.yield %add3A_416, %add3A_422, %add3A_428, %add3A_434, %add3A_440, %add3A_446, %add3A_452, %add3A_458 : vector<16xf32>, vector<16xf32>, vector<16xf32>, vector<16xf32>, vector<16xf32>, vector<16xf32>, vector<16xf32>, vector<16xf32>
      }
      %scan3A_91 = arith.constant 250 : i32
      %mul3A_92 = arith.constant 2000 : i32
      %mul3A_93 = arith.muli %add3A_4, %mul3A_92 : i32
      %add3A_94 = arith.constant 0 : i32
      %add3A_95 = arith.addi %add3A_94, %mul3A_93 : i32
      %add3A_96 = arith.constant 1000 : i32
      %add3A_97 = arith.addi %add3A_95, %add3A_96 : i32
      %mul3A_98 = arith.constant 128 : i32
      %mul3A_99 = arith.muli %add3A_97, %mul3A_98 : i32
      %dma_start3A_100 = tpu.memref_slice %arg2[%mul3A_99] : memref<64000000xf32, #tpu.memory_space<hbm>> -> memref<32000xf32, #tpu.memory_space<hbm>>
      %dma_start3A_101 = tpu.memref_slice %arg2[%mul3A_99] : memref<64000000xf32, #tpu.memory_space<hbm>> -> memref<32000xf32, #tpu.memory_space<hbm>>
      tpu.enqueue_dma source(%dma_start3A_101 : memref<32000xf32, #tpu.memory_space<hbm>>) target(%arg4 : memref<32000xf32, #tpu.memory_space<vmem>>) target_semaphore(%arg7 : memref<!tpu.dma_semaphore, #tpu.memory_space<semaphore_mem>>)
      %dma_wait3A_102 = tpu.memref_slice %arg2[%mul3A_81] : memref<64000000xf32, #tpu.memory_space<hbm>> -> memref<32000xf32, #tpu.memory_space<hbm>>
      %dma_wait3A_103 = tpu.memref_slice %arg2[%mul3A_81] : memref<64000000xf32, #tpu.memory_space<hbm>> -> memref<32000xf32, #tpu.memory_space<hbm>>
      tpu.wait_dma2 semaphore(%arg8 : memref<!tpu.dma_semaphore, #tpu.memory_space<semaphore_mem>>) src(%dma_wait3A_103 : memref<32000xf32, #tpu.memory_space<hbm>>) dst(%arg5 : memref<32000xf32, #tpu.memory_space<vmem>>)
      %scan3A_104 = arith.constant 0 : i32
      %scan3A_105 = arith.constant 250 : i32
      %scan3A_106 = arith.addi %scan3A_104, %scan3A_105 : i32
      %scan3A_107 = arith.constant 2 : i32
      %scan3A_108:8 = scf.for %scan3A_349 = %scan3A_104 to %scan3A_106 step %scan3A_107 iter_args(%scan3A_350 = %scan3A_90#0, %scan3A_351 = %scan3A_90#1, %scan3A_352 = %scan3A_90#2, %scan3A_353 = %scan3A_90#3, %scan3A_354 = %scan3A_90#4, %scan3A_355 = %scan3A_90#5, %scan3A_356 = %scan3A_90#6, %scan3A_357 = %scan3A_90#7) -> (vector<16xf32>, vector<16xf32>, vector<16xf32>, vector<16xf32>, vector<16xf32>, vector<16xf32>, vector<16xf32>, vector<16xf32>)  : i32 {
        %mul3A_358 = arith.constant 128 : i32
        %mul3A_359 = arith.muli %scan3A_349, %mul3A_358 : i32
        %add3A_360 = arith.constant 0 : i32
        %add3A_361 = arith.addi %mul3A_359, %add3A_360 : i32
        %get3A = arith.index_cast %add3A_361 : i32 to index
        %get3A_362 = tpu.vector_load %arg5[%get3A] {strides = array<i32>} : memref<32000xf32, #tpu.memory_space<vmem>>, vector<16xf32>,
        %get3A_363 = vector.shape_cast %get3A_362 : vector<16xf32> to vector<16xf32>
        %add3A_364 = arith.addf %scan3A_350, %get3A_363 : vector<16xf32>
        %add3A_365 = arith.constant 16 : i32
        %add3A_366 = arith.addi %mul3A_359, %add3A_365 : i32
        %get3A_367 = arith.index_cast %add3A_366 : i32 to index
        %get3A_368 = tpu.vector_load %arg5[%get3A_367] {strides = array<i32>} : memref<32000xf32, #tpu.memory_space<vmem>>, vector<16xf32>,
        %get3A_369 = vector.shape_cast %get3A_368 : vector<16xf32> to vector<16xf32>
        %add3A_370 = arith.addf %scan3A_351, %get3A_369 : vector<16xf32>
        %add3A_371 = arith.constant 32 : i32
        %add3A_372 = arith.addi %mul3A_359, %add3A_371 : i32
        %get3A_373 = arith.index_cast %add3A_372 : i32 to index
        %get3A_374 = tpu.vector_load %arg5[%get3A_373] {strides = array<i32>} : memref<32000xf32, #tpu.memory_space<vmem>>, vector<16xf32>,
        %get3A_375 = vector.shape_cast %get3A_374 : vector<16xf32> to vector<16xf32>
        %add3A_376 = arith.addf %scan3A_352, %get3A_375 : vector<16xf32>
        %add3A_377 = arith.constant 48 : i32
        %add3A_378 = arith.addi %mul3A_359, %add3A_377 : i32
        %get3A_379 = arith.index_cast %add3A_378 : i32 to index
        %get3A_380 = tpu.vector_load %arg5[%get3A_379] {strides = array<i32>} : memref<32000xf32, #tpu.memory_space<vmem>>, vector<16xf32>,
        %get3A_381 = vector.shape_cast %get3A_380 : vector<16xf32> to vector<16xf32>
        %add3A_382 = arith.addf %scan3A_353, %get3A_381 : vector<16xf32>
        %add3A_383 = arith.constant 64 : i32
        %add3A_384 = arith.addi %mul3A_359, %add3A_383 : i32
        %get3A_385 = arith.index_cast %add3A_384 : i32 to index
        %get3A_386 = tpu.vector_load %arg5[%get3A_385] {strides = array<i32>} : memref<32000xf32, #tpu.memory_space<vmem>>, vector<16xf32>,
        %get3A_387 = vector.shape_cast %get3A_386 : vector<16xf32> to vector<16xf32>
        %add3A_388 = arith.addf %scan3A_354, %get3A_387 : vector<16xf32>
        %add3A_389 = arith.constant 80 : i32
        %add3A_390 = arith.addi %mul3A_359, %add3A_389 : i32
        %get3A_391 = arith.index_cast %add3A_390 : i32 to index
        %get3A_392 = tpu.vector_load %arg5[%get3A_391] {strides = array<i32>} : memref<32000xf32, #tpu.memory_space<vmem>>, vector<16xf32>,
        %get3A_393 = vector.shape_cast %get3A_392 : vector<16xf32> to vector<16xf32>
        %add3A_394 = arith.addf %scan3A_355, %get3A_393 : vector<16xf32>
        %add3A_395 = arith.constant 96 : i32
        %add3A_396 = arith.addi %mul3A_359, %add3A_395 : i32
        %get3A_397 = arith.index_cast %add3A_396 : i32 to index
        %get3A_398 = tpu.vector_load %arg5[%get3A_397] {strides = array<i32>} : memref<32000xf32, #tpu.memory_space<vmem>>, vector<16xf32>,
        %get3A_399 = vector.shape_cast %get3A_398 : vector<16xf32> to vector<16xf32>
        %add3A_400 = arith.addf %scan3A_356, %get3A_399 : vector<16xf32>
        %add3A_401 = arith.constant 112 : i32
        %add3A_402 = arith.addi %mul3A_359, %add3A_401 : i32
        %get3A_403 = arith.index_cast %add3A_402 : i32 to index
        %get3A_404 = tpu.vector_load %arg5[%get3A_403] {strides = array<i32>} : memref<32000xf32, #tpu.memory_space<vmem>>, vector<16xf32>,
        %get3A_405 = vector.shape_cast %get3A_404 : vector<16xf32> to vector<16xf32>
        %add3A_406 = arith.addf %scan3A_357, %get3A_405 : vector<16xf32>
        %scan3A_407 = arith.constant 1 : i32
        %scan3A_408 = arith.addi %scan3A_349, %scan3A_407 : i32
        %mul3A_409 = arith.constant 128 : i32
        %mul3A_410 = arith.muli %scan3A_408, %mul3A_409 : i32
        %add3A_411 = arith.constant 0 : i32
        %add3A_412 = arith.addi %mul3A_410, %add3A_411 : i32
        %get3A_413 = arith.index_cast %add3A_412 : i32 to index
        %get3A_414 = tpu.vector_load %arg5[%get3A_413] {strides = array<i32>} : memref<32000xf32, #tpu.memory_space<vmem>>, vector<16xf32>,
        %get3A_415 = vector.shape_cast %get3A_414 : vector<16xf32> to vector<16xf32>
        %add3A_416 = arith.addf %add3A_364, %get3A_415 : vector<16xf32>
        %add3A_417 = arith.constant 16 : i32
        %add3A_418 = arith.addi %mul3A_410, %add3A_417 : i32
        %get3A_419 = arith.index_cast %add3A_418 : i32 to index
        %get3A_420 = tpu.vector_load %arg5[%get3A_419] {strides = array<i32>} : memref<32000xf32, #tpu.memory_space<vmem>>, vector<16xf32>,
        %get3A_421 = vector.shape_cast %get3A_420 : vector<16xf32> to vector<16xf32>
        %add3A_422 = arith.addf %add3A_370, %get3A_421 : vector<16xf32>
        %add3A_423 = arith.constant 32 : i32
        %add3A_424 = arith.addi %mul3A_410, %add3A_423 : i32
        %get3A_425 = arith.index_cast %add3A_424 : i32 to index
        %get3A_426 = tpu.vector_load %arg5[%get3A_425] {strides = array<i32>} : memref<32000xf32, #tpu.memory_space<vmem>>, vector<16xf32>,
        %get3A_427 = vector.shape_cast %get3A_426 : vector<16xf32> to vector<16xf32>
        %add3A_428 = arith.addf %add3A_376, %get3A_427 : vector<16xf32>
        %add3A_429 = arith.constant 48 : i32
        %add3A_430 = arith.addi %mul3A_410, %add3A_429 : i32
        %get3A_431 = arith.index_cast %add3A_430 : i32 to index
        %get3A_432 = tpu.vector_load %arg5[%get3A_431] {strides = array<i32>} : memref<32000xf32, #tpu.memory_space<vmem>>, vector<16xf32>,
        %get3A_433 = vector.shape_cast %get3A_432 : vector<16xf32> to vector<16xf32>
        %add3A_434 = arith.addf %add3A_382, %get3A_433 : vector<16xf32>
        %add3A_435 = arith.constant 64 : i32
        %add3A_436 = arith.addi %mul3A_410, %add3A_435 : i32
        %get3A_437 = arith.index_cast %add3A_436 : i32 to index
        %get3A_438 = tpu.vector_load %arg5[%get3A_437] {strides = array<i32>} : memref<32000xf32, #tpu.memory_space<vmem>>, vector<16xf32>,
        %get3A_439 = vector.shape_cast %get3A_438 : vector<16xf32> to vector<16xf32>
        %add3A_440 = arith.addf %add3A_388, %get3A_439 : vector<16xf32>
        %add3A_441 = arith.constant 80 : i32
        %add3A_442 = arith.addi %mul3A_410, %add3A_441 : i32
        %get3A_443 = arith.index_cast %add3A_442 : i32 to index
        %get3A_444 = tpu.vector_load %arg5[%get3A_443] {strides = array<i32>} : memref<32000xf32, #tpu.memory_space<vmem>>, vector<16xf32>,
        %get3A_445 = vector.shape_cast %get3A_444 : vector<16xf32> to vector<16xf32>
        %add3A_446 = arith.addf %add3A_394, %get3A_445 : vector<16xf32>
        %add3A_447 = arith.constant 96 : i32
        %add3A_448 = arith.addi %mul3A_410, %add3A_447 : i32
        %get3A_449 = arith.index_cast %add3A_448 : i32 to index
        %get3A_450 = tpu.vector_load %arg5[%get3A_449] {strides = array<i32>} : memref<32000xf32, #tpu.memory_space<vmem>>, vector<16xf32>,
        %get3A_451 = vector.shape_cast %get3A_450 : vector<16xf32> to vector<16xf32>
        %add3A_452 = arith.addf %add3A_400, %get3A_451 : vector<16xf32>
        %add3A_453 = arith.constant 112 : i32
        %add3A_454 = arith.addi %mul3A_410, %add3A_453 : i32
        %get3A_455 = arith.index_cast %add3A_454 : i32 to index
        %get3A_456 = tpu.vector_load %arg5[%get3A_455] {strides = array<i32>} : memref<32000xf32, #tpu.memory_space<vmem>>, vector<16xf32>,
        %get3A_457 = vector.shape_cast %get3A_456 : vector<16xf32> to vector<16xf32>
        %add3A_458 = arith.addf %add3A_406, %get3A_457 : vector<16xf32>
        scf.yield %add3A_416, %add3A_422, %add3A_428, %add3A_434, %add3A_440, %add3A_446, %add3A_452, %add3A_458 : vector<16xf32>, vector<16xf32>, vector<16xf32>, vector<16xf32>, vector<16xf32>, vector<16xf32>, vector<16xf32>, vector<16xf32>
      }
      %scan3A_109 = arith.constant 250 : i32
      %mul3A_110 = arith.constant 2000 : i32
      %mul3A_111 = arith.muli %add3A_4, %mul3A_110 : i32
      %add3A_112 = arith.constant 0 : i32
      %add3A_113 = arith.addi %add3A_112, %mul3A_111 : i32
      %add3A_114 = arith.constant 1250 : i32
      %add3A_115 = arith.addi %add3A_113, %add3A_114 : i32
      %mul3A_116 = arith.constant 128 : i32
      %mul3A_117 = arith.muli %add3A_115, %mul3A_116 : i32
      %dma_start3A_118 = tpu.memref_slice %arg2[%mul3A_117] : memref<64000000xf32, #tpu.memory_space<hbm>> -> memref<32000xf32, #tpu.memory_space<hbm>>
      %dma_start3A_119 = tpu.memref_slice %arg2[%mul3A_117] : memref<64000000xf32, #tpu.memory_space<hbm>> -> memref<32000xf32, #tpu.memory_space<hbm>>
      tpu.enqueue_dma source(%dma_start3A_119 : memref<32000xf32, #tpu.memory_space<hbm>>) target(%arg5 : memref<32000xf32, #tpu.memory_space<vmem>>) target_semaphore(%arg8 : memref<!tpu.dma_semaphore, #tpu.memory_space<semaphore_mem>>)
      %dma_wait3A_120 = tpu.memref_slice %arg2[%mul3A_99] : memref<64000000xf32, #tpu.memory_space<hbm>> -> memref<32000xf32, #tpu.memory_space<hbm>>
      %dma_wait3A_121 = tpu.memref_slice %arg2[%mul3A_99] : memref<64000000xf32, #tpu.memory_space<hbm>> -> memref<32000xf32, #tpu.memory_space<hbm>>
      tpu.wait_dma2 semaphore(%arg7 : memref<!tpu.dma_semaphore, #tpu.memory_space<semaphore_mem>>) src(%dma_wait3A_121 : memref<32000xf32, #tpu.memory_space<hbm>>) dst(%arg4 : memref<32000xf32, #tpu.memory_space<vmem>>)
      %scan3A_122 = arith.constant 0 : i32
      %scan3A_123 = arith.constant 250 : i32
      %scan3A_124 = arith.addi %scan3A_122, %scan3A_123 : i32
      %scan3A_125 = arith.constant 2 : i32
      %scan3A_126:8 = scf.for %scan3A_349 = %scan3A_122 to %scan3A_124 step %scan3A_125 iter_args(%scan3A_350 = %scan3A_108#0, %scan3A_351 = %scan3A_108#1, %scan3A_352 = %scan3A_108#2, %scan3A_353 = %scan3A_108#3, %scan3A_354 = %scan3A_108#4, %scan3A_355 = %scan3A_108#5, %scan3A_356 = %scan3A_108#6, %scan3A_357 = %scan3A_108#7) -> (vector<16xf32>, vector<16xf32>, vector<16xf32>, vector<16xf32>, vector<16xf32>, vector<16xf32>, vector<16xf32>, vector<16xf32>)  : i32 {
        %mul3A_358 = arith.constant 128 : i32
        %mul3A_359 = arith.muli %scan3A_349, %mul3A_358 : i32
        %add3A_360 = arith.constant 0 : i32
        %add3A_361 = arith.addi %mul3A_359, %add3A_360 : i32
        %get3A = arith.index_cast %add3A_361 : i32 to index
        %get3A_362 = tpu.vector_load %arg4[%get3A] {strides = array<i32>} : memref<32000xf32, #tpu.memory_space<vmem>>, vector<16xf32>,
        %get3A_363 = vector.shape_cast %get3A_362 : vector<16xf32> to vector<16xf32>
        %add3A_364 = arith.addf %scan3A_350, %get3A_363 : vector<16xf32>
        %add3A_365 = arith.constant 16 : i32
        %add3A_366 = arith.addi %mul3A_359, %add3A_365 : i32
        %get3A_367 = arith.index_cast %add3A_366 : i32 to index
        %get3A_368 = tpu.vector_load %arg4[%get3A_367] {strides = array<i32>} : memref<32000xf32, #tpu.memory_space<vmem>>, vector<16xf32>,
        %get3A_369 = vector.shape_cast %get3A_368 : vector<16xf32> to vector<16xf32>
        %add3A_370 = arith.addf %scan3A_351, %get3A_369 : vector<16xf32>
        %add3A_371 = arith.constant 32 : i32
        %add3A_372 = arith.addi %mul3A_359, %add3A_371 : i32
        %get3A_373 = arith.index_cast %add3A_372 : i32 to index
        %get3A_374 = tpu.vector_load %arg4[%get3A_373] {strides = array<i32>} : memref<32000xf32, #tpu.memory_space<vmem>>, vector<16xf32>,
        %get3A_375 = vector.shape_cast %get3A_374 : vector<16xf32> to vector<16xf32>
        %add3A_376 = arith.addf %scan3A_352, %get3A_375 : vector<16xf32>
        %add3A_377 = arith.constant 48 : i32
        %add3A_378 = arith.addi %mul3A_359, %add3A_377 : i32
        %get3A_379 = arith.index_cast %add3A_378 : i32 to index
        %get3A_380 = tpu.vector_load %arg4[%get3A_379] {strides = array<i32>} : memref<32000xf32, #tpu.memory_space<vmem>>, vector<16xf32>,
        %get3A_381 = vector.shape_cast %get3A_380 : vector<16xf32> to vector<16xf32>
        %add3A_382 = arith.addf %scan3A_353, %get3A_381 : vector<16xf32>
        %add3A_383 = arith.constant 64 : i32
        %add3A_384 = arith.addi %mul3A_359, %add3A_383 : i32
        %get3A_385 = arith.index_cast %add3A_384 : i32 to index
        %get3A_386 = tpu.vector_load %arg4[%get3A_385] {strides = array<i32>} : memref<32000xf32, #tpu.memory_space<vmem>>, vector<16xf32>,
        %get3A_387 = vector.shape_cast %get3A_386 : vector<16xf32> to vector<16xf32>
        %add3A_388 = arith.addf %scan3A_354, %get3A_387 : vector<16xf32>
        %add3A_389 = arith.constant 80 : i32
        %add3A_390 = arith.addi %mul3A_359, %add3A_389 : i32
        %get3A_391 = arith.index_cast %add3A_390 : i32 to index
        %get3A_392 = tpu.vector_load %arg4[%get3A_391] {strides = array<i32>} : memref<32000xf32, #tpu.memory_space<vmem>>, vector<16xf32>,
        %get3A_393 = vector.shape_cast %get3A_392 : vector<16xf32> to vector<16xf32>
        %add3A_394 = arith.addf %scan3A_355, %get3A_393 : vector<16xf32>
        %add3A_395 = arith.constant 96 : i32
        %add3A_396 = arith.addi %mul3A_359, %add3A_395 : i32
        %get3A_397 = arith.index_cast %add3A_396 : i32 to index
        %get3A_398 = tpu.vector_load %arg4[%get3A_397] {strides = array<i32>} : memref<32000xf32, #tpu.memory_space<vmem>>, vector<16xf32>,
        %get3A_399 = vector.shape_cast %get3A_398 : vector<16xf32> to vector<16xf32>
        %add3A_400 = arith.addf %scan3A_356, %get3A_399 : vector<16xf32>
        %add3A_401 = arith.constant 112 : i32
        %add3A_402 = arith.addi %mul3A_359, %add3A_401 : i32
        %get3A_403 = arith.index_cast %add3A_402 : i32 to index
        %get3A_404 = tpu.vector_load %arg4[%get3A_403] {strides = array<i32>} : memref<32000xf32, #tpu.memory_space<vmem>>, vector<16xf32>,
        %get3A_405 = vector.shape_cast %get3A_404 : vector<16xf32> to vector<16xf32>
        %add3A_406 = arith.addf %scan3A_357, %get3A_405 : vector<16xf32>
        %scan3A_407 = arith.constant 1 : i32
        %scan3A_408 = arith.addi %scan3A_349, %scan3A_407 : i32
        %mul3A_409 = arith.constant 128 : i32
        %mul3A_410 = arith.muli %scan3A_408, %mul3A_409 : i32
        %add3A_411 = arith.constant 0 : i32
        %add3A_412 = arith.addi %mul3A_410, %add3A_411 : i32
        %get3A_413 = arith.index_cast %add3A_412 : i32 to index
        %get3A_414 = tpu.vector_load %arg4[%get3A_413] {strides = array<i32>} : memref<32000xf32, #tpu.memory_space<vmem>>, vector<16xf32>,
        %get3A_415 = vector.shape_cast %get3A_414 : vector<16xf32> to vector<16xf32>
        %add3A_416 = arith.addf %add3A_364, %get3A_415 : vector<16xf32>
        %add3A_417 = arith.constant 16 : i32
        %add3A_418 = arith.addi %mul3A_410, %add3A_417 : i32
        %get3A_419 = arith.index_cast %add3A_418 : i32 to index
        %get3A_420 = tpu.vector_load %arg4[%get3A_419] {strides = array<i32>} : memref<32000xf32, #tpu.memory_space<vmem>>, vector<16xf32>,
        %get3A_421 = vector.shape_cast %get3A_420 : vector<16xf32> to vector<16xf32>
        %add3A_422 = arith.addf %add3A_370, %get3A_421 : vector<16xf32>
        %add3A_423 = arith.constant 32 : i32
        %add3A_424 = arith.addi %mul3A_410, %add3A_423 : i32
        %get3A_425 = arith.index_cast %add3A_424 : i32 to index
        %get3A_426 = tpu.vector_load %arg4[%get3A_425] {strides = array<i32>} : memref<32000xf32, #tpu.memory_space<vmem>>, vector<16xf32>,
        %get3A_427 = vector.shape_cast %get3A_426 : vector<16xf32> to vector<16xf32>
        %add3A_428 = arith.addf %add3A_376, %get3A_427 : vector<16xf32>
        %add3A_429 = arith.constant 48 : i32
        %add3A_430 = arith.addi %mul3A_410, %add3A_429 : i32
        %get3A_431 = arith.index_cast %add3A_430 : i32 to index
        %get3A_432 = tpu.vector_load %arg4[%get3A_431] {strides = array<i32>} : memref<32000xf32, #tpu.memory_space<vmem>>, vector<16xf32>,
        %get3A_433 = vector.shape_cast %get3A_432 : vector<16xf32> to vector<16xf32>
        %add3A_434 = arith.addf %add3A_382, %get3A_433 : vector<16xf32>
        %add3A_435 = arith.constant 64 : i32
        %add3A_436 = arith.addi %mul3A_410, %add3A_435 : i32
        %get3A_437 = arith.index_cast %add3A_436 : i32 to index
        %get3A_438 = tpu.vector_load %arg4[%get3A_437] {strides = array<i32>} : memref<32000xf32, #tpu.memory_space<vmem>>, vector<16xf32>,
        %get3A_439 = vector.shape_cast %get3A_438 : vector<16xf32> to vector<16xf32>
        %add3A_440 = arith.addf %add3A_388, %get3A_439 : vector<16xf32>
        %add3A_441 = arith.constant 80 : i32
        %add3A_442 = arith.addi %mul3A_410, %add3A_441 : i32
        %get3A_443 = arith.index_cast %add3A_442 : i32 to index
        %get3A_444 = tpu.vector_load %arg4[%get3A_443] {strides = array<i32>} : memref<32000xf32, #tpu.memory_space<vmem>>, vector<16xf32>,
        %get3A_445 = vector.shape_cast %get3A_444 : vector<16xf32> to vector<16xf32>
        %add3A_446 = arith.addf %add3A_394, %get3A_445 : vector<16xf32>
        %add3A_447 = arith.constant 96 : i32
        %add3A_448 = arith.addi %mul3A_410, %add3A_447 : i32
        %get3A_449 = arith.index_cast %add3A_448 : i32 to index
        %get3A_450 = tpu.vector_load %arg4[%get3A_449] {strides = array<i32>} : memref<32000xf32, #tpu.memory_space<vmem>>, vector<16xf32>,
        %get3A_451 = vector.shape_cast %get3A_450 : vector<16xf32> to vector<16xf32>
        %add3A_452 = arith.addf %add3A_400, %get3A_451 : vector<16xf32>
        %add3A_453 = arith.constant 112 : i32
        %add3A_454 = arith.addi %mul3A_410, %add3A_453 : i32
        %get3A_455 = arith.index_cast %add3A_454 : i32 to index
        %get3A_456 = tpu.vector_load %arg4[%get3A_455] {strides = array<i32>} : memref<32000xf32, #tpu.memory_space<vmem>>, vector<16xf32>,
        %get3A_457 = vector.shape_cast %get3A_456 : vector<16xf32> to vector<16xf32>
        %add3A_458 = arith.addf %add3A_406, %get3A_457 : vector<16xf32>
        scf.yield %add3A_416, %add3A_422, %add3A_428, %add3A_434, %add3A_440, %add3A_446, %add3A_452, %add3A_458 : vector<16xf32>, vector<16xf32>, vector<16xf32>, vector<16xf32>, vector<16xf32>, vector<16xf32>, vector<16xf32>, vector<16xf32>
      }
      %scan3A_127 = arith.constant 250 : i32
      %mul3A_128 = arith.constant 2000 : i32
      %mul3A_129 = arith.muli %add3A_4, %mul3A_128 : i32
      %add3A_130 = arith.constant 0 : i32
      %add3A_131 = arith.addi %add3A_130, %mul3A_129 : i32
      %add3A_132 = arith.constant 1500 : i32
      %add3A_133 = arith.addi %add3A_131, %add3A_132 : i32
      %mul3A_134 = arith.constant 128 : i32
      %mul3A_135 = arith.muli %add3A_133, %mul3A_134 : i32
      %dma_start3A_136 = tpu.memref_slice %arg2[%mul3A_135] : memref<64000000xf32, #tpu.memory_space<hbm>> -> memref<32000xf32, #tpu.memory_space<hbm>>
      %dma_start3A_137 = tpu.memref_slice %arg2[%mul3A_135] : memref<64000000xf32, #tpu.memory_space<hbm>> -> memref<32000xf32, #tpu.memory_space<hbm>>
      tpu.enqueue_dma source(%dma_start3A_137 : memref<32000xf32, #tpu.memory_space<hbm>>) target(%arg4 : memref<32000xf32, #tpu.memory_space<vmem>>) target_semaphore(%arg7 : memref<!tpu.dma_semaphore, #tpu.memory_space<semaphore_mem>>)
      %dma_wait3A_138 = tpu.memref_slice %arg2[%mul3A_117] : memref<64000000xf32, #tpu.memory_space<hbm>> -> memref<32000xf32, #tpu.memory_space<hbm>>
      %dma_wait3A_139 = tpu.memref_slice %arg2[%mul3A_117] : memref<64000000xf32, #tpu.memory_space<hbm>> -> memref<32000xf32, #tpu.memory_space<hbm>>
      tpu.wait_dma2 semaphore(%arg8 : memref<!tpu.dma_semaphore, #tpu.memory_space<semaphore_mem>>) src(%dma_wait3A_139 : memref<32000xf32, #tpu.memory_space<hbm>>) dst(%arg5 : memref<32000xf32, #tpu.memory_space<vmem>>)
      %scan3A_140 = arith.constant 0 : i32
      %scan3A_141 = arith.constant 250 : i32
      %scan3A_142 = arith.addi %scan3A_140, %scan3A_141 : i32
      %scan3A_143 = arith.constant 2 : i32
      %scan3A_144:8 = scf.for %scan3A_349 = %scan3A_140 to %scan3A_142 step %scan3A_143 iter_args(%scan3A_350 = %scan3A_126#0, %scan3A_351 = %scan3A_126#1, %scan3A_352 = %scan3A_126#2, %scan3A_353 = %scan3A_126#3, %scan3A_354 = %scan3A_126#4, %scan3A_355 = %scan3A_126#5, %scan3A_356 = %scan3A_126#6, %scan3A_357 = %scan3A_126#7) -> (vector<16xf32>, vector<16xf32>, vector<16xf32>, vector<16xf32>, vector<16xf32>, vector<16xf32>, vector<16xf32>, vector<16xf32>)  : i32 {
        %mul3A_358 = arith.constant 128 : i32
        %mul3A_359 = arith.muli %scan3A_349, %mul3A_358 : i32
        %add3A_360 = arith.constant 0 : i32
        %add3A_361 = arith.addi %mul3A_359, %add3A_360 : i32
        %get3A = arith.index_cast %add3A_361 : i32 to index
        %get3A_362 = tpu.vector_load %arg5[%get3A] {strides = array<i32>} : memref<32000xf32, #tpu.memory_space<vmem>>, vector<16xf32>,
        %get3A_363 = vector.shape_cast %get3A_362 : vector<16xf32> to vector<16xf32>
        %add3A_364 = arith.addf %scan3A_350, %get3A_363 : vector<16xf32>
        %add3A_365 = arith.constant 16 : i32
        %add3A_366 = arith.addi %mul3A_359, %add3A_365 : i32
        %get3A_367 = arith.index_cast %add3A_366 : i32 to index
        %get3A_368 = tpu.vector_load %arg5[%get3A_367] {strides = array<i32>} : memref<32000xf32, #tpu.memory_space<vmem>>, vector<16xf32>,
        %get3A_369 = vector.shape_cast %get3A_368 : vector<16xf32> to vector<16xf32>
        %add3A_370 = arith.addf %scan3A_351, %get3A_369 : vector<16xf32>
        %add3A_371 = arith.constant 32 : i32
        %add3A_372 = arith.addi %mul3A_359, %add3A_371 : i32
        %get3A_373 = arith.index_cast %add3A_372 : i32 to index
        %get3A_374 = tpu.vector_load %arg5[%get3A_373] {strides = array<i32>} : memref<32000xf32, #tpu.memory_space<vmem>>, vector<16xf32>,
        %get3A_375 = vector.shape_cast %get3A_374 : vector<16xf32> to vector<16xf32>
        %add3A_376 = arith.addf %scan3A_352, %get3A_375 : vector<16xf32>
        %add3A_377 = arith.constant 48 : i32
        %add3A_378 = arith.addi %mul3A_359, %add3A_377 : i32
        %get3A_379 = arith.index_cast %add3A_378 : i32 to index
        %get3A_380 = tpu.vector_load %arg5[%get3A_379] {strides = array<i32>} : memref<32000xf32, #tpu.memory_space<vmem>>, vector<16xf32>,
        %get3A_381 = vector.shape_cast %get3A_380 : vector<16xf32> to vector<16xf32>
        %add3A_382 = arith.addf %scan3A_353, %get3A_381 : vector<16xf32>
        %add3A_383 = arith.constant 64 : i32
        %add3A_384 = arith.addi %mul3A_359, %add3A_383 : i32
        %get3A_385 = arith.index_cast %add3A_384 : i32 to index
        %get3A_386 = tpu.vector_load %arg5[%get3A_385] {strides = array<i32>} : memref<32000xf32, #tpu.memory_space<vmem>>, vector<16xf32>,
        %get3A_387 = vector.shape_cast %get3A_386 : vector<16xf32> to vector<16xf32>
        %add3A_388 = arith.addf %scan3A_354, %get3A_387 : vector<16xf32>
        %add3A_389 = arith.constant 80 : i32
        %add3A_390 = arith.addi %mul3A_359, %add3A_389 : i32
        %get3A_391 = arith.index_cast %add3A_390 : i32 to index
        %get3A_392 = tpu.vector_load %arg5[%get3A_391] {strides = array<i32>} : memref<32000xf32, #tpu.memory_space<vmem>>, vector<16xf32>,
        %get3A_393 = vector.shape_cast %get3A_392 : vector<16xf32> to vector<16xf32>
        %add3A_394 = arith.addf %scan3A_355, %get3A_393 : vector<16xf32>
        %add3A_395 = arith.constant 96 : i32
        %add3A_396 = arith.addi %mul3A_359, %add3A_395 : i32
        %get3A_397 = arith.index_cast %add3A_396 : i32 to index
        %get3A_398 = tpu.vector_load %arg5[%get3A_397] {strides = array<i32>} : memref<32000xf32, #tpu.memory_space<vmem>>, vector<16xf32>,
        %get3A_399 = vector.shape_cast %get3A_398 : vector<16xf32> to vector<16xf32>
        %add3A_400 = arith.addf %scan3A_356, %get3A_399 : vector<16xf32>
        %add3A_401 = arith.constant 112 : i32
        %add3A_402 = arith.addi %mul3A_359, %add3A_401 : i32
        %get3A_403 = arith.index_cast %add3A_402 : i32 to index
        %get3A_404 = tpu.vector_load %arg5[%get3A_403] {strides = array<i32>} : memref<32000xf32, #tpu.memory_space<vmem>>, vector<16xf32>,
        %get3A_405 = vector.shape_cast %get3A_404 : vector<16xf32> to vector<16xf32>
        %add3A_406 = arith.addf %scan3A_357, %get3A_405 : vector<16xf32>
        %scan3A_407 = arith.constant 1 : i32
        %scan3A_408 = arith.addi %scan3A_349, %scan3A_407 : i32
        %mul3A_409 = arith.constant 128 : i32
        %mul3A_410 = arith.muli %scan3A_408, %mul3A_409 : i32
        %add3A_411 = arith.constant 0 : i32
        %add3A_412 = arith.addi %mul3A_410, %add3A_411 : i32
        %get3A_413 = arith.index_cast %add3A_412 : i32 to index
        %get3A_414 = tpu.vector_load %arg5[%get3A_413] {strides = array<i32>} : memref<32000xf32, #tpu.memory_space<vmem>>, vector<16xf32>,
        %get3A_415 = vector.shape_cast %get3A_414 : vector<16xf32> to vector<16xf32>
        %add3A_416 = arith.addf %add3A_364, %get3A_415 : vector<16xf32>
        %add3A_417 = arith.constant 16 : i32
        %add3A_418 = arith.addi %mul3A_410, %add3A_417 : i32
        %get3A_419 = arith.index_cast %add3A_418 : i32 to index
        %get3A_420 = tpu.vector_load %arg5[%get3A_419] {strides = array<i32>} : memref<32000xf32, #tpu.memory_space<vmem>>, vector<16xf32>,
        %get3A_421 = vector.shape_cast %get3A_420 : vector<16xf32> to vector<16xf32>
        %add3A_422 = arith.addf %add3A_370, %get3A_421 : vector<16xf32>
        %add3A_423 = arith.constant 32 : i32
        %add3A_424 = arith.addi %mul3A_410, %add3A_423 : i32
        %get3A_425 = arith.index_cast %add3A_424 : i32 to index
        %get3A_426 = tpu.vector_load %arg5[%get3A_425] {strides = array<i32>} : memref<32000xf32, #tpu.memory_space<vmem>>, vector<16xf32>,
        %get3A_427 = vector.shape_cast %get3A_426 : vector<16xf32> to vector<16xf32>
        %add3A_428 = arith.addf %add3A_376, %get3A_427 : vector<16xf32>
        %add3A_429 = arith.constant 48 : i32
        %add3A_430 = arith.addi %mul3A_410, %add3A_429 : i32
        %get3A_431 = arith.index_cast %add3A_430 : i32 to index
        %get3A_432 = tpu.vector_load %arg5[%get3A_431] {strides = array<i32>} : memref<32000xf32, #tpu.memory_space<vmem>>, vector<16xf32>,
        %get3A_433 = vector.shape_cast %get3A_432 : vector<16xf32> to vector<16xf32>
        %add3A_434 = arith.addf %add3A_382, %get3A_433 : vector<16xf32>
        %add3A_435 = arith.constant 64 : i32
        %add3A_436 = arith.addi %mul3A_410, %add3A_435 : i32
        %get3A_437 = arith.index_cast %add3A_436 : i32 to index
        %get3A_438 = tpu.vector_load %arg5[%get3A_437] {strides = array<i32>} : memref<32000xf32, #tpu.memory_space<vmem>>, vector<16xf32>,
        %get3A_439 = vector.shape_cast %get3A_438 : vector<16xf32> to vector<16xf32>
        %add3A_440 = arith.addf %add3A_388, %get3A_439 : vector<16xf32>
        %add3A_441 = arith.constant 80 : i32
        %add3A_442 = arith.addi %mul3A_410, %add3A_441 : i32
        %get3A_443 = arith.index_cast %add3A_442 : i32 to index
        %get3A_444 = tpu.vector_load %arg5[%get3A_443] {strides = array<i32>} : memref<32000xf32, #tpu.memory_space<vmem>>, vector<16xf32>,
        %get3A_445 = vector.shape_cast %get3A_444 : vector<16xf32> to vector<16xf32>
        %add3A_446 = arith.addf %add3A_394, %get3A_445 : vector<16xf32>
        %add3A_447 = arith.constant 96 : i32
        %add3A_448 = arith.addi %mul3A_410, %add3A_447 : i32
        %get3A_449 = arith.index_cast %add3A_448 : i32 to index
        %get3A_450 = tpu.vector_load %arg5[%get3A_449] {strides = array<i32>} : memref<32000xf32, #tpu.memory_space<vmem>>, vector<16xf32>,
        %get3A_451 = vector.shape_cast %get3A_450 : vector<16xf32> to vector<16xf32>
        %add3A_452 = arith.addf %add3A_400, %get3A_451 : vector<16xf32>
        %add3A_453 = arith.constant 112 : i32
        %add3A_454 = arith.addi %mul3A_410, %add3A_453 : i32
        %get3A_455 = arith.index_cast %add3A_454 : i32 to index
        %get3A_456 = tpu.vector_load %arg5[%get3A_455] {strides = array<i32>} : memref<32000xf32, #tpu.memory_space<vmem>>, vector<16xf32>,
        %get3A_457 = vector.shape_cast %get3A_456 : vector<16xf32> to vector<16xf32>
        %add3A_458 = arith.addf %add3A_406, %get3A_457 : vector<16xf32>
        scf.yield %add3A_416, %add3A_422, %add3A_428, %add3A_434, %add3A_440, %add3A_446, %add3A_452, %add3A_458 : vector<16xf32>, vector<16xf32>, vector<16xf32>, vector<16xf32>, vector<16xf32>, vector<16xf32>, vector<16xf32>, vector<16xf32>
      }
      %scan3A_145 = arith.constant 250 : i32
      %mul3A_146 = arith.constant 2000 : i32
      %mul3A_147 = arith.muli %add3A_4, %mul3A_146 : i32
      %add3A_148 = arith.constant 0 : i32
      %add3A_149 = arith.addi %add3A_148, %mul3A_147 : i32
      %add3A_150 = arith.constant 1750 : i32
      %add3A_151 = arith.addi %add3A_149, %add3A_150 : i32
      %mul3A_152 = arith.constant 128 : i32
      %mul3A_153 = arith.muli %add3A_151, %mul3A_152 : i32
      %dma_start3A_154 = tpu.memref_slice %arg2[%mul3A_153] : memref<64000000xf32, #tpu.memory_space<hbm>> -> memref<32000xf32, #tpu.memory_space<hbm>>
      %dma_start3A_155 = tpu.memref_slice %arg2[%mul3A_153] : memref<64000000xf32, #tpu.memory_space<hbm>> -> memref<32000xf32, #tpu.memory_space<hbm>>
      tpu.enqueue_dma source(%dma_start3A_155 : memref<32000xf32, #tpu.memory_space<hbm>>) target(%arg5 : memref<32000xf32, #tpu.memory_space<vmem>>) target_semaphore(%arg8 : memref<!tpu.dma_semaphore, #tpu.memory_space<semaphore_mem>>)
      %dma_wait3A_156 = tpu.memref_slice %arg2[%mul3A_135] : memref<64000000xf32, #tpu.memory_space<hbm>> -> memref<32000xf32, #tpu.memory_space<hbm>>
      %dma_wait3A_157 = tpu.memref_slice %arg2[%mul3A_135] : memref<64000000xf32, #tpu.memory_space<hbm>> -> memref<32000xf32, #tpu.memory_space<hbm>>
      tpu.wait_dma2 semaphore(%arg7 : memref<!tpu.dma_semaphore, #tpu.memory_space<semaphore_mem>>) src(%dma_wait3A_157 : memref<32000xf32, #tpu.memory_space<hbm>>) dst(%arg4 : memref<32000xf32, #tpu.memory_space<vmem>>)
      %scan3A_158 = arith.constant 0 : i32
      %scan3A_159 = arith.constant 250 : i32
      %scan3A_160 = arith.addi %scan3A_158, %scan3A_159 : i32
      %scan3A_161 = arith.constant 2 : i32
      %scan3A_162:8 = scf.for %scan3A_349 = %scan3A_158 to %scan3A_160 step %scan3A_161 iter_args(%scan3A_350 = %scan3A_144#0, %scan3A_351 = %scan3A_144#1, %scan3A_352 = %scan3A_144#2, %scan3A_353 = %scan3A_144#3, %scan3A_354 = %scan3A_144#4, %scan3A_355 = %scan3A_144#5, %scan3A_356 = %scan3A_144#6, %scan3A_357 = %scan3A_144#7) -> (vector<16xf32>, vector<16xf32>, vector<16xf32>, vector<16xf32>, vector<16xf32>, vector<16xf32>, vector<16xf32>, vector<16xf32>)  : i32 {
        %mul3A_358 = arith.constant 128 : i32
        %mul3A_359 = arith.muli %scan3A_349, %mul3A_358 : i32
        %add3A_360 = arith.constant 0 : i32
        %add3A_361 = arith.addi %mul3A_359, %add3A_360 : i32
        %get3A = arith.index_cast %add3A_361 : i32 to index
        %get3A_362 = tpu.vector_load %arg4[%get3A] {strides = array<i32>} : memref<32000xf32, #tpu.memory_space<vmem>>, vector<16xf32>,
        %get3A_363 = vector.shape_cast %get3A_362 : vector<16xf32> to vector<16xf32>
        %add3A_364 = arith.addf %scan3A_350, %get3A_363 : vector<16xf32>
        %add3A_365 = arith.constant 16 : i32
        %add3A_366 = arith.addi %mul3A_359, %add3A_365 : i32
        %get3A_367 = arith.index_cast %add3A_366 : i32 to index
        %get3A_368 = tpu.vector_load %arg4[%get3A_367] {strides = array<i32>} : memref<32000xf32, #tpu.memory_space<vmem>>, vector<16xf32>,
        %get3A_369 = vector.shape_cast %get3A_368 : vector<16xf32> to vector<16xf32>
        %add3A_370 = arith.addf %scan3A_351, %get3A_369 : vector<16xf32>
        %add3A_371 = arith.constant 32 : i32
        %add3A_372 = arith.addi %mul3A_359, %add3A_371 : i32
        %get3A_373 = arith.index_cast %add3A_372 : i32 to index
        %get3A_374 = tpu.vector_load %arg4[%get3A_373] {strides = array<i32>} : memref<32000xf32, #tpu.memory_space<vmem>>, vector<16xf32>,
        %get3A_375 = vector.shape_cast %get3A_374 : vector<16xf32> to vector<16xf32>
        %add3A_376 = arith.addf %scan3A_352, %get3A_375 : vector<16xf32>
        %add3A_377 = arith.constant 48 : i32
        %add3A_378 = arith.addi %mul3A_359, %add3A_377 : i32
        %get3A_379 = arith.index_cast %add3A_378 : i32 to index
        %get3A_380 = tpu.vector_load %arg4[%get3A_379] {strides = array<i32>} : memref<32000xf32, #tpu.memory_space<vmem>>, vector<16xf32>,
        %get3A_381 = vector.shape_cast %get3A_380 : vector<16xf32> to vector<16xf32>
        %add3A_382 = arith.addf %scan3A_353, %get3A_381 : vector<16xf32>
        %add3A_383 = arith.constant 64 : i32
        %add3A_384 = arith.addi %mul3A_359, %add3A_383 : i32
        %get3A_385 = arith.index_cast %add3A_384 : i32 to index
        %get3A_386 = tpu.vector_load %arg4[%get3A_385] {strides = array<i32>} : memref<32000xf32, #tpu.memory_space<vmem>>, vector<16xf32>,
        %get3A_387 = vector.shape_cast %get3A_386 : vector<16xf32> to vector<16xf32>
        %add3A_388 = arith.addf %scan3A_354, %get3A_387 : vector<16xf32>
        %add3A_389 = arith.constant 80 : i32
        %add3A_390 = arith.addi %mul3A_359, %add3A_389 : i32
        %get3A_391 = arith.index_cast %add3A_390 : i32 to index
        %get3A_392 = tpu.vector_load %arg4[%get3A_391] {strides = array<i32>} : memref<32000xf32, #tpu.memory_space<vmem>>, vector<16xf32>,
        %get3A_393 = vector.shape_cast %get3A_392 : vector<16xf32> to vector<16xf32>
        %add3A_394 = arith.addf %scan3A_355, %get3A_393 : vector<16xf32>
        %add3A_395 = arith.constant 96 : i32
        %add3A_396 = arith.addi %mul3A_359, %add3A_395 : i32
        %get3A_397 = arith.index_cast %add3A_396 : i32 to index
        %get3A_398 = tpu.vector_load %arg4[%get3A_397] {strides = array<i32>} : memref<32000xf32, #tpu.memory_space<vmem>>, vector<16xf32>,
        %get3A_399 = vector.shape_cast %get3A_398 : vector<16xf32> to vector<16xf32>
        %add3A_400 = arith.addf %scan3A_356, %get3A_399 : vector<16xf32>
        %add3A_401 = arith.constant 112 : i32
        %add3A_402 = arith.addi %mul3A_359, %add3A_401 : i32
        %get3A_403 = arith.index_cast %add3A_402 : i32 to index
        %get3A_404 = tpu.vector_load %arg4[%get3A_403] {strides = array<i32>} : memref<32000xf32, #tpu.memory_space<vmem>>, vector<16xf32>,
        %get3A_405 = vector.shape_cast %get3A_404 : vector<16xf32> to vector<16xf32>
        %add3A_406 = arith.addf %scan3A_357, %get3A_405 : vector<16xf32>
        %scan3A_407 = arith.constant 1 : i32
        %scan3A_408 = arith.addi %scan3A_349, %scan3A_407 : i32
        %mul3A_409 = arith.constant 128 : i32
        %mul3A_410 = arith.muli %scan3A_408, %mul3A_409 : i32
        %add3A_411 = arith.constant 0 : i32
        %add3A_412 = arith.addi %mul3A_410, %add3A_411 : i32
        %get3A_413 = arith.index_cast %add3A_412 : i32 to index
        %get3A_414 = tpu.vector_load %arg4[%get3A_413] {strides = array<i32>} : memref<32000xf32, #tpu.memory_space<vmem>>, vector<16xf32>,
        %get3A_415 = vector.shape_cast %get3A_414 : vector<16xf32> to vector<16xf32>
        %add3A_416 = arith.addf %add3A_364, %get3A_415 : vector<16xf32>
        %add3A_417 = arith.constant 16 : i32
        %add3A_418 = arith.addi %mul3A_410, %add3A_417 : i32
        %get3A_419 = arith.index_cast %add3A_418 : i32 to index
        %get3A_420 = tpu.vector_load %arg4[%get3A_419] {strides = array<i32>} : memref<32000xf32, #tpu.memory_space<vmem>>, vector<16xf32>,
        %get3A_421 = vector.shape_cast %get3A_420 : vector<16xf32> to vector<16xf32>
        %add3A_422 = arith.addf %add3A_370, %get3A_421 : vector<16xf32>
        %add3A_423 = arith.constant 32 : i32
        %add3A_424 = arith.addi %mul3A_410, %add3A_423 : i32
        %get3A_425 = arith.index_cast %add3A_424 : i32 to index
        %get3A_426 = tpu.vector_load %arg4[%get3A_425] {strides = array<i32>} : memref<32000xf32, #tpu.memory_space<vmem>>, vector<16xf32>,
        %get3A_427 = vector.shape_cast %get3A_426 : vector<16xf32> to vector<16xf32>
        %add3A_428 = arith.addf %add3A_376, %get3A_427 : vector<16xf32>
        %add3A_429 = arith.constant 48 : i32
        %add3A_430 = arith.addi %mul3A_410, %add3A_429 : i32
        %get3A_431 = arith.index_cast %add3A_430 : i32 to index
        %get3A_432 = tpu.vector_load %arg4[%get3A_431] {strides = array<i32>} : memref<32000xf32, #tpu.memory_space<vmem>>, vector<16xf32>,
        %get3A_433 = vector.shape_cast %get3A_432 : vector<16xf32> to vector<16xf32>
        %add3A_434 = arith.addf %add3A_382, %get3A_433 : vector<16xf32>
        %add3A_435 = arith.constant 64 : i32
        %add3A_436 = arith.addi %mul3A_410, %add3A_435 : i32
        %get3A_437 = arith.index_cast %add3A_436 : i32 to index
        %get3A_438 = tpu.vector_load %arg4[%get3A_437] {strides = array<i32>} : memref<32000xf32, #tpu.memory_space<vmem>>, vector<16xf32>,
        %get3A_439 = vector.shape_cast %get3A_438 : vector<16xf32> to vector<16xf32>
        %add3A_440 = arith.addf %add3A_388, %get3A_439 : vector<16xf32>
        %add3A_441 = arith.constant 80 : i32
        %add3A_442 = arith.addi %mul3A_410, %add3A_441 : i32
        %get3A_443 = arith.index_cast %add3A_442 : i32 to index
        %get3A_444 = tpu.vector_load %arg4[%get3A_443] {strides = array<i32>} : memref<32000xf32, #tpu.memory_space<vmem>>, vector<16xf32>,
        %get3A_445 = vector.shape_cast %get3A_444 : vector<16xf32> to vector<16xf32>
        %add3A_446 = arith.addf %add3A_394, %get3A_445 : vector<16xf32>
        %add3A_447 = arith.constant 96 : i32
        %add3A_448 = arith.addi %mul3A_410, %add3A_447 : i32
        %get3A_449 = arith.index_cast %add3A_448 : i32 to index
        %get3A_450 = tpu.vector_load %arg4[%get3A_449] {strides = array<i32>} : memref<32000xf32, #tpu.memory_space<vmem>>, vector<16xf32>,
        %get3A_451 = vector.shape_cast %get3A_450 : vector<16xf32> to vector<16xf32>
        %add3A_452 = arith.addf %add3A_400, %get3A_451 : vector<16xf32>
        %add3A_453 = arith.constant 112 : i32
        %add3A_454 = arith.addi %mul3A_410, %add3A_453 : i32
        %get3A_455 = arith.index_cast %add3A_454 : i32 to index
        %get3A_456 = tpu.vector_load %arg4[%get3A_455] {strides = array<i32>} : memref<32000xf32, #tpu.memory_space<vmem>>, vector<16xf32>,
        %get3A_457 = vector.shape_cast %get3A_456 : vector<16xf32> to vector<16xf32>
        %add3A_458 = arith.addf %add3A_406, %get3A_457 : vector<16xf32>
        scf.yield %add3A_416, %add3A_422, %add3A_428, %add3A_434, %add3A_440, %add3A_446, %add3A_452, %add3A_458 : vector<16xf32>, vector<16xf32>, vector<16xf32>, vector<16xf32>, vector<16xf32>, vector<16xf32>, vector<16xf32>, vector<16xf32>
      }
      %scan3A_163 = arith.constant 250 : i32
      %mul3A_164 = arith.constant 2000 : i32
      %mul3A_165 = arith.muli %add3A_4, %mul3A_164 : i32
      %add3A_166 = arith.constant 250000 : i32
      %add3A_167 = arith.addi %add3A_166, %mul3A_165 : i32
      %add3A_168 = arith.constant 0 : i32
      %add3A_169 = arith.addi %add3A_167, %add3A_168 : i32
      %mul3A_170 = arith.constant 128 : i32
      %mul3A_171 = arith.muli %add3A_169, %mul3A_170 : i32
      %dma_start3A_172 = tpu.memref_slice %arg2[%mul3A_171] : memref<64000000xf32, #tpu.memory_space<hbm>> -> memref<32000xf32, #tpu.memory_space<hbm>>
      %dma_start3A_173 = tpu.memref_slice %arg2[%mul3A_171] : memref<64000000xf32, #tpu.memory_space<hbm>> -> memref<32000xf32, #tpu.memory_space<hbm>>
      tpu.enqueue_dma source(%dma_start3A_173 : memref<32000xf32, #tpu.memory_space<hbm>>) target(%arg4 : memref<32000xf32, #tpu.memory_space<vmem>>) target_semaphore(%arg7 : memref<!tpu.dma_semaphore, #tpu.memory_space<semaphore_mem>>)
      %dma_wait3A_174 = tpu.memref_slice %arg2[%mul3A_153] : memref<64000000xf32, #tpu.memory_space<hbm>> -> memref<32000xf32, #tpu.memory_space<hbm>>
      %dma_wait3A_175 = tpu.memref_slice %arg2[%mul3A_153] : memref<64000000xf32, #tpu.memory_space<hbm>> -> memref<32000xf32, #tpu.memory_space<hbm>>
      tpu.wait_dma2 semaphore(%arg8 : memref<!tpu.dma_semaphore, #tpu.memory_space<semaphore_mem>>) src(%dma_wait3A_175 : memref<32000xf32, #tpu.memory_space<hbm>>) dst(%arg5 : memref<32000xf32, #tpu.memory_space<vmem>>)
      %scan3A_176 = arith.constant 0 : i32
      %scan3A_177 = arith.constant 250 : i32
      %scan3A_178 = arith.addi %scan3A_176, %scan3A_177 : i32
      %scan3A_179 = arith.constant 2 : i32
      %scan3A_180:8 = scf.for %scan3A_349 = %scan3A_176 to %scan3A_178 step %scan3A_179 iter_args(%scan3A_350 = %scan3A_162#0, %scan3A_351 = %scan3A_162#1, %scan3A_352 = %scan3A_162#2, %scan3A_353 = %scan3A_162#3, %scan3A_354 = %scan3A_162#4, %scan3A_355 = %scan3A_162#5, %scan3A_356 = %scan3A_162#6, %scan3A_357 = %scan3A_162#7) -> (vector<16xf32>, vector<16xf32>, vector<16xf32>, vector<16xf32>, vector<16xf32>, vector<16xf32>, vector<16xf32>, vector<16xf32>)  : i32 {
        %mul3A_358 = arith.constant 128 : i32
        %mul3A_359 = arith.muli %scan3A_349, %mul3A_358 : i32
        %add3A_360 = arith.constant 0 : i32
        %add3A_361 = arith.addi %mul3A_359, %add3A_360 : i32
        %get3A = arith.index_cast %add3A_361 : i32 to index
        %get3A_362 = tpu.vector_load %arg5[%get3A] {strides = array<i32>} : memref<32000xf32, #tpu.memory_space<vmem>>, vector<16xf32>,
        %get3A_363 = vector.shape_cast %get3A_362 : vector<16xf32> to vector<16xf32>
        %add3A_364 = arith.addf %scan3A_350, %get3A_363 : vector<16xf32>
        %add3A_365 = arith.constant 16 : i32
        %add3A_366 = arith.addi %mul3A_359, %add3A_365 : i32
        %get3A_367 = arith.index_cast %add3A_366 : i32 to index
        %get3A_368 = tpu.vector_load %arg5[%get3A_367] {strides = array<i32>} : memref<32000xf32, #tpu.memory_space<vmem>>, vector<16xf32>,
        %get3A_369 = vector.shape_cast %get3A_368 : vector<16xf32> to vector<16xf32>
        %add3A_370 = arith.addf %scan3A_351, %get3A_369 : vector<16xf32>
        %add3A_371 = arith.constant 32 : i32
        %add3A_372 = arith.addi %mul3A_359, %add3A_371 : i32
        %get3A_373 = arith.index_cast %add3A_372 : i32 to index
        %get3A_374 = tpu.vector_load %arg5[%get3A_373] {strides = array<i32>} : memref<32000xf32, #tpu.memory_space<vmem>>, vector<16xf32>,
        %get3A_375 = vector.shape_cast %get3A_374 : vector<16xf32> to vector<16xf32>
        %add3A_376 = arith.addf %scan3A_352, %get3A_375 : vector<16xf32>
        %add3A_377 = arith.constant 48 : i32
        %add3A_378 = arith.addi %mul3A_359, %add3A_377 : i32
        %get3A_379 = arith.index_cast %add3A_378 : i32 to index
        %get3A_380 = tpu.vector_load %arg5[%get3A_379] {strides = array<i32>} : memref<32000xf32, #tpu.memory_space<vmem>>, vector<16xf32>,
        %get3A_381 = vector.shape_cast %get3A_380 : vector<16xf32> to vector<16xf32>
        %add3A_382 = arith.addf %scan3A_353, %get3A_381 : vector<16xf32>
        %add3A_383 = arith.constant 64 : i32
        %add3A_384 = arith.addi %mul3A_359, %add3A_383 : i32
        %get3A_385 = arith.index_cast %add3A_384 : i32 to index
        %get3A_386 = tpu.vector_load %arg5[%get3A_385] {strides = array<i32>} : memref<32000xf32, #tpu.memory_space<vmem>>, vector<16xf32>,
        %get3A_387 = vector.shape_cast %get3A_386 : vector<16xf32> to vector<16xf32>
        %add3A_388 = arith.addf %scan3A_354, %get3A_387 : vector<16xf32>
        %add3A_389 = arith.constant 80 : i32
        %add3A_390 = arith.addi %mul3A_359, %add3A_389 : i32
        %get3A_391 = arith.index_cast %add3A_390 : i32 to index
        %get3A_392 = tpu.vector_load %arg5[%get3A_391] {strides = array<i32>} : memref<32000xf32, #tpu.memory_space<vmem>>, vector<16xf32>,
        %get3A_393 = vector.shape_cast %get3A_392 : vector<16xf32> to vector<16xf32>
        %add3A_394 = arith.addf %scan3A_355, %get3A_393 : vector<16xf32>
        %add3A_395 = arith.constant 96 : i32
        %add3A_396 = arith.addi %mul3A_359, %add3A_395 : i32
        %get3A_397 = arith.index_cast %add3A_396 : i32 to index
        %get3A_398 = tpu.vector_load %arg5[%get3A_397] {strides = array<i32>} : memref<32000xf32, #tpu.memory_space<vmem>>, vector<16xf32>,
        %get3A_399 = vector.shape_cast %get3A_398 : vector<16xf32> to vector<16xf32>
        %add3A_400 = arith.addf %scan3A_356, %get3A_399 : vector<16xf32>
        %add3A_401 = arith.constant 112 : i32
        %add3A_402 = arith.addi %mul3A_359, %add3A_401 : i32
        %get3A_403 = arith.index_cast %add3A_402 : i32 to index
        %get3A_404 = tpu.vector_load %arg5[%get3A_403] {strides = array<i32>} : memref<32000xf32, #tpu.memory_space<vmem>>, vector<16xf32>,
        %get3A_405 = vector.shape_cast %get3A_404 : vector<16xf32> to vector<16xf32>
        %add3A_406 = arith.addf %scan3A_357, %get3A_405 : vector<16xf32>
        %scan3A_407 = arith.constant 1 : i32
        %scan3A_408 = arith.addi %scan3A_349, %scan3A_407 : i32
        %mul3A_409 = arith.constant 128 : i32
        %mul3A_410 = arith.muli %scan3A_408, %mul3A_409 : i32
        %add3A_411 = arith.constant 0 : i32
        %add3A_412 = arith.addi %mul3A_410, %add3A_411 : i32
        %get3A_413 = arith.index_cast %add3A_412 : i32 to index
        %get3A_414 = tpu.vector_load %arg5[%get3A_413] {strides = array<i32>} : memref<32000xf32, #tpu.memory_space<vmem>>, vector<16xf32>,
        %get3A_415 = vector.shape_cast %get3A_414 : vector<16xf32> to vector<16xf32>
        %add3A_416 = arith.addf %add3A_364, %get3A_415 : vector<16xf32>
        %add3A_417 = arith.constant 16 : i32
        %add3A_418 = arith.addi %mul3A_410, %add3A_417 : i32
        %get3A_419 = arith.index_cast %add3A_418 : i32 to index
        %get3A_420 = tpu.vector_load %arg5[%get3A_419] {strides = array<i32>} : memref<32000xf32, #tpu.memory_space<vmem>>, vector<16xf32>,
        %get3A_421 = vector.shape_cast %get3A_420 : vector<16xf32> to vector<16xf32>
        %add3A_422 = arith.addf %add3A_370, %get3A_421 : vector<16xf32>
        %add3A_423 = arith.constant 32 : i32
        %add3A_424 = arith.addi %mul3A_410, %add3A_423 : i32
        %get3A_425 = arith.index_cast %add3A_424 : i32 to index
        %get3A_426 = tpu.vector_load %arg5[%get3A_425] {strides = array<i32>} : memref<32000xf32, #tpu.memory_space<vmem>>, vector<16xf32>,
        %get3A_427 = vector.shape_cast %get3A_426 : vector<16xf32> to vector<16xf32>
        %add3A_428 = arith.addf %add3A_376, %get3A_427 : vector<16xf32>
        %add3A_429 = arith.constant 48 : i32
        %add3A_430 = arith.addi %mul3A_410, %add3A_429 : i32
        %get3A_431 = arith.index_cast %add3A_430 : i32 to index
        %get3A_432 = tpu.vector_load %arg5[%get3A_431] {strides = array<i32>} : memref<32000xf32, #tpu.memory_space<vmem>>, vector<16xf32>,
        %get3A_433 = vector.shape_cast %get3A_432 : vector<16xf32> to vector<16xf32>
        %add3A_434 = arith.addf %add3A_382, %get3A_433 : vector<16xf32>
        %add3A_435 = arith.constant 64 : i32
        %add3A_436 = arith.addi %mul3A_410, %add3A_435 : i32
        %get3A_437 = arith.index_cast %add3A_436 : i32 to index
        %get3A_438 = tpu.vector_load %arg5[%get3A_437] {strides = array<i32>} : memref<32000xf32, #tpu.memory_space<vmem>>, vector<16xf32>,
        %get3A_439 = vector.shape_cast %get3A_438 : vector<16xf32> to vector<16xf32>
        %add3A_440 = arith.addf %add3A_388, %get3A_439 : vector<16xf32>
        %add3A_441 = arith.constant 80 : i32
        %add3A_442 = arith.addi %mul3A_410, %add3A_441 : i32
        %get3A_443 = arith.index_cast %add3A_442 : i32 to index
        %get3A_444 = tpu.vector_load %arg5[%get3A_443] {strides = array<i32>} : memref<32000xf32, #tpu.memory_space<vmem>>, vector<16xf32>,
        %get3A_445 = vector.shape_cast %get3A_444 : vector<16xf32> to vector<16xf32>
        %add3A_446 = arith.addf %add3A_394, %get3A_445 : vector<16xf32>
        %add3A_447 = arith.constant 96 : i32
        %add3A_448 = arith.addi %mul3A_410, %add3A_447 : i32
        %get3A_449 = arith.index_cast %add3A_448 : i32 to index
        %get3A_450 = tpu.vector_load %arg5[%get3A_449] {strides = array<i32>} : memref<32000xf32, #tpu.memory_space<vmem>>, vector<16xf32>,
        %get3A_451 = vector.shape_cast %get3A_450 : vector<16xf32> to vector<16xf32>
        %add3A_452 = arith.addf %add3A_400, %get3A_451 : vector<16xf32>
        %add3A_453 = arith.constant 112 : i32
        %add3A_454 = arith.addi %mul3A_410, %add3A_453 : i32
        %get3A_455 = arith.index_cast %add3A_454 : i32 to index
        %get3A_456 = tpu.vector_load %arg5[%get3A_455] {strides = array<i32>} : memref<32000xf32, #tpu.memory_space<vmem>>, vector<16xf32>,
        %get3A_457 = vector.shape_cast %get3A_456 : vector<16xf32> to vector<16xf32>
        %add3A_458 = arith.addf %add3A_406, %get3A_457 : vector<16xf32>
        scf.yield %add3A_416, %add3A_422, %add3A_428, %add3A_434, %add3A_440, %add3A_446, %add3A_452, %add3A_458 : vector<16xf32>, vector<16xf32>, vector<16xf32>, vector<16xf32>, vector<16xf32>, vector<16xf32>, vector<16xf32>, vector<16xf32>
      }
      %scan3A_181 = arith.constant 250 : i32
      %mul3A_182 = arith.constant 2000 : i32
      %mul3A_183 = arith.muli %add3A_4, %mul3A_182 : i32
      %add3A_184 = arith.constant 250000 : i32
      %add3A_185 = arith.addi %add3A_184, %mul3A_183 : i32
      %add3A_186 = arith.constant 250 : i32
      %add3A_187 = arith.addi %add3A_185, %add3A_186 : i32
      %mul3A_188 = arith.constant 128 : i32
      %mul3A_189 = arith.muli %add3A_187, %mul3A_188 : i32
      %dma_start3A_190 = tpu.memref_slice %arg2[%mul3A_189] : memref<64000000xf32, #tpu.memory_space<hbm>> -> memref<32000xf32, #tpu.memory_space<hbm>>
      %dma_start3A_191 = tpu.memref_slice %arg2[%mul3A_189] : memref<64000000xf32, #tpu.memory_space<hbm>> -> memref<32000xf32, #tpu.memory_space<hbm>>
      tpu.enqueue_dma source(%dma_start3A_191 : memref<32000xf32, #tpu.memory_space<hbm>>) target(%arg5 : memref<32000xf32, #tpu.memory_space<vmem>>) target_semaphore(%arg8 : memref<!tpu.dma_semaphore, #tpu.memory_space<semaphore_mem>>)
      %dma_wait3A_192 = tpu.memref_slice %arg2[%mul3A_171] : memref<64000000xf32, #tpu.memory_space<hbm>> -> memref<32000xf32, #tpu.memory_space<hbm>>
      %dma_wait3A_193 = tpu.memref_slice %arg2[%mul3A_171] : memref<64000000xf32, #tpu.memory_space<hbm>> -> memref<32000xf32, #tpu.memory_space<hbm>>
      tpu.wait_dma2 semaphore(%arg7 : memref<!tpu.dma_semaphore, #tpu.memory_space<semaphore_mem>>) src(%dma_wait3A_193 : memref<32000xf32, #tpu.memory_space<hbm>>) dst(%arg4 : memref<32000xf32, #tpu.memory_space<vmem>>)
      %scan3A_194 = arith.constant 0 : i32
      %scan3A_195 = arith.constant 250 : i32
      %scan3A_196 = arith.addi %scan3A_194, %scan3A_195 : i32
      %scan3A_197 = arith.constant 2 : i32
      %scan3A_198:8 = scf.for %scan3A_349 = %scan3A_194 to %scan3A_196 step %scan3A_197 iter_args(%scan3A_350 = %scan3A_180#0, %scan3A_351 = %scan3A_180#1, %scan3A_352 = %scan3A_180#2, %scan3A_353 = %scan3A_180#3, %scan3A_354 = %scan3A_180#4, %scan3A_355 = %scan3A_180#5, %scan3A_356 = %scan3A_180#6, %scan3A_357 = %scan3A_180#7) -> (vector<16xf32>, vector<16xf32>, vector<16xf32>, vector<16xf32>, vector<16xf32>, vector<16xf32>, vector<16xf32>, vector<16xf32>)  : i32 {
        %mul3A_358 = arith.constant 128 : i32
        %mul3A_359 = arith.muli %scan3A_349, %mul3A_358 : i32
        %add3A_360 = arith.constant 0 : i32
        %add3A_361 = arith.addi %mul3A_359, %add3A_360 : i32
        %get3A = arith.index_cast %add3A_361 : i32 to index
        %get3A_362 = tpu.vector_load %arg4[%get3A] {strides = array<i32>} : memref<32000xf32, #tpu.memory_space<vmem>>, vector<16xf32>,
        %get3A_363 = vector.shape_cast %get3A_362 : vector<16xf32> to vector<16xf32>
        %add3A_364 = arith.addf %scan3A_350, %get3A_363 : vector<16xf32>
        %add3A_365 = arith.constant 16 : i32
        %add3A_366 = arith.addi %mul3A_359, %add3A_365 : i32
        %get3A_367 = arith.index_cast %add3A_366 : i32 to index
        %get3A_368 = tpu.vector_load %arg4[%get3A_367] {strides = array<i32>} : memref<32000xf32, #tpu.memory_space<vmem>>, vector<16xf32>,
        %get3A_369 = vector.shape_cast %get3A_368 : vector<16xf32> to vector<16xf32>
        %add3A_370 = arith.addf %scan3A_351, %get3A_369 : vector<16xf32>
        %add3A_371 = arith.constant 32 : i32
        %add3A_372 = arith.addi %mul3A_359, %add3A_371 : i32
        %get3A_373 = arith.index_cast %add3A_372 : i32 to index
        %get3A_374 = tpu.vector_load %arg4[%get3A_373] {strides = array<i32>} : memref<32000xf32, #tpu.memory_space<vmem>>, vector<16xf32>,
        %get3A_375 = vector.shape_cast %get3A_374 : vector<16xf32> to vector<16xf32>
        %add3A_376 = arith.addf %scan3A_352, %get3A_375 : vector<16xf32>
        %add3A_377 = arith.constant 48 : i32
        %add3A_378 = arith.addi %mul3A_359, %add3A_377 : i32
        %get3A_379 = arith.index_cast %add3A_378 : i32 to index
        %get3A_380 = tpu.vector_load %arg4[%get3A_379] {strides = array<i32>} : memref<32000xf32, #tpu.memory_space<vmem>>, vector<16xf32>,
        %get3A_381 = vector.shape_cast %get3A_380 : vector<16xf32> to vector<16xf32>
        %add3A_382 = arith.addf %scan3A_353, %get3A_381 : vector<16xf32>
        %add3A_383 = arith.constant 64 : i32
        %add3A_384 = arith.addi %mul3A_359, %add3A_383 : i32
        %get3A_385 = arith.index_cast %add3A_384 : i32 to index
        %get3A_386 = tpu.vector_load %arg4[%get3A_385] {strides = array<i32>} : memref<32000xf32, #tpu.memory_space<vmem>>, vector<16xf32>,
        %get3A_387 = vector.shape_cast %get3A_386 : vector<16xf32> to vector<16xf32>
        %add3A_388 = arith.addf %scan3A_354, %get3A_387 : vector<16xf32>
        %add3A_389 = arith.constant 80 : i32
        %add3A_390 = arith.addi %mul3A_359, %add3A_389 : i32
        %get3A_391 = arith.index_cast %add3A_390 : i32 to index
        %get3A_392 = tpu.vector_load %arg4[%get3A_391] {strides = array<i32>} : memref<32000xf32, #tpu.memory_space<vmem>>, vector<16xf32>,
        %get3A_393 = vector.shape_cast %get3A_392 : vector<16xf32> to vector<16xf32>
        %add3A_394 = arith.addf %scan3A_355, %get3A_393 : vector<16xf32>
        %add3A_395 = arith.constant 96 : i32
        %add3A_396 = arith.addi %mul3A_359, %add3A_395 : i32
        %get3A_397 = arith.index_cast %add3A_396 : i32 to index
        %get3A_398 = tpu.vector_load %arg4[%get3A_397] {strides = array<i32>} : memref<32000xf32, #tpu.memory_space<vmem>>, vector<16xf32>,
        %get3A_399 = vector.shape_cast %get3A_398 : vector<16xf32> to vector<16xf32>
        %add3A_400 = arith.addf %scan3A_356, %get3A_399 : vector<16xf32>
        %add3A_401 = arith.constant 112 : i32
        %add3A_402 = arith.addi %mul3A_359, %add3A_401 : i32
        %get3A_403 = arith.index_cast %add3A_402 : i32 to index
        %get3A_404 = tpu.vector_load %arg4[%get3A_403] {strides = array<i32>} : memref<32000xf32, #tpu.memory_space<vmem>>, vector<16xf32>,
        %get3A_405 = vector.shape_cast %get3A_404 : vector<16xf32> to vector<16xf32>
        %add3A_406 = arith.addf %scan3A_357, %get3A_405 : vector<16xf32>
        %scan3A_407 = arith.constant 1 : i32
        %scan3A_408 = arith.addi %scan3A_349, %scan3A_407 : i32
        %mul3A_409 = arith.constant 128 : i32
        %mul3A_410 = arith.muli %scan3A_408, %mul3A_409 : i32
        %add3A_411 = arith.constant 0 : i32
        %add3A_412 = arith.addi %mul3A_410, %add3A_411 : i32
        %get3A_413 = arith.index_cast %add3A_412 : i32 to index
        %get3A_414 = tpu.vector_load %arg4[%get3A_413] {strides = array<i32>} : memref<32000xf32, #tpu.memory_space<vmem>>, vector<16xf32>,
        %get3A_415 = vector.shape_cast %get3A_414 : vector<16xf32> to vector<16xf32>
        %add3A_416 = arith.addf %add3A_364, %get3A_415 : vector<16xf32>
        %add3A_417 = arith.constant 16 : i32
        %add3A_418 = arith.addi %mul3A_410, %add3A_417 : i32
        %get3A_419 = arith.index_cast %add3A_418 : i32 to index
        %get3A_420 = tpu.vector_load %arg4[%get3A_419] {strides = array<i32>} : memref<32000xf32, #tpu.memory_space<vmem>>, vector<16xf32>,
        %get3A_421 = vector.shape_cast %get3A_420 : vector<16xf32> to vector<16xf32>
        %add3A_422 = arith.addf %add3A_370, %get3A_421 : vector<16xf32>
        %add3A_423 = arith.constant 32 : i32
        %add3A_424 = arith.addi %mul3A_410, %add3A_423 : i32
        %get3A_425 = arith.index_cast %add3A_424 : i32 to index
        %get3A_426 = tpu.vector_load %arg4[%get3A_425] {strides = array<i32>} : memref<32000xf32, #tpu.memory_space<vmem>>, vector<16xf32>,
        %get3A_427 = vector.shape_cast %get3A_426 : vector<16xf32> to vector<16xf32>
        %add3A_428 = arith.addf %add3A_376, %get3A_427 : vector<16xf32>
        %add3A_429 = arith.constant 48 : i32
        %add3A_430 = arith.addi %mul3A_410, %add3A_429 : i32
        %get3A_431 = arith.index_cast %add3A_430 : i32 to index
        %get3A_432 = tpu.vector_load %arg4[%get3A_431] {strides = array<i32>} : memref<32000xf32, #tpu.memory_space<vmem>>, vector<16xf32>,
        %get3A_433 = vector.shape_cast %get3A_432 : vector<16xf32> to vector<16xf32>
        %add3A_434 = arith.addf %add3A_382, %get3A_433 : vector<16xf32>
        %add3A_435 = arith.constant 64 : i32
        %add3A_436 = arith.addi %mul3A_410, %add3A_435 : i32
        %get3A_437 = arith.index_cast %add3A_436 : i32 to index
        %get3A_438 = tpu.vector_load %arg4[%get3A_437] {strides = array<i32>} : memref<32000xf32, #tpu.memory_space<vmem>>, vector<16xf32>,
        %get3A_439 = vector.shape_cast %get3A_438 : vector<16xf32> to vector<16xf32>
        %add3A_440 = arith.addf %add3A_388, %get3A_439 : vector<16xf32>
        %add3A_441 = arith.constant 80 : i32
        %add3A_442 = arith.addi %mul3A_410, %add3A_441 : i32
        %get3A_443 = arith.index_cast %add3A_442 : i32 to index
        %get3A_444 = tpu.vector_load %arg4[%get3A_443] {strides = array<i32>} : memref<32000xf32, #tpu.memory_space<vmem>>, vector<16xf32>,
        %get3A_445 = vector.shape_cast %get3A_444 : vector<16xf32> to vector<16xf32>
        %add3A_446 = arith.addf %add3A_394, %get3A_445 : vector<16xf32>
        %add3A_447 = arith.constant 96 : i32
        %add3A_448 = arith.addi %mul3A_410, %add3A_447 : i32
        %get3A_449 = arith.index_cast %add3A_448 : i32 to index
        %get3A_450 = tpu.vector_load %arg4[%get3A_449] {strides = array<i32>} : memref<32000xf32, #tpu.memory_space<vmem>>, vector<16xf32>,
        %get3A_451 = vector.shape_cast %get3A_450 : vector<16xf32> to vector<16xf32>
        %add3A_452 = arith.addf %add3A_400, %get3A_451 : vector<16xf32>
        %add3A_453 = arith.constant 112 : i32
        %add3A_454 = arith.addi %mul3A_410, %add3A_453 : i32
        %get3A_455 = arith.index_cast %add3A_454 : i32 to index
        %get3A_456 = tpu.vector_load %arg4[%get3A_455] {strides = array<i32>} : memref<32000xf32, #tpu.memory_space<vmem>>, vector<16xf32>,
        %get3A_457 = vector.shape_cast %get3A_456 : vector<16xf32> to vector<16xf32>
        %add3A_458 = arith.addf %add3A_406, %get3A_457 : vector<16xf32>
        scf.yield %add3A_416, %add3A_422, %add3A_428, %add3A_434, %add3A_440, %add3A_446, %add3A_452, %add3A_458 : vector<16xf32>, vector<16xf32>, vector<16xf32>, vector<16xf32>, vector<16xf32>, vector<16xf32>, vector<16xf32>, vector<16xf32>
      }
      %scan3A_199 = arith.constant 250 : i32
      %mul3A_200 = arith.constant 2000 : i32
      %mul3A_201 = arith.muli %add3A_4, %mul3A_200 : i32
      %add3A_202 = arith.constant 250000 : i32
      %add3A_203 = arith.addi %add3A_202, %mul3A_201 : i32
      %add3A_204 = arith.constant 500 : i32
      %add3A_205 = arith.addi %add3A_203, %add3A_204 : i32
      %mul3A_206 = arith.constant 128 : i32
      %mul3A_207 = arith.muli %add3A_205, %mul3A_206 : i32
      %dma_start3A_208 = tpu.memref_slice %arg2[%mul3A_207] : memref<64000000xf32, #tpu.memory_space<hbm>> -> memref<32000xf32, #tpu.memory_space<hbm>>
      %dma_start3A_209 = tpu.memref_slice %arg2[%mul3A_207] : memref<64000000xf32, #tpu.memory_space<hbm>> -> memref<32000xf32, #tpu.memory_space<hbm>>
      tpu.enqueue_dma source(%dma_start3A_209 : memref<32000xf32, #tpu.memory_space<hbm>>) target(%arg4 : memref<32000xf32, #tpu.memory_space<vmem>>) target_semaphore(%arg7 : memref<!tpu.dma_semaphore, #tpu.memory_space<semaphore_mem>>)
      %dma_wait3A_210 = tpu.memref_slice %arg2[%mul3A_189] : memref<64000000xf32, #tpu.memory_space<hbm>> -> memref<32000xf32, #tpu.memory_space<hbm>>
      %dma_wait3A_211 = tpu.memref_slice %arg2[%mul3A_189] : memref<64000000xf32, #tpu.memory_space<hbm>> -> memref<32000xf32, #tpu.memory_space<hbm>>
      tpu.wait_dma2 semaphore(%arg8 : memref<!tpu.dma_semaphore, #tpu.memory_space<semaphore_mem>>) src(%dma_wait3A_211 : memref<32000xf32, #tpu.memory_space<hbm>>) dst(%arg5 : memref<32000xf32, #tpu.memory_space<vmem>>)
      %scan3A_212 = arith.constant 0 : i32
      %scan3A_213 = arith.constant 250 : i32
      %scan3A_214 = arith.addi %scan3A_212, %scan3A_213 : i32
      %scan3A_215 = arith.constant 2 : i32
      %scan3A_216:8 = scf.for %scan3A_349 = %scan3A_212 to %scan3A_214 step %scan3A_215 iter_args(%scan3A_350 = %scan3A_198#0, %scan3A_351 = %scan3A_198#1, %scan3A_352 = %scan3A_198#2, %scan3A_353 = %scan3A_198#3, %scan3A_354 = %scan3A_198#4, %scan3A_355 = %scan3A_198#5, %scan3A_356 = %scan3A_198#6, %scan3A_357 = %scan3A_198#7) -> (vector<16xf32>, vector<16xf32>, vector<16xf32>, vector<16xf32>, vector<16xf32>, vector<16xf32>, vector<16xf32>, vector<16xf32>)  : i32 {
        %mul3A_358 = arith.constant 128 : i32
        %mul3A_359 = arith.muli %scan3A_349, %mul3A_358 : i32
        %add3A_360 = arith.constant 0 : i32
        %add3A_361 = arith.addi %mul3A_359, %add3A_360 : i32
        %get3A = arith.index_cast %add3A_361 : i32 to index
        %get3A_362 = tpu.vector_load %arg5[%get3A] {strides = array<i32>} : memref<32000xf32, #tpu.memory_space<vmem>>, vector<16xf32>,
        %get3A_363 = vector.shape_cast %get3A_362 : vector<16xf32> to vector<16xf32>
        %add3A_364 = arith.addf %scan3A_350, %get3A_363 : vector<16xf32>
        %add3A_365 = arith.constant 16 : i32
        %add3A_366 = arith.addi %mul3A_359, %add3A_365 : i32
        %get3A_367 = arith.index_cast %add3A_366 : i32 to index
        %get3A_368 = tpu.vector_load %arg5[%get3A_367] {strides = array<i32>} : memref<32000xf32, #tpu.memory_space<vmem>>, vector<16xf32>,
        %get3A_369 = vector.shape_cast %get3A_368 : vector<16xf32> to vector<16xf32>
        %add3A_370 = arith.addf %scan3A_351, %get3A_369 : vector<16xf32>
        %add3A_371 = arith.constant 32 : i32
        %add3A_372 = arith.addi %mul3A_359, %add3A_371 : i32
        %get3A_373 = arith.index_cast %add3A_372 : i32 to index
        %get3A_374 = tpu.vector_load %arg5[%get3A_373] {strides = array<i32>} : memref<32000xf32, #tpu.memory_space<vmem>>, vector<16xf32>,
        %get3A_375 = vector.shape_cast %get3A_374 : vector<16xf32> to vector<16xf32>
        %add3A_376 = arith.addf %scan3A_352, %get3A_375 : vector<16xf32>
        %add3A_377 = arith.constant 48 : i32
        %add3A_378 = arith.addi %mul3A_359, %add3A_377 : i32
        %get3A_379 = arith.index_cast %add3A_378 : i32 to index
        %get3A_380 = tpu.vector_load %arg5[%get3A_379] {strides = array<i32>} : memref<32000xf32, #tpu.memory_space<vmem>>, vector<16xf32>,
        %get3A_381 = vector.shape_cast %get3A_380 : vector<16xf32> to vector<16xf32>
        %add3A_382 = arith.addf %scan3A_353, %get3A_381 : vector<16xf32>
        %add3A_383 = arith.constant 64 : i32
        %add3A_384 = arith.addi %mul3A_359, %add3A_383 : i32
        %get3A_385 = arith.index_cast %add3A_384 : i32 to index
        %get3A_386 = tpu.vector_load %arg5[%get3A_385] {strides = array<i32>} : memref<32000xf32, #tpu.memory_space<vmem>>, vector<16xf32>,
        %get3A_387 = vector.shape_cast %get3A_386 : vector<16xf32> to vector<16xf32>
        %add3A_388 = arith.addf %scan3A_354, %get3A_387 : vector<16xf32>
        %add3A_389 = arith.constant 80 : i32
        %add3A_390 = arith.addi %mul3A_359, %add3A_389 : i32
        %get3A_391 = arith.index_cast %add3A_390 : i32 to index
        %get3A_392 = tpu.vector_load %arg5[%get3A_391] {strides = array<i32>} : memref<32000xf32, #tpu.memory_space<vmem>>, vector<16xf32>,
        %get3A_393 = vector.shape_cast %get3A_392 : vector<16xf32> to vector<16xf32>
        %add3A_394 = arith.addf %scan3A_355, %get3A_393 : vector<16xf32>
        %add3A_395 = arith.constant 96 : i32
        %add3A_396 = arith.addi %mul3A_359, %add3A_395 : i32
        %get3A_397 = arith.index_cast %add3A_396 : i32 to index
        %get3A_398 = tpu.vector_load %arg5[%get3A_397] {strides = array<i32>} : memref<32000xf32, #tpu.memory_space<vmem>>, vector<16xf32>,
        %get3A_399 = vector.shape_cast %get3A_398 : vector<16xf32> to vector<16xf32>
        %add3A_400 = arith.addf %scan3A_356, %get3A_399 : vector<16xf32>
        %add3A_401 = arith.constant 112 : i32
        %add3A_402 = arith.addi %mul3A_359, %add3A_401 : i32
        %get3A_403 = arith.index_cast %add3A_402 : i32 to index
        %get3A_404 = tpu.vector_load %arg5[%get3A_403] {strides = array<i32>} : memref<32000xf32, #tpu.memory_space<vmem>>, vector<16xf32>,
        %get3A_405 = vector.shape_cast %get3A_404 : vector<16xf32> to vector<16xf32>
        %add3A_406 = arith.addf %scan3A_357, %get3A_405 : vector<16xf32>
        %scan3A_407 = arith.constant 1 : i32
        %scan3A_408 = arith.addi %scan3A_349, %scan3A_407 : i32
        %mul3A_409 = arith.constant 128 : i32
        %mul3A_410 = arith.muli %scan3A_408, %mul3A_409 : i32
        %add3A_411 = arith.constant 0 : i32
        %add3A_412 = arith.addi %mul3A_410, %add3A_411 : i32
        %get3A_413 = arith.index_cast %add3A_412 : i32 to index
        %get3A_414 = tpu.vector_load %arg5[%get3A_413] {strides = array<i32>} : memref<32000xf32, #tpu.memory_space<vmem>>, vector<16xf32>,
        %get3A_415 = vector.shape_cast %get3A_414 : vector<16xf32> to vector<16xf32>
        %add3A_416 = arith.addf %add3A_364, %get3A_415 : vector<16xf32>
        %add3A_417 = arith.constant 16 : i32
        %add3A_418 = arith.addi %mul3A_410, %add3A_417 : i32
        %get3A_419 = arith.index_cast %add3A_418 : i32 to index
        %get3A_420 = tpu.vector_load %arg5[%get3A_419] {strides = array<i32>} : memref<32000xf32, #tpu.memory_space<vmem>>, vector<16xf32>,
        %get3A_421 = vector.shape_cast %get3A_420 : vector<16xf32> to vector<16xf32>
        %add3A_422 = arith.addf %add3A_370, %get3A_421 : vector<16xf32>
        %add3A_423 = arith.constant 32 : i32
        %add3A_424 = arith.addi %mul3A_410, %add3A_423 : i32
        %get3A_425 = arith.index_cast %add3A_424 : i32 to index
        %get3A_426 = tpu.vector_load %arg5[%get3A_425] {strides = array<i32>} : memref<32000xf32, #tpu.memory_space<vmem>>, vector<16xf32>,
        %get3A_427 = vector.shape_cast %get3A_426 : vector<16xf32> to vector<16xf32>
        %add3A_428 = arith.addf %add3A_376, %get3A_427 : vector<16xf32>
        %add3A_429 = arith.constant 48 : i32
        %add3A_430 = arith.addi %mul3A_410, %add3A_429 : i32
        %get3A_431 = arith.index_cast %add3A_430 : i32 to index
        %get3A_432 = tpu.vector_load %arg5[%get3A_431] {strides = array<i32>} : memref<32000xf32, #tpu.memory_space<vmem>>, vector<16xf32>,
        %get3A_433 = vector.shape_cast %get3A_432 : vector<16xf32> to vector<16xf32>
        %add3A_434 = arith.addf %add3A_382, %get3A_433 : vector<16xf32>
        %add3A_435 = arith.constant 64 : i32
        %add3A_436 = arith.addi %mul3A_410, %add3A_435 : i32
        %get3A_437 = arith.index_cast %add3A_436 : i32 to index
        %get3A_438 = tpu.vector_load %arg5[%get3A_437] {strides = array<i32>} : memref<32000xf32, #tpu.memory_space<vmem>>, vector<16xf32>,
        %get3A_439 = vector.shape_cast %get3A_438 : vector<16xf32> to vector<16xf32>
        %add3A_440 = arith.addf %add3A_388, %get3A_439 : vector<16xf32>
        %add3A_441 = arith.constant 80 : i32
        %add3A_442 = arith.addi %mul3A_410, %add3A_441 : i32
        %get3A_443 = arith.index_cast %add3A_442 : i32 to index
        %get3A_444 = tpu.vector_load %arg5[%get3A_443] {strides = array<i32>} : memref<32000xf32, #tpu.memory_space<vmem>>, vector<16xf32>,
        %get3A_445 = vector.shape_cast %get3A_444 : vector<16xf32> to vector<16xf32>
        %add3A_446 = arith.addf %add3A_394, %get3A_445 : vector<16xf32>
        %add3A_447 = arith.constant 96 : i32
        %add3A_448 = arith.addi %mul3A_410, %add3A_447 : i32
        %get3A_449 = arith.index_cast %add3A_448 : i32 to index
        %get3A_450 = tpu.vector_load %arg5[%get3A_449] {strides = array<i32>} : memref<32000xf32, #tpu.memory_space<vmem>>, vector<16xf32>,
        %get3A_451 = vector.shape_cast %get3A_450 : vector<16xf32> to vector<16xf32>
        %add3A_452 = arith.addf %add3A_400, %get3A_451 : vector<16xf32>
        %add3A_453 = arith.constant 112 : i32
        %add3A_454 = arith.addi %mul3A_410, %add3A_453 : i32
        %get3A_455 = arith.index_cast %add3A_454 : i32 to index
        %get3A_456 = tpu.vector_load %arg5[%get3A_455] {strides = array<i32>} : memref<32000xf32, #tpu.memory_space<vmem>>, vector<16xf32>,
        %get3A_457 = vector.shape_cast %get3A_456 : vector<16xf32> to vector<16xf32>
        %add3A_458 = arith.addf %add3A_406, %get3A_457 : vector<16xf32>
        scf.yield %add3A_416, %add3A_422, %add3A_428, %add3A_434, %add3A_440, %add3A_446, %add3A_452, %add3A_458 : vector<16xf32>, vector<16xf32>, vector<16xf32>, vector<16xf32>, vector<16xf32>, vector<16xf32>, vector<16xf32>, vector<16xf32>
      }
      %scan3A_217 = arith.constant 250 : i32
      %mul3A_218 = arith.constant 2000 : i32
      %mul3A_219 = arith.muli %add3A_4, %mul3A_218 : i32
      %add3A_220 = arith.constant 250000 : i32
      %add3A_221 = arith.addi %add3A_220, %mul3A_219 : i32
      %add3A_222 = arith.constant 750 : i32
      %add3A_223 = arith.addi %add3A_221, %add3A_222 : i32
      %mul3A_224 = arith.constant 128 : i32
      %mul3A_225 = arith.muli %add3A_223, %mul3A_224 : i32
      %dma_start3A_226 = tpu.memref_slice %arg2[%mul3A_225] : memref<64000000xf32, #tpu.memory_space<hbm>> -> memref<32000xf32, #tpu.memory_space<hbm>>
      %dma_start3A_227 = tpu.memref_slice %arg2[%mul3A_225] : memref<64000000xf32, #tpu.memory_space<hbm>> -> memref<32000xf32, #tpu.memory_space<hbm>>
      tpu.enqueue_dma source(%dma_start3A_227 : memref<32000xf32, #tpu.memory_space<hbm>>) target(%arg5 : memref<32000xf32, #tpu.memory_space<vmem>>) target_semaphore(%arg8 : memref<!tpu.dma_semaphore, #tpu.memory_space<semaphore_mem>>)
      %dma_wait3A_228 = tpu.memref_slice %arg2[%mul3A_207] : memref<64000000xf32, #tpu.memory_space<hbm>> -> memref<32000xf32, #tpu.memory_space<hbm>>
      %dma_wait3A_229 = tpu.memref_slice %arg2[%mul3A_207] : memref<64000000xf32, #tpu.memory_space<hbm>> -> memref<32000xf32, #tpu.memory_space<hbm>>
      tpu.wait_dma2 semaphore(%arg7 : memref<!tpu.dma_semaphore, #tpu.memory_space<semaphore_mem>>) src(%dma_wait3A_229 : memref<32000xf32, #tpu.memory_space<hbm>>) dst(%arg4 : memref<32000xf32, #tpu.memory_space<vmem>>)
      %scan3A_230 = arith.constant 0 : i32
      %scan3A_231 = arith.constant 250 : i32
      %scan3A_232 = arith.addi %scan3A_230, %scan3A_231 : i32
      %scan3A_233 = arith.constant 2 : i32
      %scan3A_234:8 = scf.for %scan3A_349 = %scan3A_230 to %scan3A_232 step %scan3A_233 iter_args(%scan3A_350 = %scan3A_216#0, %scan3A_351 = %scan3A_216#1, %scan3A_352 = %scan3A_216#2, %scan3A_353 = %scan3A_216#3, %scan3A_354 = %scan3A_216#4, %scan3A_355 = %scan3A_216#5, %scan3A_356 = %scan3A_216#6, %scan3A_357 = %scan3A_216#7) -> (vector<16xf32>, vector<16xf32>, vector<16xf32>, vector<16xf32>, vector<16xf32>, vector<16xf32>, vector<16xf32>, vector<16xf32>)  : i32 {
        %mul3A_358 = arith.constant 128 : i32
        %mul3A_359 = arith.muli %scan3A_349, %mul3A_358 : i32
        %add3A_360 = arith.constant 0 : i32
        %add3A_361 = arith.addi %mul3A_359, %add3A_360 : i32
        %get3A = arith.index_cast %add3A_361 : i32 to index
        %get3A_362 = tpu.vector_load %arg4[%get3A] {strides = array<i32>} : memref<32000xf32, #tpu.memory_space<vmem>>, vector<16xf32>,
        %get3A_363 = vector.shape_cast %get3A_362 : vector<16xf32> to vector<16xf32>
        %add3A_364 = arith.addf %scan3A_350, %get3A_363 : vector<16xf32>
        %add3A_365 = arith.constant 16 : i32
        %add3A_366 = arith.addi %mul3A_359, %add3A_365 : i32
        %get3A_367 = arith.index_cast %add3A_366 : i32 to index
        %get3A_368 = tpu.vector_load %arg4[%get3A_367] {strides = array<i32>} : memref<32000xf32, #tpu.memory_space<vmem>>, vector<16xf32>,
        %get3A_369 = vector.shape_cast %get3A_368 : vector<16xf32> to vector<16xf32>
        %add3A_370 = arith.addf %scan3A_351, %get3A_369 : vector<16xf32>
        %add3A_371 = arith.constant 32 : i32
        %add3A_372 = arith.addi %mul3A_359, %add3A_371 : i32
        %get3A_373 = arith.index_cast %add3A_372 : i32 to index
        %get3A_374 = tpu.vector_load %arg4[%get3A_373] {strides = array<i32>} : memref<32000xf32, #tpu.memory_space<vmem>>, vector<16xf32>,
        %get3A_375 = vector.shape_cast %get3A_374 : vector<16xf32> to vector<16xf32>
        %add3A_376 = arith.addf %scan3A_352, %get3A_375 : vector<16xf32>
        %add3A_377 = arith.constant 48 : i32
        %add3A_378 = arith.addi %mul3A_359, %add3A_377 : i32
        %get3A_379 = arith.index_cast %add3A_378 : i32 to index
        %get3A_380 = tpu.vector_load %arg4[%get3A_379] {strides = array<i32>} : memref<32000xf32, #tpu.memory_space<vmem>>, vector<16xf32>,
        %get3A_381 = vector.shape_cast %get3A_380 : vector<16xf32> to vector<16xf32>
        %add3A_382 = arith.addf %scan3A_353, %get3A_381 : vector<16xf32>
        %add3A_383 = arith.constant 64 : i32
        %add3A_384 = arith.addi %mul3A_359, %add3A_383 : i32
        %get3A_385 = arith.index_cast %add3A_384 : i32 to index
        %get3A_386 = tpu.vector_load %arg4[%get3A_385] {strides = array<i32>} : memref<32000xf32, #tpu.memory_space<vmem>>, vector<16xf32>,
        %get3A_387 = vector.shape_cast %get3A_386 : vector<16xf32> to vector<16xf32>
        %add3A_388 = arith.addf %scan3A_354, %get3A_387 : vector<16xf32>
        %add3A_389 = arith.constant 80 : i32
        %add3A_390 = arith.addi %mul3A_359, %add3A_389 : i32
        %get3A_391 = arith.index_cast %add3A_390 : i32 to index
        %get3A_392 = tpu.vector_load %arg4[%get3A_391] {strides = array<i32>} : memref<32000xf32, #tpu.memory_space<vmem>>, vector<16xf32>,
        %get3A_393 = vector.shape_cast %get3A_392 : vector<16xf32> to vector<16xf32>
        %add3A_394 = arith.addf %scan3A_355, %get3A_393 : vector<16xf32>
        %add3A_395 = arith.constant 96 : i32
        %add3A_396 = arith.addi %mul3A_359, %add3A_395 : i32
        %get3A_397 = arith.index_cast %add3A_396 : i32 to index
        %get3A_398 = tpu.vector_load %arg4[%get3A_397] {strides = array<i32>} : memref<32000xf32, #tpu.memory_space<vmem>>, vector<16xf32>,
        %get3A_399 = vector.shape_cast %get3A_398 : vector<16xf32> to vector<16xf32>
        %add3A_400 = arith.addf %scan3A_356, %get3A_399 : vector<16xf32>
        %add3A_401 = arith.constant 112 : i32
        %add3A_402 = arith.addi %mul3A_359, %add3A_401 : i32
        %get3A_403 = arith.index_cast %add3A_402 : i32 to index
        %get3A_404 = tpu.vector_load %arg4[%get3A_403] {strides = array<i32>} : memref<32000xf32, #tpu.memory_space<vmem>>, vector<16xf32>,
        %get3A_405 = vector.shape_cast %get3A_404 : vector<16xf32> to vector<16xf32>
        %add3A_406 = arith.addf %scan3A_357, %get3A_405 : vector<16xf32>
        %scan3A_407 = arith.constant 1 : i32
        %scan3A_408 = arith.addi %scan3A_349, %scan3A_407 : i32
        %mul3A_409 = arith.constant 128 : i32
        %mul3A_410 = arith.muli %scan3A_408, %mul3A_409 : i32
        %add3A_411 = arith.constant 0 : i32
        %add3A_412 = arith.addi %mul3A_410, %add3A_411 : i32
        %get3A_413 = arith.index_cast %add3A_412 : i32 to index
        %get3A_414 = tpu.vector_load %arg4[%get3A_413] {strides = array<i32>} : memref<32000xf32, #tpu.memory_space<vmem>>, vector<16xf32>,
        %get3A_415 = vector.shape_cast %get3A_414 : vector<16xf32> to vector<16xf32>
        %add3A_416 = arith.addf %add3A_364, %get3A_415 : vector<16xf32>
        %add3A_417 = arith.constant 16 : i32
        %add3A_418 = arith.addi %mul3A_410, %add3A_417 : i32
        %get3A_419 = arith.index_cast %add3A_418 : i32 to index
        %get3A_420 = tpu.vector_load %arg4[%get3A_419] {strides = array<i32>} : memref<32000xf32, #tpu.memory_space<vmem>>, vector<16xf32>,
        %get3A_421 = vector.shape_cast %get3A_420 : vector<16xf32> to vector<16xf32>
        %add3A_422 = arith.addf %add3A_370, %get3A_421 : vector<16xf32>
        %add3A_423 = arith.constant 32 : i32
        %add3A_424 = arith.addi %mul3A_410, %add3A_423 : i32
        %get3A_425 = arith.index_cast %add3A_424 : i32 to index
        %get3A_426 = tpu.vector_load %arg4[%get3A_425] {strides = array<i32>} : memref<32000xf32, #tpu.memory_space<vmem>>, vector<16xf32>,
        %get3A_427 = vector.shape_cast %get3A_426 : vector<16xf32> to vector<16xf32>
        %add3A_428 = arith.addf %add3A_376, %get3A_427 : vector<16xf32>
        %add3A_429 = arith.constant 48 : i32
        %add3A_430 = arith.addi %mul3A_410, %add3A_429 : i32
        %get3A_431 = arith.index_cast %add3A_430 : i32 to index
        %get3A_432 = tpu.vector_load %arg4[%get3A_431] {strides = array<i32>} : memref<32000xf32, #tpu.memory_space<vmem>>, vector<16xf32>,
        %get3A_433 = vector.shape_cast %get3A_432 : vector<16xf32> to vector<16xf32>
        %add3A_434 = arith.addf %add3A_382, %get3A_433 : vector<16xf32>
        %add3A_435 = arith.constant 64 : i32
        %add3A_436 = arith.addi %mul3A_410, %add3A_435 : i32
        %get3A_437 = arith.index_cast %add3A_436 : i32 to index
        %get3A_438 = tpu.vector_load %arg4[%get3A_437] {strides = array<i32>} : memref<32000xf32, #tpu.memory_space<vmem>>, vector<16xf32>,
        %get3A_439 = vector.shape_cast %get3A_438 : vector<16xf32> to vector<16xf32>
        %add3A_440 = arith.addf %add3A_388, %get3A_439 : vector<16xf32>
        %add3A_441 = arith.constant 80 : i32
        %add3A_442 = arith.addi %mul3A_410, %add3A_441 : i32
        %get3A_443 = arith.index_cast %add3A_442 : i32 to index
        %get3A_444 = tpu.vector_load %arg4[%get3A_443] {strides = array<i32>} : memref<32000xf32, #tpu.memory_space<vmem>>, vector<16xf32>,
        %get3A_445 = vector.shape_cast %get3A_444 : vector<16xf32> to vector<16xf32>
        %add3A_446 = arith.addf %add3A_394, %get3A_445 : vector<16xf32>
        %add3A_447 = arith.constant 96 : i32
        %add3A_448 = arith.addi %mul3A_410, %add3A_447 : i32
        %get3A_449 = arith.index_cast %add3A_448 : i32 to index
        %get3A_450 = tpu.vector_load %arg4[%get3A_449] {strides = array<i32>} : memref<32000xf32, #tpu.memory_space<vmem>>, vector<16xf32>,
        %get3A_451 = vector.shape_cast %get3A_450 : vector<16xf32> to vector<16xf32>
        %add3A_452 = arith.addf %add3A_400, %get3A_451 : vector<16xf32>
        %add3A_453 = arith.constant 112 : i32
        %add3A_454 = arith.addi %mul3A_410, %add3A_453 : i32
        %get3A_455 = arith.index_cast %add3A_454 : i32 to index
        %get3A_456 = tpu.vector_load %arg4[%get3A_455] {strides = array<i32>} : memref<32000xf32, #tpu.memory_space<vmem>>, vector<16xf32>,
        %get3A_457 = vector.shape_cast %get3A_456 : vector<16xf32> to vector<16xf32>
        %add3A_458 = arith.addf %add3A_406, %get3A_457 : vector<16xf32>
        scf.yield %add3A_416, %add3A_422, %add3A_428, %add3A_434, %add3A_440, %add3A_446, %add3A_452, %add3A_458 : vector<16xf32>, vector<16xf32>, vector<16xf32>, vector<16xf32>, vector<16xf32>, vector<16xf32>, vector<16xf32>, vector<16xf32>
      }
      %scan3A_235 = arith.constant 250 : i32
      %mul3A_236 = arith.constant 2000 : i32
      %mul3A_237 = arith.muli %add3A_4, %mul3A_236 : i32
      %add3A_238 = arith.constant 250000 : i32
      %add3A_239 = arith.addi %add3A_238, %mul3A_237 : i32
      %add3A_240 = arith.constant 1000 : i32
      %add3A_241 = arith.addi %add3A_239, %add3A_240 : i32
      %mul3A_242 = arith.constant 128 : i32
      %mul3A_243 = arith.muli %add3A_241, %mul3A_242 : i32
      %dma_start3A_244 = tpu.memref_slice %arg2[%mul3A_243] : memref<64000000xf32, #tpu.memory_space<hbm>> -> memref<32000xf32, #tpu.memory_space<hbm>>
      %dma_start3A_245 = tpu.memref_slice %arg2[%mul3A_243] : memref<64000000xf32, #tpu.memory_space<hbm>> -> memref<32000xf32, #tpu.memory_space<hbm>>
      tpu.enqueue_dma source(%dma_start3A_245 : memref<32000xf32, #tpu.memory_space<hbm>>) target(%arg4 : memref<32000xf32, #tpu.memory_space<vmem>>) target_semaphore(%arg7 : memref<!tpu.dma_semaphore, #tpu.memory_space<semaphore_mem>>)
      %dma_wait3A_246 = tpu.memref_slice %arg2[%mul3A_225] : memref<64000000xf32, #tpu.memory_space<hbm>> -> memref<32000xf32, #tpu.memory_space<hbm>>
      %dma_wait3A_247 = tpu.memref_slice %arg2[%mul3A_225] : memref<64000000xf32, #tpu.memory_space<hbm>> -> memref<32000xf32, #tpu.memory_space<hbm>>
      tpu.wait_dma2 semaphore(%arg8 : memref<!tpu.dma_semaphore, #tpu.memory_space<semaphore_mem>>) src(%dma_wait3A_247 : memref<32000xf32, #tpu.memory_space<hbm>>) dst(%arg5 : memref<32000xf32, #tpu.memory_space<vmem>>)
      %scan3A_248 = arith.constant 0 : i32
      %scan3A_249 = arith.constant 250 : i32
      %scan3A_250 = arith.addi %scan3A_248, %scan3A_249 : i32
      %scan3A_251 = arith.constant 2 : i32
      %scan3A_252:8 = scf.for %scan3A_349 = %scan3A_248 to %scan3A_250 step %scan3A_251 iter_args(%scan3A_350 = %scan3A_234#0, %scan3A_351 = %scan3A_234#1, %scan3A_352 = %scan3A_234#2, %scan3A_353 = %scan3A_234#3, %scan3A_354 = %scan3A_234#4, %scan3A_355 = %scan3A_234#5, %scan3A_356 = %scan3A_234#6, %scan3A_357 = %scan3A_234#7) -> (vector<16xf32>, vector<16xf32>, vector<16xf32>, vector<16xf32>, vector<16xf32>, vector<16xf32>, vector<16xf32>, vector<16xf32>)  : i32 {
        %mul3A_358 = arith.constant 128 : i32
        %mul3A_359 = arith.muli %scan3A_349, %mul3A_358 : i32
        %add3A_360 = arith.constant 0 : i32
        %add3A_361 = arith.addi %mul3A_359, %add3A_360 : i32
        %get3A = arith.index_cast %add3A_361 : i32 to index
        %get3A_362 = tpu.vector_load %arg5[%get3A] {strides = array<i32>} : memref<32000xf32, #tpu.memory_space<vmem>>, vector<16xf32>,
        %get3A_363 = vector.shape_cast %get3A_362 : vector<16xf32> to vector<16xf32>
        %add3A_364 = arith.addf %scan3A_350, %get3A_363 : vector<16xf32>
        %add3A_365 = arith.constant 16 : i32
        %add3A_366 = arith.addi %mul3A_359, %add3A_365 : i32
        %get3A_367 = arith.index_cast %add3A_366 : i32 to index
        %get3A_368 = tpu.vector_load %arg5[%get3A_367] {strides = array<i32>} : memref<32000xf32, #tpu.memory_space<vmem>>, vector<16xf32>,
        %get3A_369 = vector.shape_cast %get3A_368 : vector<16xf32> to vector<16xf32>
        %add3A_370 = arith.addf %scan3A_351, %get3A_369 : vector<16xf32>
        %add3A_371 = arith.constant 32 : i32
        %add3A_372 = arith.addi %mul3A_359, %add3A_371 : i32
        %get3A_373 = arith.index_cast %add3A_372 : i32 to index
        %get3A_374 = tpu.vector_load %arg5[%get3A_373] {strides = array<i32>} : memref<32000xf32, #tpu.memory_space<vmem>>, vector<16xf32>,
        %get3A_375 = vector.shape_cast %get3A_374 : vector<16xf32> to vector<16xf32>
        %add3A_376 = arith.addf %scan3A_352, %get3A_375 : vector<16xf32>
        %add3A_377 = arith.constant 48 : i32
        %add3A_378 = arith.addi %mul3A_359, %add3A_377 : i32
        %get3A_379 = arith.index_cast %add3A_378 : i32 to index
        %get3A_380 = tpu.vector_load %arg5[%get3A_379] {strides = array<i32>} : memref<32000xf32, #tpu.memory_space<vmem>>, vector<16xf32>,
        %get3A_381 = vector.shape_cast %get3A_380 : vector<16xf32> to vector<16xf32>
        %add3A_382 = arith.addf %scan3A_353, %get3A_381 : vector<16xf32>
        %add3A_383 = arith.constant 64 : i32
        %add3A_384 = arith.addi %mul3A_359, %add3A_383 : i32
        %get3A_385 = arith.index_cast %add3A_384 : i32 to index
        %get3A_386 = tpu.vector_load %arg5[%get3A_385] {strides = array<i32>} : memref<32000xf32, #tpu.memory_space<vmem>>, vector<16xf32>,
        %get3A_387 = vector.shape_cast %get3A_386 : vector<16xf32> to vector<16xf32>
        %add3A_388 = arith.addf %scan3A_354, %get3A_387 : vector<16xf32>
        %add3A_389 = arith.constant 80 : i32
        %add3A_390 = arith.addi %mul3A_359, %add3A_389 : i32
        %get3A_391 = arith.index_cast %add3A_390 : i32 to index
        %get3A_392 = tpu.vector_load %arg5[%get3A_391] {strides = array<i32>} : memref<32000xf32, #tpu.memory_space<vmem>>, vector<16xf32>,
        %get3A_393 = vector.shape_cast %get3A_392 : vector<16xf32> to vector<16xf32>
        %add3A_394 = arith.addf %scan3A_355, %get3A_393 : vector<16xf32>
        %add3A_395 = arith.constant 96 : i32
        %add3A_396 = arith.addi %mul3A_359, %add3A_395 : i32
        %get3A_397 = arith.index_cast %add3A_396 : i32 to index
        %get3A_398 = tpu.vector_load %arg5[%get3A_397] {strides = array<i32>} : memref<32000xf32, #tpu.memory_space<vmem>>, vector<16xf32>,
        %get3A_399 = vector.shape_cast %get3A_398 : vector<16xf32> to vector<16xf32>
        %add3A_400 = arith.addf %scan3A_356, %get3A_399 : vector<16xf32>
        %add3A_401 = arith.constant 112 : i32
        %add3A_402 = arith.addi %mul3A_359, %add3A_401 : i32
        %get3A_403 = arith.index_cast %add3A_402 : i32 to index
        %get3A_404 = tpu.vector_load %arg5[%get3A_403] {strides = array<i32>} : memref<32000xf32, #tpu.memory_space<vmem>>, vector<16xf32>,
        %get3A_405 = vector.shape_cast %get3A_404 : vector<16xf32> to vector<16xf32>
        %add3A_406 = arith.addf %scan3A_357, %get3A_405 : vector<16xf32>
        %scan3A_407 = arith.constant 1 : i32
        %scan3A_408 = arith.addi %scan3A_349, %scan3A_407 : i32
        %mul3A_409 = arith.constant 128 : i32
        %mul3A_410 = arith.muli %scan3A_408, %mul3A_409 : i32
        %add3A_411 = arith.constant 0 : i32
        %add3A_412 = arith.addi %mul3A_410, %add3A_411 : i32
        %get3A_413 = arith.index_cast %add3A_412 : i32 to index
        %get3A_414 = tpu.vector_load %arg5[%get3A_413] {strides = array<i32>} : memref<32000xf32, #tpu.memory_space<vmem>>, vector<16xf32>,
        %get3A_415 = vector.shape_cast %get3A_414 : vector<16xf32> to vector<16xf32>
        %add3A_416 = arith.addf %add3A_364, %get3A_415 : vector<16xf32>
        %add3A_417 = arith.constant 16 : i32
        %add3A_418 = arith.addi %mul3A_410, %add3A_417 : i32
        %get3A_419 = arith.index_cast %add3A_418 : i32 to index
        %get3A_420 = tpu.vector_load %arg5[%get3A_419] {strides = array<i32>} : memref<32000xf32, #tpu.memory_space<vmem>>, vector<16xf32>,
        %get3A_421 = vector.shape_cast %get3A_420 : vector<16xf32> to vector<16xf32>
        %add3A_422 = arith.addf %add3A_370, %get3A_421 : vector<16xf32>
        %add3A_423 = arith.constant 32 : i32
        %add3A_424 = arith.addi %mul3A_410, %add3A_423 : i32
        %get3A_425 = arith.index_cast %add3A_424 : i32 to index
        %get3A_426 = tpu.vector_load %arg5[%get3A_425] {strides = array<i32>} : memref<32000xf32, #tpu.memory_space<vmem>>, vector<16xf32>,
        %get3A_427 = vector.shape_cast %get3A_426 : vector<16xf32> to vector<16xf32>
        %add3A_428 = arith.addf %add3A_376, %get3A_427 : vector<16xf32>
        %add3A_429 = arith.constant 48 : i32
        %add3A_430 = arith.addi %mul3A_410, %add3A_429 : i32
        %get3A_431 = arith.index_cast %add3A_430 : i32 to index
        %get3A_432 = tpu.vector_load %arg5[%get3A_431] {strides = array<i32>} : memref<32000xf32, #tpu.memory_space<vmem>>, vector<16xf32>,
        %get3A_433 = vector.shape_cast %get3A_432 : vector<16xf32> to vector<16xf32>
        %add3A_434 = arith.addf %add3A_382, %get3A_433 : vector<16xf32>
        %add3A_435 = arith.constant 64 : i32
        %add3A_436 = arith.addi %mul3A_410, %add3A_435 : i32
        %get3A_437 = arith.index_cast %add3A_436 : i32 to index
        %get3A_438 = tpu.vector_load %arg5[%get3A_437] {strides = array<i32>} : memref<32000xf32, #tpu.memory_space<vmem>>, vector<16xf32>,
        %get3A_439 = vector.shape_cast %get3A_438 : vector<16xf32> to vector<16xf32>
        %add3A_440 = arith.addf %add3A_388, %get3A_439 : vector<16xf32>
        %add3A_441 = arith.constant 80 : i32
        %add3A_442 = arith.addi %mul3A_410, %add3A_441 : i32
        %get3A_443 = arith.index_cast %add3A_442 : i32 to index
        %get3A_444 = tpu.vector_load %arg5[%get3A_443] {strides = array<i32>} : memref<32000xf32, #tpu.memory_space<vmem>>, vector<16xf32>,
        %get3A_445 = vector.shape_cast %get3A_444 : vector<16xf32> to vector<16xf32>
        %add3A_446 = arith.addf %add3A_394, %get3A_445 : vector<16xf32>
        %add3A_447 = arith.constant 96 : i32
        %add3A_448 = arith.addi %mul3A_410, %add3A_447 : i32
        %get3A_449 = arith.index_cast %add3A_448 : i32 to index
        %get3A_450 = tpu.vector_load %arg5[%get3A_449] {strides = array<i32>} : memref<32000xf32, #tpu.memory_space<vmem>>, vector<16xf32>,
        %get3A_451 = vector.shape_cast %get3A_450 : vector<16xf32> to vector<16xf32>
        %add3A_452 = arith.addf %add3A_400, %get3A_451 : vector<16xf32>
        %add3A_453 = arith.constant 112 : i32
        %add3A_454 = arith.addi %mul3A_410, %add3A_453 : i32
        %get3A_455 = arith.index_cast %add3A_454 : i32 to index
        %get3A_456 = tpu.vector_load %arg5[%get3A_455] {strides = array<i32>} : memref<32000xf32, #tpu.memory_space<vmem>>, vector<16xf32>,
        %get3A_457 = vector.shape_cast %get3A_456 : vector<16xf32> to vector<16xf32>
        %add3A_458 = arith.addf %add3A_406, %get3A_457 : vector<16xf32>
        scf.yield %add3A_416, %add3A_422, %add3A_428, %add3A_434, %add3A_440, %add3A_446, %add3A_452, %add3A_458 : vector<16xf32>, vector<16xf32>, vector<16xf32>, vector<16xf32>, vector<16xf32>, vector<16xf32>, vector<16xf32>, vector<16xf32>
      }
      %scan3A_253 = arith.constant 250 : i32
      %mul3A_254 = arith.constant 2000 : i32
      %mul3A_255 = arith.muli %add3A_4, %mul3A_254 : i32
      %add3A_256 = arith.constant 250000 : i32
      %add3A_257 = arith.addi %add3A_256, %mul3A_255 : i32
      %add3A_258 = arith.constant 1250 : i32
      %add3A_259 = arith.addi %add3A_257, %add3A_258 : i32
      %mul3A_260 = arith.constant 128 : i32
      %mul3A_261 = arith.muli %add3A_259, %mul3A_260 : i32
      %dma_start3A_262 = tpu.memref_slice %arg2[%mul3A_261] : memref<64000000xf32, #tpu.memory_space<hbm>> -> memref<32000xf32, #tpu.memory_space<hbm>>
      %dma_start3A_263 = tpu.memref_slice %arg2[%mul3A_261] : memref<64000000xf32, #tpu.memory_space<hbm>> -> memref<32000xf32, #tpu.memory_space<hbm>>
      tpu.enqueue_dma source(%dma_start3A_263 : memref<32000xf32, #tpu.memory_space<hbm>>) target(%arg5 : memref<32000xf32, #tpu.memory_space<vmem>>) target_semaphore(%arg8 : memref<!tpu.dma_semaphore, #tpu.memory_space<semaphore_mem>>)
      %dma_wait3A_264 = tpu.memref_slice %arg2[%mul3A_243] : memref<64000000xf32, #tpu.memory_space<hbm>> -> memref<32000xf32, #tpu.memory_space<hbm>>
      %dma_wait3A_265 = tpu.memref_slice %arg2[%mul3A_243] : memref<64000000xf32, #tpu.memory_space<hbm>> -> memref<32000xf32, #tpu.memory_space<hbm>>
      tpu.wait_dma2 semaphore(%arg7 : memref<!tpu.dma_semaphore, #tpu.memory_space<semaphore_mem>>) src(%dma_wait3A_265 : memref<32000xf32, #tpu.memory_space<hbm>>) dst(%arg4 : memref<32000xf32, #tpu.memory_space<vmem>>)
      %scan3A_266 = arith.constant 0 : i32
      %scan3A_267 = arith.constant 250 : i32
      %scan3A_268 = arith.addi %scan3A_266, %scan3A_267 : i32
      %scan3A_269 = arith.constant 2 : i32
      %scan3A_270:8 = scf.for %scan3A_349 = %scan3A_266 to %scan3A_268 step %scan3A_269 iter_args(%scan3A_350 = %scan3A_252#0, %scan3A_351 = %scan3A_252#1, %scan3A_352 = %scan3A_252#2, %scan3A_353 = %scan3A_252#3, %scan3A_354 = %scan3A_252#4, %scan3A_355 = %scan3A_252#5, %scan3A_356 = %scan3A_252#6, %scan3A_357 = %scan3A_252#7) -> (vector<16xf32>, vector<16xf32>, vector<16xf32>, vector<16xf32>, vector<16xf32>, vector<16xf32>, vector<16xf32>, vector<16xf32>)  : i32 {
        %mul3A_358 = arith.constant 128 : i32
        %mul3A_359 = arith.muli %scan3A_349, %mul3A_358 : i32
        %add3A_360 = arith.constant 0 : i32
        %add3A_361 = arith.addi %mul3A_359, %add3A_360 : i32
        %get3A = arith.index_cast %add3A_361 : i32 to index
        %get3A_362 = tpu.vector_load %arg4[%get3A] {strides = array<i32>} : memref<32000xf32, #tpu.memory_space<vmem>>, vector<16xf32>,
        %get3A_363 = vector.shape_cast %get3A_362 : vector<16xf32> to vector<16xf32>
        %add3A_364 = arith.addf %scan3A_350, %get3A_363 : vector<16xf32>
        %add3A_365 = arith.constant 16 : i32
        %add3A_366 = arith.addi %mul3A_359, %add3A_365 : i32
        %get3A_367 = arith.index_cast %add3A_366 : i32 to index
        %get3A_368 = tpu.vector_load %arg4[%get3A_367] {strides = array<i32>} : memref<32000xf32, #tpu.memory_space<vmem>>, vector<16xf32>,
        %get3A_369 = vector.shape_cast %get3A_368 : vector<16xf32> to vector<16xf32>
        %add3A_370 = arith.addf %scan3A_351, %get3A_369 : vector<16xf32>
        %add3A_371 = arith.constant 32 : i32
        %add3A_372 = arith.addi %mul3A_359, %add3A_371 : i32
        %get3A_373 = arith.index_cast %add3A_372 : i32 to index
        %get3A_374 = tpu.vector_load %arg4[%get3A_373] {strides = array<i32>} : memref<32000xf32, #tpu.memory_space<vmem>>, vector<16xf32>,
        %get3A_375 = vector.shape_cast %get3A_374 : vector<16xf32> to vector<16xf32>
        %add3A_376 = arith.addf %scan3A_352, %get3A_375 : vector<16xf32>
        %add3A_377 = arith.constant 48 : i32
        %add3A_378 = arith.addi %mul3A_359, %add3A_377 : i32
        %get3A_379 = arith.index_cast %add3A_378 : i32 to index
        %get3A_380 = tpu.vector_load %arg4[%get3A_379] {strides = array<i32>} : memref<32000xf32, #tpu.memory_space<vmem>>, vector<16xf32>,
        %get3A_381 = vector.shape_cast %get3A_380 : vector<16xf32> to vector<16xf32>
        %add3A_382 = arith.addf %scan3A_353, %get3A_381 : vector<16xf32>
        %add3A_383 = arith.constant 64 : i32
        %add3A_384 = arith.addi %mul3A_359, %add3A_383 : i32
        %get3A_385 = arith.index_cast %add3A_384 : i32 to index
        %get3A_386 = tpu.vector_load %arg4[%get3A_385] {strides = array<i32>} : memref<32000xf32, #tpu.memory_space<vmem>>, vector<16xf32>,
        %get3A_387 = vector.shape_cast %get3A_386 : vector<16xf32> to vector<16xf32>
        %add3A_388 = arith.addf %scan3A_354, %get3A_387 : vector<16xf32>
        %add3A_389 = arith.constant 80 : i32
        %add3A_390 = arith.addi %mul3A_359, %add3A_389 : i32
        %get3A_391 = arith.index_cast %add3A_390 : i32 to index
        %get3A_392 = tpu.vector_load %arg4[%get3A_391] {strides = array<i32>} : memref<32000xf32, #tpu.memory_space<vmem>>, vector<16xf32>,
        %get3A_393 = vector.shape_cast %get3A_392 : vector<16xf32> to vector<16xf32>
        %add3A_394 = arith.addf %scan3A_355, %get3A_393 : vector<16xf32>
        %add3A_395 = arith.constant 96 : i32
        %add3A_396 = arith.addi %mul3A_359, %add3A_395 : i32
        %get3A_397 = arith.index_cast %add3A_396 : i32 to index
        %get3A_398 = tpu.vector_load %arg4[%get3A_397] {strides = array<i32>} : memref<32000xf32, #tpu.memory_space<vmem>>, vector<16xf32>,
        %get3A_399 = vector.shape_cast %get3A_398 : vector<16xf32> to vector<16xf32>
        %add3A_400 = arith.addf %scan3A_356, %get3A_399 : vector<16xf32>
        %add3A_401 = arith.constant 112 : i32
        %add3A_402 = arith.addi %mul3A_359, %add3A_401 : i32
        %get3A_403 = arith.index_cast %add3A_402 : i32 to index
        %get3A_404 = tpu.vector_load %arg4[%get3A_403] {strides = array<i32>} : memref<32000xf32, #tpu.memory_space<vmem>>, vector<16xf32>,
        %get3A_405 = vector.shape_cast %get3A_404 : vector<16xf32> to vector<16xf32>
        %add3A_406 = arith.addf %scan3A_357, %get3A_405 : vector<16xf32>
        %scan3A_407 = arith.constant 1 : i32
        %scan3A_408 = arith.addi %scan3A_349, %scan3A_407 : i32
        %mul3A_409 = arith.constant 128 : i32
        %mul3A_410 = arith.muli %scan3A_408, %mul3A_409 : i32
        %add3A_411 = arith.constant 0 : i32
        %add3A_412 = arith.addi %mul3A_410, %add3A_411 : i32
        %get3A_413 = arith.index_cast %add3A_412 : i32 to index
        %get3A_414 = tpu.vector_load %arg4[%get3A_413] {strides = array<i32>} : memref<32000xf32, #tpu.memory_space<vmem>>, vector<16xf32>,
        %get3A_415 = vector.shape_cast %get3A_414 : vector<16xf32> to vector<16xf32>
        %add3A_416 = arith.addf %add3A_364, %get3A_415 : vector<16xf32>
        %add3A_417 = arith.constant 16 : i32
        %add3A_418 = arith.addi %mul3A_410, %add3A_417 : i32
        %get3A_419 = arith.index_cast %add3A_418 : i32 to index
        %get3A_420 = tpu.vector_load %arg4[%get3A_419] {strides = array<i32>} : memref<32000xf32, #tpu.memory_space<vmem>>, vector<16xf32>,
        %get3A_421 = vector.shape_cast %get3A_420 : vector<16xf32> to vector<16xf32>
        %add3A_422 = arith.addf %add3A_370, %get3A_421 : vector<16xf32>
        %add3A_423 = arith.constant 32 : i32
        %add3A_424 = arith.addi %mul3A_410, %add3A_423 : i32
        %get3A_425 = arith.index_cast %add3A_424 : i32 to index
        %get3A_426 = tpu.vector_load %arg4[%get3A_425] {strides = array<i32>} : memref<32000xf32, #tpu.memory_space<vmem>>, vector<16xf32>,
        %get3A_427 = vector.shape_cast %get3A_426 : vector<16xf32> to vector<16xf32>
        %add3A_428 = arith.addf %add3A_376, %get3A_427 : vector<16xf32>
        %add3A_429 = arith.constant 48 : i32
        %add3A_430 = arith.addi %mul3A_410, %add3A_429 : i32
        %get3A_431 = arith.index_cast %add3A_430 : i32 to index
        %get3A_432 = tpu.vector_load %arg4[%get3A_431] {strides = array<i32>} : memref<32000xf32, #tpu.memory_space<vmem>>, vector<16xf32>,
        %get3A_433 = vector.shape_cast %get3A_432 : vector<16xf32> to vector<16xf32>
        %add3A_434 = arith.addf %add3A_382, %get3A_433 : vector<16xf32>
        %add3A_435 = arith.constant 64 : i32
        %add3A_436 = arith.addi %mul3A_410, %add3A_435 : i32
        %get3A_437 = arith.index_cast %add3A_436 : i32 to index
        %get3A_438 = tpu.vector_load %arg4[%get3A_437] {strides = array<i32>} : memref<32000xf32, #tpu.memory_space<vmem>>, vector<16xf32>,
        %get3A_439 = vector.shape_cast %get3A_438 : vector<16xf32> to vector<16xf32>
        %add3A_440 = arith.addf %add3A_388, %get3A_439 : vector<16xf32>
        %add3A_441 = arith.constant 80 : i32
        %add3A_442 = arith.addi %mul3A_410, %add3A_441 : i32
        %get3A_443 = arith.index_cast %add3A_442 : i32 to index
        %get3A_444 = tpu.vector_load %arg4[%get3A_443] {strides = array<i32>} : memref<32000xf32, #tpu.memory_space<vmem>>, vector<16xf32>,
        %get3A_445 = vector.shape_cast %get3A_444 : vector<16xf32> to vector<16xf32>
        %add3A_446 = arith.addf %add3A_394, %get3A_445 : vector<16xf32>
        %add3A_447 = arith.constant 96 : i32
        %add3A_448 = arith.addi %mul3A_410, %add3A_447 : i32
        %get3A_449 = arith.index_cast %add3A_448 : i32 to index
        %get3A_450 = tpu.vector_load %arg4[%get3A_449] {strides = array<i32>} : memref<32000xf32, #tpu.memory_space<vmem>>, vector<16xf32>,
        %get3A_451 = vector.shape_cast %get3A_450 : vector<16xf32> to vector<16xf32>
        %add3A_452 = arith.addf %add3A_400, %get3A_451 : vector<16xf32>
        %add3A_453 = arith.constant 112 : i32
        %add3A_454 = arith.addi %mul3A_410, %add3A_453 : i32
        %get3A_455 = arith.index_cast %add3A_454 : i32 to index
        %get3A_456 = tpu.vector_load %arg4[%get3A_455] {strides = array<i32>} : memref<32000xf32, #tpu.memory_space<vmem>>, vector<16xf32>,
        %get3A_457 = vector.shape_cast %get3A_456 : vector<16xf32> to vector<16xf32>
        %add3A_458 = arith.addf %add3A_406, %get3A_457 : vector<16xf32>
        scf.yield %add3A_416, %add3A_422, %add3A_428, %add3A_434, %add3A_440, %add3A_446, %add3A_452, %add3A_458 : vector<16xf32>, vector<16xf32>, vector<16xf32>, vector<16xf32>, vector<16xf32>, vector<16xf32>, vector<16xf32>, vector<16xf32>
      }
      %scan3A_271 = arith.constant 250 : i32
      %mul3A_272 = arith.constant 2000 : i32
      %mul3A_273 = arith.muli %add3A_4, %mul3A_272 : i32
      %add3A_274 = arith.constant 250000 : i32
      %add3A_275 = arith.addi %add3A_274, %mul3A_273 : i32
      %add3A_276 = arith.constant 1500 : i32
      %add3A_277 = arith.addi %add3A_275, %add3A_276 : i32
      %mul3A_278 = arith.constant 128 : i32
      %mul3A_279 = arith.muli %add3A_277, %mul3A_278 : i32
      %dma_start3A_280 = tpu.memref_slice %arg2[%mul3A_279] : memref<64000000xf32, #tpu.memory_space<hbm>> -> memref<32000xf32, #tpu.memory_space<hbm>>
      %dma_start3A_281 = tpu.memref_slice %arg2[%mul3A_279] : memref<64000000xf32, #tpu.memory_space<hbm>> -> memref<32000xf32, #tpu.memory_space<hbm>>
      tpu.enqueue_dma source(%dma_start3A_281 : memref<32000xf32, #tpu.memory_space<hbm>>) target(%arg4 : memref<32000xf32, #tpu.memory_space<vmem>>) target_semaphore(%arg7 : memref<!tpu.dma_semaphore, #tpu.memory_space<semaphore_mem>>)
      %dma_wait3A_282 = tpu.memref_slice %arg2[%mul3A_261] : memref<64000000xf32, #tpu.memory_space<hbm>> -> memref<32000xf32, #tpu.memory_space<hbm>>
      %dma_wait3A_283 = tpu.memref_slice %arg2[%mul3A_261] : memref<64000000xf32, #tpu.memory_space<hbm>> -> memref<32000xf32, #tpu.memory_space<hbm>>
      tpu.wait_dma2 semaphore(%arg8 : memref<!tpu.dma_semaphore, #tpu.memory_space<semaphore_mem>>) src(%dma_wait3A_283 : memref<32000xf32, #tpu.memory_space<hbm>>) dst(%arg5 : memref<32000xf32, #tpu.memory_space<vmem>>)
      %scan3A_284 = arith.constant 0 : i32
      %scan3A_285 = arith.constant 250 : i32
      %scan3A_286 = arith.addi %scan3A_284, %scan3A_285 : i32
      %scan3A_287 = arith.constant 2 : i32
      %scan3A_288:8 = scf.for %scan3A_349 = %scan3A_284 to %scan3A_286 step %scan3A_287 iter_args(%scan3A_350 = %scan3A_270#0, %scan3A_351 = %scan3A_270#1, %scan3A_352 = %scan3A_270#2, %scan3A_353 = %scan3A_270#3, %scan3A_354 = %scan3A_270#4, %scan3A_355 = %scan3A_270#5, %scan3A_356 = %scan3A_270#6, %scan3A_357 = %scan3A_270#7) -> (vector<16xf32>, vector<16xf32>, vector<16xf32>, vector<16xf32>, vector<16xf32>, vector<16xf32>, vector<16xf32>, vector<16xf32>)  : i32 {
        %mul3A_358 = arith.constant 128 : i32
        %mul3A_359 = arith.muli %scan3A_349, %mul3A_358 : i32
        %add3A_360 = arith.constant 0 : i32
        %add3A_361 = arith.addi %mul3A_359, %add3A_360 : i32
        %get3A = arith.index_cast %add3A_361 : i32 to index
        %get3A_362 = tpu.vector_load %arg5[%get3A] {strides = array<i32>} : memref<32000xf32, #tpu.memory_space<vmem>>, vector<16xf32>,
        %get3A_363 = vector.shape_cast %get3A_362 : vector<16xf32> to vector<16xf32>
        %add3A_364 = arith.addf %scan3A_350, %get3A_363 : vector<16xf32>
        %add3A_365 = arith.constant 16 : i32
        %add3A_366 = arith.addi %mul3A_359, %add3A_365 : i32
        %get3A_367 = arith.index_cast %add3A_366 : i32 to index
        %get3A_368 = tpu.vector_load %arg5[%get3A_367] {strides = array<i32>} : memref<32000xf32, #tpu.memory_space<vmem>>, vector<16xf32>,
        %get3A_369 = vector.shape_cast %get3A_368 : vector<16xf32> to vector<16xf32>
        %add3A_370 = arith.addf %scan3A_351, %get3A_369 : vector<16xf32>
        %add3A_371 = arith.constant 32 : i32
        %add3A_372 = arith.addi %mul3A_359, %add3A_371 : i32
        %get3A_373 = arith.index_cast %add3A_372 : i32 to index
        %get3A_374 = tpu.vector_load %arg5[%get3A_373] {strides = array<i32>} : memref<32000xf32, #tpu.memory_space<vmem>>, vector<16xf32>,
        %get3A_375 = vector.shape_cast %get3A_374 : vector<16xf32> to vector<16xf32>
        %add3A_376 = arith.addf %scan3A_352, %get3A_375 : vector<16xf32>
        %add3A_377 = arith.constant 48 : i32
        %add3A_378 = arith.addi %mul3A_359, %add3A_377 : i32
        %get3A_379 = arith.index_cast %add3A_378 : i32 to index
        %get3A_380 = tpu.vector_load %arg5[%get3A_379] {strides = array<i32>} : memref<32000xf32, #tpu.memory_space<vmem>>, vector<16xf32>,
        %get3A_381 = vector.shape_cast %get3A_380 : vector<16xf32> to vector<16xf32>
        %add3A_382 = arith.addf %scan3A_353, %get3A_381 : vector<16xf32>
        %add3A_383 = arith.constant 64 : i32
        %add3A_384 = arith.addi %mul3A_359, %add3A_383 : i32
        %get3A_385 = arith.index_cast %add3A_384 : i32 to index
        %get3A_386 = tpu.vector_load %arg5[%get3A_385] {strides = array<i32>} : memref<32000xf32, #tpu.memory_space<vmem>>, vector<16xf32>,
        %get3A_387 = vector.shape_cast %get3A_386 : vector<16xf32> to vector<16xf32>
        %add3A_388 = arith.addf %scan3A_354, %get3A_387 : vector<16xf32>
        %add3A_389 = arith.constant 80 : i32
        %add3A_390 = arith.addi %mul3A_359, %add3A_389 : i32
        %get3A_391 = arith.index_cast %add3A_390 : i32 to index
        %get3A_392 = tpu.vector_load %arg5[%get3A_391] {strides = array<i32>} : memref<32000xf32, #tpu.memory_space<vmem>>, vector<16xf32>,
        %get3A_393 = vector.shape_cast %get3A_392 : vector<16xf32> to vector<16xf32>
        %add3A_394 = arith.addf %scan3A_355, %get3A_393 : vector<16xf32>
        %add3A_395 = arith.constant 96 : i32
        %add3A_396 = arith.addi %mul3A_359, %add3A_395 : i32
        %get3A_397 = arith.index_cast %add3A_396 : i32 to index
        %get3A_398 = tpu.vector_load %arg5[%get3A_397] {strides = array<i32>} : memref<32000xf32, #tpu.memory_space<vmem>>, vector<16xf32>,
        %get3A_399 = vector.shape_cast %get3A_398 : vector<16xf32> to vector<16xf32>
        %add3A_400 = arith.addf %scan3A_356, %get3A_399 : vector<16xf32>
        %add3A_401 = arith.constant 112 : i32
        %add3A_402 = arith.addi %mul3A_359, %add3A_401 : i32
        %get3A_403 = arith.index_cast %add3A_402 : i32 to index
        %get3A_404 = tpu.vector_load %arg5[%get3A_403] {strides = array<i32>} : memref<32000xf32, #tpu.memory_space<vmem>>, vector<16xf32>,
        %get3A_405 = vector.shape_cast %get3A_404 : vector<16xf32> to vector<16xf32>
        %add3A_406 = arith.addf %scan3A_357, %get3A_405 : vector<16xf32>
        %scan3A_407 = arith.constant 1 : i32
        %scan3A_408 = arith.addi %scan3A_349, %scan3A_407 : i32
        %mul3A_409 = arith.constant 128 : i32
        %mul3A_410 = arith.muli %scan3A_408, %mul3A_409 : i32
        %add3A_411 = arith.constant 0 : i32
        %add3A_412 = arith.addi %mul3A_410, %add3A_411 : i32
        %get3A_413 = arith.index_cast %add3A_412 : i32 to index
        %get3A_414 = tpu.vector_load %arg5[%get3A_413] {strides = array<i32>} : memref<32000xf32, #tpu.memory_space<vmem>>, vector<16xf32>,
        %get3A_415 = vector.shape_cast %get3A_414 : vector<16xf32> to vector<16xf32>
        %add3A_416 = arith.addf %add3A_364, %get3A_415 : vector<16xf32>
        %add3A_417 = arith.constant 16 : i32
        %add3A_418 = arith.addi %mul3A_410, %add3A_417 : i32
        %get3A_419 = arith.index_cast %add3A_418 : i32 to index
        %get3A_420 = tpu.vector_load %arg5[%get3A_419] {strides = array<i32>} : memref<32000xf32, #tpu.memory_space<vmem>>, vector<16xf32>,
        %get3A_421 = vector.shape_cast %get3A_420 : vector<16xf32> to vector<16xf32>
        %add3A_422 = arith.addf %add3A_370, %get3A_421 : vector<16xf32>
        %add3A_423 = arith.constant 32 : i32
        %add3A_424 = arith.addi %mul3A_410, %add3A_423 : i32
        %get3A_425 = arith.index_cast %add3A_424 : i32 to index
        %get3A_426 = tpu.vector_load %arg5[%get3A_425] {strides = array<i32>} : memref<32000xf32, #tpu.memory_space<vmem>>, vector<16xf32>,
        %get3A_427 = vector.shape_cast %get3A_426 : vector<16xf32> to vector<16xf32>
        %add3A_428 = arith.addf %add3A_376, %get3A_427 : vector<16xf32>
        %add3A_429 = arith.constant 48 : i32
        %add3A_430 = arith.addi %mul3A_410, %add3A_429 : i32
        %get3A_431 = arith.index_cast %add3A_430 : i32 to index
        %get3A_432 = tpu.vector_load %arg5[%get3A_431] {strides = array<i32>} : memref<32000xf32, #tpu.memory_space<vmem>>, vector<16xf32>,
        %get3A_433 = vector.shape_cast %get3A_432 : vector<16xf32> to vector<16xf32>
        %add3A_434 = arith.addf %add3A_382, %get3A_433 : vector<16xf32>
        %add3A_435 = arith.constant 64 : i32
        %add3A_436 = arith.addi %mul3A_410, %add3A_435 : i32
        %get3A_437 = arith.index_cast %add3A_436 : i32 to index
        %get3A_438 = tpu.vector_load %arg5[%get3A_437] {strides = array<i32>} : memref<32000xf32, #tpu.memory_space<vmem>>, vector<16xf32>,
        %get3A_439 = vector.shape_cast %get3A_438 : vector<16xf32> to vector<16xf32>
        %add3A_440 = arith.addf %add3A_388, %get3A_439 : vector<16xf32>
        %add3A_441 = arith.constant 80 : i32
        %add3A_442 = arith.addi %mul3A_410, %add3A_441 : i32
        %get3A_443 = arith.index_cast %add3A_442 : i32 to index
        %get3A_444 = tpu.vector_load %arg5[%get3A_443] {strides = array<i32>} : memref<32000xf32, #tpu.memory_space<vmem>>, vector<16xf32>,
        %get3A_445 = vector.shape_cast %get3A_444 : vector<16xf32> to vector<16xf32>
        %add3A_446 = arith.addf %add3A_394, %get3A_445 : vector<16xf32>
        %add3A_447 = arith.constant 96 : i32
        %add3A_448 = arith.addi %mul3A_410, %add3A_447 : i32
        %get3A_449 = arith.index_cast %add3A_448 : i32 to index
        %get3A_450 = tpu.vector_load %arg5[%get3A_449] {strides = array<i32>} : memref<32000xf32, #tpu.memory_space<vmem>>, vector<16xf32>,
        %get3A_451 = vector.shape_cast %get3A_450 : vector<16xf32> to vector<16xf32>
        %add3A_452 = arith.addf %add3A_400, %get3A_451 : vector<16xf32>
        %add3A_453 = arith.constant 112 : i32
        %add3A_454 = arith.addi %mul3A_410, %add3A_453 : i32
        %get3A_455 = arith.index_cast %add3A_454 : i32 to index
        %get3A_456 = tpu.vector_load %arg5[%get3A_455] {strides = array<i32>} : memref<32000xf32, #tpu.memory_space<vmem>>, vector<16xf32>,
        %get3A_457 = vector.shape_cast %get3A_456 : vector<16xf32> to vector<16xf32>
        %add3A_458 = arith.addf %add3A_406, %get3A_457 : vector<16xf32>
        scf.yield %add3A_416, %add3A_422, %add3A_428, %add3A_434, %add3A_440, %add3A_446, %add3A_452, %add3A_458 : vector<16xf32>, vector<16xf32>, vector<16xf32>, vector<16xf32>, vector<16xf32>, vector<16xf32>, vector<16xf32>, vector<16xf32>
      }
      %scan3A_289 = arith.constant 250 : i32
      %mul3A_290 = arith.constant 2000 : i32
      %mul3A_291 = arith.muli %add3A_4, %mul3A_290 : i32
      %add3A_292 = arith.constant 250000 : i32
      %add3A_293 = arith.addi %add3A_292, %mul3A_291 : i32
      %add3A_294 = arith.constant 1750 : i32
      %add3A_295 = arith.addi %add3A_293, %add3A_294 : i32
      %mul3A_296 = arith.constant 128 : i32
      %mul3A_297 = arith.muli %add3A_295, %mul3A_296 : i32
      %dma_start3A_298 = tpu.memref_slice %arg2[%mul3A_297] : memref<64000000xf32, #tpu.memory_space<hbm>> -> memref<32000xf32, #tpu.memory_space<hbm>>
      %dma_start3A_299 = tpu.memref_slice %arg2[%mul3A_297] : memref<64000000xf32, #tpu.memory_space<hbm>> -> memref<32000xf32, #tpu.memory_space<hbm>>
      tpu.enqueue_dma source(%dma_start3A_299 : memref<32000xf32, #tpu.memory_space<hbm>>) target(%arg5 : memref<32000xf32, #tpu.memory_space<vmem>>) target_semaphore(%arg8 : memref<!tpu.dma_semaphore, #tpu.memory_space<semaphore_mem>>)
      %dma_wait3A_300 = tpu.memref_slice %arg2[%mul3A_279] : memref<64000000xf32, #tpu.memory_space<hbm>> -> memref<32000xf32, #tpu.memory_space<hbm>>
      %dma_wait3A_301 = tpu.memref_slice %arg2[%mul3A_279] : memref<64000000xf32, #tpu.memory_space<hbm>> -> memref<32000xf32, #tpu.memory_space<hbm>>
      tpu.wait_dma2 semaphore(%arg7 : memref<!tpu.dma_semaphore, #tpu.memory_space<semaphore_mem>>) src(%dma_wait3A_301 : memref<32000xf32, #tpu.memory_space<hbm>>) dst(%arg4 : memref<32000xf32, #tpu.memory_space<vmem>>)
      %scan3A_302 = arith.constant 0 : i32
      %scan3A_303 = arith.constant 250 : i32
      %scan3A_304 = arith.addi %scan3A_302, %scan3A_303 : i32
      %scan3A_305 = arith.constant 2 : i32
      %scan3A_306:8 = scf.for %scan3A_349 = %scan3A_302 to %scan3A_304 step %scan3A_305 iter_args(%scan3A_350 = %scan3A_288#0, %scan3A_351 = %scan3A_288#1, %scan3A_352 = %scan3A_288#2, %scan3A_353 = %scan3A_288#3, %scan3A_354 = %scan3A_288#4, %scan3A_355 = %scan3A_288#5, %scan3A_356 = %scan3A_288#6, %scan3A_357 = %scan3A_288#7) -> (vector<16xf32>, vector<16xf32>, vector<16xf32>, vector<16xf32>, vector<16xf32>, vector<16xf32>, vector<16xf32>, vector<16xf32>)  : i32 {
        %mul3A_358 = arith.constant 128 : i32
        %mul3A_359 = arith.muli %scan3A_349, %mul3A_358 : i32
        %add3A_360 = arith.constant 0 : i32
        %add3A_361 = arith.addi %mul3A_359, %add3A_360 : i32
        %get3A = arith.index_cast %add3A_361 : i32 to index
        %get3A_362 = tpu.vector_load %arg4[%get3A] {strides = array<i32>} : memref<32000xf32, #tpu.memory_space<vmem>>, vector<16xf32>,
        %get3A_363 = vector.shape_cast %get3A_362 : vector<16xf32> to vector<16xf32>
        %add3A_364 = arith.addf %scan3A_350, %get3A_363 : vector<16xf32>
        %add3A_365 = arith.constant 16 : i32
        %add3A_366 = arith.addi %mul3A_359, %add3A_365 : i32
        %get3A_367 = arith.index_cast %add3A_366 : i32 to index
        %get3A_368 = tpu.vector_load %arg4[%get3A_367] {strides = array<i32>} : memref<32000xf32, #tpu.memory_space<vmem>>, vector<16xf32>,
        %get3A_369 = vector.shape_cast %get3A_368 : vector<16xf32> to vector<16xf32>
        %add3A_370 = arith.addf %scan3A_351, %get3A_369 : vector<16xf32>
        %add3A_371 = arith.constant 32 : i32
        %add3A_372 = arith.addi %mul3A_359, %add3A_371 : i32
        %get3A_373 = arith.index_cast %add3A_372 : i32 to index
        %get3A_374 = tpu.vector_load %arg4[%get3A_373] {strides = array<i32>} : memref<32000xf32, #tpu.memory_space<vmem>>, vector<16xf32>,
        %get3A_375 = vector.shape_cast %get3A_374 : vector<16xf32> to vector<16xf32>
        %add3A_376 = arith.addf %scan3A_352, %get3A_375 : vector<16xf32>
        %add3A_377 = arith.constant 48 : i32
        %add3A_378 = arith.addi %mul3A_359, %add3A_377 : i32
        %get3A_379 = arith.index_cast %add3A_378 : i32 to index
        %get3A_380 = tpu.vector_load %arg4[%get3A_379] {strides = array<i32>} : memref<32000xf32, #tpu.memory_space<vmem>>, vector<16xf32>,
        %get3A_381 = vector.shape_cast %get3A_380 : vector<16xf32> to vector<16xf32>
        %add3A_382 = arith.addf %scan3A_353, %get3A_381 : vector<16xf32>
        %add3A_383 = arith.constant 64 : i32
        %add3A_384 = arith.addi %mul3A_359, %add3A_383 : i32
        %get3A_385 = arith.index_cast %add3A_384 : i32 to index
        %get3A_386 = tpu.vector_load %arg4[%get3A_385] {strides = array<i32>} : memref<32000xf32, #tpu.memory_space<vmem>>, vector<16xf32>,
        %get3A_387 = vector.shape_cast %get3A_386 : vector<16xf32> to vector<16xf32>
        %add3A_388 = arith.addf %scan3A_354, %get3A_387 : vector<16xf32>
        %add3A_389 = arith.constant 80 : i32
        %add3A_390 = arith.addi %mul3A_359, %add3A_389 : i32
        %get3A_391 = arith.index_cast %add3A_390 : i32 to index
        %get3A_392 = tpu.vector_load %arg4[%get3A_391] {strides = array<i32>} : memref<32000xf32, #tpu.memory_space<vmem>>, vector<16xf32>,
        %get3A_393 = vector.shape_cast %get3A_392 : vector<16xf32> to vector<16xf32>
        %add3A_394 = arith.addf %scan3A_355, %get3A_393 : vector<16xf32>
        %add3A_395 = arith.constant 96 : i32
        %add3A_396 = arith.addi %mul3A_359, %add3A_395 : i32
        %get3A_397 = arith.index_cast %add3A_396 : i32 to index
        %get3A_398 = tpu.vector_load %arg4[%get3A_397] {strides = array<i32>} : memref<32000xf32, #tpu.memory_space<vmem>>, vector<16xf32>,
        %get3A_399 = vector.shape_cast %get3A_398 : vector<16xf32> to vector<16xf32>
        %add3A_400 = arith.addf %scan3A_356, %get3A_399 : vector<16xf32>
        %add3A_401 = arith.constant 112 : i32
        %add3A_402 = arith.addi %mul3A_359, %add3A_401 : i32
        %get3A_403 = arith.index_cast %add3A_402 : i32 to index
        %get3A_404 = tpu.vector_load %arg4[%get3A_403] {strides = array<i32>} : memref<32000xf32, #tpu.memory_space<vmem>>, vector<16xf32>,
        %get3A_405 = vector.shape_cast %get3A_404 : vector<16xf32> to vector<16xf32>
        %add3A_406 = arith.addf %scan3A_357, %get3A_405 : vector<16xf32>
        %scan3A_407 = arith.constant 1 : i32
        %scan3A_408 = arith.addi %scan3A_349, %scan3A_407 : i32
        %mul3A_409 = arith.constant 128 : i32
        %mul3A_410 = arith.muli %scan3A_408, %mul3A_409 : i32
        %add3A_411 = arith.constant 0 : i32
        %add3A_412 = arith.addi %mul3A_410, %add3A_411 : i32
        %get3A_413 = arith.index_cast %add3A_412 : i32 to index
        %get3A_414 = tpu.vector_load %arg4[%get3A_413] {strides = array<i32>} : memref<32000xf32, #tpu.memory_space<vmem>>, vector<16xf32>,
        %get3A_415 = vector.shape_cast %get3A_414 : vector<16xf32> to vector<16xf32>
        %add3A_416 = arith.addf %add3A_364, %get3A_415 : vector<16xf32>
        %add3A_417 = arith.constant 16 : i32
        %add3A_418 = arith.addi %mul3A_410, %add3A_417 : i32
        %get3A_419 = arith.index_cast %add3A_418 : i32 to index
        %get3A_420 = tpu.vector_load %arg4[%get3A_419] {strides = array<i32>} : memref<32000xf32, #tpu.memory_space<vmem>>, vector<16xf32>,
        %get3A_421 = vector.shape_cast %get3A_420 : vector<16xf32> to vector<16xf32>
        %add3A_422 = arith.addf %add3A_370, %get3A_421 : vector<16xf32>
        %add3A_423 = arith.constant 32 : i32
        %add3A_424 = arith.addi %mul3A_410, %add3A_423 : i32
        %get3A_425 = arith.index_cast %add3A_424 : i32 to index
        %get3A_426 = tpu.vector_load %arg4[%get3A_425] {strides = array<i32>} : memref<32000xf32, #tpu.memory_space<vmem>>, vector<16xf32>,
        %get3A_427 = vector.shape_cast %get3A_426 : vector<16xf32> to vector<16xf32>
        %add3A_428 = arith.addf %add3A_376, %get3A_427 : vector<16xf32>
        %add3A_429 = arith.constant 48 : i32
        %add3A_430 = arith.addi %mul3A_410, %add3A_429 : i32
        %get3A_431 = arith.index_cast %add3A_430 : i32 to index
        %get3A_432 = tpu.vector_load %arg4[%get3A_431] {strides = array<i32>} : memref<32000xf32, #tpu.memory_space<vmem>>, vector<16xf32>,
        %get3A_433 = vector.shape_cast %get3A_432 : vector<16xf32> to vector<16xf32>
        %add3A_434 = arith.addf %add3A_382, %get3A_433 : vector<16xf32>
        %add3A_435 = arith.constant 64 : i32
        %add3A_436 = arith.addi %mul3A_410, %add3A_435 : i32
        %get3A_437 = arith.index_cast %add3A_436 : i32 to index
        %get3A_438 = tpu.vector_load %arg4[%get3A_437] {strides = array<i32>} : memref<32000xf32, #tpu.memory_space<vmem>>, vector<16xf32>,
        %get3A_439 = vector.shape_cast %get3A_438 : vector<16xf32> to vector<16xf32>
        %add3A_440 = arith.addf %add3A_388, %get3A_439 : vector<16xf32>
        %add3A_441 = arith.constant 80 : i32
        %add3A_442 = arith.addi %mul3A_410, %add3A_441 : i32
        %get3A_443 = arith.index_cast %add3A_442 : i32 to index
        %get3A_444 = tpu.vector_load %arg4[%get3A_443] {strides = array<i32>} : memref<32000xf32, #tpu.memory_space<vmem>>, vector<16xf32>,
        %get3A_445 = vector.shape_cast %get3A_444 : vector<16xf32> to vector<16xf32>
        %add3A_446 = arith.addf %add3A_394, %get3A_445 : vector<16xf32>
        %add3A_447 = arith.constant 96 : i32
        %add3A_448 = arith.addi %mul3A_410, %add3A_447 : i32
        %get3A_449 = arith.index_cast %add3A_448 : i32 to index
        %get3A_450 = tpu.vector_load %arg4[%get3A_449] {strides = array<i32>} : memref<32000xf32, #tpu.memory_space<vmem>>, vector<16xf32>,
        %get3A_451 = vector.shape_cast %get3A_450 : vector<16xf32> to vector<16xf32>
        %add3A_452 = arith.addf %add3A_400, %get3A_451 : vector<16xf32>
        %add3A_453 = arith.constant 112 : i32
        %add3A_454 = arith.addi %mul3A_410, %add3A_453 : i32
        %get3A_455 = arith.index_cast %add3A_454 : i32 to index
        %get3A_456 = tpu.vector_load %arg4[%get3A_455] {strides = array<i32>} : memref<32000xf32, #tpu.memory_space<vmem>>, vector<16xf32>,
        %get3A_457 = vector.shape_cast %get3A_456 : vector<16xf32> to vector<16xf32>
        %add3A_458 = arith.addf %add3A_406, %get3A_457 : vector<16xf32>
        scf.yield %add3A_416, %add3A_422, %add3A_428, %add3A_434, %add3A_440, %add3A_446, %add3A_452, %add3A_458 : vector<16xf32>, vector<16xf32>, vector<16xf32>, vector<16xf32>, vector<16xf32>, vector<16xf32>, vector<16xf32>, vector<16xf32>
      }
      %scan3A_307 = arith.constant 250 : i32
      %dma_wait3A_308 = tpu.memref_slice %arg2[%mul3A_297] : memref<64000000xf32, #tpu.memory_space<hbm>> -> memref<32000xf32, #tpu.memory_space<hbm>>
      %dma_wait3A_309 = tpu.memref_slice %arg2[%mul3A_297] : memref<64000000xf32, #tpu.memory_space<hbm>> -> memref<32000xf32, #tpu.memory_space<hbm>>
      tpu.wait_dma2 semaphore(%arg8 : memref<!tpu.dma_semaphore, #tpu.memory_space<semaphore_mem>>) src(%dma_wait3A_309 : memref<32000xf32, #tpu.memory_space<hbm>>) dst(%arg5 : memref<32000xf32, #tpu.memory_space<vmem>>)
      %scan3A_310 = arith.constant 0 : i32
      %scan3A_311 = arith.constant 250 : i32
      %scan3A_312 = arith.addi %scan3A_310, %scan3A_311 : i32
      %scan3A_313 = arith.constant 2 : i32
      %scan3A_314:8 = scf.for %scan3A_349 = %scan3A_310 to %scan3A_312 step %scan3A_313 iter_args(%scan3A_350 = %scan3A_306#0, %scan3A_351 = %scan3A_306#1, %scan3A_352 = %scan3A_306#2, %scan3A_353 = %scan3A_306#3, %scan3A_354 = %scan3A_306#4, %scan3A_355 = %scan3A_306#5, %scan3A_356 = %scan3A_306#6, %scan3A_357 = %scan3A_306#7) -> (vector<16xf32>, vector<16xf32>, vector<16xf32>, vector<16xf32>, vector<16xf32>, vector<16xf32>, vector<16xf32>, vector<16xf32>)  : i32 {
        %mul3A_358 = arith.constant 128 : i32
        %mul3A_359 = arith.muli %scan3A_349, %mul3A_358 : i32
        %add3A_360 = arith.constant 0 : i32
        %add3A_361 = arith.addi %mul3A_359, %add3A_360 : i32
        %get3A = arith.index_cast %add3A_361 : i32 to index
        %get3A_362 = tpu.vector_load %arg5[%get3A] {strides = array<i32>} : memref<32000xf32, #tpu.memory_space<vmem>>, vector<16xf32>,
        %get3A_363 = vector.shape_cast %get3A_362 : vector<16xf32> to vector<16xf32>
        %add3A_364 = arith.addf %scan3A_350, %get3A_363 : vector<16xf32>
        %add3A_365 = arith.constant 16 : i32
        %add3A_366 = arith.addi %mul3A_359, %add3A_365 : i32
        %get3A_367 = arith.index_cast %add3A_366 : i32 to index
        %get3A_368 = tpu.vector_load %arg5[%get3A_367] {strides = array<i32>} : memref<32000xf32, #tpu.memory_space<vmem>>, vector<16xf32>,
        %get3A_369 = vector.shape_cast %get3A_368 : vector<16xf32> to vector<16xf32>
        %add3A_370 = arith.addf %scan3A_351, %get3A_369 : vector<16xf32>
        %add3A_371 = arith.constant 32 : i32
        %add3A_372 = arith.addi %mul3A_359, %add3A_371 : i32
        %get3A_373 = arith.index_cast %add3A_372 : i32 to index
        %get3A_374 = tpu.vector_load %arg5[%get3A_373] {strides = array<i32>} : memref<32000xf32, #tpu.memory_space<vmem>>, vector<16xf32>,
        %get3A_375 = vector.shape_cast %get3A_374 : vector<16xf32> to vector<16xf32>
        %add3A_376 = arith.addf %scan3A_352, %get3A_375 : vector<16xf32>
        %add3A_377 = arith.constant 48 : i32
        %add3A_378 = arith.addi %mul3A_359, %add3A_377 : i32
        %get3A_379 = arith.index_cast %add3A_378 : i32 to index
        %get3A_380 = tpu.vector_load %arg5[%get3A_379] {strides = array<i32>} : memref<32000xf32, #tpu.memory_space<vmem>>, vector<16xf32>,
        %get3A_381 = vector.shape_cast %get3A_380 : vector<16xf32> to vector<16xf32>
        %add3A_382 = arith.addf %scan3A_353, %get3A_381 : vector<16xf32>
        %add3A_383 = arith.constant 64 : i32
        %add3A_384 = arith.addi %mul3A_359, %add3A_383 : i32
        %get3A_385 = arith.index_cast %add3A_384 : i32 to index
        %get3A_386 = tpu.vector_load %arg5[%get3A_385] {strides = array<i32>} : memref<32000xf32, #tpu.memory_space<vmem>>, vector<16xf32>,
        %get3A_387 = vector.shape_cast %get3A_386 : vector<16xf32> to vector<16xf32>
        %add3A_388 = arith.addf %scan3A_354, %get3A_387 : vector<16xf32>
        %add3A_389 = arith.constant 80 : i32
        %add3A_390 = arith.addi %mul3A_359, %add3A_389 : i32
        %get3A_391 = arith.index_cast %add3A_390 : i32 to index
        %get3A_392 = tpu.vector_load %arg5[%get3A_391] {strides = array<i32>} : memref<32000xf32, #tpu.memory_space<vmem>>, vector<16xf32>,
        %get3A_393 = vector.shape_cast %get3A_392 : vector<16xf32> to vector<16xf32>
        %add3A_394 = arith.addf %scan3A_355, %get3A_393 : vector<16xf32>
        %add3A_395 = arith.constant 96 : i32
        %add3A_396 = arith.addi %mul3A_359, %add3A_395 : i32
        %get3A_397 = arith.index_cast %add3A_396 : i32 to index
        %get3A_398 = tpu.vector_load %arg5[%get3A_397] {strides = array<i32>} : memref<32000xf32, #tpu.memory_space<vmem>>, vector<16xf32>,
        %get3A_399 = vector.shape_cast %get3A_398 : vector<16xf32> to vector<16xf32>
        %add3A_400 = arith.addf %scan3A_356, %get3A_399 : vector<16xf32>
        %add3A_401 = arith.constant 112 : i32
        %add3A_402 = arith.addi %mul3A_359, %add3A_401 : i32
        %get3A_403 = arith.index_cast %add3A_402 : i32 to index
        %get3A_404 = tpu.vector_load %arg5[%get3A_403] {strides = array<i32>} : memref<32000xf32, #tpu.memory_space<vmem>>, vector<16xf32>,
        %get3A_405 = vector.shape_cast %get3A_404 : vector<16xf32> to vector<16xf32>
        %add3A_406 = arith.addf %scan3A_357, %get3A_405 : vector<16xf32>
        %scan3A_407 = arith.constant 1 : i32
        %scan3A_408 = arith.addi %scan3A_349, %scan3A_407 : i32
        %mul3A_409 = arith.constant 128 : i32
        %mul3A_410 = arith.muli %scan3A_408, %mul3A_409 : i32
        %add3A_411 = arith.constant 0 : i32
        %add3A_412 = arith.addi %mul3A_410, %add3A_411 : i32
        %get3A_413 = arith.index_cast %add3A_412 : i32 to index
        %get3A_414 = tpu.vector_load %arg5[%get3A_413] {strides = array<i32>} : memref<32000xf32, #tpu.memory_space<vmem>>, vector<16xf32>,
        %get3A_415 = vector.shape_cast %get3A_414 : vector<16xf32> to vector<16xf32>
        %add3A_416 = arith.addf %add3A_364, %get3A_415 : vector<16xf32>
        %add3A_417 = arith.constant 16 : i32
        %add3A_418 = arith.addi %mul3A_410, %add3A_417 : i32
        %get3A_419 = arith.index_cast %add3A_418 : i32 to index
        %get3A_420 = tpu.vector_load %arg5[%get3A_419] {strides = array<i32>} : memref<32000xf32, #tpu.memory_space<vmem>>, vector<16xf32>,
        %get3A_421 = vector.shape_cast %get3A_420 : vector<16xf32> to vector<16xf32>
        %add3A_422 = arith.addf %add3A_370, %get3A_421 : vector<16xf32>
        %add3A_423 = arith.constant 32 : i32
        %add3A_424 = arith.addi %mul3A_410, %add3A_423 : i32
        %get3A_425 = arith.index_cast %add3A_424 : i32 to index
        %get3A_426 = tpu.vector_load %arg5[%get3A_425] {strides = array<i32>} : memref<32000xf32, #tpu.memory_space<vmem>>, vector<16xf32>,
        %get3A_427 = vector.shape_cast %get3A_426 : vector<16xf32> to vector<16xf32>
        %add3A_428 = arith.addf %add3A_376, %get3A_427 : vector<16xf32>
        %add3A_429 = arith.constant 48 : i32
        %add3A_430 = arith.addi %mul3A_410, %add3A_429 : i32
        %get3A_431 = arith.index_cast %add3A_430 : i32 to index
        %get3A_432 = tpu.vector_load %arg5[%get3A_431] {strides = array<i32>} : memref<32000xf32, #tpu.memory_space<vmem>>, vector<16xf32>,
        %get3A_433 = vector.shape_cast %get3A_432 : vector<16xf32> to vector<16xf32>
        %add3A_434 = arith.addf %add3A_382, %get3A_433 : vector<16xf32>
        %add3A_435 = arith.constant 64 : i32
        %add3A_436 = arith.addi %mul3A_410, %add3A_435 : i32
        %get3A_437 = arith.index_cast %add3A_436 : i32 to index
        %get3A_438 = tpu.vector_load %arg5[%get3A_437] {strides = array<i32>} : memref<32000xf32, #tpu.memory_space<vmem>>, vector<16xf32>,
        %get3A_439 = vector.shape_cast %get3A_438 : vector<16xf32> to vector<16xf32>
        %add3A_440 = arith.addf %add3A_388, %get3A_439 : vector<16xf32>
        %add3A_441 = arith.constant 80 : i32
        %add3A_442 = arith.addi %mul3A_410, %add3A_441 : i32
        %get3A_443 = arith.index_cast %add3A_442 : i32 to index
        %get3A_444 = tpu.vector_load %arg5[%get3A_443] {strides = array<i32>} : memref<32000xf32, #tpu.memory_space<vmem>>, vector<16xf32>,
        %get3A_445 = vector.shape_cast %get3A_444 : vector<16xf32> to vector<16xf32>
        %add3A_446 = arith.addf %add3A_394, %get3A_445 : vector<16xf32>
        %add3A_447 = arith.constant 96 : i32
        %add3A_448 = arith.addi %mul3A_410, %add3A_447 : i32
        %get3A_449 = arith.index_cast %add3A_448 : i32 to index
        %get3A_450 = tpu.vector_load %arg5[%get3A_449] {strides = array<i32>} : memref<32000xf32, #tpu.memory_space<vmem>>, vector<16xf32>,
        %get3A_451 = vector.shape_cast %get3A_450 : vector<16xf32> to vector<16xf32>
        %add3A_452 = arith.addf %add3A_400, %get3A_451 : vector<16xf32>
        %add3A_453 = arith.constant 112 : i32
        %add3A_454 = arith.addi %mul3A_410, %add3A_453 : i32
        %get3A_455 = arith.index_cast %add3A_454 : i32 to index
        %get3A_456 = tpu.vector_load %arg5[%get3A_455] {strides = array<i32>} : memref<32000xf32, #tpu.memory_space<vmem>>, vector<16xf32>,
        %get3A_457 = vector.shape_cast %get3A_456 : vector<16xf32> to vector<16xf32>
        %add3A_458 = arith.addf %add3A_406, %get3A_457 : vector<16xf32>
        scf.yield %add3A_416, %add3A_422, %add3A_428, %add3A_434, %add3A_440, %add3A_446, %add3A_452, %add3A_458 : vector<16xf32>, vector<16xf32>, vector<16xf32>, vector<16xf32>, vector<16xf32>, vector<16xf32>, vector<16xf32>, vector<16xf32>
      }
      %scan3A_315 = arith.constant 250 : i32
      %swap3A = arith.constant 0 : index
      %swap3A_316 = tpu.vector_load %arg6[%swap3A] {strides = array<i32>} : memref<128xf32, #tpu.memory_space<vmem>>, vector<16xf32>,
      %swap3A_317 = vector.shape_cast %swap3A_316 : vector<16xf32> to vector<16xf32>
      %swap3A_318 = vector.shape_cast %scan3A_314#0 : vector<16xf32> to vector<16xf32>
      tpu.vector_store %arg6[%swap3A], %swap3A_318 {strides = array<i32>} : memref<128xf32, #tpu.memory_space<vmem>>, vector<16xf32>,
      %swap3A_319 = arith.constant 16 : index
      %swap3A_320 = tpu.vector_load %arg6[%swap3A_319] {strides = array<i32>} : memref<128xf32, #tpu.memory_space<vmem>>, vector<16xf32>,
      %swap3A_321 = vector.shape_cast %swap3A_320 : vector<16xf32> to vector<16xf32>
      %swap3A_322 = vector.shape_cast %scan3A_314#1 : vector<16xf32> to vector<16xf32>
      tpu.vector_store %arg6[%swap3A_319], %swap3A_322 {strides = array<i32>} : memref<128xf32, #tpu.memory_space<vmem>>, vector<16xf32>,
      %swap3A_323 = arith.constant 32 : index
      %swap3A_324 = tpu.vector_load %arg6[%swap3A_323] {strides = array<i32>} : memref<128xf32, #tpu.memory_space<vmem>>, vector<16xf32>,
      %swap3A_325 = vector.shape_cast %swap3A_324 : vector<16xf32> to vector<16xf32>
      %swap3A_326 = vector.shape_cast %scan3A_314#2 : vector<16xf32> to vector<16xf32>
      tpu.vector_store %arg6[%swap3A_323], %swap3A_326 {strides = array<i32>} : memref<128xf32, #tpu.memory_space<vmem>>, vector<16xf32>,
      %swap3A_327 = arith.constant 48 : index
      %swap3A_328 = tpu.vector_load %arg6[%swap3A_327] {strides = array<i32>} : memref<128xf32, #tpu.memory_space<vmem>>, vector<16xf32>,
      %swap3A_329 = vector.shape_cast %swap3A_328 : vector<16xf32> to vector<16xf32>
      %swap3A_330 = vector.shape_cast %scan3A_314#3 : vector<16xf32> to vector<16xf32>
      tpu.vector_store %arg6[%swap3A_327], %swap3A_330 {strides = array<i32>} : memref<128xf32, #tpu.memory_space<vmem>>, vector<16xf32>,
      %swap3A_331 = arith.constant 64 : index
      %swap3A_332 = tpu.vector_load %arg6[%swap3A_331] {strides = array<i32>} : memref<128xf32, #tpu.memory_space<vmem>>, vector<16xf32>,
      %swap3A_333 = vector.shape_cast %swap3A_332 : vector<16xf32> to vector<16xf32>
      %swap3A_334 = vector.shape_cast %scan3A_314#4 : vector<16xf32> to vector<16xf32>
      tpu.vector_store %arg6[%swap3A_331], %swap3A_334 {strides = array<i32>} : memref<128xf32, #tpu.memory_space<vmem>>, vector<16xf32>,
      %swap3A_335 = arith.constant 80 : index
      %swap3A_336 = tpu.vector_load %arg6[%swap3A_335] {strides = array<i32>} : memref<128xf32, #tpu.memory_space<vmem>>, vector<16xf32>,
      %swap3A_337 = vector.shape_cast %swap3A_336 : vector<16xf32> to vector<16xf32>
      %swap3A_338 = vector.shape_cast %scan3A_314#5 : vector<16xf32> to vector<16xf32>
      tpu.vector_store %arg6[%swap3A_335], %swap3A_338 {strides = array<i32>} : memref<128xf32, #tpu.memory_space<vmem>>, vector<16xf32>,
      %swap3A_339 = arith.constant 96 : index
      %swap3A_340 = tpu.vector_load %arg6[%swap3A_339] {strides = array<i32>} : memref<128xf32, #tpu.memory_space<vmem>>, vector<16xf32>,
      %swap3A_341 = vector.shape_cast %swap3A_340 : vector<16xf32> to vector<16xf32>
      %swap3A_342 = vector.shape_cast %scan3A_314#6 : vector<16xf32> to vector<16xf32>
      tpu.vector_store %arg6[%swap3A_339], %swap3A_342 {strides = array<i32>} : memref<128xf32, #tpu.memory_space<vmem>>, vector<16xf32>,
      %swap3A_343 = arith.constant 112 : index
      %swap3A_344 = tpu.vector_load %arg6[%swap3A_343] {strides = array<i32>} : memref<128xf32, #tpu.memory_space<vmem>>, vector<16xf32>,
      %swap3A_345 = vector.shape_cast %swap3A_344 : vector<16xf32> to vector<16xf32>
      %swap3A_346 = vector.shape_cast %scan3A_314#7 : vector<16xf32> to vector<16xf32>
      tpu.vector_store %arg6[%swap3A_343], %swap3A_346 {strides = array<i32>} : memref<128xf32, #tpu.memory_space<vmem>>, vector<16xf32>,
      %mul3A_347 = arith.constant 128 : i32
      %mul3A_348 = arith.muli %add3A_4, %mul3A_347 : i32
      "tpu.region"() ({
        %run_scoped3A = tpu.sem_alloc : memref<!tpu.dma_semaphore, #tpu.memory_space<semaphore_mem>>
        %dma_start3A_349 = tpu.memref_slice %arg3[%mul3A_348] : memref<16000xf32, #tpu.memory_space<hbm>> -> memref<128xf32, #tpu.memory_space<hbm>>
        %dma_start3A_350 = tpu.memref_slice %arg3[%mul3A_348] : memref<16000xf32, #tpu.memory_space<hbm>> -> memref<128xf32, #tpu.memory_space<hbm>>
        tpu.enqueue_dma source(%arg6 : memref<128xf32, #tpu.memory_space<vmem>>) target(%dma_start3A_350 : memref<128xf32, #tpu.memory_space<hbm>>) target_semaphore(%run_scoped3A : memref<!tpu.dma_semaphore, #tpu.memory_space<semaphore_mem>>)
        %dma_wait3A_351 = tpu.memref_slice %arg3[%mul3A_348] : memref<16000xf32, #tpu.memory_space<hbm>> -> memref<128xf32, #tpu.memory_space<hbm>>
        %dma_wait3A_352 = tpu.memref_slice %arg3[%mul3A_348] : memref<16000xf32, #tpu.memory_space<hbm>> -> memref<128xf32, #tpu.memory_space<hbm>>
        tpu.wait_dma2 semaphore(%run_scoped3A : memref<!tpu.dma_semaphore, #tpu.memory_space<semaphore_mem>>) src(%arg6 : memref<128xf32, #tpu.memory_space<vmem>>) dst(%dma_wait3A_352 : memref<128xf32, #tpu.memory_space<hbm>>)
        tpu.yield
      }) : () -> ()
    } else {
    }
    %add3A_7 = arith.constant 61 : i32
    %add3A_8 = arith.addi %add3A_7, %add3A : i32
    %add3A_9 = arith.constant 32 : i32
    %add3A_10 = arith.addi %add3A_8, %add3A_9 : i32
    %lt3A_11 = arith.constant 125 : i32
    %lt3A_12 = arith.cmpi slt, %add3A_10, %lt3A_11 : i32
    %convert_element_type3A_13 = arith.extui %lt3A_12 : i1 to i32
    %cond3A_14 = arith.constant 0 : i32
    %cond3A_15 = arith.cmpi ne, %convert_element_type3A_13, %cond3A_14 : i32
    scf.if %cond3A_15 {
      %mul3A_16 = arith.constant 2000 : i32
      %mul3A_17 = arith.muli %add3A_10, %mul3A_16 : i32
      %add3A_18 = arith.constant 0 : i32
      %add3A_19 = arith.addi %add3A_18, %mul3A_17 : i32
      %add3A_20 = arith.constant 0 : i32
      %add3A_21 = arith.addi %add3A_19, %add3A_20 : i32
      %mul3A_22 = arith.constant 128 : i32
      %mul3A_23 = arith.muli %add3A_21, %mul3A_22 : i32
      %dma_start3A = tpu.memref_slice %arg2[%mul3A_23] : memref<64000000xf32, #tpu.memory_space<hbm>> -> memref<32000xf32, #tpu.memory_space<hbm>>
      %dma_start3A_24 = tpu.memref_slice %arg2[%mul3A_23] : memref<64000000xf32, #tpu.memory_space<hbm>> -> memref<32000xf32, #tpu.memory_space<hbm>>
      tpu.enqueue_dma source(%dma_start3A_24 : memref<32000xf32, #tpu.memory_space<hbm>>) target(%arg4 : memref<32000xf32, #tpu.memory_space<vmem>>) target_semaphore(%arg7 : memref<!tpu.dma_semaphore, #tpu.memory_space<semaphore_mem>>)
      %broadcast_in_dim3A = arith.constant 0.000000e+00 : f32
      %broadcast_in_dim3A_25 = vector.broadcast %broadcast_in_dim3A : f32 to vector<16xf32>
      %broadcast_in_dim3A_26 = arith.constant 0.000000e+00 : f32
      %broadcast_in_dim3A_27 = vector.broadcast %broadcast_in_dim3A_26 : f32 to vector<16xf32>
      %broadcast_in_dim3A_28 = arith.constant 0.000000e+00 : f32
      %broadcast_in_dim3A_29 = vector.broadcast %broadcast_in_dim3A_28 : f32 to vector<16xf32>
      %broadcast_in_dim3A_30 = arith.constant 0.000000e+00 : f32
      %broadcast_in_dim3A_31 = vector.broadcast %broadcast_in_dim3A_30 : f32 to vector<16xf32>
      %broadcast_in_dim3A_32 = arith.constant 0.000000e+00 : f32
      %broadcast_in_dim3A_33 = vector.broadcast %broadcast_in_dim3A_32 : f32 to vector<16xf32>
      %broadcast_in_dim3A_34 = arith.constant 0.000000e+00 : f32
      %broadcast_in_dim3A_35 = vector.broadcast %broadcast_in_dim3A_34 : f32 to vector<16xf32>
      %broadcast_in_dim3A_36 = arith.constant 0.000000e+00 : f32
      %broadcast_in_dim3A_37 = vector.broadcast %broadcast_in_dim3A_36 : f32 to vector<16xf32>
      %broadcast_in_dim3A_38 = arith.constant 0.000000e+00 : f32
      %broadcast_in_dim3A_39 = vector.broadcast %broadcast_in_dim3A_38 : f32 to vector<16xf32>
      %mul3A_40 = arith.constant 2000 : i32
      %mul3A_41 = arith.muli %add3A_10, %mul3A_40 : i32
      %add3A_42 = arith.constant 0 : i32
      %add3A_43 = arith.addi %add3A_42, %mul3A_41 : i32
      %add3A_44 = arith.constant 250 : i32
      %add3A_45 = arith.addi %add3A_43, %add3A_44 : i32
      %mul3A_46 = arith.constant 128 : i32
      %mul3A_47 = arith.muli %add3A_45, %mul3A_46 : i32
      %dma_start3A_48 = tpu.memref_slice %arg2[%mul3A_47] : memref<64000000xf32, #tpu.memory_space<hbm>> -> memref<32000xf32, #tpu.memory_space<hbm>>
      %dma_start3A_49 = tpu.memref_slice %arg2[%mul3A_47] : memref<64000000xf32, #tpu.memory_space<hbm>> -> memref<32000xf32, #tpu.memory_space<hbm>>
      tpu.enqueue_dma source(%dma_start3A_49 : memref<32000xf32, #tpu.memory_space<hbm>>) target(%arg5 : memref<32000xf32, #tpu.memory_space<vmem>>) target_semaphore(%arg8 : memref<!tpu.dma_semaphore, #tpu.memory_space<semaphore_mem>>)
      %dma_wait3A = tpu.memref_slice %arg2[%mul3A_23] : memref<64000000xf32, #tpu.memory_space<hbm>> -> memref<32000xf32, #tpu.memory_space<hbm>>
      %dma_wait3A_50 = tpu.memref_slice %arg2[%mul3A_23] : memref<64000000xf32, #tpu.memory_space<hbm>> -> memref<32000xf32, #tpu.memory_space<hbm>>
      tpu.wait_dma2 semaphore(%arg7 : memref<!tpu.dma_semaphore, #tpu.memory_space<semaphore_mem>>) src(%dma_wait3A_50 : memref<32000xf32, #tpu.memory_space<hbm>>) dst(%arg4 : memref<32000xf32, #tpu.memory_space<vmem>>)
      %scan3A = arith.constant 0 : i32
      %scan3A_51 = arith.constant 250 : i32
      %scan3A_52 = arith.addi %scan3A, %scan3A_51 : i32
      %scan3A_53 = arith.constant 2 : i32
      %scan3A_54:8 = scf.for %scan3A_349 = %scan3A to %scan3A_52 step %scan3A_53 iter_args(%scan3A_350 = %broadcast_in_dim3A_25, %scan3A_351 = %broadcast_in_dim3A_27, %scan3A_352 = %broadcast_in_dim3A_29, %scan3A_353 = %broadcast_in_dim3A_31, %scan3A_354 = %broadcast_in_dim3A_33, %scan3A_355 = %broadcast_in_dim3A_35, %scan3A_356 = %broadcast_in_dim3A_37, %scan3A_357 = %broadcast_in_dim3A_39) -> (vector<16xf32>, vector<16xf32>, vector<16xf32>, vector<16xf32>, vector<16xf32>, vector<16xf32>, vector<16xf32>, vector<16xf32>)  : i32 {
        %mul3A_358 = arith.constant 128 : i32
        %mul3A_359 = arith.muli %scan3A_349, %mul3A_358 : i32
        %add3A_360 = arith.constant 0 : i32
        %add3A_361 = arith.addi %mul3A_359, %add3A_360 : i32
        %get3A = arith.index_cast %add3A_361 : i32 to index
        %get3A_362 = tpu.vector_load %arg4[%get3A] {strides = array<i32>} : memref<32000xf32, #tpu.memory_space<vmem>>, vector<16xf32>,
        %get3A_363 = vector.shape_cast %get3A_362 : vector<16xf32> to vector<16xf32>
        %add3A_364 = arith.addf %scan3A_350, %get3A_363 : vector<16xf32>
        %add3A_365 = arith.constant 16 : i32
        %add3A_366 = arith.addi %mul3A_359, %add3A_365 : i32
        %get3A_367 = arith.index_cast %add3A_366 : i32 to index
        %get3A_368 = tpu.vector_load %arg4[%get3A_367] {strides = array<i32>} : memref<32000xf32, #tpu.memory_space<vmem>>, vector<16xf32>,
        %get3A_369 = vector.shape_cast %get3A_368 : vector<16xf32> to vector<16xf32>
        %add3A_370 = arith.addf %scan3A_351, %get3A_369 : vector<16xf32>
        %add3A_371 = arith.constant 32 : i32
        %add3A_372 = arith.addi %mul3A_359, %add3A_371 : i32
        %get3A_373 = arith.index_cast %add3A_372 : i32 to index
        %get3A_374 = tpu.vector_load %arg4[%get3A_373] {strides = array<i32>} : memref<32000xf32, #tpu.memory_space<vmem>>, vector<16xf32>,
        %get3A_375 = vector.shape_cast %get3A_374 : vector<16xf32> to vector<16xf32>
        %add3A_376 = arith.addf %scan3A_352, %get3A_375 : vector<16xf32>
        %add3A_377 = arith.constant 48 : i32
        %add3A_378 = arith.addi %mul3A_359, %add3A_377 : i32
        %get3A_379 = arith.index_cast %add3A_378 : i32 to index
        %get3A_380 = tpu.vector_load %arg4[%get3A_379] {strides = array<i32>} : memref<32000xf32, #tpu.memory_space<vmem>>, vector<16xf32>,
        %get3A_381 = vector.shape_cast %get3A_380 : vector<16xf32> to vector<16xf32>
        %add3A_382 = arith.addf %scan3A_353, %get3A_381 : vector<16xf32>
        %add3A_383 = arith.constant 64 : i32
        %add3A_384 = arith.addi %mul3A_359, %add3A_383 : i32
        %get3A_385 = arith.index_cast %add3A_384 : i32 to index
        %get3A_386 = tpu.vector_load %arg4[%get3A_385] {strides = array<i32>} : memref<32000xf32, #tpu.memory_space<vmem>>, vector<16xf32>,
        %get3A_387 = vector.shape_cast %get3A_386 : vector<16xf32> to vector<16xf32>
        %add3A_388 = arith.addf %scan3A_354, %get3A_387 : vector<16xf32>
        %add3A_389 = arith.constant 80 : i32
        %add3A_390 = arith.addi %mul3A_359, %add3A_389 : i32
        %get3A_391 = arith.index_cast %add3A_390 : i32 to index
        %get3A_392 = tpu.vector_load %arg4[%get3A_391] {strides = array<i32>} : memref<32000xf32, #tpu.memory_space<vmem>>, vector<16xf32>,
        %get3A_393 = vector.shape_cast %get3A_392 : vector<16xf32> to vector<16xf32>
        %add3A_394 = arith.addf %scan3A_355, %get3A_393 : vector<16xf32>
        %add3A_395 = arith.constant 96 : i32
        %add3A_396 = arith.addi %mul3A_359, %add3A_395 : i32
        %get3A_397 = arith.index_cast %add3A_396 : i32 to index
        %get3A_398 = tpu.vector_load %arg4[%get3A_397] {strides = array<i32>} : memref<32000xf32, #tpu.memory_space<vmem>>, vector<16xf32>,
        %get3A_399 = vector.shape_cast %get3A_398 : vector<16xf32> to vector<16xf32>
        %add3A_400 = arith.addf %scan3A_356, %get3A_399 : vector<16xf32>
        %add3A_401 = arith.constant 112 : i32
        %add3A_402 = arith.addi %mul3A_359, %add3A_401 : i32
        %get3A_403 = arith.index_cast %add3A_402 : i32 to index
        %get3A_404 = tpu.vector_load %arg4[%get3A_403] {strides = array<i32>} : memref<32000xf32, #tpu.memory_space<vmem>>, vector<16xf32>,
        %get3A_405 = vector.shape_cast %get3A_404 : vector<16xf32> to vector<16xf32>
        %add3A_406 = arith.addf %scan3A_357, %get3A_405 : vector<16xf32>
        %scan3A_407 = arith.constant 1 : i32
        %scan3A_408 = arith.addi %scan3A_349, %scan3A_407 : i32
        %mul3A_409 = arith.constant 128 : i32
        %mul3A_410 = arith.muli %scan3A_408, %mul3A_409 : i32
        %add3A_411 = arith.constant 0 : i32
        %add3A_412 = arith.addi %mul3A_410, %add3A_411 : i32
        %get3A_413 = arith.index_cast %add3A_412 : i32 to index
        %get3A_414 = tpu.vector_load %arg4[%get3A_413] {strides = array<i32>} : memref<32000xf32, #tpu.memory_space<vmem>>, vector<16xf32>,
        %get3A_415 = vector.shape_cast %get3A_414 : vector<16xf32> to vector<16xf32>
        %add3A_416 = arith.addf %add3A_364, %get3A_415 : vector<16xf32>
        %add3A_417 = arith.constant 16 : i32
        %add3A_418 = arith.addi %mul3A_410, %add3A_417 : i32
        %get3A_419 = arith.index_cast %add3A_418 : i32 to index
        %get3A_420 = tpu.vector_load %arg4[%get3A_419] {strides = array<i32>} : memref<32000xf32, #tpu.memory_space<vmem>>, vector<16xf32>,
        %get3A_421 = vector.shape_cast %get3A_420 : vector<16xf32> to vector<16xf32>
        %add3A_422 = arith.addf %add3A_370, %get3A_421 : vector<16xf32>
        %add3A_423 = arith.constant 32 : i32
        %add3A_424 = arith.addi %mul3A_410, %add3A_423 : i32
        %get3A_425 = arith.index_cast %add3A_424 : i32 to index
        %get3A_426 = tpu.vector_load %arg4[%get3A_425] {strides = array<i32>} : memref<32000xf32, #tpu.memory_space<vmem>>, vector<16xf32>,
        %get3A_427 = vector.shape_cast %get3A_426 : vector<16xf32> to vector<16xf32>
        %add3A_428 = arith.addf %add3A_376, %get3A_427 : vector<16xf32>
        %add3A_429 = arith.constant 48 : i32
        %add3A_430 = arith.addi %mul3A_410, %add3A_429 : i32
        %get3A_431 = arith.index_cast %add3A_430 : i32 to index
        %get3A_432 = tpu.vector_load %arg4[%get3A_431] {strides = array<i32>} : memref<32000xf32, #tpu.memory_space<vmem>>, vector<16xf32>,
        %get3A_433 = vector.shape_cast %get3A_432 : vector<16xf32> to vector<16xf32>
        %add3A_434 = arith.addf %add3A_382, %get3A_433 : vector<16xf32>
        %add3A_435 = arith.constant 64 : i32
        %add3A_436 = arith.addi %mul3A_410, %add3A_435 : i32
        %get3A_437 = arith.index_cast %add3A_436 : i32 to index
        %get3A_438 = tpu.vector_load %arg4[%get3A_437] {strides = array<i32>} : memref<32000xf32, #tpu.memory_space<vmem>>, vector<16xf32>,
        %get3A_439 = vector.shape_cast %get3A_438 : vector<16xf32> to vector<16xf32>
        %add3A_440 = arith.addf %add3A_388, %get3A_439 : vector<16xf32>
        %add3A_441 = arith.constant 80 : i32
        %add3A_442 = arith.addi %mul3A_410, %add3A_441 : i32
        %get3A_443 = arith.index_cast %add3A_442 : i32 to index
        %get3A_444 = tpu.vector_load %arg4[%get3A_443] {strides = array<i32>} : memref<32000xf32, #tpu.memory_space<vmem>>, vector<16xf32>,
        %get3A_445 = vector.shape_cast %get3A_444 : vector<16xf32> to vector<16xf32>
        %add3A_446 = arith.addf %add3A_394, %get3A_445 : vector<16xf32>
        %add3A_447 = arith.constant 96 : i32
        %add3A_448 = arith.addi %mul3A_410, %add3A_447 : i32
        %get3A_449 = arith.index_cast %add3A_448 : i32 to index
        %get3A_450 = tpu.vector_load %arg4[%get3A_449] {strides = array<i32>} : memref<32000xf32, #tpu.memory_space<vmem>>, vector<16xf32>,
        %get3A_451 = vector.shape_cast %get3A_450 : vector<16xf32> to vector<16xf32>
        %add3A_452 = arith.addf %add3A_400, %get3A_451 : vector<16xf32>
        %add3A_453 = arith.constant 112 : i32
        %add3A_454 = arith.addi %mul3A_410, %add3A_453 : i32
        %get3A_455 = arith.index_cast %add3A_454 : i32 to index
        %get3A_456 = tpu.vector_load %arg4[%get3A_455] {strides = array<i32>} : memref<32000xf32, #tpu.memory_space<vmem>>, vector<16xf32>,
        %get3A_457 = vector.shape_cast %get3A_456 : vector<16xf32> to vector<16xf32>
        %add3A_458 = arith.addf %add3A_406, %get3A_457 : vector<16xf32>
        scf.yield %add3A_416, %add3A_422, %add3A_428, %add3A_434, %add3A_440, %add3A_446, %add3A_452, %add3A_458 : vector<16xf32>, vector<16xf32>, vector<16xf32>, vector<16xf32>, vector<16xf32>, vector<16xf32>, vector<16xf32>, vector<16xf32>
      }
      %scan3A_55 = arith.constant 250 : i32
      %mul3A_56 = arith.constant 2000 : i32
      %mul3A_57 = arith.muli %add3A_10, %mul3A_56 : i32
      %add3A_58 = arith.constant 0 : i32
      %add3A_59 = arith.addi %add3A_58, %mul3A_57 : i32
      %add3A_60 = arith.constant 500 : i32
      %add3A_61 = arith.addi %add3A_59, %add3A_60 : i32
      %mul3A_62 = arith.constant 128 : i32
      %mul3A_63 = arith.muli %add3A_61, %mul3A_62 : i32
      %dma_start3A_64 = tpu.memref_slice %arg2[%mul3A_63] : memref<64000000xf32, #tpu.memory_space<hbm>> -> memref<32000xf32, #tpu.memory_space<hbm>>
      %dma_start3A_65 = tpu.memref_slice %arg2[%mul3A_63] : memref<64000000xf32, #tpu.memory_space<hbm>> -> memref<32000xf32, #tpu.memory_space<hbm>>
      tpu.enqueue_dma source(%dma_start3A_65 : memref<32000xf32, #tpu.memory_space<hbm>>) target(%arg4 : memref<32000xf32, #tpu.memory_space<vmem>>) target_semaphore(%arg7 : memref<!tpu.dma_semaphore, #tpu.memory_space<semaphore_mem>>)
      %dma_wait3A_66 = tpu.memref_slice %arg2[%mul3A_47] : memref<64000000xf32, #tpu.memory_space<hbm>> -> memref<32000xf32, #tpu.memory_space<hbm>>
      %dma_wait3A_67 = tpu.memref_slice %arg2[%mul3A_47] : memref<64000000xf32, #tpu.memory_space<hbm>> -> memref<32000xf32, #tpu.memory_space<hbm>>
      tpu.wait_dma2 semaphore(%arg8 : memref<!tpu.dma_semaphore, #tpu.memory_space<semaphore_mem>>) src(%dma_wait3A_67 : memref<32000xf32, #tpu.memory_space<hbm>>) dst(%arg5 : memref<32000xf32, #tpu.memory_space<vmem>>)
      %scan3A_68 = arith.constant 0 : i32
      %scan3A_69 = arith.constant 250 : i32
      %scan3A_70 = arith.addi %scan3A_68, %scan3A_69 : i32
      %scan3A_71 = arith.constant 2 : i32
      %scan3A_72:8 = scf.for %scan3A_349 = %scan3A_68 to %scan3A_70 step %scan3A_71 iter_args(%scan3A_350 = %scan3A_54#0, %scan3A_351 = %scan3A_54#1, %scan3A_352 = %scan3A_54#2, %scan3A_353 = %scan3A_54#3, %scan3A_354 = %scan3A_54#4, %scan3A_355 = %scan3A_54#5, %scan3A_356 = %scan3A_54#6, %scan3A_357 = %scan3A_54#7) -> (vector<16xf32>, vector<16xf32>, vector<16xf32>, vector<16xf32>, vector<16xf32>, vector<16xf32>, vector<16xf32>, vector<16xf32>)  : i32 {
        %mul3A_358 = arith.constant 128 : i32
        %mul3A_359 = arith.muli %scan3A_349, %mul3A_358 : i32
        %add3A_360 = arith.constant 0 : i32
        %add3A_361 = arith.addi %mul3A_359, %add3A_360 : i32
        %get3A = arith.index_cast %add3A_361 : i32 to index
        %get3A_362 = tpu.vector_load %arg5[%get3A] {strides = array<i32>} : memref<32000xf32, #tpu.memory_space<vmem>>, vector<16xf32>,
        %get3A_363 = vector.shape_cast %get3A_362 : vector<16xf32> to vector<16xf32>
        %add3A_364 = arith.addf %scan3A_350, %get3A_363 : vector<16xf32>
        %add3A_365 = arith.constant 16 : i32
        %add3A_366 = arith.addi %mul3A_359, %add3A_365 : i32
        %get3A_367 = arith.index_cast %add3A_366 : i32 to index
        %get3A_368 = tpu.vector_load %arg5[%get3A_367] {strides = array<i32>} : memref<32000xf32, #tpu.memory_space<vmem>>, vector<16xf32>,
        %get3A_369 = vector.shape_cast %get3A_368 : vector<16xf32> to vector<16xf32>
        %add3A_370 = arith.addf %scan3A_351, %get3A_369 : vector<16xf32>
        %add3A_371 = arith.constant 32 : i32
        %add3A_372 = arith.addi %mul3A_359, %add3A_371 : i32
        %get3A_373 = arith.index_cast %add3A_372 : i32 to index
        %get3A_374 = tpu.vector_load %arg5[%get3A_373] {strides = array<i32>} : memref<32000xf32, #tpu.memory_space<vmem>>, vector<16xf32>,
        %get3A_375 = vector.shape_cast %get3A_374 : vector<16xf32> to vector<16xf32>
        %add3A_376 = arith.addf %scan3A_352, %get3A_375 : vector<16xf32>
        %add3A_377 = arith.constant 48 : i32
        %add3A_378 = arith.addi %mul3A_359, %add3A_377 : i32
        %get3A_379 = arith.index_cast %add3A_378 : i32 to index
        %get3A_380 = tpu.vector_load %arg5[%get3A_379] {strides = array<i32>} : memref<32000xf32, #tpu.memory_space<vmem>>, vector<16xf32>,
        %get3A_381 = vector.shape_cast %get3A_380 : vector<16xf32> to vector<16xf32>
        %add3A_382 = arith.addf %scan3A_353, %get3A_381 : vector<16xf32>
        %add3A_383 = arith.constant 64 : i32
        %add3A_384 = arith.addi %mul3A_359, %add3A_383 : i32
        %get3A_385 = arith.index_cast %add3A_384 : i32 to index
        %get3A_386 = tpu.vector_load %arg5[%get3A_385] {strides = array<i32>} : memref<32000xf32, #tpu.memory_space<vmem>>, vector<16xf32>,
        %get3A_387 = vector.shape_cast %get3A_386 : vector<16xf32> to vector<16xf32>
        %add3A_388 = arith.addf %scan3A_354, %get3A_387 : vector<16xf32>
        %add3A_389 = arith.constant 80 : i32
        %add3A_390 = arith.addi %mul3A_359, %add3A_389 : i32
        %get3A_391 = arith.index_cast %add3A_390 : i32 to index
        %get3A_392 = tpu.vector_load %arg5[%get3A_391] {strides = array<i32>} : memref<32000xf32, #tpu.memory_space<vmem>>, vector<16xf32>,
        %get3A_393 = vector.shape_cast %get3A_392 : vector<16xf32> to vector<16xf32>
        %add3A_394 = arith.addf %scan3A_355, %get3A_393 : vector<16xf32>
        %add3A_395 = arith.constant 96 : i32
        %add3A_396 = arith.addi %mul3A_359, %add3A_395 : i32
        %get3A_397 = arith.index_cast %add3A_396 : i32 to index
        %get3A_398 = tpu.vector_load %arg5[%get3A_397] {strides = array<i32>} : memref<32000xf32, #tpu.memory_space<vmem>>, vector<16xf32>,
        %get3A_399 = vector.shape_cast %get3A_398 : vector<16xf32> to vector<16xf32>
        %add3A_400 = arith.addf %scan3A_356, %get3A_399 : vector<16xf32>
        %add3A_401 = arith.constant 112 : i32
        %add3A_402 = arith.addi %mul3A_359, %add3A_401 : i32
        %get3A_403 = arith.index_cast %add3A_402 : i32 to index
        %get3A_404 = tpu.vector_load %arg5[%get3A_403] {strides = array<i32>} : memref<32000xf32, #tpu.memory_space<vmem>>, vector<16xf32>,
        %get3A_405 = vector.shape_cast %get3A_404 : vector<16xf32> to vector<16xf32>
        %add3A_406 = arith.addf %scan3A_357, %get3A_405 : vector<16xf32>
        %scan3A_407 = arith.constant 1 : i32
        %scan3A_408 = arith.addi %scan3A_349, %scan3A_407 : i32
        %mul3A_409 = arith.constant 128 : i32
        %mul3A_410 = arith.muli %scan3A_408, %mul3A_409 : i32
        %add3A_411 = arith.constant 0 : i32
        %add3A_412 = arith.addi %mul3A_410, %add3A_411 : i32
        %get3A_413 = arith.index_cast %add3A_412 : i32 to index
        %get3A_414 = tpu.vector_load %arg5[%get3A_413] {strides = array<i32>} : memref<32000xf32, #tpu.memory_space<vmem>>, vector<16xf32>,
        %get3A_415 = vector.shape_cast %get3A_414 : vector<16xf32> to vector<16xf32>
        %add3A_416 = arith.addf %add3A_364, %get3A_415 : vector<16xf32>
        %add3A_417 = arith.constant 16 : i32
        %add3A_418 = arith.addi %mul3A_410, %add3A_417 : i32
        %get3A_419 = arith.index_cast %add3A_418 : i32 to index
        %get3A_420 = tpu.vector_load %arg5[%get3A_419] {strides = array<i32>} : memref<32000xf32, #tpu.memory_space<vmem>>, vector<16xf32>,
        %get3A_421 = vector.shape_cast %get3A_420 : vector<16xf32> to vector<16xf32>
        %add3A_422 = arith.addf %add3A_370, %get3A_421 : vector<16xf32>
        %add3A_423 = arith.constant 32 : i32
        %add3A_424 = arith.addi %mul3A_410, %add3A_423 : i32
        %get3A_425 = arith.index_cast %add3A_424 : i32 to index
        %get3A_426 = tpu.vector_load %arg5[%get3A_425] {strides = array<i32>} : memref<32000xf32, #tpu.memory_space<vmem>>, vector<16xf32>,
        %get3A_427 = vector.shape_cast %get3A_426 : vector<16xf32> to vector<16xf32>
        %add3A_428 = arith.addf %add3A_376, %get3A_427 : vector<16xf32>
        %add3A_429 = arith.constant 48 : i32
        %add3A_430 = arith.addi %mul3A_410, %add3A_429 : i32
        %get3A_431 = arith.index_cast %add3A_430 : i32 to index
        %get3A_432 = tpu.vector_load %arg5[%get3A_431] {strides = array<i32>} : memref<32000xf32, #tpu.memory_space<vmem>>, vector<16xf32>,
        %get3A_433 = vector.shape_cast %get3A_432 : vector<16xf32> to vector<16xf32>
        %add3A_434 = arith.addf %add3A_382, %get3A_433 : vector<16xf32>
        %add3A_435 = arith.constant 64 : i32
        %add3A_436 = arith.addi %mul3A_410, %add3A_435 : i32
        %get3A_437 = arith.index_cast %add3A_436 : i32 to index
        %get3A_438 = tpu.vector_load %arg5[%get3A_437] {strides = array<i32>} : memref<32000xf32, #tpu.memory_space<vmem>>, vector<16xf32>,
        %get3A_439 = vector.shape_cast %get3A_438 : vector<16xf32> to vector<16xf32>
        %add3A_440 = arith.addf %add3A_388, %get3A_439 : vector<16xf32>
        %add3A_441 = arith.constant 80 : i32
        %add3A_442 = arith.addi %mul3A_410, %add3A_441 : i32
        %get3A_443 = arith.index_cast %add3A_442 : i32 to index
        %get3A_444 = tpu.vector_load %arg5[%get3A_443] {strides = array<i32>} : memref<32000xf32, #tpu.memory_space<vmem>>, vector<16xf32>,
        %get3A_445 = vector.shape_cast %get3A_444 : vector<16xf32> to vector<16xf32>
        %add3A_446 = arith.addf %add3A_394, %get3A_445 : vector<16xf32>
        %add3A_447 = arith.constant 96 : i32
        %add3A_448 = arith.addi %mul3A_410, %add3A_447 : i32
        %get3A_449 = arith.index_cast %add3A_448 : i32 to index
        %get3A_450 = tpu.vector_load %arg5[%get3A_449] {strides = array<i32>} : memref<32000xf32, #tpu.memory_space<vmem>>, vector<16xf32>,
        %get3A_451 = vector.shape_cast %get3A_450 : vector<16xf32> to vector<16xf32>
        %add3A_452 = arith.addf %add3A_400, %get3A_451 : vector<16xf32>
        %add3A_453 = arith.constant 112 : i32
        %add3A_454 = arith.addi %mul3A_410, %add3A_453 : i32
        %get3A_455 = arith.index_cast %add3A_454 : i32 to index
        %get3A_456 = tpu.vector_load %arg5[%get3A_455] {strides = array<i32>} : memref<32000xf32, #tpu.memory_space<vmem>>, vector<16xf32>,
        %get3A_457 = vector.shape_cast %get3A_456 : vector<16xf32> to vector<16xf32>
        %add3A_458 = arith.addf %add3A_406, %get3A_457 : vector<16xf32>
        scf.yield %add3A_416, %add3A_422, %add3A_428, %add3A_434, %add3A_440, %add3A_446, %add3A_452, %add3A_458 : vector<16xf32>, vector<16xf32>, vector<16xf32>, vector<16xf32>, vector<16xf32>, vector<16xf32>, vector<16xf32>, vector<16xf32>
      }
      %scan3A_73 = arith.constant 250 : i32
      %mul3A_74 = arith.constant 2000 : i32
      %mul3A_75 = arith.muli %add3A_10, %mul3A_74 : i32
      %add3A_76 = arith.constant 0 : i32
      %add3A_77 = arith.addi %add3A_76, %mul3A_75 : i32
      %add3A_78 = arith.constant 750 : i32
      %add3A_79 = arith.addi %add3A_77, %add3A_78 : i32
      %mul3A_80 = arith.constant 128 : i32
      %mul3A_81 = arith.muli %add3A_79, %mul3A_80 : i32
      %dma_start3A_82 = tpu.memref_slice %arg2[%mul3A_81] : memref<64000000xf32, #tpu.memory_space<hbm>> -> memref<32000xf32, #tpu.memory_space<hbm>>
      %dma_start3A_83 = tpu.memref_slice %arg2[%mul3A_81] : memref<64000000xf32, #tpu.memory_space<hbm>> -> memref<32000xf32, #tpu.memory_space<hbm>>
      tpu.enqueue_dma source(%dma_start3A_83 : memref<32000xf32, #tpu.memory_space<hbm>>) target(%arg5 : memref<32000xf32, #tpu.memory_space<vmem>>) target_semaphore(%arg8 : memref<!tpu.dma_semaphore, #tpu.memory_space<semaphore_mem>>)
      %dma_wait3A_84 = tpu.memref_slice %arg2[%mul3A_63] : memref<64000000xf32, #tpu.memory_space<hbm>> -> memref<32000xf32, #tpu.memory_space<hbm>>
      %dma_wait3A_85 = tpu.memref_slice %arg2[%mul3A_63] : memref<64000000xf32, #tpu.memory_space<hbm>> -> memref<32000xf32, #tpu.memory_space<hbm>>
      tpu.wait_dma2 semaphore(%arg7 : memref<!tpu.dma_semaphore, #tpu.memory_space<semaphore_mem>>) src(%dma_wait3A_85 : memref<32000xf32, #tpu.memory_space<hbm>>) dst(%arg4 : memref<32000xf32, #tpu.memory_space<vmem>>)
      %scan3A_86 = arith.constant 0 : i32
      %scan3A_87 = arith.constant 250 : i32
      %scan3A_88 = arith.addi %scan3A_86, %scan3A_87 : i32
      %scan3A_89 = arith.constant 2 : i32
      %scan3A_90:8 = scf.for %scan3A_349 = %scan3A_86 to %scan3A_88 step %scan3A_89 iter_args(%scan3A_350 = %scan3A_72#0, %scan3A_351 = %scan3A_72#1, %scan3A_352 = %scan3A_72#2, %scan3A_353 = %scan3A_72#3, %scan3A_354 = %scan3A_72#4, %scan3A_355 = %scan3A_72#5, %scan3A_356 = %scan3A_72#6, %scan3A_357 = %scan3A_72#7) -> (vector<16xf32>, vector<16xf32>, vector<16xf32>, vector<16xf32>, vector<16xf32>, vector<16xf32>, vector<16xf32>, vector<16xf32>)  : i32 {
        %mul3A_358 = arith.constant 128 : i32
        %mul3A_359 = arith.muli %scan3A_349, %mul3A_358 : i32
        %add3A_360 = arith.constant 0 : i32
        %add3A_361 = arith.addi %mul3A_359, %add3A_360 : i32
        %get3A = arith.index_cast %add3A_361 : i32 to index
        %get3A_362 = tpu.vector_load %arg4[%get3A] {strides = array<i32>} : memref<32000xf32, #tpu.memory_space<vmem>>, vector<16xf32>,
        %get3A_363 = vector.shape_cast %get3A_362 : vector<16xf32> to vector<16xf32>
        %add3A_364 = arith.addf %scan3A_350, %get3A_363 : vector<16xf32>
        %add3A_365 = arith.constant 16 : i32
        %add3A_366 = arith.addi %mul3A_359, %add3A_365 : i32
        %get3A_367 = arith.index_cast %add3A_366 : i32 to index
        %get3A_368 = tpu.vector_load %arg4[%get3A_367] {strides = array<i32>} : memref<32000xf32, #tpu.memory_space<vmem>>, vector<16xf32>,
        %get3A_369 = vector.shape_cast %get3A_368 : vector<16xf32> to vector<16xf32>
        %add3A_370 = arith.addf %scan3A_351, %get3A_369 : vector<16xf32>
        %add3A_371 = arith.constant 32 : i32
        %add3A_372 = arith.addi %mul3A_359, %add3A_371 : i32
        %get3A_373 = arith.index_cast %add3A_372 : i32 to index
        %get3A_374 = tpu.vector_load %arg4[%get3A_373] {strides = array<i32>} : memref<32000xf32, #tpu.memory_space<vmem>>, vector<16xf32>,
        %get3A_375 = vector.shape_cast %get3A_374 : vector<16xf32> to vector<16xf32>
        %add3A_376 = arith.addf %scan3A_352, %get3A_375 : vector<16xf32>
        %add3A_377 = arith.constant 48 : i32
        %add3A_378 = arith.addi %mul3A_359, %add3A_377 : i32
        %get3A_379 = arith.index_cast %add3A_378 : i32 to index
        %get3A_380 = tpu.vector_load %arg4[%get3A_379] {strides = array<i32>} : memref<32000xf32, #tpu.memory_space<vmem>>, vector<16xf32>,
        %get3A_381 = vector.shape_cast %get3A_380 : vector<16xf32> to vector<16xf32>
        %add3A_382 = arith.addf %scan3A_353, %get3A_381 : vector<16xf32>
        %add3A_383 = arith.constant 64 : i32
        %add3A_384 = arith.addi %mul3A_359, %add3A_383 : i32
        %get3A_385 = arith.index_cast %add3A_384 : i32 to index
        %get3A_386 = tpu.vector_load %arg4[%get3A_385] {strides = array<i32>} : memref<32000xf32, #tpu.memory_space<vmem>>, vector<16xf32>,
        %get3A_387 = vector.shape_cast %get3A_386 : vector<16xf32> to vector<16xf32>
        %add3A_388 = arith.addf %scan3A_354, %get3A_387 : vector<16xf32>
        %add3A_389 = arith.constant 80 : i32
        %add3A_390 = arith.addi %mul3A_359, %add3A_389 : i32
        %get3A_391 = arith.index_cast %add3A_390 : i32 to index
        %get3A_392 = tpu.vector_load %arg4[%get3A_391] {strides = array<i32>} : memref<32000xf32, #tpu.memory_space<vmem>>, vector<16xf32>,
        %get3A_393 = vector.shape_cast %get3A_392 : vector<16xf32> to vector<16xf32>
        %add3A_394 = arith.addf %scan3A_355, %get3A_393 : vector<16xf32>
        %add3A_395 = arith.constant 96 : i32
        %add3A_396 = arith.addi %mul3A_359, %add3A_395 : i32
        %get3A_397 = arith.index_cast %add3A_396 : i32 to index
        %get3A_398 = tpu.vector_load %arg4[%get3A_397] {strides = array<i32>} : memref<32000xf32, #tpu.memory_space<vmem>>, vector<16xf32>,
        %get3A_399 = vector.shape_cast %get3A_398 : vector<16xf32> to vector<16xf32>
        %add3A_400 = arith.addf %scan3A_356, %get3A_399 : vector<16xf32>
        %add3A_401 = arith.constant 112 : i32
        %add3A_402 = arith.addi %mul3A_359, %add3A_401 : i32
        %get3A_403 = arith.index_cast %add3A_402 : i32 to index
        %get3A_404 = tpu.vector_load %arg4[%get3A_403] {strides = array<i32>} : memref<32000xf32, #tpu.memory_space<vmem>>, vector<16xf32>,
        %get3A_405 = vector.shape_cast %get3A_404 : vector<16xf32> to vector<16xf32>
        %add3A_406 = arith.addf %scan3A_357, %get3A_405 : vector<16xf32>
        %scan3A_407 = arith.constant 1 : i32
        %scan3A_408 = arith.addi %scan3A_349, %scan3A_407 : i32
        %mul3A_409 = arith.constant 128 : i32
        %mul3A_410 = arith.muli %scan3A_408, %mul3A_409 : i32
        %add3A_411 = arith.constant 0 : i32
        %add3A_412 = arith.addi %mul3A_410, %add3A_411 : i32
        %get3A_413 = arith.index_cast %add3A_412 : i32 to index
        %get3A_414 = tpu.vector_load %arg4[%get3A_413] {strides = array<i32>} : memref<32000xf32, #tpu.memory_space<vmem>>, vector<16xf32>,
        %get3A_415 = vector.shape_cast %get3A_414 : vector<16xf32> to vector<16xf32>
        %add3A_416 = arith.addf %add3A_364, %get3A_415 : vector<16xf32>
        %add3A_417 = arith.constant 16 : i32
        %add3A_418 = arith.addi %mul3A_410, %add3A_417 : i32
        %get3A_419 = arith.index_cast %add3A_418 : i32 to index
        %get3A_420 = tpu.vector_load %arg4[%get3A_419] {strides = array<i32>} : memref<32000xf32, #tpu.memory_space<vmem>>, vector<16xf32>,
        %get3A_421 = vector.shape_cast %get3A_420 : vector<16xf32> to vector<16xf32>
        %add3A_422 = arith.addf %add3A_370, %get3A_421 : vector<16xf32>
        %add3A_423 = arith.constant 32 : i32
        %add3A_424 = arith.addi %mul3A_410, %add3A_423 : i32
        %get3A_425 = arith.index_cast %add3A_424 : i32 to index
        %get3A_426 = tpu.vector_load %arg4[%get3A_425] {strides = array<i32>} : memref<32000xf32, #tpu.memory_space<vmem>>, vector<16xf32>,
        %get3A_427 = vector.shape_cast %get3A_426 : vector<16xf32> to vector<16xf32>
        %add3A_428 = arith.addf %add3A_376, %get3A_427 : vector<16xf32>
        %add3A_429 = arith.constant 48 : i32
        %add3A_430 = arith.addi %mul3A_410, %add3A_429 : i32
        %get3A_431 = arith.index_cast %add3A_430 : i32 to index
        %get3A_432 = tpu.vector_load %arg4[%get3A_431] {strides = array<i32>} : memref<32000xf32, #tpu.memory_space<vmem>>, vector<16xf32>,
        %get3A_433 = vector.shape_cast %get3A_432 : vector<16xf32> to vector<16xf32>
        %add3A_434 = arith.addf %add3A_382, %get3A_433 : vector<16xf32>
        %add3A_435 = arith.constant 64 : i32
        %add3A_436 = arith.addi %mul3A_410, %add3A_435 : i32
        %get3A_437 = arith.index_cast %add3A_436 : i32 to index
        %get3A_438 = tpu.vector_load %arg4[%get3A_437] {strides = array<i32>} : memref<32000xf32, #tpu.memory_space<vmem>>, vector<16xf32>,
        %get3A_439 = vector.shape_cast %get3A_438 : vector<16xf32> to vector<16xf32>
        %add3A_440 = arith.addf %add3A_388, %get3A_439 : vector<16xf32>
        %add3A_441 = arith.constant 80 : i32
        %add3A_442 = arith.addi %mul3A_410, %add3A_441 : i32
        %get3A_443 = arith.index_cast %add3A_442 : i32 to index
        %get3A_444 = tpu.vector_load %arg4[%get3A_443] {strides = array<i32>} : memref<32000xf32, #tpu.memory_space<vmem>>, vector<16xf32>,
        %get3A_445 = vector.shape_cast %get3A_444 : vector<16xf32> to vector<16xf32>
        %add3A_446 = arith.addf %add3A_394, %get3A_445 : vector<16xf32>
        %add3A_447 = arith.constant 96 : i32
        %add3A_448 = arith.addi %mul3A_410, %add3A_447 : i32
        %get3A_449 = arith.index_cast %add3A_448 : i32 to index
        %get3A_450 = tpu.vector_load %arg4[%get3A_449] {strides = array<i32>} : memref<32000xf32, #tpu.memory_space<vmem>>, vector<16xf32>,
        %get3A_451 = vector.shape_cast %get3A_450 : vector<16xf32> to vector<16xf32>
        %add3A_452 = arith.addf %add3A_400, %get3A_451 : vector<16xf32>
        %add3A_453 = arith.constant 112 : i32
        %add3A_454 = arith.addi %mul3A_410, %add3A_453 : i32
        %get3A_455 = arith.index_cast %add3A_454 : i32 to index
        %get3A_456 = tpu.vector_load %arg4[%get3A_455] {strides = array<i32>} : memref<32000xf32, #tpu.memory_space<vmem>>, vector<16xf32>,
        %get3A_457 = vector.shape_cast %get3A_456 : vector<16xf32> to vector<16xf32>
        %add3A_458 = arith.addf %add3A_406, %get3A_457 : vector<16xf32>
        scf.yield %add3A_416, %add3A_422, %add3A_428, %add3A_434, %add3A_440, %add3A_446, %add3A_452, %add3A_458 : vector<16xf32>, vector<16xf32>, vector<16xf32>, vector<16xf32>, vector<16xf32>, vector<16xf32>, vector<16xf32>, vector<16xf32>
      }
      %scan3A_91 = arith.constant 250 : i32
      %mul3A_92 = arith.constant 2000 : i32
      %mul3A_93 = arith.muli %add3A_10, %mul3A_92 : i32
      %add3A_94 = arith.constant 0 : i32
      %add3A_95 = arith.addi %add3A_94, %mul3A_93 : i32
      %add3A_96 = arith.constant 1000 : i32
      %add3A_97 = arith.addi %add3A_95, %add3A_96 : i32
      %mul3A_98 = arith.constant 128 : i32
      %mul3A_99 = arith.muli %add3A_97, %mul3A_98 : i32
      %dma_start3A_100 = tpu.memref_slice %arg2[%mul3A_99] : memref<64000000xf32, #tpu.memory_space<hbm>> -> memref<32000xf32, #tpu.memory_space<hbm>>
      %dma_start3A_101 = tpu.memref_slice %arg2[%mul3A_99] : memref<64000000xf32, #tpu.memory_space<hbm>> -> memref<32000xf32, #tpu.memory_space<hbm>>
      tpu.enqueue_dma source(%dma_start3A_101 : memref<32000xf32, #tpu.memory_space<hbm>>) target(%arg4 : memref<32000xf32, #tpu.memory_space<vmem>>) target_semaphore(%arg7 : memref<!tpu.dma_semaphore, #tpu.memory_space<semaphore_mem>>)
      %dma_wait3A_102 = tpu.memref_slice %arg2[%mul3A_81] : memref<64000000xf32, #tpu.memory_space<hbm>> -> memref<32000xf32, #tpu.memory_space<hbm>>
      %dma_wait3A_103 = tpu.memref_slice %arg2[%mul3A_81] : memref<64000000xf32, #tpu.memory_space<hbm>> -> memref<32000xf32, #tpu.memory_space<hbm>>
      tpu.wait_dma2 semaphore(%arg8 : memref<!tpu.dma_semaphore, #tpu.memory_space<semaphore_mem>>) src(%dma_wait3A_103 : memref<32000xf32, #tpu.memory_space<hbm>>) dst(%arg5 : memref<32000xf32, #tpu.memory_space<vmem>>)
      %scan3A_104 = arith.constant 0 : i32
      %scan3A_105 = arith.constant 250 : i32
      %scan3A_106 = arith.addi %scan3A_104, %scan3A_105 : i32
      %scan3A_107 = arith.constant 2 : i32
      %scan3A_108:8 = scf.for %scan3A_349 = %scan3A_104 to %scan3A_106 step %scan3A_107 iter_args(%scan3A_350 = %scan3A_90#0, %scan3A_351 = %scan3A_90#1, %scan3A_352 = %scan3A_90#2, %scan3A_353 = %scan3A_90#3, %scan3A_354 = %scan3A_90#4, %scan3A_355 = %scan3A_90#5, %scan3A_356 = %scan3A_90#6, %scan3A_357 = %scan3A_90#7) -> (vector<16xf32>, vector<16xf32>, vector<16xf32>, vector<16xf32>, vector<16xf32>, vector<16xf32>, vector<16xf32>, vector<16xf32>)  : i32 {
        %mul3A_358 = arith.constant 128 : i32
        %mul3A_359 = arith.muli %scan3A_349, %mul3A_358 : i32
        %add3A_360 = arith.constant 0 : i32
        %add3A_361 = arith.addi %mul3A_359, %add3A_360 : i32
        %get3A = arith.index_cast %add3A_361 : i32 to index
        %get3A_362 = tpu.vector_load %arg5[%get3A] {strides = array<i32>} : memref<32000xf32, #tpu.memory_space<vmem>>, vector<16xf32>,
        %get3A_363 = vector.shape_cast %get3A_362 : vector<16xf32> to vector<16xf32>
        %add3A_364 = arith.addf %scan3A_350, %get3A_363 : vector<16xf32>
        %add3A_365 = arith.constant 16 : i32
        %add3A_366 = arith.addi %mul3A_359, %add3A_365 : i32
        %get3A_367 = arith.index_cast %add3A_366 : i32 to index
        %get3A_368 = tpu.vector_load %arg5[%get3A_367] {strides = array<i32>} : memref<32000xf32, #tpu.memory_space<vmem>>, vector<16xf32>,
        %get3A_369 = vector.shape_cast %get3A_368 : vector<16xf32> to vector<16xf32>
        %add3A_370 = arith.addf %scan3A_351, %get3A_369 : vector<16xf32>
        %add3A_371 = arith.constant 32 : i32
        %add3A_372 = arith.addi %mul3A_359, %add3A_371 : i32
        %get3A_373 = arith.index_cast %add3A_372 : i32 to index
        %get3A_374 = tpu.vector_load %arg5[%get3A_373] {strides = array<i32>} : memref<32000xf32, #tpu.memory_space<vmem>>, vector<16xf32>,
        %get3A_375 = vector.shape_cast %get3A_374 : vector<16xf32> to vector<16xf32>
        %add3A_376 = arith.addf %scan3A_352, %get3A_375 : vector<16xf32>
        %add3A_377 = arith.constant 48 : i32
        %add3A_378 = arith.addi %mul3A_359, %add3A_377 : i32
        %get3A_379 = arith.index_cast %add3A_378 : i32 to index
        %get3A_380 = tpu.vector_load %arg5[%get3A_379] {strides = array<i32>} : memref<32000xf32, #tpu.memory_space<vmem>>, vector<16xf32>,
        %get3A_381 = vector.shape_cast %get3A_380 : vector<16xf32> to vector<16xf32>
        %add3A_382 = arith.addf %scan3A_353, %get3A_381 : vector<16xf32>
        %add3A_383 = arith.constant 64 : i32
        %add3A_384 = arith.addi %mul3A_359, %add3A_383 : i32
        %get3A_385 = arith.index_cast %add3A_384 : i32 to index
        %get3A_386 = tpu.vector_load %arg5[%get3A_385] {strides = array<i32>} : memref<32000xf32, #tpu.memory_space<vmem>>, vector<16xf32>,
        %get3A_387 = vector.shape_cast %get3A_386 : vector<16xf32> to vector<16xf32>
        %add3A_388 = arith.addf %scan3A_354, %get3A_387 : vector<16xf32>
        %add3A_389 = arith.constant 80 : i32
        %add3A_390 = arith.addi %mul3A_359, %add3A_389 : i32
        %get3A_391 = arith.index_cast %add3A_390 : i32 to index
        %get3A_392 = tpu.vector_load %arg5[%get3A_391] {strides = array<i32>} : memref<32000xf32, #tpu.memory_space<vmem>>, vector<16xf32>,
        %get3A_393 = vector.shape_cast %get3A_392 : vector<16xf32> to vector<16xf32>
        %add3A_394 = arith.addf %scan3A_355, %get3A_393 : vector<16xf32>
        %add3A_395 = arith.constant 96 : i32
        %add3A_396 = arith.addi %mul3A_359, %add3A_395 : i32
        %get3A_397 = arith.index_cast %add3A_396 : i32 to index
        %get3A_398 = tpu.vector_load %arg5[%get3A_397] {strides = array<i32>} : memref<32000xf32, #tpu.memory_space<vmem>>, vector<16xf32>,
        %get3A_399 = vector.shape_cast %get3A_398 : vector<16xf32> to vector<16xf32>
        %add3A_400 = arith.addf %scan3A_356, %get3A_399 : vector<16xf32>
        %add3A_401 = arith.constant 112 : i32
        %add3A_402 = arith.addi %mul3A_359, %add3A_401 : i32
        %get3A_403 = arith.index_cast %add3A_402 : i32 to index
        %get3A_404 = tpu.vector_load %arg5[%get3A_403] {strides = array<i32>} : memref<32000xf32, #tpu.memory_space<vmem>>, vector<16xf32>,
        %get3A_405 = vector.shape_cast %get3A_404 : vector<16xf32> to vector<16xf32>
        %add3A_406 = arith.addf %scan3A_357, %get3A_405 : vector<16xf32>
        %scan3A_407 = arith.constant 1 : i32
        %scan3A_408 = arith.addi %scan3A_349, %scan3A_407 : i32
        %mul3A_409 = arith.constant 128 : i32
        %mul3A_410 = arith.muli %scan3A_408, %mul3A_409 : i32
        %add3A_411 = arith.constant 0 : i32
        %add3A_412 = arith.addi %mul3A_410, %add3A_411 : i32
        %get3A_413 = arith.index_cast %add3A_412 : i32 to index
        %get3A_414 = tpu.vector_load %arg5[%get3A_413] {strides = array<i32>} : memref<32000xf32, #tpu.memory_space<vmem>>, vector<16xf32>,
        %get3A_415 = vector.shape_cast %get3A_414 : vector<16xf32> to vector<16xf32>
        %add3A_416 = arith.addf %add3A_364, %get3A_415 : vector<16xf32>
        %add3A_417 = arith.constant 16 : i32
        %add3A_418 = arith.addi %mul3A_410, %add3A_417 : i32
        %get3A_419 = arith.index_cast %add3A_418 : i32 to index
        %get3A_420 = tpu.vector_load %arg5[%get3A_419] {strides = array<i32>} : memref<32000xf32, #tpu.memory_space<vmem>>, vector<16xf32>,
        %get3A_421 = vector.shape_cast %get3A_420 : vector<16xf32> to vector<16xf32>
        %add3A_422 = arith.addf %add3A_370, %get3A_421 : vector<16xf32>
        %add3A_423 = arith.constant 32 : i32
        %add3A_424 = arith.addi %mul3A_410, %add3A_423 : i32
        %get3A_425 = arith.index_cast %add3A_424 : i32 to index
        %get3A_426 = tpu.vector_load %arg5[%get3A_425] {strides = array<i32>} : memref<32000xf32, #tpu.memory_space<vmem>>, vector<16xf32>,
        %get3A_427 = vector.shape_cast %get3A_426 : vector<16xf32> to vector<16xf32>
        %add3A_428 = arith.addf %add3A_376, %get3A_427 : vector<16xf32>
        %add3A_429 = arith.constant 48 : i32
        %add3A_430 = arith.addi %mul3A_410, %add3A_429 : i32
        %get3A_431 = arith.index_cast %add3A_430 : i32 to index
        %get3A_432 = tpu.vector_load %arg5[%get3A_431] {strides = array<i32>} : memref<32000xf32, #tpu.memory_space<vmem>>, vector<16xf32>,
        %get3A_433 = vector.shape_cast %get3A_432 : vector<16xf32> to vector<16xf32>
        %add3A_434 = arith.addf %add3A_382, %get3A_433 : vector<16xf32>
        %add3A_435 = arith.constant 64 : i32
        %add3A_436 = arith.addi %mul3A_410, %add3A_435 : i32
        %get3A_437 = arith.index_cast %add3A_436 : i32 to index
        %get3A_438 = tpu.vector_load %arg5[%get3A_437] {strides = array<i32>} : memref<32000xf32, #tpu.memory_space<vmem>>, vector<16xf32>,
        %get3A_439 = vector.shape_cast %get3A_438 : vector<16xf32> to vector<16xf32>
        %add3A_440 = arith.addf %add3A_388, %get3A_439 : vector<16xf32>
        %add3A_441 = arith.constant 80 : i32
        %add3A_442 = arith.addi %mul3A_410, %add3A_441 : i32
        %get3A_443 = arith.index_cast %add3A_442 : i32 to index
        %get3A_444 = tpu.vector_load %arg5[%get3A_443] {strides = array<i32>} : memref<32000xf32, #tpu.memory_space<vmem>>, vector<16xf32>,
        %get3A_445 = vector.shape_cast %get3A_444 : vector<16xf32> to vector<16xf32>
        %add3A_446 = arith.addf %add3A_394, %get3A_445 : vector<16xf32>
        %add3A_447 = arith.constant 96 : i32
        %add3A_448 = arith.addi %mul3A_410, %add3A_447 : i32
        %get3A_449 = arith.index_cast %add3A_448 : i32 to index
        %get3A_450 = tpu.vector_load %arg5[%get3A_449] {strides = array<i32>} : memref<32000xf32, #tpu.memory_space<vmem>>, vector<16xf32>,
        %get3A_451 = vector.shape_cast %get3A_450 : vector<16xf32> to vector<16xf32>
        %add3A_452 = arith.addf %add3A_400, %get3A_451 : vector<16xf32>
        %add3A_453 = arith.constant 112 : i32
        %add3A_454 = arith.addi %mul3A_410, %add3A_453 : i32
        %get3A_455 = arith.index_cast %add3A_454 : i32 to index
        %get3A_456 = tpu.vector_load %arg5[%get3A_455] {strides = array<i32>} : memref<32000xf32, #tpu.memory_space<vmem>>, vector<16xf32>,
        %get3A_457 = vector.shape_cast %get3A_456 : vector<16xf32> to vector<16xf32>
        %add3A_458 = arith.addf %add3A_406, %get3A_457 : vector<16xf32>
        scf.yield %add3A_416, %add3A_422, %add3A_428, %add3A_434, %add3A_440, %add3A_446, %add3A_452, %add3A_458 : vector<16xf32>, vector<16xf32>, vector<16xf32>, vector<16xf32>, vector<16xf32>, vector<16xf32>, vector<16xf32>, vector<16xf32>
      }
      %scan3A_109 = arith.constant 250 : i32
      %mul3A_110 = arith.constant 2000 : i32
      %mul3A_111 = arith.muli %add3A_10, %mul3A_110 : i32
      %add3A_112 = arith.constant 0 : i32
      %add3A_113 = arith.addi %add3A_112, %mul3A_111 : i32
      %add3A_114 = arith.constant 1250 : i32
      %add3A_115 = arith.addi %add3A_113, %add3A_114 : i32
      %mul3A_116 = arith.constant 128 : i32
      %mul3A_117 = arith.muli %add3A_115, %mul3A_116 : i32
      %dma_start3A_118 = tpu.memref_slice %arg2[%mul3A_117] : memref<64000000xf32, #tpu.memory_space<hbm>> -> memref<32000xf32, #tpu.memory_space<hbm>>
      %dma_start3A_119 = tpu.memref_slice %arg2[%mul3A_117] : memref<64000000xf32, #tpu.memory_space<hbm>> -> memref<32000xf32, #tpu.memory_space<hbm>>
      tpu.enqueue_dma source(%dma_start3A_119 : memref<32000xf32, #tpu.memory_space<hbm>>) target(%arg5 : memref<32000xf32, #tpu.memory_space<vmem>>) target_semaphore(%arg8 : memref<!tpu.dma_semaphore, #tpu.memory_space<semaphore_mem>>)
      %dma_wait3A_120 = tpu.memref_slice %arg2[%mul3A_99] : memref<64000000xf32, #tpu.memory_space<hbm>> -> memref<32000xf32, #tpu.memory_space<hbm>>
      %dma_wait3A_121 = tpu.memref_slice %arg2[%mul3A_99] : memref<64000000xf32, #tpu.memory_space<hbm>> -> memref<32000xf32, #tpu.memory_space<hbm>>
      tpu.wait_dma2 semaphore(%arg7 : memref<!tpu.dma_semaphore, #tpu.memory_space<semaphore_mem>>) src(%dma_wait3A_121 : memref<32000xf32, #tpu.memory_space<hbm>>) dst(%arg4 : memref<32000xf32, #tpu.memory_space<vmem>>)
      %scan3A_122 = arith.constant 0 : i32
      %scan3A_123 = arith.constant 250 : i32
      %scan3A_124 = arith.addi %scan3A_122, %scan3A_123 : i32
      %scan3A_125 = arith.constant 2 : i32
      %scan3A_126:8 = scf.for %scan3A_349 = %scan3A_122 to %scan3A_124 step %scan3A_125 iter_args(%scan3A_350 = %scan3A_108#0, %scan3A_351 = %scan3A_108#1, %scan3A_352 = %scan3A_108#2, %scan3A_353 = %scan3A_108#3, %scan3A_354 = %scan3A_108#4, %scan3A_355 = %scan3A_108#5, %scan3A_356 = %scan3A_108#6, %scan3A_357 = %scan3A_108#7) -> (vector<16xf32>, vector<16xf32>, vector<16xf32>, vector<16xf32>, vector<16xf32>, vector<16xf32>, vector<16xf32>, vector<16xf32>)  : i32 {
        %mul3A_358 = arith.constant 128 : i32
        %mul3A_359 = arith.muli %scan3A_349, %mul3A_358 : i32
        %add3A_360 = arith.constant 0 : i32
        %add3A_361 = arith.addi %mul3A_359, %add3A_360 : i32
        %get3A = arith.index_cast %add3A_361 : i32 to index
        %get3A_362 = tpu.vector_load %arg4[%get3A] {strides = array<i32>} : memref<32000xf32, #tpu.memory_space<vmem>>, vector<16xf32>,
        %get3A_363 = vector.shape_cast %get3A_362 : vector<16xf32> to vector<16xf32>
        %add3A_364 = arith.addf %scan3A_350, %get3A_363 : vector<16xf32>
        %add3A_365 = arith.constant 16 : i32
        %add3A_366 = arith.addi %mul3A_359, %add3A_365 : i32
        %get3A_367 = arith.index_cast %add3A_366 : i32 to index
        %get3A_368 = tpu.vector_load %arg4[%get3A_367] {strides = array<i32>} : memref<32000xf32, #tpu.memory_space<vmem>>, vector<16xf32>,
        %get3A_369 = vector.shape_cast %get3A_368 : vector<16xf32> to vector<16xf32>
        %add3A_370 = arith.addf %scan3A_351, %get3A_369 : vector<16xf32>
        %add3A_371 = arith.constant 32 : i32
        %add3A_372 = arith.addi %mul3A_359, %add3A_371 : i32
        %get3A_373 = arith.index_cast %add3A_372 : i32 to index
        %get3A_374 = tpu.vector_load %arg4[%get3A_373] {strides = array<i32>} : memref<32000xf32, #tpu.memory_space<vmem>>, vector<16xf32>,
        %get3A_375 = vector.shape_cast %get3A_374 : vector<16xf32> to vector<16xf32>
        %add3A_376 = arith.addf %scan3A_352, %get3A_375 : vector<16xf32>
        %add3A_377 = arith.constant 48 : i32
        %add3A_378 = arith.addi %mul3A_359, %add3A_377 : i32
        %get3A_379 = arith.index_cast %add3A_378 : i32 to index
        %get3A_380 = tpu.vector_load %arg4[%get3A_379] {strides = array<i32>} : memref<32000xf32, #tpu.memory_space<vmem>>, vector<16xf32>,
        %get3A_381 = vector.shape_cast %get3A_380 : vector<16xf32> to vector<16xf32>
        %add3A_382 = arith.addf %scan3A_353, %get3A_381 : vector<16xf32>
        %add3A_383 = arith.constant 64 : i32
        %add3A_384 = arith.addi %mul3A_359, %add3A_383 : i32
        %get3A_385 = arith.index_cast %add3A_384 : i32 to index
        %get3A_386 = tpu.vector_load %arg4[%get3A_385] {strides = array<i32>} : memref<32000xf32, #tpu.memory_space<vmem>>, vector<16xf32>,
        %get3A_387 = vector.shape_cast %get3A_386 : vector<16xf32> to vector<16xf32>
        %add3A_388 = arith.addf %scan3A_354, %get3A_387 : vector<16xf32>
        %add3A_389 = arith.constant 80 : i32
        %add3A_390 = arith.addi %mul3A_359, %add3A_389 : i32
        %get3A_391 = arith.index_cast %add3A_390 : i32 to index
        %get3A_392 = tpu.vector_load %arg4[%get3A_391] {strides = array<i32>} : memref<32000xf32, #tpu.memory_space<vmem>>, vector<16xf32>,
        %get3A_393 = vector.shape_cast %get3A_392 : vector<16xf32> to vector<16xf32>
        %add3A_394 = arith.addf %scan3A_355, %get3A_393 : vector<16xf32>
        %add3A_395 = arith.constant 96 : i32
        %add3A_396 = arith.addi %mul3A_359, %add3A_395 : i32
        %get3A_397 = arith.index_cast %add3A_396 : i32 to index
        %get3A_398 = tpu.vector_load %arg4[%get3A_397] {strides = array<i32>} : memref<32000xf32, #tpu.memory_space<vmem>>, vector<16xf32>,
        %get3A_399 = vector.shape_cast %get3A_398 : vector<16xf32> to vector<16xf32>
        %add3A_400 = arith.addf %scan3A_356, %get3A_399 : vector<16xf32>
        %add3A_401 = arith.constant 112 : i32
        %add3A_402 = arith.addi %mul3A_359, %add3A_401 : i32
        %get3A_403 = arith.index_cast %add3A_402 : i32 to index
        %get3A_404 = tpu.vector_load %arg4[%get3A_403] {strides = array<i32>} : memref<32000xf32, #tpu.memory_space<vmem>>, vector<16xf32>,
        %get3A_405 = vector.shape_cast %get3A_404 : vector<16xf32> to vector<16xf32>
        %add3A_406 = arith.addf %scan3A_357, %get3A_405 : vector<16xf32>
        %scan3A_407 = arith.constant 1 : i32
        %scan3A_408 = arith.addi %scan3A_349, %scan3A_407 : i32
        %mul3A_409 = arith.constant 128 : i32
        %mul3A_410 = arith.muli %scan3A_408, %mul3A_409 : i32
        %add3A_411 = arith.constant 0 : i32
        %add3A_412 = arith.addi %mul3A_410, %add3A_411 : i32
        %get3A_413 = arith.index_cast %add3A_412 : i32 to index
        %get3A_414 = tpu.vector_load %arg4[%get3A_413] {strides = array<i32>} : memref<32000xf32, #tpu.memory_space<vmem>>, vector<16xf32>,
        %get3A_415 = vector.shape_cast %get3A_414 : vector<16xf32> to vector<16xf32>
        %add3A_416 = arith.addf %add3A_364, %get3A_415 : vector<16xf32>
        %add3A_417 = arith.constant 16 : i32
        %add3A_418 = arith.addi %mul3A_410, %add3A_417 : i32
        %get3A_419 = arith.index_cast %add3A_418 : i32 to index
        %get3A_420 = tpu.vector_load %arg4[%get3A_419] {strides = array<i32>} : memref<32000xf32, #tpu.memory_space<vmem>>, vector<16xf32>,
        %get3A_421 = vector.shape_cast %get3A_420 : vector<16xf32> to vector<16xf32>
        %add3A_422 = arith.addf %add3A_370, %get3A_421 : vector<16xf32>
        %add3A_423 = arith.constant 32 : i32
        %add3A_424 = arith.addi %mul3A_410, %add3A_423 : i32
        %get3A_425 = arith.index_cast %add3A_424 : i32 to index
        %get3A_426 = tpu.vector_load %arg4[%get3A_425] {strides = array<i32>} : memref<32000xf32, #tpu.memory_space<vmem>>, vector<16xf32>,
        %get3A_427 = vector.shape_cast %get3A_426 : vector<16xf32> to vector<16xf32>
        %add3A_428 = arith.addf %add3A_376, %get3A_427 : vector<16xf32>
        %add3A_429 = arith.constant 48 : i32
        %add3A_430 = arith.addi %mul3A_410, %add3A_429 : i32
        %get3A_431 = arith.index_cast %add3A_430 : i32 to index
        %get3A_432 = tpu.vector_load %arg4[%get3A_431] {strides = array<i32>} : memref<32000xf32, #tpu.memory_space<vmem>>, vector<16xf32>,
        %get3A_433 = vector.shape_cast %get3A_432 : vector<16xf32> to vector<16xf32>
        %add3A_434 = arith.addf %add3A_382, %get3A_433 : vector<16xf32>
        %add3A_435 = arith.constant 64 : i32
        %add3A_436 = arith.addi %mul3A_410, %add3A_435 : i32
        %get3A_437 = arith.index_cast %add3A_436 : i32 to index
        %get3A_438 = tpu.vector_load %arg4[%get3A_437] {strides = array<i32>} : memref<32000xf32, #tpu.memory_space<vmem>>, vector<16xf32>,
        %get3A_439 = vector.shape_cast %get3A_438 : vector<16xf32> to vector<16xf32>
        %add3A_440 = arith.addf %add3A_388, %get3A_439 : vector<16xf32>
        %add3A_441 = arith.constant 80 : i32
        %add3A_442 = arith.addi %mul3A_410, %add3A_441 : i32
        %get3A_443 = arith.index_cast %add3A_442 : i32 to index
        %get3A_444 = tpu.vector_load %arg4[%get3A_443] {strides = array<i32>} : memref<32000xf32, #tpu.memory_space<vmem>>, vector<16xf32>,
        %get3A_445 = vector.shape_cast %get3A_444 : vector<16xf32> to vector<16xf32>
        %add3A_446 = arith.addf %add3A_394, %get3A_445 : vector<16xf32>
        %add3A_447 = arith.constant 96 : i32
        %add3A_448 = arith.addi %mul3A_410, %add3A_447 : i32
        %get3A_449 = arith.index_cast %add3A_448 : i32 to index
        %get3A_450 = tpu.vector_load %arg4[%get3A_449] {strides = array<i32>} : memref<32000xf32, #tpu.memory_space<vmem>>, vector<16xf32>,
        %get3A_451 = vector.shape_cast %get3A_450 : vector<16xf32> to vector<16xf32>
        %add3A_452 = arith.addf %add3A_400, %get3A_451 : vector<16xf32>
        %add3A_453 = arith.constant 112 : i32
        %add3A_454 = arith.addi %mul3A_410, %add3A_453 : i32
        %get3A_455 = arith.index_cast %add3A_454 : i32 to index
        %get3A_456 = tpu.vector_load %arg4[%get3A_455] {strides = array<i32>} : memref<32000xf32, #tpu.memory_space<vmem>>, vector<16xf32>,
        %get3A_457 = vector.shape_cast %get3A_456 : vector<16xf32> to vector<16xf32>
        %add3A_458 = arith.addf %add3A_406, %get3A_457 : vector<16xf32>
        scf.yield %add3A_416, %add3A_422, %add3A_428, %add3A_434, %add3A_440, %add3A_446, %add3A_452, %add3A_458 : vector<16xf32>, vector<16xf32>, vector<16xf32>, vector<16xf32>, vector<16xf32>, vector<16xf32>, vector<16xf32>, vector<16xf32>
      }
      %scan3A_127 = arith.constant 250 : i32
      %mul3A_128 = arith.constant 2000 : i32
      %mul3A_129 = arith.muli %add3A_10, %mul3A_128 : i32
      %add3A_130 = arith.constant 0 : i32
      %add3A_131 = arith.addi %add3A_130, %mul3A_129 : i32
      %add3A_132 = arith.constant 1500 : i32
      %add3A_133 = arith.addi %add3A_131, %add3A_132 : i32
      %mul3A_134 = arith.constant 128 : i32
      %mul3A_135 = arith.muli %add3A_133, %mul3A_134 : i32
      %dma_start3A_136 = tpu.memref_slice %arg2[%mul3A_135] : memref<64000000xf32, #tpu.memory_space<hbm>> -> memref<32000xf32, #tpu.memory_space<hbm>>
      %dma_start3A_137 = tpu.memref_slice %arg2[%mul3A_135] : memref<64000000xf32, #tpu.memory_space<hbm>> -> memref<32000xf32, #tpu.memory_space<hbm>>
      tpu.enqueue_dma source(%dma_start3A_137 : memref<32000xf32, #tpu.memory_space<hbm>>) target(%arg4 : memref<32000xf32, #tpu.memory_space<vmem>>) target_semaphore(%arg7 : memref<!tpu.dma_semaphore, #tpu.memory_space<semaphore_mem>>)
      %dma_wait3A_138 = tpu.memref_slice %arg2[%mul3A_117] : memref<64000000xf32, #tpu.memory_space<hbm>> -> memref<32000xf32, #tpu.memory_space<hbm>>
      %dma_wait3A_139 = tpu.memref_slice %arg2[%mul3A_117] : memref<64000000xf32, #tpu.memory_space<hbm>> -> memref<32000xf32, #tpu.memory_space<hbm>>
      tpu.wait_dma2 semaphore(%arg8 : memref<!tpu.dma_semaphore, #tpu.memory_space<semaphore_mem>>) src(%dma_wait3A_139 : memref<32000xf32, #tpu.memory_space<hbm>>) dst(%arg5 : memref<32000xf32, #tpu.memory_space<vmem>>)
      %scan3A_140 = arith.constant 0 : i32
      %scan3A_141 = arith.constant 250 : i32
      %scan3A_142 = arith.addi %scan3A_140, %scan3A_141 : i32
      %scan3A_143 = arith.constant 2 : i32
      %scan3A_144:8 = scf.for %scan3A_349 = %scan3A_140 to %scan3A_142 step %scan3A_143 iter_args(%scan3A_350 = %scan3A_126#0, %scan3A_351 = %scan3A_126#1, %scan3A_352 = %scan3A_126#2, %scan3A_353 = %scan3A_126#3, %scan3A_354 = %scan3A_126#4, %scan3A_355 = %scan3A_126#5, %scan3A_356 = %scan3A_126#6, %scan3A_357 = %scan3A_126#7) -> (vector<16xf32>, vector<16xf32>, vector<16xf32>, vector<16xf32>, vector<16xf32>, vector<16xf32>, vector<16xf32>, vector<16xf32>)  : i32 {
        %mul3A_358 = arith.constant 128 : i32
        %mul3A_359 = arith.muli %scan3A_349, %mul3A_358 : i32
        %add3A_360 = arith.constant 0 : i32
        %add3A_361 = arith.addi %mul3A_359, %add3A_360 : i32
        %get3A = arith.index_cast %add3A_361 : i32 to index
        %get3A_362 = tpu.vector_load %arg5[%get3A] {strides = array<i32>} : memref<32000xf32, #tpu.memory_space<vmem>>, vector<16xf32>,
        %get3A_363 = vector.shape_cast %get3A_362 : vector<16xf32> to vector<16xf32>
        %add3A_364 = arith.addf %scan3A_350, %get3A_363 : vector<16xf32>
        %add3A_365 = arith.constant 16 : i32
        %add3A_366 = arith.addi %mul3A_359, %add3A_365 : i32
        %get3A_367 = arith.index_cast %add3A_366 : i32 to index
        %get3A_368 = tpu.vector_load %arg5[%get3A_367] {strides = array<i32>} : memref<32000xf32, #tpu.memory_space<vmem>>, vector<16xf32>,
        %get3A_369 = vector.shape_cast %get3A_368 : vector<16xf32> to vector<16xf32>
        %add3A_370 = arith.addf %scan3A_351, %get3A_369 : vector<16xf32>
        %add3A_371 = arith.constant 32 : i32
        %add3A_372 = arith.addi %mul3A_359, %add3A_371 : i32
        %get3A_373 = arith.index_cast %add3A_372 : i32 to index
        %get3A_374 = tpu.vector_load %arg5[%get3A_373] {strides = array<i32>} : memref<32000xf32, #tpu.memory_space<vmem>>, vector<16xf32>,
        %get3A_375 = vector.shape_cast %get3A_374 : vector<16xf32> to vector<16xf32>
        %add3A_376 = arith.addf %scan3A_352, %get3A_375 : vector<16xf32>
        %add3A_377 = arith.constant 48 : i32
        %add3A_378 = arith.addi %mul3A_359, %add3A_377 : i32
        %get3A_379 = arith.index_cast %add3A_378 : i32 to index
        %get3A_380 = tpu.vector_load %arg5[%get3A_379] {strides = array<i32>} : memref<32000xf32, #tpu.memory_space<vmem>>, vector<16xf32>,
        %get3A_381 = vector.shape_cast %get3A_380 : vector<16xf32> to vector<16xf32>
        %add3A_382 = arith.addf %scan3A_353, %get3A_381 : vector<16xf32>
        %add3A_383 = arith.constant 64 : i32
        %add3A_384 = arith.addi %mul3A_359, %add3A_383 : i32
        %get3A_385 = arith.index_cast %add3A_384 : i32 to index
        %get3A_386 = tpu.vector_load %arg5[%get3A_385] {strides = array<i32>} : memref<32000xf32, #tpu.memory_space<vmem>>, vector<16xf32>,
        %get3A_387 = vector.shape_cast %get3A_386 : vector<16xf32> to vector<16xf32>
        %add3A_388 = arith.addf %scan3A_354, %get3A_387 : vector<16xf32>
        %add3A_389 = arith.constant 80 : i32
        %add3A_390 = arith.addi %mul3A_359, %add3A_389 : i32
        %get3A_391 = arith.index_cast %add3A_390 : i32 to index
        %get3A_392 = tpu.vector_load %arg5[%get3A_391] {strides = array<i32>} : memref<32000xf32, #tpu.memory_space<vmem>>, vector<16xf32>,
        %get3A_393 = vector.shape_cast %get3A_392 : vector<16xf32> to vector<16xf32>
        %add3A_394 = arith.addf %scan3A_355, %get3A_393 : vector<16xf32>
        %add3A_395 = arith.constant 96 : i32
        %add3A_396 = arith.addi %mul3A_359, %add3A_395 : i32
        %get3A_397 = arith.index_cast %add3A_396 : i32 to index
        %get3A_398 = tpu.vector_load %arg5[%get3A_397] {strides = array<i32>} : memref<32000xf32, #tpu.memory_space<vmem>>, vector<16xf32>,
        %get3A_399 = vector.shape_cast %get3A_398 : vector<16xf32> to vector<16xf32>
        %add3A_400 = arith.addf %scan3A_356, %get3A_399 : vector<16xf32>
        %add3A_401 = arith.constant 112 : i32
        %add3A_402 = arith.addi %mul3A_359, %add3A_401 : i32
        %get3A_403 = arith.index_cast %add3A_402 : i32 to index
        %get3A_404 = tpu.vector_load %arg5[%get3A_403] {strides = array<i32>} : memref<32000xf32, #tpu.memory_space<vmem>>, vector<16xf32>,
        %get3A_405 = vector.shape_cast %get3A_404 : vector<16xf32> to vector<16xf32>
        %add3A_406 = arith.addf %scan3A_357, %get3A_405 : vector<16xf32>
        %scan3A_407 = arith.constant 1 : i32
        %scan3A_408 = arith.addi %scan3A_349, %scan3A_407 : i32
        %mul3A_409 = arith.constant 128 : i32
        %mul3A_410 = arith.muli %scan3A_408, %mul3A_409 : i32
        %add3A_411 = arith.constant 0 : i32
        %add3A_412 = arith.addi %mul3A_410, %add3A_411 : i32
        %get3A_413 = arith.index_cast %add3A_412 : i32 to index
        %get3A_414 = tpu.vector_load %arg5[%get3A_413] {strides = array<i32>} : memref<32000xf32, #tpu.memory_space<vmem>>, vector<16xf32>,
        %get3A_415 = vector.shape_cast %get3A_414 : vector<16xf32> to vector<16xf32>
        %add3A_416 = arith.addf %add3A_364, %get3A_415 : vector<16xf32>
        %add3A_417 = arith.constant 16 : i32
        %add3A_418 = arith.addi %mul3A_410, %add3A_417 : i32
        %get3A_419 = arith.index_cast %add3A_418 : i32 to index
        %get3A_420 = tpu.vector_load %arg5[%get3A_419] {strides = array<i32>} : memref<32000xf32, #tpu.memory_space<vmem>>, vector<16xf32>,
        %get3A_421 = vector.shape_cast %get3A_420 : vector<16xf32> to vector<16xf32>
        %add3A_422 = arith.addf %add3A_370, %get3A_421 : vector<16xf32>
        %add3A_423 = arith.constant 32 : i32
        %add3A_424 = arith.addi %mul3A_410, %add3A_423 : i32
        %get3A_425 = arith.index_cast %add3A_424 : i32 to index
        %get3A_426 = tpu.vector_load %arg5[%get3A_425] {strides = array<i32>} : memref<32000xf32, #tpu.memory_space<vmem>>, vector<16xf32>,
        %get3A_427 = vector.shape_cast %get3A_426 : vector<16xf32> to vector<16xf32>
        %add3A_428 = arith.addf %add3A_376, %get3A_427 : vector<16xf32>
        %add3A_429 = arith.constant 48 : i32
        %add3A_430 = arith.addi %mul3A_410, %add3A_429 : i32
        %get3A_431 = arith.index_cast %add3A_430 : i32 to index
        %get3A_432 = tpu.vector_load %arg5[%get3A_431] {strides = array<i32>} : memref<32000xf32, #tpu.memory_space<vmem>>, vector<16xf32>,
        %get3A_433 = vector.shape_cast %get3A_432 : vector<16xf32> to vector<16xf32>
        %add3A_434 = arith.addf %add3A_382, %get3A_433 : vector<16xf32>
        %add3A_435 = arith.constant 64 : i32
        %add3A_436 = arith.addi %mul3A_410, %add3A_435 : i32
        %get3A_437 = arith.index_cast %add3A_436 : i32 to index
        %get3A_438 = tpu.vector_load %arg5[%get3A_437] {strides = array<i32>} : memref<32000xf32, #tpu.memory_space<vmem>>, vector<16xf32>,
        %get3A_439 = vector.shape_cast %get3A_438 : vector<16xf32> to vector<16xf32>
        %add3A_440 = arith.addf %add3A_388, %get3A_439 : vector<16xf32>
        %add3A_441 = arith.constant 80 : i32
        %add3A_442 = arith.addi %mul3A_410, %add3A_441 : i32
        %get3A_443 = arith.index_cast %add3A_442 : i32 to index
        %get3A_444 = tpu.vector_load %arg5[%get3A_443] {strides = array<i32>} : memref<32000xf32, #tpu.memory_space<vmem>>, vector<16xf32>,
        %get3A_445 = vector.shape_cast %get3A_444 : vector<16xf32> to vector<16xf32>
        %add3A_446 = arith.addf %add3A_394, %get3A_445 : vector<16xf32>
        %add3A_447 = arith.constant 96 : i32
        %add3A_448 = arith.addi %mul3A_410, %add3A_447 : i32
        %get3A_449 = arith.index_cast %add3A_448 : i32 to index
        %get3A_450 = tpu.vector_load %arg5[%get3A_449] {strides = array<i32>} : memref<32000xf32, #tpu.memory_space<vmem>>, vector<16xf32>,
        %get3A_451 = vector.shape_cast %get3A_450 : vector<16xf32> to vector<16xf32>
        %add3A_452 = arith.addf %add3A_400, %get3A_451 : vector<16xf32>
        %add3A_453 = arith.constant 112 : i32
        %add3A_454 = arith.addi %mul3A_410, %add3A_453 : i32
        %get3A_455 = arith.index_cast %add3A_454 : i32 to index
        %get3A_456 = tpu.vector_load %arg5[%get3A_455] {strides = array<i32>} : memref<32000xf32, #tpu.memory_space<vmem>>, vector<16xf32>,
        %get3A_457 = vector.shape_cast %get3A_456 : vector<16xf32> to vector<16xf32>
        %add3A_458 = arith.addf %add3A_406, %get3A_457 : vector<16xf32>
        scf.yield %add3A_416, %add3A_422, %add3A_428, %add3A_434, %add3A_440, %add3A_446, %add3A_452, %add3A_458 : vector<16xf32>, vector<16xf32>, vector<16xf32>, vector<16xf32>, vector<16xf32>, vector<16xf32>, vector<16xf32>, vector<16xf32>
      }
      %scan3A_145 = arith.constant 250 : i32
      %mul3A_146 = arith.constant 2000 : i32
      %mul3A_147 = arith.muli %add3A_10, %mul3A_146 : i32
      %add3A_148 = arith.constant 0 : i32
      %add3A_149 = arith.addi %add3A_148, %mul3A_147 : i32
      %add3A_150 = arith.constant 1750 : i32
      %add3A_151 = arith.addi %add3A_149, %add3A_150 : i32
      %mul3A_152 = arith.constant 128 : i32
      %mul3A_153 = arith.muli %add3A_151, %mul3A_152 : i32
      %dma_start3A_154 = tpu.memref_slice %arg2[%mul3A_153] : memref<64000000xf32, #tpu.memory_space<hbm>> -> memref<32000xf32, #tpu.memory_space<hbm>>
      %dma_start3A_155 = tpu.memref_slice %arg2[%mul3A_153] : memref<64000000xf32, #tpu.memory_space<hbm>> -> memref<32000xf32, #tpu.memory_space<hbm>>
      tpu.enqueue_dma source(%dma_start3A_155 : memref<32000xf32, #tpu.memory_space<hbm>>) target(%arg5 : memref<32000xf32, #tpu.memory_space<vmem>>) target_semaphore(%arg8 : memref<!tpu.dma_semaphore, #tpu.memory_space<semaphore_mem>>)
      %dma_wait3A_156 = tpu.memref_slice %arg2[%mul3A_135] : memref<64000000xf32, #tpu.memory_space<hbm>> -> memref<32000xf32, #tpu.memory_space<hbm>>
      %dma_wait3A_157 = tpu.memref_slice %arg2[%mul3A_135] : memref<64000000xf32, #tpu.memory_space<hbm>> -> memref<32000xf32, #tpu.memory_space<hbm>>
      tpu.wait_dma2 semaphore(%arg7 : memref<!tpu.dma_semaphore, #tpu.memory_space<semaphore_mem>>) src(%dma_wait3A_157 : memref<32000xf32, #tpu.memory_space<hbm>>) dst(%arg4 : memref<32000xf32, #tpu.memory_space<vmem>>)
      %scan3A_158 = arith.constant 0 : i32
      %scan3A_159 = arith.constant 250 : i32
      %scan3A_160 = arith.addi %scan3A_158, %scan3A_159 : i32
      %scan3A_161 = arith.constant 2 : i32
      %scan3A_162:8 = scf.for %scan3A_349 = %scan3A_158 to %scan3A_160 step %scan3A_161 iter_args(%scan3A_350 = %scan3A_144#0, %scan3A_351 = %scan3A_144#1, %scan3A_352 = %scan3A_144#2, %scan3A_353 = %scan3A_144#3, %scan3A_354 = %scan3A_144#4, %scan3A_355 = %scan3A_144#5, %scan3A_356 = %scan3A_144#6, %scan3A_357 = %scan3A_144#7) -> (vector<16xf32>, vector<16xf32>, vector<16xf32>, vector<16xf32>, vector<16xf32>, vector<16xf32>, vector<16xf32>, vector<16xf32>)  : i32 {
        %mul3A_358 = arith.constant 128 : i32
        %mul3A_359 = arith.muli %scan3A_349, %mul3A_358 : i32
        %add3A_360 = arith.constant 0 : i32
        %add3A_361 = arith.addi %mul3A_359, %add3A_360 : i32
        %get3A = arith.index_cast %add3A_361 : i32 to index
        %get3A_362 = tpu.vector_load %arg4[%get3A] {strides = array<i32>} : memref<32000xf32, #tpu.memory_space<vmem>>, vector<16xf32>,
        %get3A_363 = vector.shape_cast %get3A_362 : vector<16xf32> to vector<16xf32>
        %add3A_364 = arith.addf %scan3A_350, %get3A_363 : vector<16xf32>
        %add3A_365 = arith.constant 16 : i32
        %add3A_366 = arith.addi %mul3A_359, %add3A_365 : i32
        %get3A_367 = arith.index_cast %add3A_366 : i32 to index
        %get3A_368 = tpu.vector_load %arg4[%get3A_367] {strides = array<i32>} : memref<32000xf32, #tpu.memory_space<vmem>>, vector<16xf32>,
        %get3A_369 = vector.shape_cast %get3A_368 : vector<16xf32> to vector<16xf32>
        %add3A_370 = arith.addf %scan3A_351, %get3A_369 : vector<16xf32>
        %add3A_371 = arith.constant 32 : i32
        %add3A_372 = arith.addi %mul3A_359, %add3A_371 : i32
        %get3A_373 = arith.index_cast %add3A_372 : i32 to index
        %get3A_374 = tpu.vector_load %arg4[%get3A_373] {strides = array<i32>} : memref<32000xf32, #tpu.memory_space<vmem>>, vector<16xf32>,
        %get3A_375 = vector.shape_cast %get3A_374 : vector<16xf32> to vector<16xf32>
        %add3A_376 = arith.addf %scan3A_352, %get3A_375 : vector<16xf32>
        %add3A_377 = arith.constant 48 : i32
        %add3A_378 = arith.addi %mul3A_359, %add3A_377 : i32
        %get3A_379 = arith.index_cast %add3A_378 : i32 to index
        %get3A_380 = tpu.vector_load %arg4[%get3A_379] {strides = array<i32>} : memref<32000xf32, #tpu.memory_space<vmem>>, vector<16xf32>,
        %get3A_381 = vector.shape_cast %get3A_380 : vector<16xf32> to vector<16xf32>
        %add3A_382 = arith.addf %scan3A_353, %get3A_381 : vector<16xf32>
        %add3A_383 = arith.constant 64 : i32
        %add3A_384 = arith.addi %mul3A_359, %add3A_383 : i32
        %get3A_385 = arith.index_cast %add3A_384 : i32 to index
        %get3A_386 = tpu.vector_load %arg4[%get3A_385] {strides = array<i32>} : memref<32000xf32, #tpu.memory_space<vmem>>, vector<16xf32>,
        %get3A_387 = vector.shape_cast %get3A_386 : vector<16xf32> to vector<16xf32>
        %add3A_388 = arith.addf %scan3A_354, %get3A_387 : vector<16xf32>
        %add3A_389 = arith.constant 80 : i32
        %add3A_390 = arith.addi %mul3A_359, %add3A_389 : i32
        %get3A_391 = arith.index_cast %add3A_390 : i32 to index
        %get3A_392 = tpu.vector_load %arg4[%get3A_391] {strides = array<i32>} : memref<32000xf32, #tpu.memory_space<vmem>>, vector<16xf32>,
        %get3A_393 = vector.shape_cast %get3A_392 : vector<16xf32> to vector<16xf32>
        %add3A_394 = arith.addf %scan3A_355, %get3A_393 : vector<16xf32>
        %add3A_395 = arith.constant 96 : i32
        %add3A_396 = arith.addi %mul3A_359, %add3A_395 : i32
        %get3A_397 = arith.index_cast %add3A_396 : i32 to index
        %get3A_398 = tpu.vector_load %arg4[%get3A_397] {strides = array<i32>} : memref<32000xf32, #tpu.memory_space<vmem>>, vector<16xf32>,
        %get3A_399 = vector.shape_cast %get3A_398 : vector<16xf32> to vector<16xf32>
        %add3A_400 = arith.addf %scan3A_356, %get3A_399 : vector<16xf32>
        %add3A_401 = arith.constant 112 : i32
        %add3A_402 = arith.addi %mul3A_359, %add3A_401 : i32
        %get3A_403 = arith.index_cast %add3A_402 : i32 to index
        %get3A_404 = tpu.vector_load %arg4[%get3A_403] {strides = array<i32>} : memref<32000xf32, #tpu.memory_space<vmem>>, vector<16xf32>,
        %get3A_405 = vector.shape_cast %get3A_404 : vector<16xf32> to vector<16xf32>
        %add3A_406 = arith.addf %scan3A_357, %get3A_405 : vector<16xf32>
        %scan3A_407 = arith.constant 1 : i32
        %scan3A_408 = arith.addi %scan3A_349, %scan3A_407 : i32
        %mul3A_409 = arith.constant 128 : i32
        %mul3A_410 = arith.muli %scan3A_408, %mul3A_409 : i32
        %add3A_411 = arith.constant 0 : i32
        %add3A_412 = arith.addi %mul3A_410, %add3A_411 : i32
        %get3A_413 = arith.index_cast %add3A_412 : i32 to index
        %get3A_414 = tpu.vector_load %arg4[%get3A_413] {strides = array<i32>} : memref<32000xf32, #tpu.memory_space<vmem>>, vector<16xf32>,
        %get3A_415 = vector.shape_cast %get3A_414 : vector<16xf32> to vector<16xf32>
        %add3A_416 = arith.addf %add3A_364, %get3A_415 : vector<16xf32>
        %add3A_417 = arith.constant 16 : i32
        %add3A_418 = arith.addi %mul3A_410, %add3A_417 : i32
        %get3A_419 = arith.index_cast %add3A_418 : i32 to index
        %get3A_420 = tpu.vector_load %arg4[%get3A_419] {strides = array<i32>} : memref<32000xf32, #tpu.memory_space<vmem>>, vector<16xf32>,
        %get3A_421 = vector.shape_cast %get3A_420 : vector<16xf32> to vector<16xf32>
        %add3A_422 = arith.addf %add3A_370, %get3A_421 : vector<16xf32>
        %add3A_423 = arith.constant 32 : i32
        %add3A_424 = arith.addi %mul3A_410, %add3A_423 : i32
        %get3A_425 = arith.index_cast %add3A_424 : i32 to index
        %get3A_426 = tpu.vector_load %arg4[%get3A_425] {strides = array<i32>} : memref<32000xf32, #tpu.memory_space<vmem>>, vector<16xf32>,
        %get3A_427 = vector.shape_cast %get3A_426 : vector<16xf32> to vector<16xf32>
        %add3A_428 = arith.addf %add3A_376, %get3A_427 : vector<16xf32>
        %add3A_429 = arith.constant 48 : i32
        %add3A_430 = arith.addi %mul3A_410, %add3A_429 : i32
        %get3A_431 = arith.index_cast %add3A_430 : i32 to index
        %get3A_432 = tpu.vector_load %arg4[%get3A_431] {strides = array<i32>} : memref<32000xf32, #tpu.memory_space<vmem>>, vector<16xf32>,
        %get3A_433 = vector.shape_cast %get3A_432 : vector<16xf32> to vector<16xf32>
        %add3A_434 = arith.addf %add3A_382, %get3A_433 : vector<16xf32>
        %add3A_435 = arith.constant 64 : i32
        %add3A_436 = arith.addi %mul3A_410, %add3A_435 : i32
        %get3A_437 = arith.index_cast %add3A_436 : i32 to index
        %get3A_438 = tpu.vector_load %arg4[%get3A_437] {strides = array<i32>} : memref<32000xf32, #tpu.memory_space<vmem>>, vector<16xf32>,
        %get3A_439 = vector.shape_cast %get3A_438 : vector<16xf32> to vector<16xf32>
        %add3A_440 = arith.addf %add3A_388, %get3A_439 : vector<16xf32>
        %add3A_441 = arith.constant 80 : i32
        %add3A_442 = arith.addi %mul3A_410, %add3A_441 : i32
        %get3A_443 = arith.index_cast %add3A_442 : i32 to index
        %get3A_444 = tpu.vector_load %arg4[%get3A_443] {strides = array<i32>} : memref<32000xf32, #tpu.memory_space<vmem>>, vector<16xf32>,
        %get3A_445 = vector.shape_cast %get3A_444 : vector<16xf32> to vector<16xf32>
        %add3A_446 = arith.addf %add3A_394, %get3A_445 : vector<16xf32>
        %add3A_447 = arith.constant 96 : i32
        %add3A_448 = arith.addi %mul3A_410, %add3A_447 : i32
        %get3A_449 = arith.index_cast %add3A_448 : i32 to index
        %get3A_450 = tpu.vector_load %arg4[%get3A_449] {strides = array<i32>} : memref<32000xf32, #tpu.memory_space<vmem>>, vector<16xf32>,
        %get3A_451 = vector.shape_cast %get3A_450 : vector<16xf32> to vector<16xf32>
        %add3A_452 = arith.addf %add3A_400, %get3A_451 : vector<16xf32>
        %add3A_453 = arith.constant 112 : i32
        %add3A_454 = arith.addi %mul3A_410, %add3A_453 : i32
        %get3A_455 = arith.index_cast %add3A_454 : i32 to index
        %get3A_456 = tpu.vector_load %arg4[%get3A_455] {strides = array<i32>} : memref<32000xf32, #tpu.memory_space<vmem>>, vector<16xf32>,
        %get3A_457 = vector.shape_cast %get3A_456 : vector<16xf32> to vector<16xf32>
        %add3A_458 = arith.addf %add3A_406, %get3A_457 : vector<16xf32>
        scf.yield %add3A_416, %add3A_422, %add3A_428, %add3A_434, %add3A_440, %add3A_446, %add3A_452, %add3A_458 : vector<16xf32>, vector<16xf32>, vector<16xf32>, vector<16xf32>, vector<16xf32>, vector<16xf32>, vector<16xf32>, vector<16xf32>
      }
      %scan3A_163 = arith.constant 250 : i32
      %mul3A_164 = arith.constant 2000 : i32
      %mul3A_165 = arith.muli %add3A_10, %mul3A_164 : i32
      %add3A_166 = arith.constant 250000 : i32
      %add3A_167 = arith.addi %add3A_166, %mul3A_165 : i32
      %add3A_168 = arith.constant 0 : i32
      %add3A_169 = arith.addi %add3A_167, %add3A_168 : i32
      %mul3A_170 = arith.constant 128 : i32
      %mul3A_171 = arith.muli %add3A_169, %mul3A_170 : i32
      %dma_start3A_172 = tpu.memref_slice %arg2[%mul3A_171] : memref<64000000xf32, #tpu.memory_space<hbm>> -> memref<32000xf32, #tpu.memory_space<hbm>>
      %dma_start3A_173 = tpu.memref_slice %arg2[%mul3A_171] : memref<64000000xf32, #tpu.memory_space<hbm>> -> memref<32000xf32, #tpu.memory_space<hbm>>
      tpu.enqueue_dma source(%dma_start3A_173 : memref<32000xf32, #tpu.memory_space<hbm>>) target(%arg4 : memref<32000xf32, #tpu.memory_space<vmem>>) target_semaphore(%arg7 : memref<!tpu.dma_semaphore, #tpu.memory_space<semaphore_mem>>)
      %dma_wait3A_174 = tpu.memref_slice %arg2[%mul3A_153] : memref<64000000xf32, #tpu.memory_space<hbm>> -> memref<32000xf32, #tpu.memory_space<hbm>>
      %dma_wait3A_175 = tpu.memref_slice %arg2[%mul3A_153] : memref<64000000xf32, #tpu.memory_space<hbm>> -> memref<32000xf32, #tpu.memory_space<hbm>>
      tpu.wait_dma2 semaphore(%arg8 : memref<!tpu.dma_semaphore, #tpu.memory_space<semaphore_mem>>) src(%dma_wait3A_175 : memref<32000xf32, #tpu.memory_space<hbm>>) dst(%arg5 : memref<32000xf32, #tpu.memory_space<vmem>>)
      %scan3A_176 = arith.constant 0 : i32
      %scan3A_177 = arith.constant 250 : i32
      %scan3A_178 = arith.addi %scan3A_176, %scan3A_177 : i32
      %scan3A_179 = arith.constant 2 : i32
      %scan3A_180:8 = scf.for %scan3A_349 = %scan3A_176 to %scan3A_178 step %scan3A_179 iter_args(%scan3A_350 = %scan3A_162#0, %scan3A_351 = %scan3A_162#1, %scan3A_352 = %scan3A_162#2, %scan3A_353 = %scan3A_162#3, %scan3A_354 = %scan3A_162#4, %scan3A_355 = %scan3A_162#5, %scan3A_356 = %scan3A_162#6, %scan3A_357 = %scan3A_162#7) -> (vector<16xf32>, vector<16xf32>, vector<16xf32>, vector<16xf32>, vector<16xf32>, vector<16xf32>, vector<16xf32>, vector<16xf32>)  : i32 {
        %mul3A_358 = arith.constant 128 : i32
        %mul3A_359 = arith.muli %scan3A_349, %mul3A_358 : i32
        %add3A_360 = arith.constant 0 : i32
        %add3A_361 = arith.addi %mul3A_359, %add3A_360 : i32
        %get3A = arith.index_cast %add3A_361 : i32 to index
        %get3A_362 = tpu.vector_load %arg5[%get3A] {strides = array<i32>} : memref<32000xf32, #tpu.memory_space<vmem>>, vector<16xf32>,
        %get3A_363 = vector.shape_cast %get3A_362 : vector<16xf32> to vector<16xf32>
        %add3A_364 = arith.addf %scan3A_350, %get3A_363 : vector<16xf32>
        %add3A_365 = arith.constant 16 : i32
        %add3A_366 = arith.addi %mul3A_359, %add3A_365 : i32
        %get3A_367 = arith.index_cast %add3A_366 : i32 to index
        %get3A_368 = tpu.vector_load %arg5[%get3A_367] {strides = array<i32>} : memref<32000xf32, #tpu.memory_space<vmem>>, vector<16xf32>,
        %get3A_369 = vector.shape_cast %get3A_368 : vector<16xf32> to vector<16xf32>
        %add3A_370 = arith.addf %scan3A_351, %get3A_369 : vector<16xf32>
        %add3A_371 = arith.constant 32 : i32
        %add3A_372 = arith.addi %mul3A_359, %add3A_371 : i32
        %get3A_373 = arith.index_cast %add3A_372 : i32 to index
        %get3A_374 = tpu.vector_load %arg5[%get3A_373] {strides = array<i32>} : memref<32000xf32, #tpu.memory_space<vmem>>, vector<16xf32>,
        %get3A_375 = vector.shape_cast %get3A_374 : vector<16xf32> to vector<16xf32>
        %add3A_376 = arith.addf %scan3A_352, %get3A_375 : vector<16xf32>
        %add3A_377 = arith.constant 48 : i32
        %add3A_378 = arith.addi %mul3A_359, %add3A_377 : i32
        %get3A_379 = arith.index_cast %add3A_378 : i32 to index
        %get3A_380 = tpu.vector_load %arg5[%get3A_379] {strides = array<i32>} : memref<32000xf32, #tpu.memory_space<vmem>>, vector<16xf32>,
        %get3A_381 = vector.shape_cast %get3A_380 : vector<16xf32> to vector<16xf32>
        %add3A_382 = arith.addf %scan3A_353, %get3A_381 : vector<16xf32>
        %add3A_383 = arith.constant 64 : i32
        %add3A_384 = arith.addi %mul3A_359, %add3A_383 : i32
        %get3A_385 = arith.index_cast %add3A_384 : i32 to index
        %get3A_386 = tpu.vector_load %arg5[%get3A_385] {strides = array<i32>} : memref<32000xf32, #tpu.memory_space<vmem>>, vector<16xf32>,
        %get3A_387 = vector.shape_cast %get3A_386 : vector<16xf32> to vector<16xf32>
        %add3A_388 = arith.addf %scan3A_354, %get3A_387 : vector<16xf32>
        %add3A_389 = arith.constant 80 : i32
        %add3A_390 = arith.addi %mul3A_359, %add3A_389 : i32
        %get3A_391 = arith.index_cast %add3A_390 : i32 to index
        %get3A_392 = tpu.vector_load %arg5[%get3A_391] {strides = array<i32>} : memref<32000xf32, #tpu.memory_space<vmem>>, vector<16xf32>,
        %get3A_393 = vector.shape_cast %get3A_392 : vector<16xf32> to vector<16xf32>
        %add3A_394 = arith.addf %scan3A_355, %get3A_393 : vector<16xf32>
        %add3A_395 = arith.constant 96 : i32
        %add3A_396 = arith.addi %mul3A_359, %add3A_395 : i32
        %get3A_397 = arith.index_cast %add3A_396 : i32 to index
        %get3A_398 = tpu.vector_load %arg5[%get3A_397] {strides = array<i32>} : memref<32000xf32, #tpu.memory_space<vmem>>, vector<16xf32>,
        %get3A_399 = vector.shape_cast %get3A_398 : vector<16xf32> to vector<16xf32>
        %add3A_400 = arith.addf %scan3A_356, %get3A_399 : vector<16xf32>
        %add3A_401 = arith.constant 112 : i32
        %add3A_402 = arith.addi %mul3A_359, %add3A_401 : i32
        %get3A_403 = arith.index_cast %add3A_402 : i32 to index
        %get3A_404 = tpu.vector_load %arg5[%get3A_403] {strides = array<i32>} : memref<32000xf32, #tpu.memory_space<vmem>>, vector<16xf32>,
        %get3A_405 = vector.shape_cast %get3A_404 : vector<16xf32> to vector<16xf32>
        %add3A_406 = arith.addf %scan3A_357, %get3A_405 : vector<16xf32>
        %scan3A_407 = arith.constant 1 : i32
        %scan3A_408 = arith.addi %scan3A_349, %scan3A_407 : i32
        %mul3A_409 = arith.constant 128 : i32
        %mul3A_410 = arith.muli %scan3A_408, %mul3A_409 : i32
        %add3A_411 = arith.constant 0 : i32
        %add3A_412 = arith.addi %mul3A_410, %add3A_411 : i32
        %get3A_413 = arith.index_cast %add3A_412 : i32 to index
        %get3A_414 = tpu.vector_load %arg5[%get3A_413] {strides = array<i32>} : memref<32000xf32, #tpu.memory_space<vmem>>, vector<16xf32>,
        %get3A_415 = vector.shape_cast %get3A_414 : vector<16xf32> to vector<16xf32>
        %add3A_416 = arith.addf %add3A_364, %get3A_415 : vector<16xf32>
        %add3A_417 = arith.constant 16 : i32
        %add3A_418 = arith.addi %mul3A_410, %add3A_417 : i32
        %get3A_419 = arith.index_cast %add3A_418 : i32 to index
        %get3A_420 = tpu.vector_load %arg5[%get3A_419] {strides = array<i32>} : memref<32000xf32, #tpu.memory_space<vmem>>, vector<16xf32>,
        %get3A_421 = vector.shape_cast %get3A_420 : vector<16xf32> to vector<16xf32>
        %add3A_422 = arith.addf %add3A_370, %get3A_421 : vector<16xf32>
        %add3A_423 = arith.constant 32 : i32
        %add3A_424 = arith.addi %mul3A_410, %add3A_423 : i32
        %get3A_425 = arith.index_cast %add3A_424 : i32 to index
        %get3A_426 = tpu.vector_load %arg5[%get3A_425] {strides = array<i32>} : memref<32000xf32, #tpu.memory_space<vmem>>, vector<16xf32>,
        %get3A_427 = vector.shape_cast %get3A_426 : vector<16xf32> to vector<16xf32>
        %add3A_428 = arith.addf %add3A_376, %get3A_427 : vector<16xf32>
        %add3A_429 = arith.constant 48 : i32
        %add3A_430 = arith.addi %mul3A_410, %add3A_429 : i32
        %get3A_431 = arith.index_cast %add3A_430 : i32 to index
        %get3A_432 = tpu.vector_load %arg5[%get3A_431] {strides = array<i32>} : memref<32000xf32, #tpu.memory_space<vmem>>, vector<16xf32>,
        %get3A_433 = vector.shape_cast %get3A_432 : vector<16xf32> to vector<16xf32>
        %add3A_434 = arith.addf %add3A_382, %get3A_433 : vector<16xf32>
        %add3A_435 = arith.constant 64 : i32
        %add3A_436 = arith.addi %mul3A_410, %add3A_435 : i32
        %get3A_437 = arith.index_cast %add3A_436 : i32 to index
        %get3A_438 = tpu.vector_load %arg5[%get3A_437] {strides = array<i32>} : memref<32000xf32, #tpu.memory_space<vmem>>, vector<16xf32>,
        %get3A_439 = vector.shape_cast %get3A_438 : vector<16xf32> to vector<16xf32>
        %add3A_440 = arith.addf %add3A_388, %get3A_439 : vector<16xf32>
        %add3A_441 = arith.constant 80 : i32
        %add3A_442 = arith.addi %mul3A_410, %add3A_441 : i32
        %get3A_443 = arith.index_cast %add3A_442 : i32 to index
        %get3A_444 = tpu.vector_load %arg5[%get3A_443] {strides = array<i32>} : memref<32000xf32, #tpu.memory_space<vmem>>, vector<16xf32>,
        %get3A_445 = vector.shape_cast %get3A_444 : vector<16xf32> to vector<16xf32>
        %add3A_446 = arith.addf %add3A_394, %get3A_445 : vector<16xf32>
        %add3A_447 = arith.constant 96 : i32
        %add3A_448 = arith.addi %mul3A_410, %add3A_447 : i32
        %get3A_449 = arith.index_cast %add3A_448 : i32 to index
        %get3A_450 = tpu.vector_load %arg5[%get3A_449] {strides = array<i32>} : memref<32000xf32, #tpu.memory_space<vmem>>, vector<16xf32>,
        %get3A_451 = vector.shape_cast %get3A_450 : vector<16xf32> to vector<16xf32>
        %add3A_452 = arith.addf %add3A_400, %get3A_451 : vector<16xf32>
        %add3A_453 = arith.constant 112 : i32
        %add3A_454 = arith.addi %mul3A_410, %add3A_453 : i32
        %get3A_455 = arith.index_cast %add3A_454 : i32 to index
        %get3A_456 = tpu.vector_load %arg5[%get3A_455] {strides = array<i32>} : memref<32000xf32, #tpu.memory_space<vmem>>, vector<16xf32>,
        %get3A_457 = vector.shape_cast %get3A_456 : vector<16xf32> to vector<16xf32>
        %add3A_458 = arith.addf %add3A_406, %get3A_457 : vector<16xf32>
        scf.yield %add3A_416, %add3A_422, %add3A_428, %add3A_434, %add3A_440, %add3A_446, %add3A_452, %add3A_458 : vector<16xf32>, vector<16xf32>, vector<16xf32>, vector<16xf32>, vector<16xf32>, vector<16xf32>, vector<16xf32>, vector<16xf32>
      }
      %scan3A_181 = arith.constant 250 : i32
      %mul3A_182 = arith.constant 2000 : i32
      %mul3A_183 = arith.muli %add3A_10, %mul3A_182 : i32
      %add3A_184 = arith.constant 250000 : i32
      %add3A_185 = arith.addi %add3A_184, %mul3A_183 : i32
      %add3A_186 = arith.constant 250 : i32
      %add3A_187 = arith.addi %add3A_185, %add3A_186 : i32
      %mul3A_188 = arith.constant 128 : i32
      %mul3A_189 = arith.muli %add3A_187, %mul3A_188 : i32
      %dma_start3A_190 = tpu.memref_slice %arg2[%mul3A_189] : memref<64000000xf32, #tpu.memory_space<hbm>> -> memref<32000xf32, #tpu.memory_space<hbm>>
      %dma_start3A_191 = tpu.memref_slice %arg2[%mul3A_189] : memref<64000000xf32, #tpu.memory_space<hbm>> -> memref<32000xf32, #tpu.memory_space<hbm>>
      tpu.enqueue_dma source(%dma_start3A_191 : memref<32000xf32, #tpu.memory_space<hbm>>) target(%arg5 : memref<32000xf32, #tpu.memory_space<vmem>>) target_semaphore(%arg8 : memref<!tpu.dma_semaphore, #tpu.memory_space<semaphore_mem>>)
      %dma_wait3A_192 = tpu.memref_slice %arg2[%mul3A_171] : memref<64000000xf32, #tpu.memory_space<hbm>> -> memref<32000xf32, #tpu.memory_space<hbm>>
      %dma_wait3A_193 = tpu.memref_slice %arg2[%mul3A_171] : memref<64000000xf32, #tpu.memory_space<hbm>> -> memref<32000xf32, #tpu.memory_space<hbm>>
      tpu.wait_dma2 semaphore(%arg7 : memref<!tpu.dma_semaphore, #tpu.memory_space<semaphore_mem>>) src(%dma_wait3A_193 : memref<32000xf32, #tpu.memory_space<hbm>>) dst(%arg4 : memref<32000xf32, #tpu.memory_space<vmem>>)
      %scan3A_194 = arith.constant 0 : i32
      %scan3A_195 = arith.constant 250 : i32
      %scan3A_196 = arith.addi %scan3A_194, %scan3A_195 : i32
      %scan3A_197 = arith.constant 2 : i32
      %scan3A_198:8 = scf.for %scan3A_349 = %scan3A_194 to %scan3A_196 step %scan3A_197 iter_args(%scan3A_350 = %scan3A_180#0, %scan3A_351 = %scan3A_180#1, %scan3A_352 = %scan3A_180#2, %scan3A_353 = %scan3A_180#3, %scan3A_354 = %scan3A_180#4, %scan3A_355 = %scan3A_180#5, %scan3A_356 = %scan3A_180#6, %scan3A_357 = %scan3A_180#7) -> (vector<16xf32>, vector<16xf32>, vector<16xf32>, vector<16xf32>, vector<16xf32>, vector<16xf32>, vector<16xf32>, vector<16xf32>)  : i32 {
        %mul3A_358 = arith.constant 128 : i32
        %mul3A_359 = arith.muli %scan3A_349, %mul3A_358 : i32
        %add3A_360 = arith.constant 0 : i32
        %add3A_361 = arith.addi %mul3A_359, %add3A_360 : i32
        %get3A = arith.index_cast %add3A_361 : i32 to index
        %get3A_362 = tpu.vector_load %arg4[%get3A] {strides = array<i32>} : memref<32000xf32, #tpu.memory_space<vmem>>, vector<16xf32>,
        %get3A_363 = vector.shape_cast %get3A_362 : vector<16xf32> to vector<16xf32>
        %add3A_364 = arith.addf %scan3A_350, %get3A_363 : vector<16xf32>
        %add3A_365 = arith.constant 16 : i32
        %add3A_366 = arith.addi %mul3A_359, %add3A_365 : i32
        %get3A_367 = arith.index_cast %add3A_366 : i32 to index
        %get3A_368 = tpu.vector_load %arg4[%get3A_367] {strides = array<i32>} : memref<32000xf32, #tpu.memory_space<vmem>>, vector<16xf32>,
        %get3A_369 = vector.shape_cast %get3A_368 : vector<16xf32> to vector<16xf32>
        %add3A_370 = arith.addf %scan3A_351, %get3A_369 : vector<16xf32>
        %add3A_371 = arith.constant 32 : i32
        %add3A_372 = arith.addi %mul3A_359, %add3A_371 : i32
        %get3A_373 = arith.index_cast %add3A_372 : i32 to index
        %get3A_374 = tpu.vector_load %arg4[%get3A_373] {strides = array<i32>} : memref<32000xf32, #tpu.memory_space<vmem>>, vector<16xf32>,
        %get3A_375 = vector.shape_cast %get3A_374 : vector<16xf32> to vector<16xf32>
        %add3A_376 = arith.addf %scan3A_352, %get3A_375 : vector<16xf32>
        %add3A_377 = arith.constant 48 : i32
        %add3A_378 = arith.addi %mul3A_359, %add3A_377 : i32
        %get3A_379 = arith.index_cast %add3A_378 : i32 to index
        %get3A_380 = tpu.vector_load %arg4[%get3A_379] {strides = array<i32>} : memref<32000xf32, #tpu.memory_space<vmem>>, vector<16xf32>,
        %get3A_381 = vector.shape_cast %get3A_380 : vector<16xf32> to vector<16xf32>
        %add3A_382 = arith.addf %scan3A_353, %get3A_381 : vector<16xf32>
        %add3A_383 = arith.constant 64 : i32
        %add3A_384 = arith.addi %mul3A_359, %add3A_383 : i32
        %get3A_385 = arith.index_cast %add3A_384 : i32 to index
        %get3A_386 = tpu.vector_load %arg4[%get3A_385] {strides = array<i32>} : memref<32000xf32, #tpu.memory_space<vmem>>, vector<16xf32>,
        %get3A_387 = vector.shape_cast %get3A_386 : vector<16xf32> to vector<16xf32>
        %add3A_388 = arith.addf %scan3A_354, %get3A_387 : vector<16xf32>
        %add3A_389 = arith.constant 80 : i32
        %add3A_390 = arith.addi %mul3A_359, %add3A_389 : i32
        %get3A_391 = arith.index_cast %add3A_390 : i32 to index
        %get3A_392 = tpu.vector_load %arg4[%get3A_391] {strides = array<i32>} : memref<32000xf32, #tpu.memory_space<vmem>>, vector<16xf32>,
        %get3A_393 = vector.shape_cast %get3A_392 : vector<16xf32> to vector<16xf32>
        %add3A_394 = arith.addf %scan3A_355, %get3A_393 : vector<16xf32>
        %add3A_395 = arith.constant 96 : i32
        %add3A_396 = arith.addi %mul3A_359, %add3A_395 : i32
        %get3A_397 = arith.index_cast %add3A_396 : i32 to index
        %get3A_398 = tpu.vector_load %arg4[%get3A_397] {strides = array<i32>} : memref<32000xf32, #tpu.memory_space<vmem>>, vector<16xf32>,
        %get3A_399 = vector.shape_cast %get3A_398 : vector<16xf32> to vector<16xf32>
        %add3A_400 = arith.addf %scan3A_356, %get3A_399 : vector<16xf32>
        %add3A_401 = arith.constant 112 : i32
        %add3A_402 = arith.addi %mul3A_359, %add3A_401 : i32
        %get3A_403 = arith.index_cast %add3A_402 : i32 to index
        %get3A_404 = tpu.vector_load %arg4[%get3A_403] {strides = array<i32>} : memref<32000xf32, #tpu.memory_space<vmem>>, vector<16xf32>,
        %get3A_405 = vector.shape_cast %get3A_404 : vector<16xf32> to vector<16xf32>
        %add3A_406 = arith.addf %scan3A_357, %get3A_405 : vector<16xf32>
        %scan3A_407 = arith.constant 1 : i32
        %scan3A_408 = arith.addi %scan3A_349, %scan3A_407 : i32
        %mul3A_409 = arith.constant 128 : i32
        %mul3A_410 = arith.muli %scan3A_408, %mul3A_409 : i32
        %add3A_411 = arith.constant 0 : i32
        %add3A_412 = arith.addi %mul3A_410, %add3A_411 : i32
        %get3A_413 = arith.index_cast %add3A_412 : i32 to index
        %get3A_414 = tpu.vector_load %arg4[%get3A_413] {strides = array<i32>} : memref<32000xf32, #tpu.memory_space<vmem>>, vector<16xf32>,
        %get3A_415 = vector.shape_cast %get3A_414 : vector<16xf32> to vector<16xf32>
        %add3A_416 = arith.addf %add3A_364, %get3A_415 : vector<16xf32>
        %add3A_417 = arith.constant 16 : i32
        %add3A_418 = arith.addi %mul3A_410, %add3A_417 : i32
        %get3A_419 = arith.index_cast %add3A_418 : i32 to index
        %get3A_420 = tpu.vector_load %arg4[%get3A_419] {strides = array<i32>} : memref<32000xf32, #tpu.memory_space<vmem>>, vector<16xf32>,
        %get3A_421 = vector.shape_cast %get3A_420 : vector<16xf32> to vector<16xf32>
        %add3A_422 = arith.addf %add3A_370, %get3A_421 : vector<16xf32>
        %add3A_423 = arith.constant 32 : i32
        %add3A_424 = arith.addi %mul3A_410, %add3A_423 : i32
        %get3A_425 = arith.index_cast %add3A_424 : i32 to index
        %get3A_426 = tpu.vector_load %arg4[%get3A_425] {strides = array<i32>} : memref<32000xf32, #tpu.memory_space<vmem>>, vector<16xf32>,
        %get3A_427 = vector.shape_cast %get3A_426 : vector<16xf32> to vector<16xf32>
        %add3A_428 = arith.addf %add3A_376, %get3A_427 : vector<16xf32>
        %add3A_429 = arith.constant 48 : i32
        %add3A_430 = arith.addi %mul3A_410, %add3A_429 : i32
        %get3A_431 = arith.index_cast %add3A_430 : i32 to index
        %get3A_432 = tpu.vector_load %arg4[%get3A_431] {strides = array<i32>} : memref<32000xf32, #tpu.memory_space<vmem>>, vector<16xf32>,
        %get3A_433 = vector.shape_cast %get3A_432 : vector<16xf32> to vector<16xf32>
        %add3A_434 = arith.addf %add3A_382, %get3A_433 : vector<16xf32>
        %add3A_435 = arith.constant 64 : i32
        %add3A_436 = arith.addi %mul3A_410, %add3A_435 : i32
        %get3A_437 = arith.index_cast %add3A_436 : i32 to index
        %get3A_438 = tpu.vector_load %arg4[%get3A_437] {strides = array<i32>} : memref<32000xf32, #tpu.memory_space<vmem>>, vector<16xf32>,
        %get3A_439 = vector.shape_cast %get3A_438 : vector<16xf32> to vector<16xf32>
        %add3A_440 = arith.addf %add3A_388, %get3A_439 : vector<16xf32>
        %add3A_441 = arith.constant 80 : i32
        %add3A_442 = arith.addi %mul3A_410, %add3A_441 : i32
        %get3A_443 = arith.index_cast %add3A_442 : i32 to index
        %get3A_444 = tpu.vector_load %arg4[%get3A_443] {strides = array<i32>} : memref<32000xf32, #tpu.memory_space<vmem>>, vector<16xf32>,
        %get3A_445 = vector.shape_cast %get3A_444 : vector<16xf32> to vector<16xf32>
        %add3A_446 = arith.addf %add3A_394, %get3A_445 : vector<16xf32>
        %add3A_447 = arith.constant 96 : i32
        %add3A_448 = arith.addi %mul3A_410, %add3A_447 : i32
        %get3A_449 = arith.index_cast %add3A_448 : i32 to index
        %get3A_450 = tpu.vector_load %arg4[%get3A_449] {strides = array<i32>} : memref<32000xf32, #tpu.memory_space<vmem>>, vector<16xf32>,
        %get3A_451 = vector.shape_cast %get3A_450 : vector<16xf32> to vector<16xf32>
        %add3A_452 = arith.addf %add3A_400, %get3A_451 : vector<16xf32>
        %add3A_453 = arith.constant 112 : i32
        %add3A_454 = arith.addi %mul3A_410, %add3A_453 : i32
        %get3A_455 = arith.index_cast %add3A_454 : i32 to index
        %get3A_456 = tpu.vector_load %arg4[%get3A_455] {strides = array<i32>} : memref<32000xf32, #tpu.memory_space<vmem>>, vector<16xf32>,
        %get3A_457 = vector.shape_cast %get3A_456 : vector<16xf32> to vector<16xf32>
        %add3A_458 = arith.addf %add3A_406, %get3A_457 : vector<16xf32>
        scf.yield %add3A_416, %add3A_422, %add3A_428, %add3A_434, %add3A_440, %add3A_446, %add3A_452, %add3A_458 : vector<16xf32>, vector<16xf32>, vector<16xf32>, vector<16xf32>, vector<16xf32>, vector<16xf32>, vector<16xf32>, vector<16xf32>
      }
      %scan3A_199 = arith.constant 250 : i32
      %mul3A_200 = arith.constant 2000 : i32
      %mul3A_201 = arith.muli %add3A_10, %mul3A_200 : i32
      %add3A_202 = arith.constant 250000 : i32
      %add3A_203 = arith.addi %add3A_202, %mul3A_201 : i32
      %add3A_204 = arith.constant 500 : i32
      %add3A_205 = arith.addi %add3A_203, %add3A_204 : i32
      %mul3A_206 = arith.constant 128 : i32
      %mul3A_207 = arith.muli %add3A_205, %mul3A_206 : i32
      %dma_start3A_208 = tpu.memref_slice %arg2[%mul3A_207] : memref<64000000xf32, #tpu.memory_space<hbm>> -> memref<32000xf32, #tpu.memory_space<hbm>>
      %dma_start3A_209 = tpu.memref_slice %arg2[%mul3A_207] : memref<64000000xf32, #tpu.memory_space<hbm>> -> memref<32000xf32, #tpu.memory_space<hbm>>
      tpu.enqueue_dma source(%dma_start3A_209 : memref<32000xf32, #tpu.memory_space<hbm>>) target(%arg4 : memref<32000xf32, #tpu.memory_space<vmem>>) target_semaphore(%arg7 : memref<!tpu.dma_semaphore, #tpu.memory_space<semaphore_mem>>)
      %dma_wait3A_210 = tpu.memref_slice %arg2[%mul3A_189] : memref<64000000xf32, #tpu.memory_space<hbm>> -> memref<32000xf32, #tpu.memory_space<hbm>>
      %dma_wait3A_211 = tpu.memref_slice %arg2[%mul3A_189] : memref<64000000xf32, #tpu.memory_space<hbm>> -> memref<32000xf32, #tpu.memory_space<hbm>>
      tpu.wait_dma2 semaphore(%arg8 : memref<!tpu.dma_semaphore, #tpu.memory_space<semaphore_mem>>) src(%dma_wait3A_211 : memref<32000xf32, #tpu.memory_space<hbm>>) dst(%arg5 : memref<32000xf32, #tpu.memory_space<vmem>>)
      %scan3A_212 = arith.constant 0 : i32
      %scan3A_213 = arith.constant 250 : i32
      %scan3A_214 = arith.addi %scan3A_212, %scan3A_213 : i32
      %scan3A_215 = arith.constant 2 : i32
      %scan3A_216:8 = scf.for %scan3A_349 = %scan3A_212 to %scan3A_214 step %scan3A_215 iter_args(%scan3A_350 = %scan3A_198#0, %scan3A_351 = %scan3A_198#1, %scan3A_352 = %scan3A_198#2, %scan3A_353 = %scan3A_198#3, %scan3A_354 = %scan3A_198#4, %scan3A_355 = %scan3A_198#5, %scan3A_356 = %scan3A_198#6, %scan3A_357 = %scan3A_198#7) -> (vector<16xf32>, vector<16xf32>, vector<16xf32>, vector<16xf32>, vector<16xf32>, vector<16xf32>, vector<16xf32>, vector<16xf32>)  : i32 {
        %mul3A_358 = arith.constant 128 : i32
        %mul3A_359 = arith.muli %scan3A_349, %mul3A_358 : i32
        %add3A_360 = arith.constant 0 : i32
        %add3A_361 = arith.addi %mul3A_359, %add3A_360 : i32
        %get3A = arith.index_cast %add3A_361 : i32 to index
        %get3A_362 = tpu.vector_load %arg5[%get3A] {strides = array<i32>} : memref<32000xf32, #tpu.memory_space<vmem>>, vector<16xf32>,
        %get3A_363 = vector.shape_cast %get3A_362 : vector<16xf32> to vector<16xf32>
        %add3A_364 = arith.addf %scan3A_350, %get3A_363 : vector<16xf32>
        %add3A_365 = arith.constant 16 : i32
        %add3A_366 = arith.addi %mul3A_359, %add3A_365 : i32
        %get3A_367 = arith.index_cast %add3A_366 : i32 to index
        %get3A_368 = tpu.vector_load %arg5[%get3A_367] {strides = array<i32>} : memref<32000xf32, #tpu.memory_space<vmem>>, vector<16xf32>,
        %get3A_369 = vector.shape_cast %get3A_368 : vector<16xf32> to vector<16xf32>
        %add3A_370 = arith.addf %scan3A_351, %get3A_369 : vector<16xf32>
        %add3A_371 = arith.constant 32 : i32
        %add3A_372 = arith.addi %mul3A_359, %add3A_371 : i32
        %get3A_373 = arith.index_cast %add3A_372 : i32 to index
        %get3A_374 = tpu.vector_load %arg5[%get3A_373] {strides = array<i32>} : memref<32000xf32, #tpu.memory_space<vmem>>, vector<16xf32>,
        %get3A_375 = vector.shape_cast %get3A_374 : vector<16xf32> to vector<16xf32>
        %add3A_376 = arith.addf %scan3A_352, %get3A_375 : vector<16xf32>
        %add3A_377 = arith.constant 48 : i32
        %add3A_378 = arith.addi %mul3A_359, %add3A_377 : i32
        %get3A_379 = arith.index_cast %add3A_378 : i32 to index
        %get3A_380 = tpu.vector_load %arg5[%get3A_379] {strides = array<i32>} : memref<32000xf32, #tpu.memory_space<vmem>>, vector<16xf32>,
        %get3A_381 = vector.shape_cast %get3A_380 : vector<16xf32> to vector<16xf32>
        %add3A_382 = arith.addf %scan3A_353, %get3A_381 : vector<16xf32>
        %add3A_383 = arith.constant 64 : i32
        %add3A_384 = arith.addi %mul3A_359, %add3A_383 : i32
        %get3A_385 = arith.index_cast %add3A_384 : i32 to index
        %get3A_386 = tpu.vector_load %arg5[%get3A_385] {strides = array<i32>} : memref<32000xf32, #tpu.memory_space<vmem>>, vector<16xf32>,
        %get3A_387 = vector.shape_cast %get3A_386 : vector<16xf32> to vector<16xf32>
        %add3A_388 = arith.addf %scan3A_354, %get3A_387 : vector<16xf32>
        %add3A_389 = arith.constant 80 : i32
        %add3A_390 = arith.addi %mul3A_359, %add3A_389 : i32
        %get3A_391 = arith.index_cast %add3A_390 : i32 to index
        %get3A_392 = tpu.vector_load %arg5[%get3A_391] {strides = array<i32>} : memref<32000xf32, #tpu.memory_space<vmem>>, vector<16xf32>,
        %get3A_393 = vector.shape_cast %get3A_392 : vector<16xf32> to vector<16xf32>
        %add3A_394 = arith.addf %scan3A_355, %get3A_393 : vector<16xf32>
        %add3A_395 = arith.constant 96 : i32
        %add3A_396 = arith.addi %mul3A_359, %add3A_395 : i32
        %get3A_397 = arith.index_cast %add3A_396 : i32 to index
        %get3A_398 = tpu.vector_load %arg5[%get3A_397] {strides = array<i32>} : memref<32000xf32, #tpu.memory_space<vmem>>, vector<16xf32>,
        %get3A_399 = vector.shape_cast %get3A_398 : vector<16xf32> to vector<16xf32>
        %add3A_400 = arith.addf %scan3A_356, %get3A_399 : vector<16xf32>
        %add3A_401 = arith.constant 112 : i32
        %add3A_402 = arith.addi %mul3A_359, %add3A_401 : i32
        %get3A_403 = arith.index_cast %add3A_402 : i32 to index
        %get3A_404 = tpu.vector_load %arg5[%get3A_403] {strides = array<i32>} : memref<32000xf32, #tpu.memory_space<vmem>>, vector<16xf32>,
        %get3A_405 = vector.shape_cast %get3A_404 : vector<16xf32> to vector<16xf32>
        %add3A_406 = arith.addf %scan3A_357, %get3A_405 : vector<16xf32>
        %scan3A_407 = arith.constant 1 : i32
        %scan3A_408 = arith.addi %scan3A_349, %scan3A_407 : i32
        %mul3A_409 = arith.constant 128 : i32
        %mul3A_410 = arith.muli %scan3A_408, %mul3A_409 : i32
        %add3A_411 = arith.constant 0 : i32
        %add3A_412 = arith.addi %mul3A_410, %add3A_411 : i32
        %get3A_413 = arith.index_cast %add3A_412 : i32 to index
        %get3A_414 = tpu.vector_load %arg5[%get3A_413] {strides = array<i32>} : memref<32000xf32, #tpu.memory_space<vmem>>, vector<16xf32>,
        %get3A_415 = vector.shape_cast %get3A_414 : vector<16xf32> to vector<16xf32>
        %add3A_416 = arith.addf %add3A_364, %get3A_415 : vector<16xf32>
        %add3A_417 = arith.constant 16 : i32
        %add3A_418 = arith.addi %mul3A_410, %add3A_417 : i32
        %get3A_419 = arith.index_cast %add3A_418 : i32 to index
        %get3A_420 = tpu.vector_load %arg5[%get3A_419] {strides = array<i32>} : memref<32000xf32, #tpu.memory_space<vmem>>, vector<16xf32>,
        %get3A_421 = vector.shape_cast %get3A_420 : vector<16xf32> to vector<16xf32>
        %add3A_422 = arith.addf %add3A_370, %get3A_421 : vector<16xf32>
        %add3A_423 = arith.constant 32 : i32
        %add3A_424 = arith.addi %mul3A_410, %add3A_423 : i32
        %get3A_425 = arith.index_cast %add3A_424 : i32 to index
        %get3A_426 = tpu.vector_load %arg5[%get3A_425] {strides = array<i32>} : memref<32000xf32, #tpu.memory_space<vmem>>, vector<16xf32>,
        %get3A_427 = vector.shape_cast %get3A_426 : vector<16xf32> to vector<16xf32>
        %add3A_428 = arith.addf %add3A_376, %get3A_427 : vector<16xf32>
        %add3A_429 = arith.constant 48 : i32
        %add3A_430 = arith.addi %mul3A_410, %add3A_429 : i32
        %get3A_431 = arith.index_cast %add3A_430 : i32 to index
        %get3A_432 = tpu.vector_load %arg5[%get3A_431] {strides = array<i32>} : memref<32000xf32, #tpu.memory_space<vmem>>, vector<16xf32>,
        %get3A_433 = vector.shape_cast %get3A_432 : vector<16xf32> to vector<16xf32>
        %add3A_434 = arith.addf %add3A_382, %get3A_433 : vector<16xf32>
        %add3A_435 = arith.constant 64 : i32
        %add3A_436 = arith.addi %mul3A_410, %add3A_435 : i32
        %get3A_437 = arith.index_cast %add3A_436 : i32 to index
        %get3A_438 = tpu.vector_load %arg5[%get3A_437] {strides = array<i32>} : memref<32000xf32, #tpu.memory_space<vmem>>, vector<16xf32>,
        %get3A_439 = vector.shape_cast %get3A_438 : vector<16xf32> to vector<16xf32>
        %add3A_440 = arith.addf %add3A_388, %get3A_439 : vector<16xf32>
        %add3A_441 = arith.constant 80 : i32
        %add3A_442 = arith.addi %mul3A_410, %add3A_441 : i32
        %get3A_443 = arith.index_cast %add3A_442 : i32 to index
        %get3A_444 = tpu.vector_load %arg5[%get3A_443] {strides = array<i32>} : memref<32000xf32, #tpu.memory_space<vmem>>, vector<16xf32>,
        %get3A_445 = vector.shape_cast %get3A_444 : vector<16xf32> to vector<16xf32>
        %add3A_446 = arith.addf %add3A_394, %get3A_445 : vector<16xf32>
        %add3A_447 = arith.constant 96 : i32
        %add3A_448 = arith.addi %mul3A_410, %add3A_447 : i32
        %get3A_449 = arith.index_cast %add3A_448 : i32 to index
        %get3A_450 = tpu.vector_load %arg5[%get3A_449] {strides = array<i32>} : memref<32000xf32, #tpu.memory_space<vmem>>, vector<16xf32>,
        %get3A_451 = vector.shape_cast %get3A_450 : vector<16xf32> to vector<16xf32>
        %add3A_452 = arith.addf %add3A_400, %get3A_451 : vector<16xf32>
        %add3A_453 = arith.constant 112 : i32
        %add3A_454 = arith.addi %mul3A_410, %add3A_453 : i32
        %get3A_455 = arith.index_cast %add3A_454 : i32 to index
        %get3A_456 = tpu.vector_load %arg5[%get3A_455] {strides = array<i32>} : memref<32000xf32, #tpu.memory_space<vmem>>, vector<16xf32>,
        %get3A_457 = vector.shape_cast %get3A_456 : vector<16xf32> to vector<16xf32>
        %add3A_458 = arith.addf %add3A_406, %get3A_457 : vector<16xf32>
        scf.yield %add3A_416, %add3A_422, %add3A_428, %add3A_434, %add3A_440, %add3A_446, %add3A_452, %add3A_458 : vector<16xf32>, vector<16xf32>, vector<16xf32>, vector<16xf32>, vector<16xf32>, vector<16xf32>, vector<16xf32>, vector<16xf32>
      }
      %scan3A_217 = arith.constant 250 : i32
      %mul3A_218 = arith.constant 2000 : i32
      %mul3A_219 = arith.muli %add3A_10, %mul3A_218 : i32
      %add3A_220 = arith.constant 250000 : i32
      %add3A_221 = arith.addi %add3A_220, %mul3A_219 : i32
      %add3A_222 = arith.constant 750 : i32
      %add3A_223 = arith.addi %add3A_221, %add3A_222 : i32
      %mul3A_224 = arith.constant 128 : i32
      %mul3A_225 = arith.muli %add3A_223, %mul3A_224 : i32
      %dma_start3A_226 = tpu.memref_slice %arg2[%mul3A_225] : memref<64000000xf32, #tpu.memory_space<hbm>> -> memref<32000xf32, #tpu.memory_space<hbm>>
      %dma_start3A_227 = tpu.memref_slice %arg2[%mul3A_225] : memref<64000000xf32, #tpu.memory_space<hbm>> -> memref<32000xf32, #tpu.memory_space<hbm>>
      tpu.enqueue_dma source(%dma_start3A_227 : memref<32000xf32, #tpu.memory_space<hbm>>) target(%arg5 : memref<32000xf32, #tpu.memory_space<vmem>>) target_semaphore(%arg8 : memref<!tpu.dma_semaphore, #tpu.memory_space<semaphore_mem>>)
      %dma_wait3A_228 = tpu.memref_slice %arg2[%mul3A_207] : memref<64000000xf32, #tpu.memory_space<hbm>> -> memref<32000xf32, #tpu.memory_space<hbm>>
      %dma_wait3A_229 = tpu.memref_slice %arg2[%mul3A_207] : memref<64000000xf32, #tpu.memory_space<hbm>> -> memref<32000xf32, #tpu.memory_space<hbm>>
      tpu.wait_dma2 semaphore(%arg7 : memref<!tpu.dma_semaphore, #tpu.memory_space<semaphore_mem>>) src(%dma_wait3A_229 : memref<32000xf32, #tpu.memory_space<hbm>>) dst(%arg4 : memref<32000xf32, #tpu.memory_space<vmem>>)
      %scan3A_230 = arith.constant 0 : i32
      %scan3A_231 = arith.constant 250 : i32
      %scan3A_232 = arith.addi %scan3A_230, %scan3A_231 : i32
      %scan3A_233 = arith.constant 2 : i32
      %scan3A_234:8 = scf.for %scan3A_349 = %scan3A_230 to %scan3A_232 step %scan3A_233 iter_args(%scan3A_350 = %scan3A_216#0, %scan3A_351 = %scan3A_216#1, %scan3A_352 = %scan3A_216#2, %scan3A_353 = %scan3A_216#3, %scan3A_354 = %scan3A_216#4, %scan3A_355 = %scan3A_216#5, %scan3A_356 = %scan3A_216#6, %scan3A_357 = %scan3A_216#7) -> (vector<16xf32>, vector<16xf32>, vector<16xf32>, vector<16xf32>, vector<16xf32>, vector<16xf32>, vector<16xf32>, vector<16xf32>)  : i32 {
        %mul3A_358 = arith.constant 128 : i32
        %mul3A_359 = arith.muli %scan3A_349, %mul3A_358 : i32
        %add3A_360 = arith.constant 0 : i32
        %add3A_361 = arith.addi %mul3A_359, %add3A_360 : i32
        %get3A = arith.index_cast %add3A_361 : i32 to index
        %get3A_362 = tpu.vector_load %arg4[%get3A] {strides = array<i32>} : memref<32000xf32, #tpu.memory_space<vmem>>, vector<16xf32>,
        %get3A_363 = vector.shape_cast %get3A_362 : vector<16xf32> to vector<16xf32>
        %add3A_364 = arith.addf %scan3A_350, %get3A_363 : vector<16xf32>
        %add3A_365 = arith.constant 16 : i32
        %add3A_366 = arith.addi %mul3A_359, %add3A_365 : i32
        %get3A_367 = arith.index_cast %add3A_366 : i32 to index
        %get3A_368 = tpu.vector_load %arg4[%get3A_367] {strides = array<i32>} : memref<32000xf32, #tpu.memory_space<vmem>>, vector<16xf32>,
        %get3A_369 = vector.shape_cast %get3A_368 : vector<16xf32> to vector<16xf32>
        %add3A_370 = arith.addf %scan3A_351, %get3A_369 : vector<16xf32>
        %add3A_371 = arith.constant 32 : i32
        %add3A_372 = arith.addi %mul3A_359, %add3A_371 : i32
        %get3A_373 = arith.index_cast %add3A_372 : i32 to index
        %get3A_374 = tpu.vector_load %arg4[%get3A_373] {strides = array<i32>} : memref<32000xf32, #tpu.memory_space<vmem>>, vector<16xf32>,
        %get3A_375 = vector.shape_cast %get3A_374 : vector<16xf32> to vector<16xf32>
        %add3A_376 = arith.addf %scan3A_352, %get3A_375 : vector<16xf32>
        %add3A_377 = arith.constant 48 : i32
        %add3A_378 = arith.addi %mul3A_359, %add3A_377 : i32
        %get3A_379 = arith.index_cast %add3A_378 : i32 to index
        %get3A_380 = tpu.vector_load %arg4[%get3A_379] {strides = array<i32>} : memref<32000xf32, #tpu.memory_space<vmem>>, vector<16xf32>,
        %get3A_381 = vector.shape_cast %get3A_380 : vector<16xf32> to vector<16xf32>
        %add3A_382 = arith.addf %scan3A_353, %get3A_381 : vector<16xf32>
        %add3A_383 = arith.constant 64 : i32
        %add3A_384 = arith.addi %mul3A_359, %add3A_383 : i32
        %get3A_385 = arith.index_cast %add3A_384 : i32 to index
        %get3A_386 = tpu.vector_load %arg4[%get3A_385] {strides = array<i32>} : memref<32000xf32, #tpu.memory_space<vmem>>, vector<16xf32>,
        %get3A_387 = vector.shape_cast %get3A_386 : vector<16xf32> to vector<16xf32>
        %add3A_388 = arith.addf %scan3A_354, %get3A_387 : vector<16xf32>
        %add3A_389 = arith.constant 80 : i32
        %add3A_390 = arith.addi %mul3A_359, %add3A_389 : i32
        %get3A_391 = arith.index_cast %add3A_390 : i32 to index
        %get3A_392 = tpu.vector_load %arg4[%get3A_391] {strides = array<i32>} : memref<32000xf32, #tpu.memory_space<vmem>>, vector<16xf32>,
        %get3A_393 = vector.shape_cast %get3A_392 : vector<16xf32> to vector<16xf32>
        %add3A_394 = arith.addf %scan3A_355, %get3A_393 : vector<16xf32>
        %add3A_395 = arith.constant 96 : i32
        %add3A_396 = arith.addi %mul3A_359, %add3A_395 : i32
        %get3A_397 = arith.index_cast %add3A_396 : i32 to index
        %get3A_398 = tpu.vector_load %arg4[%get3A_397] {strides = array<i32>} : memref<32000xf32, #tpu.memory_space<vmem>>, vector<16xf32>,
        %get3A_399 = vector.shape_cast %get3A_398 : vector<16xf32> to vector<16xf32>
        %add3A_400 = arith.addf %scan3A_356, %get3A_399 : vector<16xf32>
        %add3A_401 = arith.constant 112 : i32
        %add3A_402 = arith.addi %mul3A_359, %add3A_401 : i32
        %get3A_403 = arith.index_cast %add3A_402 : i32 to index
        %get3A_404 = tpu.vector_load %arg4[%get3A_403] {strides = array<i32>} : memref<32000xf32, #tpu.memory_space<vmem>>, vector<16xf32>,
        %get3A_405 = vector.shape_cast %get3A_404 : vector<16xf32> to vector<16xf32>
        %add3A_406 = arith.addf %scan3A_357, %get3A_405 : vector<16xf32>
        %scan3A_407 = arith.constant 1 : i32
        %scan3A_408 = arith.addi %scan3A_349, %scan3A_407 : i32
        %mul3A_409 = arith.constant 128 : i32
        %mul3A_410 = arith.muli %scan3A_408, %mul3A_409 : i32
        %add3A_411 = arith.constant 0 : i32
        %add3A_412 = arith.addi %mul3A_410, %add3A_411 : i32
        %get3A_413 = arith.index_cast %add3A_412 : i32 to index
        %get3A_414 = tpu.vector_load %arg4[%get3A_413] {strides = array<i32>} : memref<32000xf32, #tpu.memory_space<vmem>>, vector<16xf32>,
        %get3A_415 = vector.shape_cast %get3A_414 : vector<16xf32> to vector<16xf32>
        %add3A_416 = arith.addf %add3A_364, %get3A_415 : vector<16xf32>
        %add3A_417 = arith.constant 16 : i32
        %add3A_418 = arith.addi %mul3A_410, %add3A_417 : i32
        %get3A_419 = arith.index_cast %add3A_418 : i32 to index
        %get3A_420 = tpu.vector_load %arg4[%get3A_419] {strides = array<i32>} : memref<32000xf32, #tpu.memory_space<vmem>>, vector<16xf32>,
        %get3A_421 = vector.shape_cast %get3A_420 : vector<16xf32> to vector<16xf32>
        %add3A_422 = arith.addf %add3A_370, %get3A_421 : vector<16xf32>
        %add3A_423 = arith.constant 32 : i32
        %add3A_424 = arith.addi %mul3A_410, %add3A_423 : i32
        %get3A_425 = arith.index_cast %add3A_424 : i32 to index
        %get3A_426 = tpu.vector_load %arg4[%get3A_425] {strides = array<i32>} : memref<32000xf32, #tpu.memory_space<vmem>>, vector<16xf32>,
        %get3A_427 = vector.shape_cast %get3A_426 : vector<16xf32> to vector<16xf32>
        %add3A_428 = arith.addf %add3A_376, %get3A_427 : vector<16xf32>
        %add3A_429 = arith.constant 48 : i32
        %add3A_430 = arith.addi %mul3A_410, %add3A_429 : i32
        %get3A_431 = arith.index_cast %add3A_430 : i32 to index
        %get3A_432 = tpu.vector_load %arg4[%get3A_431] {strides = array<i32>} : memref<32000xf32, #tpu.memory_space<vmem>>, vector<16xf32>,
        %get3A_433 = vector.shape_cast %get3A_432 : vector<16xf32> to vector<16xf32>
        %add3A_434 = arith.addf %add3A_382, %get3A_433 : vector<16xf32>
        %add3A_435 = arith.constant 64 : i32
        %add3A_436 = arith.addi %mul3A_410, %add3A_435 : i32
        %get3A_437 = arith.index_cast %add3A_436 : i32 to index
        %get3A_438 = tpu.vector_load %arg4[%get3A_437] {strides = array<i32>} : memref<32000xf32, #tpu.memory_space<vmem>>, vector<16xf32>,
        %get3A_439 = vector.shape_cast %get3A_438 : vector<16xf32> to vector<16xf32>
        %add3A_440 = arith.addf %add3A_388, %get3A_439 : vector<16xf32>
        %add3A_441 = arith.constant 80 : i32
        %add3A_442 = arith.addi %mul3A_410, %add3A_441 : i32
        %get3A_443 = arith.index_cast %add3A_442 : i32 to index
        %get3A_444 = tpu.vector_load %arg4[%get3A_443] {strides = array<i32>} : memref<32000xf32, #tpu.memory_space<vmem>>, vector<16xf32>,
        %get3A_445 = vector.shape_cast %get3A_444 : vector<16xf32> to vector<16xf32>
        %add3A_446 = arith.addf %add3A_394, %get3A_445 : vector<16xf32>
        %add3A_447 = arith.constant 96 : i32
        %add3A_448 = arith.addi %mul3A_410, %add3A_447 : i32
        %get3A_449 = arith.index_cast %add3A_448 : i32 to index
        %get3A_450 = tpu.vector_load %arg4[%get3A_449] {strides = array<i32>} : memref<32000xf32, #tpu.memory_space<vmem>>, vector<16xf32>,
        %get3A_451 = vector.shape_cast %get3A_450 : vector<16xf32> to vector<16xf32>
        %add3A_452 = arith.addf %add3A_400, %get3A_451 : vector<16xf32>
        %add3A_453 = arith.constant 112 : i32
        %add3A_454 = arith.addi %mul3A_410, %add3A_453 : i32
        %get3A_455 = arith.index_cast %add3A_454 : i32 to index
        %get3A_456 = tpu.vector_load %arg4[%get3A_455] {strides = array<i32>} : memref<32000xf32, #tpu.memory_space<vmem>>, vector<16xf32>,
        %get3A_457 = vector.shape_cast %get3A_456 : vector<16xf32> to vector<16xf32>
        %add3A_458 = arith.addf %add3A_406, %get3A_457 : vector<16xf32>
        scf.yield %add3A_416, %add3A_422, %add3A_428, %add3A_434, %add3A_440, %add3A_446, %add3A_452, %add3A_458 : vector<16xf32>, vector<16xf32>, vector<16xf32>, vector<16xf32>, vector<16xf32>, vector<16xf32>, vector<16xf32>, vector<16xf32>
      }
      %scan3A_235 = arith.constant 250 : i32
      %mul3A_236 = arith.constant 2000 : i32
      %mul3A_237 = arith.muli %add3A_10, %mul3A_236 : i32
      %add3A_238 = arith.constant 250000 : i32
      %add3A_239 = arith.addi %add3A_238, %mul3A_237 : i32
      %add3A_240 = arith.constant 1000 : i32
      %add3A_241 = arith.addi %add3A_239, %add3A_240 : i32
      %mul3A_242 = arith.constant 128 : i32
      %mul3A_243 = arith.muli %add3A_241, %mul3A_242 : i32
      %dma_start3A_244 = tpu.memref_slice %arg2[%mul3A_243] : memref<64000000xf32, #tpu.memory_space<hbm>> -> memref<32000xf32, #tpu.memory_space<hbm>>
      %dma_start3A_245 = tpu.memref_slice %arg2[%mul3A_243] : memref<64000000xf32, #tpu.memory_space<hbm>> -> memref<32000xf32, #tpu.memory_space<hbm>>
      tpu.enqueue_dma source(%dma_start3A_245 : memref<32000xf32, #tpu.memory_space<hbm>>) target(%arg4 : memref<32000xf32, #tpu.memory_space<vmem>>) target_semaphore(%arg7 : memref<!tpu.dma_semaphore, #tpu.memory_space<semaphore_mem>>)
      %dma_wait3A_246 = tpu.memref_slice %arg2[%mul3A_225] : memref<64000000xf32, #tpu.memory_space<hbm>> -> memref<32000xf32, #tpu.memory_space<hbm>>
      %dma_wait3A_247 = tpu.memref_slice %arg2[%mul3A_225] : memref<64000000xf32, #tpu.memory_space<hbm>> -> memref<32000xf32, #tpu.memory_space<hbm>>
      tpu.wait_dma2 semaphore(%arg8 : memref<!tpu.dma_semaphore, #tpu.memory_space<semaphore_mem>>) src(%dma_wait3A_247 : memref<32000xf32, #tpu.memory_space<hbm>>) dst(%arg5 : memref<32000xf32, #tpu.memory_space<vmem>>)
      %scan3A_248 = arith.constant 0 : i32
      %scan3A_249 = arith.constant 250 : i32
      %scan3A_250 = arith.addi %scan3A_248, %scan3A_249 : i32
      %scan3A_251 = arith.constant 2 : i32
      %scan3A_252:8 = scf.for %scan3A_349 = %scan3A_248 to %scan3A_250 step %scan3A_251 iter_args(%scan3A_350 = %scan3A_234#0, %scan3A_351 = %scan3A_234#1, %scan3A_352 = %scan3A_234#2, %scan3A_353 = %scan3A_234#3, %scan3A_354 = %scan3A_234#4, %scan3A_355 = %scan3A_234#5, %scan3A_356 = %scan3A_234#6, %scan3A_357 = %scan3A_234#7) -> (vector<16xf32>, vector<16xf32>, vector<16xf32>, vector<16xf32>, vector<16xf32>, vector<16xf32>, vector<16xf32>, vector<16xf32>)  : i32 {
        %mul3A_358 = arith.constant 128 : i32
        %mul3A_359 = arith.muli %scan3A_349, %mul3A_358 : i32
        %add3A_360 = arith.constant 0 : i32
        %add3A_361 = arith.addi %mul3A_359, %add3A_360 : i32
        %get3A = arith.index_cast %add3A_361 : i32 to index
        %get3A_362 = tpu.vector_load %arg5[%get3A] {strides = array<i32>} : memref<32000xf32, #tpu.memory_space<vmem>>, vector<16xf32>,
        %get3A_363 = vector.shape_cast %get3A_362 : vector<16xf32> to vector<16xf32>
        %add3A_364 = arith.addf %scan3A_350, %get3A_363 : vector<16xf32>
        %add3A_365 = arith.constant 16 : i32
        %add3A_366 = arith.addi %mul3A_359, %add3A_365 : i32
        %get3A_367 = arith.index_cast %add3A_366 : i32 to index
        %get3A_368 = tpu.vector_load %arg5[%get3A_367] {strides = array<i32>} : memref<32000xf32, #tpu.memory_space<vmem>>, vector<16xf32>,
        %get3A_369 = vector.shape_cast %get3A_368 : vector<16xf32> to vector<16xf32>
        %add3A_370 = arith.addf %scan3A_351, %get3A_369 : vector<16xf32>
        %add3A_371 = arith.constant 32 : i32
        %add3A_372 = arith.addi %mul3A_359, %add3A_371 : i32
        %get3A_373 = arith.index_cast %add3A_372 : i32 to index
        %get3A_374 = tpu.vector_load %arg5[%get3A_373] {strides = array<i32>} : memref<32000xf32, #tpu.memory_space<vmem>>, vector<16xf32>,
        %get3A_375 = vector.shape_cast %get3A_374 : vector<16xf32> to vector<16xf32>
        %add3A_376 = arith.addf %scan3A_352, %get3A_375 : vector<16xf32>
        %add3A_377 = arith.constant 48 : i32
        %add3A_378 = arith.addi %mul3A_359, %add3A_377 : i32
        %get3A_379 = arith.index_cast %add3A_378 : i32 to index
        %get3A_380 = tpu.vector_load %arg5[%get3A_379] {strides = array<i32>} : memref<32000xf32, #tpu.memory_space<vmem>>, vector<16xf32>,
        %get3A_381 = vector.shape_cast %get3A_380 : vector<16xf32> to vector<16xf32>
        %add3A_382 = arith.addf %scan3A_353, %get3A_381 : vector<16xf32>
        %add3A_383 = arith.constant 64 : i32
        %add3A_384 = arith.addi %mul3A_359, %add3A_383 : i32
        %get3A_385 = arith.index_cast %add3A_384 : i32 to index
        %get3A_386 = tpu.vector_load %arg5[%get3A_385] {strides = array<i32>} : memref<32000xf32, #tpu.memory_space<vmem>>, vector<16xf32>,
        %get3A_387 = vector.shape_cast %get3A_386 : vector<16xf32> to vector<16xf32>
        %add3A_388 = arith.addf %scan3A_354, %get3A_387 : vector<16xf32>
        %add3A_389 = arith.constant 80 : i32
        %add3A_390 = arith.addi %mul3A_359, %add3A_389 : i32
        %get3A_391 = arith.index_cast %add3A_390 : i32 to index
        %get3A_392 = tpu.vector_load %arg5[%get3A_391] {strides = array<i32>} : memref<32000xf32, #tpu.memory_space<vmem>>, vector<16xf32>,
        %get3A_393 = vector.shape_cast %get3A_392 : vector<16xf32> to vector<16xf32>
        %add3A_394 = arith.addf %scan3A_355, %get3A_393 : vector<16xf32>
        %add3A_395 = arith.constant 96 : i32
        %add3A_396 = arith.addi %mul3A_359, %add3A_395 : i32
        %get3A_397 = arith.index_cast %add3A_396 : i32 to index
        %get3A_398 = tpu.vector_load %arg5[%get3A_397] {strides = array<i32>} : memref<32000xf32, #tpu.memory_space<vmem>>, vector<16xf32>,
        %get3A_399 = vector.shape_cast %get3A_398 : vector<16xf32> to vector<16xf32>
        %add3A_400 = arith.addf %scan3A_356, %get3A_399 : vector<16xf32>
        %add3A_401 = arith.constant 112 : i32
        %add3A_402 = arith.addi %mul3A_359, %add3A_401 : i32
        %get3A_403 = arith.index_cast %add3A_402 : i32 to index
        %get3A_404 = tpu.vector_load %arg5[%get3A_403] {strides = array<i32>} : memref<32000xf32, #tpu.memory_space<vmem>>, vector<16xf32>,
        %get3A_405 = vector.shape_cast %get3A_404 : vector<16xf32> to vector<16xf32>
        %add3A_406 = arith.addf %scan3A_357, %get3A_405 : vector<16xf32>
        %scan3A_407 = arith.constant 1 : i32
        %scan3A_408 = arith.addi %scan3A_349, %scan3A_407 : i32
        %mul3A_409 = arith.constant 128 : i32
        %mul3A_410 = arith.muli %scan3A_408, %mul3A_409 : i32
        %add3A_411 = arith.constant 0 : i32
        %add3A_412 = arith.addi %mul3A_410, %add3A_411 : i32
        %get3A_413 = arith.index_cast %add3A_412 : i32 to index
        %get3A_414 = tpu.vector_load %arg5[%get3A_413] {strides = array<i32>} : memref<32000xf32, #tpu.memory_space<vmem>>, vector<16xf32>,
        %get3A_415 = vector.shape_cast %get3A_414 : vector<16xf32> to vector<16xf32>
        %add3A_416 = arith.addf %add3A_364, %get3A_415 : vector<16xf32>
        %add3A_417 = arith.constant 16 : i32
        %add3A_418 = arith.addi %mul3A_410, %add3A_417 : i32
        %get3A_419 = arith.index_cast %add3A_418 : i32 to index
        %get3A_420 = tpu.vector_load %arg5[%get3A_419] {strides = array<i32>} : memref<32000xf32, #tpu.memory_space<vmem>>, vector<16xf32>,
        %get3A_421 = vector.shape_cast %get3A_420 : vector<16xf32> to vector<16xf32>
        %add3A_422 = arith.addf %add3A_370, %get3A_421 : vector<16xf32>
        %add3A_423 = arith.constant 32 : i32
        %add3A_424 = arith.addi %mul3A_410, %add3A_423 : i32
        %get3A_425 = arith.index_cast %add3A_424 : i32 to index
        %get3A_426 = tpu.vector_load %arg5[%get3A_425] {strides = array<i32>} : memref<32000xf32, #tpu.memory_space<vmem>>, vector<16xf32>,
        %get3A_427 = vector.shape_cast %get3A_426 : vector<16xf32> to vector<16xf32>
        %add3A_428 = arith.addf %add3A_376, %get3A_427 : vector<16xf32>
        %add3A_429 = arith.constant 48 : i32
        %add3A_430 = arith.addi %mul3A_410, %add3A_429 : i32
        %get3A_431 = arith.index_cast %add3A_430 : i32 to index
        %get3A_432 = tpu.vector_load %arg5[%get3A_431] {strides = array<i32>} : memref<32000xf32, #tpu.memory_space<vmem>>, vector<16xf32>,
        %get3A_433 = vector.shape_cast %get3A_432 : vector<16xf32> to vector<16xf32>
        %add3A_434 = arith.addf %add3A_382, %get3A_433 : vector<16xf32>
        %add3A_435 = arith.constant 64 : i32
        %add3A_436 = arith.addi %mul3A_410, %add3A_435 : i32
        %get3A_437 = arith.index_cast %add3A_436 : i32 to index
        %get3A_438 = tpu.vector_load %arg5[%get3A_437] {strides = array<i32>} : memref<32000xf32, #tpu.memory_space<vmem>>, vector<16xf32>,
        %get3A_439 = vector.shape_cast %get3A_438 : vector<16xf32> to vector<16xf32>
        %add3A_440 = arith.addf %add3A_388, %get3A_439 : vector<16xf32>
        %add3A_441 = arith.constant 80 : i32
        %add3A_442 = arith.addi %mul3A_410, %add3A_441 : i32
        %get3A_443 = arith.index_cast %add3A_442 : i32 to index
        %get3A_444 = tpu.vector_load %arg5[%get3A_443] {strides = array<i32>} : memref<32000xf32, #tpu.memory_space<vmem>>, vector<16xf32>,
        %get3A_445 = vector.shape_cast %get3A_444 : vector<16xf32> to vector<16xf32>
        %add3A_446 = arith.addf %add3A_394, %get3A_445 : vector<16xf32>
        %add3A_447 = arith.constant 96 : i32
        %add3A_448 = arith.addi %mul3A_410, %add3A_447 : i32
        %get3A_449 = arith.index_cast %add3A_448 : i32 to index
        %get3A_450 = tpu.vector_load %arg5[%get3A_449] {strides = array<i32>} : memref<32000xf32, #tpu.memory_space<vmem>>, vector<16xf32>,
        %get3A_451 = vector.shape_cast %get3A_450 : vector<16xf32> to vector<16xf32>
        %add3A_452 = arith.addf %add3A_400, %get3A_451 : vector<16xf32>
        %add3A_453 = arith.constant 112 : i32
        %add3A_454 = arith.addi %mul3A_410, %add3A_453 : i32
        %get3A_455 = arith.index_cast %add3A_454 : i32 to index
        %get3A_456 = tpu.vector_load %arg5[%get3A_455] {strides = array<i32>} : memref<32000xf32, #tpu.memory_space<vmem>>, vector<16xf32>,
        %get3A_457 = vector.shape_cast %get3A_456 : vector<16xf32> to vector<16xf32>
        %add3A_458 = arith.addf %add3A_406, %get3A_457 : vector<16xf32>
        scf.yield %add3A_416, %add3A_422, %add3A_428, %add3A_434, %add3A_440, %add3A_446, %add3A_452, %add3A_458 : vector<16xf32>, vector<16xf32>, vector<16xf32>, vector<16xf32>, vector<16xf32>, vector<16xf32>, vector<16xf32>, vector<16xf32>
      }
      %scan3A_253 = arith.constant 250 : i32
      %mul3A_254 = arith.constant 2000 : i32
      %mul3A_255 = arith.muli %add3A_10, %mul3A_254 : i32
      %add3A_256 = arith.constant 250000 : i32
      %add3A_257 = arith.addi %add3A_256, %mul3A_255 : i32
      %add3A_258 = arith.constant 1250 : i32
      %add3A_259 = arith.addi %add3A_257, %add3A_258 : i32
      %mul3A_260 = arith.constant 128 : i32
      %mul3A_261 = arith.muli %add3A_259, %mul3A_260 : i32
      %dma_start3A_262 = tpu.memref_slice %arg2[%mul3A_261] : memref<64000000xf32, #tpu.memory_space<hbm>> -> memref<32000xf32, #tpu.memory_space<hbm>>
      %dma_start3A_263 = tpu.memref_slice %arg2[%mul3A_261] : memref<64000000xf32, #tpu.memory_space<hbm>> -> memref<32000xf32, #tpu.memory_space<hbm>>
      tpu.enqueue_dma source(%dma_start3A_263 : memref<32000xf32, #tpu.memory_space<hbm>>) target(%arg5 : memref<32000xf32, #tpu.memory_space<vmem>>) target_semaphore(%arg8 : memref<!tpu.dma_semaphore, #tpu.memory_space<semaphore_mem>>)
      %dma_wait3A_264 = tpu.memref_slice %arg2[%mul3A_243] : memref<64000000xf32, #tpu.memory_space<hbm>> -> memref<32000xf32, #tpu.memory_space<hbm>>
      %dma_wait3A_265 = tpu.memref_slice %arg2[%mul3A_243] : memref<64000000xf32, #tpu.memory_space<hbm>> -> memref<32000xf32, #tpu.memory_space<hbm>>
      tpu.wait_dma2 semaphore(%arg7 : memref<!tpu.dma_semaphore, #tpu.memory_space<semaphore_mem>>) src(%dma_wait3A_265 : memref<32000xf32, #tpu.memory_space<hbm>>) dst(%arg4 : memref<32000xf32, #tpu.memory_space<vmem>>)
      %scan3A_266 = arith.constant 0 : i32
      %scan3A_267 = arith.constant 250 : i32
      %scan3A_268 = arith.addi %scan3A_266, %scan3A_267 : i32
      %scan3A_269 = arith.constant 2 : i32
      %scan3A_270:8 = scf.for %scan3A_349 = %scan3A_266 to %scan3A_268 step %scan3A_269 iter_args(%scan3A_350 = %scan3A_252#0, %scan3A_351 = %scan3A_252#1, %scan3A_352 = %scan3A_252#2, %scan3A_353 = %scan3A_252#3, %scan3A_354 = %scan3A_252#4, %scan3A_355 = %scan3A_252#5, %scan3A_356 = %scan3A_252#6, %scan3A_357 = %scan3A_252#7) -> (vector<16xf32>, vector<16xf32>, vector<16xf32>, vector<16xf32>, vector<16xf32>, vector<16xf32>, vector<16xf32>, vector<16xf32>)  : i32 {
        %mul3A_358 = arith.constant 128 : i32
        %mul3A_359 = arith.muli %scan3A_349, %mul3A_358 : i32
        %add3A_360 = arith.constant 0 : i32
        %add3A_361 = arith.addi %mul3A_359, %add3A_360 : i32
        %get3A = arith.index_cast %add3A_361 : i32 to index
        %get3A_362 = tpu.vector_load %arg4[%get3A] {strides = array<i32>} : memref<32000xf32, #tpu.memory_space<vmem>>, vector<16xf32>,
        %get3A_363 = vector.shape_cast %get3A_362 : vector<16xf32> to vector<16xf32>
        %add3A_364 = arith.addf %scan3A_350, %get3A_363 : vector<16xf32>
        %add3A_365 = arith.constant 16 : i32
        %add3A_366 = arith.addi %mul3A_359, %add3A_365 : i32
        %get3A_367 = arith.index_cast %add3A_366 : i32 to index
        %get3A_368 = tpu.vector_load %arg4[%get3A_367] {strides = array<i32>} : memref<32000xf32, #tpu.memory_space<vmem>>, vector<16xf32>,
        %get3A_369 = vector.shape_cast %get3A_368 : vector<16xf32> to vector<16xf32>
        %add3A_370 = arith.addf %scan3A_351, %get3A_369 : vector<16xf32>
        %add3A_371 = arith.constant 32 : i32
        %add3A_372 = arith.addi %mul3A_359, %add3A_371 : i32
        %get3A_373 = arith.index_cast %add3A_372 : i32 to index
        %get3A_374 = tpu.vector_load %arg4[%get3A_373] {strides = array<i32>} : memref<32000xf32, #tpu.memory_space<vmem>>, vector<16xf32>,
        %get3A_375 = vector.shape_cast %get3A_374 : vector<16xf32> to vector<16xf32>
        %add3A_376 = arith.addf %scan3A_352, %get3A_375 : vector<16xf32>
        %add3A_377 = arith.constant 48 : i32
        %add3A_378 = arith.addi %mul3A_359, %add3A_377 : i32
        %get3A_379 = arith.index_cast %add3A_378 : i32 to index
        %get3A_380 = tpu.vector_load %arg4[%get3A_379] {strides = array<i32>} : memref<32000xf32, #tpu.memory_space<vmem>>, vector<16xf32>,
        %get3A_381 = vector.shape_cast %get3A_380 : vector<16xf32> to vector<16xf32>
        %add3A_382 = arith.addf %scan3A_353, %get3A_381 : vector<16xf32>
        %add3A_383 = arith.constant 64 : i32
        %add3A_384 = arith.addi %mul3A_359, %add3A_383 : i32
        %get3A_385 = arith.index_cast %add3A_384 : i32 to index
        %get3A_386 = tpu.vector_load %arg4[%get3A_385] {strides = array<i32>} : memref<32000xf32, #tpu.memory_space<vmem>>, vector<16xf32>,
        %get3A_387 = vector.shape_cast %get3A_386 : vector<16xf32> to vector<16xf32>
        %add3A_388 = arith.addf %scan3A_354, %get3A_387 : vector<16xf32>
        %add3A_389 = arith.constant 80 : i32
        %add3A_390 = arith.addi %mul3A_359, %add3A_389 : i32
        %get3A_391 = arith.index_cast %add3A_390 : i32 to index
        %get3A_392 = tpu.vector_load %arg4[%get3A_391] {strides = array<i32>} : memref<32000xf32, #tpu.memory_space<vmem>>, vector<16xf32>,
        %get3A_393 = vector.shape_cast %get3A_392 : vector<16xf32> to vector<16xf32>
        %add3A_394 = arith.addf %scan3A_355, %get3A_393 : vector<16xf32>
        %add3A_395 = arith.constant 96 : i32
        %add3A_396 = arith.addi %mul3A_359, %add3A_395 : i32
        %get3A_397 = arith.index_cast %add3A_396 : i32 to index
        %get3A_398 = tpu.vector_load %arg4[%get3A_397] {strides = array<i32>} : memref<32000xf32, #tpu.memory_space<vmem>>, vector<16xf32>,
        %get3A_399 = vector.shape_cast %get3A_398 : vector<16xf32> to vector<16xf32>
        %add3A_400 = arith.addf %scan3A_356, %get3A_399 : vector<16xf32>
        %add3A_401 = arith.constant 112 : i32
        %add3A_402 = arith.addi %mul3A_359, %add3A_401 : i32
        %get3A_403 = arith.index_cast %add3A_402 : i32 to index
        %get3A_404 = tpu.vector_load %arg4[%get3A_403] {strides = array<i32>} : memref<32000xf32, #tpu.memory_space<vmem>>, vector<16xf32>,
        %get3A_405 = vector.shape_cast %get3A_404 : vector<16xf32> to vector<16xf32>
        %add3A_406 = arith.addf %scan3A_357, %get3A_405 : vector<16xf32>
        %scan3A_407 = arith.constant 1 : i32
        %scan3A_408 = arith.addi %scan3A_349, %scan3A_407 : i32
        %mul3A_409 = arith.constant 128 : i32
        %mul3A_410 = arith.muli %scan3A_408, %mul3A_409 : i32
        %add3A_411 = arith.constant 0 : i32
        %add3A_412 = arith.addi %mul3A_410, %add3A_411 : i32
        %get3A_413 = arith.index_cast %add3A_412 : i32 to index
        %get3A_414 = tpu.vector_load %arg4[%get3A_413] {strides = array<i32>} : memref<32000xf32, #tpu.memory_space<vmem>>, vector<16xf32>,
        %get3A_415 = vector.shape_cast %get3A_414 : vector<16xf32> to vector<16xf32>
        %add3A_416 = arith.addf %add3A_364, %get3A_415 : vector<16xf32>
        %add3A_417 = arith.constant 16 : i32
        %add3A_418 = arith.addi %mul3A_410, %add3A_417 : i32
        %get3A_419 = arith.index_cast %add3A_418 : i32 to index
        %get3A_420 = tpu.vector_load %arg4[%get3A_419] {strides = array<i32>} : memref<32000xf32, #tpu.memory_space<vmem>>, vector<16xf32>,
        %get3A_421 = vector.shape_cast %get3A_420 : vector<16xf32> to vector<16xf32>
        %add3A_422 = arith.addf %add3A_370, %get3A_421 : vector<16xf32>
        %add3A_423 = arith.constant 32 : i32
        %add3A_424 = arith.addi %mul3A_410, %add3A_423 : i32
        %get3A_425 = arith.index_cast %add3A_424 : i32 to index
        %get3A_426 = tpu.vector_load %arg4[%get3A_425] {strides = array<i32>} : memref<32000xf32, #tpu.memory_space<vmem>>, vector<16xf32>,
        %get3A_427 = vector.shape_cast %get3A_426 : vector<16xf32> to vector<16xf32>
        %add3A_428 = arith.addf %add3A_376, %get3A_427 : vector<16xf32>
        %add3A_429 = arith.constant 48 : i32
        %add3A_430 = arith.addi %mul3A_410, %add3A_429 : i32
        %get3A_431 = arith.index_cast %add3A_430 : i32 to index
        %get3A_432 = tpu.vector_load %arg4[%get3A_431] {strides = array<i32>} : memref<32000xf32, #tpu.memory_space<vmem>>, vector<16xf32>,
        %get3A_433 = vector.shape_cast %get3A_432 : vector<16xf32> to vector<16xf32>
        %add3A_434 = arith.addf %add3A_382, %get3A_433 : vector<16xf32>
        %add3A_435 = arith.constant 64 : i32
        %add3A_436 = arith.addi %mul3A_410, %add3A_435 : i32
        %get3A_437 = arith.index_cast %add3A_436 : i32 to index
        %get3A_438 = tpu.vector_load %arg4[%get3A_437] {strides = array<i32>} : memref<32000xf32, #tpu.memory_space<vmem>>, vector<16xf32>,
        %get3A_439 = vector.shape_cast %get3A_438 : vector<16xf32> to vector<16xf32>
        %add3A_440 = arith.addf %add3A_388, %get3A_439 : vector<16xf32>
        %add3A_441 = arith.constant 80 : i32
        %add3A_442 = arith.addi %mul3A_410, %add3A_441 : i32
        %get3A_443 = arith.index_cast %add3A_442 : i32 to index
        %get3A_444 = tpu.vector_load %arg4[%get3A_443] {strides = array<i32>} : memref<32000xf32, #tpu.memory_space<vmem>>, vector<16xf32>,
        %get3A_445 = vector.shape_cast %get3A_444 : vector<16xf32> to vector<16xf32>
        %add3A_446 = arith.addf %add3A_394, %get3A_445 : vector<16xf32>
        %add3A_447 = arith.constant 96 : i32
        %add3A_448 = arith.addi %mul3A_410, %add3A_447 : i32
        %get3A_449 = arith.index_cast %add3A_448 : i32 to index
        %get3A_450 = tpu.vector_load %arg4[%get3A_449] {strides = array<i32>} : memref<32000xf32, #tpu.memory_space<vmem>>, vector<16xf32>,
        %get3A_451 = vector.shape_cast %get3A_450 : vector<16xf32> to vector<16xf32>
        %add3A_452 = arith.addf %add3A_400, %get3A_451 : vector<16xf32>
        %add3A_453 = arith.constant 112 : i32
        %add3A_454 = arith.addi %mul3A_410, %add3A_453 : i32
        %get3A_455 = arith.index_cast %add3A_454 : i32 to index
        %get3A_456 = tpu.vector_load %arg4[%get3A_455] {strides = array<i32>} : memref<32000xf32, #tpu.memory_space<vmem>>, vector<16xf32>,
        %get3A_457 = vector.shape_cast %get3A_456 : vector<16xf32> to vector<16xf32>
        %add3A_458 = arith.addf %add3A_406, %get3A_457 : vector<16xf32>
        scf.yield %add3A_416, %add3A_422, %add3A_428, %add3A_434, %add3A_440, %add3A_446, %add3A_452, %add3A_458 : vector<16xf32>, vector<16xf32>, vector<16xf32>, vector<16xf32>, vector<16xf32>, vector<16xf32>, vector<16xf32>, vector<16xf32>
      }
      %scan3A_271 = arith.constant 250 : i32
      %mul3A_272 = arith.constant 2000 : i32
      %mul3A_273 = arith.muli %add3A_10, %mul3A_272 : i32
      %add3A_274 = arith.constant 250000 : i32
      %add3A_275 = arith.addi %add3A_274, %mul3A_273 : i32
      %add3A_276 = arith.constant 1500 : i32
      %add3A_277 = arith.addi %add3A_275, %add3A_276 : i32
      %mul3A_278 = arith.constant 128 : i32
      %mul3A_279 = arith.muli %add3A_277, %mul3A_278 : i32
      %dma_start3A_280 = tpu.memref_slice %arg2[%mul3A_279] : memref<64000000xf32, #tpu.memory_space<hbm>> -> memref<32000xf32, #tpu.memory_space<hbm>>
      %dma_start3A_281 = tpu.memref_slice %arg2[%mul3A_279] : memref<64000000xf32, #tpu.memory_space<hbm>> -> memref<32000xf32, #tpu.memory_space<hbm>>
      tpu.enqueue_dma source(%dma_start3A_281 : memref<32000xf32, #tpu.memory_space<hbm>>) target(%arg4 : memref<32000xf32, #tpu.memory_space<vmem>>) target_semaphore(%arg7 : memref<!tpu.dma_semaphore, #tpu.memory_space<semaphore_mem>>)
      %dma_wait3A_282 = tpu.memref_slice %arg2[%mul3A_261] : memref<64000000xf32, #tpu.memory_space<hbm>> -> memref<32000xf32, #tpu.memory_space<hbm>>
      %dma_wait3A_283 = tpu.memref_slice %arg2[%mul3A_261] : memref<64000000xf32, #tpu.memory_space<hbm>> -> memref<32000xf32, #tpu.memory_space<hbm>>
      tpu.wait_dma2 semaphore(%arg8 : memref<!tpu.dma_semaphore, #tpu.memory_space<semaphore_mem>>) src(%dma_wait3A_283 : memref<32000xf32, #tpu.memory_space<hbm>>) dst(%arg5 : memref<32000xf32, #tpu.memory_space<vmem>>)
      %scan3A_284 = arith.constant 0 : i32
      %scan3A_285 = arith.constant 250 : i32
      %scan3A_286 = arith.addi %scan3A_284, %scan3A_285 : i32
      %scan3A_287 = arith.constant 2 : i32
      %scan3A_288:8 = scf.for %scan3A_349 = %scan3A_284 to %scan3A_286 step %scan3A_287 iter_args(%scan3A_350 = %scan3A_270#0, %scan3A_351 = %scan3A_270#1, %scan3A_352 = %scan3A_270#2, %scan3A_353 = %scan3A_270#3, %scan3A_354 = %scan3A_270#4, %scan3A_355 = %scan3A_270#5, %scan3A_356 = %scan3A_270#6, %scan3A_357 = %scan3A_270#7) -> (vector<16xf32>, vector<16xf32>, vector<16xf32>, vector<16xf32>, vector<16xf32>, vector<16xf32>, vector<16xf32>, vector<16xf32>)  : i32 {
        %mul3A_358 = arith.constant 128 : i32
        %mul3A_359 = arith.muli %scan3A_349, %mul3A_358 : i32
        %add3A_360 = arith.constant 0 : i32
        %add3A_361 = arith.addi %mul3A_359, %add3A_360 : i32
        %get3A = arith.index_cast %add3A_361 : i32 to index
        %get3A_362 = tpu.vector_load %arg5[%get3A] {strides = array<i32>} : memref<32000xf32, #tpu.memory_space<vmem>>, vector<16xf32>,
        %get3A_363 = vector.shape_cast %get3A_362 : vector<16xf32> to vector<16xf32>
        %add3A_364 = arith.addf %scan3A_350, %get3A_363 : vector<16xf32>
        %add3A_365 = arith.constant 16 : i32
        %add3A_366 = arith.addi %mul3A_359, %add3A_365 : i32
        %get3A_367 = arith.index_cast %add3A_366 : i32 to index
        %get3A_368 = tpu.vector_load %arg5[%get3A_367] {strides = array<i32>} : memref<32000xf32, #tpu.memory_space<vmem>>, vector<16xf32>,
        %get3A_369 = vector.shape_cast %get3A_368 : vector<16xf32> to vector<16xf32>
        %add3A_370 = arith.addf %scan3A_351, %get3A_369 : vector<16xf32>
        %add3A_371 = arith.constant 32 : i32
        %add3A_372 = arith.addi %mul3A_359, %add3A_371 : i32
        %get3A_373 = arith.index_cast %add3A_372 : i32 to index
        %get3A_374 = tpu.vector_load %arg5[%get3A_373] {strides = array<i32>} : memref<32000xf32, #tpu.memory_space<vmem>>, vector<16xf32>,
        %get3A_375 = vector.shape_cast %get3A_374 : vector<16xf32> to vector<16xf32>
        %add3A_376 = arith.addf %scan3A_352, %get3A_375 : vector<16xf32>
        %add3A_377 = arith.constant 48 : i32
        %add3A_378 = arith.addi %mul3A_359, %add3A_377 : i32
        %get3A_379 = arith.index_cast %add3A_378 : i32 to index
        %get3A_380 = tpu.vector_load %arg5[%get3A_379] {strides = array<i32>} : memref<32000xf32, #tpu.memory_space<vmem>>, vector<16xf32>,
        %get3A_381 = vector.shape_cast %get3A_380 : vector<16xf32> to vector<16xf32>
        %add3A_382 = arith.addf %scan3A_353, %get3A_381 : vector<16xf32>
        %add3A_383 = arith.constant 64 : i32
        %add3A_384 = arith.addi %mul3A_359, %add3A_383 : i32
        %get3A_385 = arith.index_cast %add3A_384 : i32 to index
        %get3A_386 = tpu.vector_load %arg5[%get3A_385] {strides = array<i32>} : memref<32000xf32, #tpu.memory_space<vmem>>, vector<16xf32>,
        %get3A_387 = vector.shape_cast %get3A_386 : vector<16xf32> to vector<16xf32>
        %add3A_388 = arith.addf %scan3A_354, %get3A_387 : vector<16xf32>
        %add3A_389 = arith.constant 80 : i32
        %add3A_390 = arith.addi %mul3A_359, %add3A_389 : i32
        %get3A_391 = arith.index_cast %add3A_390 : i32 to index
        %get3A_392 = tpu.vector_load %arg5[%get3A_391] {strides = array<i32>} : memref<32000xf32, #tpu.memory_space<vmem>>, vector<16xf32>,
        %get3A_393 = vector.shape_cast %get3A_392 : vector<16xf32> to vector<16xf32>
        %add3A_394 = arith.addf %scan3A_355, %get3A_393 : vector<16xf32>
        %add3A_395 = arith.constant 96 : i32
        %add3A_396 = arith.addi %mul3A_359, %add3A_395 : i32
        %get3A_397 = arith.index_cast %add3A_396 : i32 to index
        %get3A_398 = tpu.vector_load %arg5[%get3A_397] {strides = array<i32>} : memref<32000xf32, #tpu.memory_space<vmem>>, vector<16xf32>,
        %get3A_399 = vector.shape_cast %get3A_398 : vector<16xf32> to vector<16xf32>
        %add3A_400 = arith.addf %scan3A_356, %get3A_399 : vector<16xf32>
        %add3A_401 = arith.constant 112 : i32
        %add3A_402 = arith.addi %mul3A_359, %add3A_401 : i32
        %get3A_403 = arith.index_cast %add3A_402 : i32 to index
        %get3A_404 = tpu.vector_load %arg5[%get3A_403] {strides = array<i32>} : memref<32000xf32, #tpu.memory_space<vmem>>, vector<16xf32>,
        %get3A_405 = vector.shape_cast %get3A_404 : vector<16xf32> to vector<16xf32>
        %add3A_406 = arith.addf %scan3A_357, %get3A_405 : vector<16xf32>
        %scan3A_407 = arith.constant 1 : i32
        %scan3A_408 = arith.addi %scan3A_349, %scan3A_407 : i32
        %mul3A_409 = arith.constant 128 : i32
        %mul3A_410 = arith.muli %scan3A_408, %mul3A_409 : i32
        %add3A_411 = arith.constant 0 : i32
        %add3A_412 = arith.addi %mul3A_410, %add3A_411 : i32
        %get3A_413 = arith.index_cast %add3A_412 : i32 to index
        %get3A_414 = tpu.vector_load %arg5[%get3A_413] {strides = array<i32>} : memref<32000xf32, #tpu.memory_space<vmem>>, vector<16xf32>,
        %get3A_415 = vector.shape_cast %get3A_414 : vector<16xf32> to vector<16xf32>
        %add3A_416 = arith.addf %add3A_364, %get3A_415 : vector<16xf32>
        %add3A_417 = arith.constant 16 : i32
        %add3A_418 = arith.addi %mul3A_410, %add3A_417 : i32
        %get3A_419 = arith.index_cast %add3A_418 : i32 to index
        %get3A_420 = tpu.vector_load %arg5[%get3A_419] {strides = array<i32>} : memref<32000xf32, #tpu.memory_space<vmem>>, vector<16xf32>,
        %get3A_421 = vector.shape_cast %get3A_420 : vector<16xf32> to vector<16xf32>
        %add3A_422 = arith.addf %add3A_370, %get3A_421 : vector<16xf32>
        %add3A_423 = arith.constant 32 : i32
        %add3A_424 = arith.addi %mul3A_410, %add3A_423 : i32
        %get3A_425 = arith.index_cast %add3A_424 : i32 to index
        %get3A_426 = tpu.vector_load %arg5[%get3A_425] {strides = array<i32>} : memref<32000xf32, #tpu.memory_space<vmem>>, vector<16xf32>,
        %get3A_427 = vector.shape_cast %get3A_426 : vector<16xf32> to vector<16xf32>
        %add3A_428 = arith.addf %add3A_376, %get3A_427 : vector<16xf32>
        %add3A_429 = arith.constant 48 : i32
        %add3A_430 = arith.addi %mul3A_410, %add3A_429 : i32
        %get3A_431 = arith.index_cast %add3A_430 : i32 to index
        %get3A_432 = tpu.vector_load %arg5[%get3A_431] {strides = array<i32>} : memref<32000xf32, #tpu.memory_space<vmem>>, vector<16xf32>,
        %get3A_433 = vector.shape_cast %get3A_432 : vector<16xf32> to vector<16xf32>
        %add3A_434 = arith.addf %add3A_382, %get3A_433 : vector<16xf32>
        %add3A_435 = arith.constant 64 : i32
        %add3A_436 = arith.addi %mul3A_410, %add3A_435 : i32
        %get3A_437 = arith.index_cast %add3A_436 : i32 to index
        %get3A_438 = tpu.vector_load %arg5[%get3A_437] {strides = array<i32>} : memref<32000xf32, #tpu.memory_space<vmem>>, vector<16xf32>,
        %get3A_439 = vector.shape_cast %get3A_438 : vector<16xf32> to vector<16xf32>
        %add3A_440 = arith.addf %add3A_388, %get3A_439 : vector<16xf32>
        %add3A_441 = arith.constant 80 : i32
        %add3A_442 = arith.addi %mul3A_410, %add3A_441 : i32
        %get3A_443 = arith.index_cast %add3A_442 : i32 to index
        %get3A_444 = tpu.vector_load %arg5[%get3A_443] {strides = array<i32>} : memref<32000xf32, #tpu.memory_space<vmem>>, vector<16xf32>,
        %get3A_445 = vector.shape_cast %get3A_444 : vector<16xf32> to vector<16xf32>
        %add3A_446 = arith.addf %add3A_394, %get3A_445 : vector<16xf32>
        %add3A_447 = arith.constant 96 : i32
        %add3A_448 = arith.addi %mul3A_410, %add3A_447 : i32
        %get3A_449 = arith.index_cast %add3A_448 : i32 to index
        %get3A_450 = tpu.vector_load %arg5[%get3A_449] {strides = array<i32>} : memref<32000xf32, #tpu.memory_space<vmem>>, vector<16xf32>,
        %get3A_451 = vector.shape_cast %get3A_450 : vector<16xf32> to vector<16xf32>
        %add3A_452 = arith.addf %add3A_400, %get3A_451 : vector<16xf32>
        %add3A_453 = arith.constant 112 : i32
        %add3A_454 = arith.addi %mul3A_410, %add3A_453 : i32
        %get3A_455 = arith.index_cast %add3A_454 : i32 to index
        %get3A_456 = tpu.vector_load %arg5[%get3A_455] {strides = array<i32>} : memref<32000xf32, #tpu.memory_space<vmem>>, vector<16xf32>,
        %get3A_457 = vector.shape_cast %get3A_456 : vector<16xf32> to vector<16xf32>
        %add3A_458 = arith.addf %add3A_406, %get3A_457 : vector<16xf32>
        scf.yield %add3A_416, %add3A_422, %add3A_428, %add3A_434, %add3A_440, %add3A_446, %add3A_452, %add3A_458 : vector<16xf32>, vector<16xf32>, vector<16xf32>, vector<16xf32>, vector<16xf32>, vector<16xf32>, vector<16xf32>, vector<16xf32>
      }
      %scan3A_289 = arith.constant 250 : i32
      %mul3A_290 = arith.constant 2000 : i32
      %mul3A_291 = arith.muli %add3A_10, %mul3A_290 : i32
      %add3A_292 = arith.constant 250000 : i32
      %add3A_293 = arith.addi %add3A_292, %mul3A_291 : i32
      %add3A_294 = arith.constant 1750 : i32
      %add3A_295 = arith.addi %add3A_293, %add3A_294 : i32
      %mul3A_296 = arith.constant 128 : i32
      %mul3A_297 = arith.muli %add3A_295, %mul3A_296 : i32
      %dma_start3A_298 = tpu.memref_slice %arg2[%mul3A_297] : memref<64000000xf32, #tpu.memory_space<hbm>> -> memref<32000xf32, #tpu.memory_space<hbm>>
      %dma_start3A_299 = tpu.memref_slice %arg2[%mul3A_297] : memref<64000000xf32, #tpu.memory_space<hbm>> -> memref<32000xf32, #tpu.memory_space<hbm>>
      tpu.enqueue_dma source(%dma_start3A_299 : memref<32000xf32, #tpu.memory_space<hbm>>) target(%arg5 : memref<32000xf32, #tpu.memory_space<vmem>>) target_semaphore(%arg8 : memref<!tpu.dma_semaphore, #tpu.memory_space<semaphore_mem>>)
      %dma_wait3A_300 = tpu.memref_slice %arg2[%mul3A_279] : memref<64000000xf32, #tpu.memory_space<hbm>> -> memref<32000xf32, #tpu.memory_space<hbm>>
      %dma_wait3A_301 = tpu.memref_slice %arg2[%mul3A_279] : memref<64000000xf32, #tpu.memory_space<hbm>> -> memref<32000xf32, #tpu.memory_space<hbm>>
      tpu.wait_dma2 semaphore(%arg7 : memref<!tpu.dma_semaphore, #tpu.memory_space<semaphore_mem>>) src(%dma_wait3A_301 : memref<32000xf32, #tpu.memory_space<hbm>>) dst(%arg4 : memref<32000xf32, #tpu.memory_space<vmem>>)
      %scan3A_302 = arith.constant 0 : i32
      %scan3A_303 = arith.constant 250 : i32
      %scan3A_304 = arith.addi %scan3A_302, %scan3A_303 : i32
      %scan3A_305 = arith.constant 2 : i32
      %scan3A_306:8 = scf.for %scan3A_349 = %scan3A_302 to %scan3A_304 step %scan3A_305 iter_args(%scan3A_350 = %scan3A_288#0, %scan3A_351 = %scan3A_288#1, %scan3A_352 = %scan3A_288#2, %scan3A_353 = %scan3A_288#3, %scan3A_354 = %scan3A_288#4, %scan3A_355 = %scan3A_288#5, %scan3A_356 = %scan3A_288#6, %scan3A_357 = %scan3A_288#7) -> (vector<16xf32>, vector<16xf32>, vector<16xf32>, vector<16xf32>, vector<16xf32>, vector<16xf32>, vector<16xf32>, vector<16xf32>)  : i32 {
        %mul3A_358 = arith.constant 128 : i32
        %mul3A_359 = arith.muli %scan3A_349, %mul3A_358 : i32
        %add3A_360 = arith.constant 0 : i32
        %add3A_361 = arith.addi %mul3A_359, %add3A_360 : i32
        %get3A = arith.index_cast %add3A_361 : i32 to index
        %get3A_362 = tpu.vector_load %arg4[%get3A] {strides = array<i32>} : memref<32000xf32, #tpu.memory_space<vmem>>, vector<16xf32>,
        %get3A_363 = vector.shape_cast %get3A_362 : vector<16xf32> to vector<16xf32>
        %add3A_364 = arith.addf %scan3A_350, %get3A_363 : vector<16xf32>
        %add3A_365 = arith.constant 16 : i32
        %add3A_366 = arith.addi %mul3A_359, %add3A_365 : i32
        %get3A_367 = arith.index_cast %add3A_366 : i32 to index
        %get3A_368 = tpu.vector_load %arg4[%get3A_367] {strides = array<i32>} : memref<32000xf32, #tpu.memory_space<vmem>>, vector<16xf32>,
        %get3A_369 = vector.shape_cast %get3A_368 : vector<16xf32> to vector<16xf32>
        %add3A_370 = arith.addf %scan3A_351, %get3A_369 : vector<16xf32>
        %add3A_371 = arith.constant 32 : i32
        %add3A_372 = arith.addi %mul3A_359, %add3A_371 : i32
        %get3A_373 = arith.index_cast %add3A_372 : i32 to index
        %get3A_374 = tpu.vector_load %arg4[%get3A_373] {strides = array<i32>} : memref<32000xf32, #tpu.memory_space<vmem>>, vector<16xf32>,
        %get3A_375 = vector.shape_cast %get3A_374 : vector<16xf32> to vector<16xf32>
        %add3A_376 = arith.addf %scan3A_352, %get3A_375 : vector<16xf32>
        %add3A_377 = arith.constant 48 : i32
        %add3A_378 = arith.addi %mul3A_359, %add3A_377 : i32
        %get3A_379 = arith.index_cast %add3A_378 : i32 to index
        %get3A_380 = tpu.vector_load %arg4[%get3A_379] {strides = array<i32>} : memref<32000xf32, #tpu.memory_space<vmem>>, vector<16xf32>,
        %get3A_381 = vector.shape_cast %get3A_380 : vector<16xf32> to vector<16xf32>
        %add3A_382 = arith.addf %scan3A_353, %get3A_381 : vector<16xf32>
        %add3A_383 = arith.constant 64 : i32
        %add3A_384 = arith.addi %mul3A_359, %add3A_383 : i32
        %get3A_385 = arith.index_cast %add3A_384 : i32 to index
        %get3A_386 = tpu.vector_load %arg4[%get3A_385] {strides = array<i32>} : memref<32000xf32, #tpu.memory_space<vmem>>, vector<16xf32>,
        %get3A_387 = vector.shape_cast %get3A_386 : vector<16xf32> to vector<16xf32>
        %add3A_388 = arith.addf %scan3A_354, %get3A_387 : vector<16xf32>
        %add3A_389 = arith.constant 80 : i32
        %add3A_390 = arith.addi %mul3A_359, %add3A_389 : i32
        %get3A_391 = arith.index_cast %add3A_390 : i32 to index
        %get3A_392 = tpu.vector_load %arg4[%get3A_391] {strides = array<i32>} : memref<32000xf32, #tpu.memory_space<vmem>>, vector<16xf32>,
        %get3A_393 = vector.shape_cast %get3A_392 : vector<16xf32> to vector<16xf32>
        %add3A_394 = arith.addf %scan3A_355, %get3A_393 : vector<16xf32>
        %add3A_395 = arith.constant 96 : i32
        %add3A_396 = arith.addi %mul3A_359, %add3A_395 : i32
        %get3A_397 = arith.index_cast %add3A_396 : i32 to index
        %get3A_398 = tpu.vector_load %arg4[%get3A_397] {strides = array<i32>} : memref<32000xf32, #tpu.memory_space<vmem>>, vector<16xf32>,
        %get3A_399 = vector.shape_cast %get3A_398 : vector<16xf32> to vector<16xf32>
        %add3A_400 = arith.addf %scan3A_356, %get3A_399 : vector<16xf32>
        %add3A_401 = arith.constant 112 : i32
        %add3A_402 = arith.addi %mul3A_359, %add3A_401 : i32
        %get3A_403 = arith.index_cast %add3A_402 : i32 to index
        %get3A_404 = tpu.vector_load %arg4[%get3A_403] {strides = array<i32>} : memref<32000xf32, #tpu.memory_space<vmem>>, vector<16xf32>,
        %get3A_405 = vector.shape_cast %get3A_404 : vector<16xf32> to vector<16xf32>
        %add3A_406 = arith.addf %scan3A_357, %get3A_405 : vector<16xf32>
        %scan3A_407 = arith.constant 1 : i32
        %scan3A_408 = arith.addi %scan3A_349, %scan3A_407 : i32
        %mul3A_409 = arith.constant 128 : i32
        %mul3A_410 = arith.muli %scan3A_408, %mul3A_409 : i32
        %add3A_411 = arith.constant 0 : i32
        %add3A_412 = arith.addi %mul3A_410, %add3A_411 : i32
        %get3A_413 = arith.index_cast %add3A_412 : i32 to index
        %get3A_414 = tpu.vector_load %arg4[%get3A_413] {strides = array<i32>} : memref<32000xf32, #tpu.memory_space<vmem>>, vector<16xf32>,
        %get3A_415 = vector.shape_cast %get3A_414 : vector<16xf32> to vector<16xf32>
        %add3A_416 = arith.addf %add3A_364, %get3A_415 : vector<16xf32>
        %add3A_417 = arith.constant 16 : i32
        %add3A_418 = arith.addi %mul3A_410, %add3A_417 : i32
        %get3A_419 = arith.index_cast %add3A_418 : i32 to index
        %get3A_420 = tpu.vector_load %arg4[%get3A_419] {strides = array<i32>} : memref<32000xf32, #tpu.memory_space<vmem>>, vector<16xf32>,
        %get3A_421 = vector.shape_cast %get3A_420 : vector<16xf32> to vector<16xf32>
        %add3A_422 = arith.addf %add3A_370, %get3A_421 : vector<16xf32>
        %add3A_423 = arith.constant 32 : i32
        %add3A_424 = arith.addi %mul3A_410, %add3A_423 : i32
        %get3A_425 = arith.index_cast %add3A_424 : i32 to index
        %get3A_426 = tpu.vector_load %arg4[%get3A_425] {strides = array<i32>} : memref<32000xf32, #tpu.memory_space<vmem>>, vector<16xf32>,
        %get3A_427 = vector.shape_cast %get3A_426 : vector<16xf32> to vector<16xf32>
        %add3A_428 = arith.addf %add3A_376, %get3A_427 : vector<16xf32>
        %add3A_429 = arith.constant 48 : i32
        %add3A_430 = arith.addi %mul3A_410, %add3A_429 : i32
        %get3A_431 = arith.index_cast %add3A_430 : i32 to index
        %get3A_432 = tpu.vector_load %arg4[%get3A_431] {strides = array<i32>} : memref<32000xf32, #tpu.memory_space<vmem>>, vector<16xf32>,
        %get3A_433 = vector.shape_cast %get3A_432 : vector<16xf32> to vector<16xf32>
        %add3A_434 = arith.addf %add3A_382, %get3A_433 : vector<16xf32>
        %add3A_435 = arith.constant 64 : i32
        %add3A_436 = arith.addi %mul3A_410, %add3A_435 : i32
        %get3A_437 = arith.index_cast %add3A_436 : i32 to index
        %get3A_438 = tpu.vector_load %arg4[%get3A_437] {strides = array<i32>} : memref<32000xf32, #tpu.memory_space<vmem>>, vector<16xf32>,
        %get3A_439 = vector.shape_cast %get3A_438 : vector<16xf32> to vector<16xf32>
        %add3A_440 = arith.addf %add3A_388, %get3A_439 : vector<16xf32>
        %add3A_441 = arith.constant 80 : i32
        %add3A_442 = arith.addi %mul3A_410, %add3A_441 : i32
        %get3A_443 = arith.index_cast %add3A_442 : i32 to index
        %get3A_444 = tpu.vector_load %arg4[%get3A_443] {strides = array<i32>} : memref<32000xf32, #tpu.memory_space<vmem>>, vector<16xf32>,
        %get3A_445 = vector.shape_cast %get3A_444 : vector<16xf32> to vector<16xf32>
        %add3A_446 = arith.addf %add3A_394, %get3A_445 : vector<16xf32>
        %add3A_447 = arith.constant 96 : i32
        %add3A_448 = arith.addi %mul3A_410, %add3A_447 : i32
        %get3A_449 = arith.index_cast %add3A_448 : i32 to index
        %get3A_450 = tpu.vector_load %arg4[%get3A_449] {strides = array<i32>} : memref<32000xf32, #tpu.memory_space<vmem>>, vector<16xf32>,
        %get3A_451 = vector.shape_cast %get3A_450 : vector<16xf32> to vector<16xf32>
        %add3A_452 = arith.addf %add3A_400, %get3A_451 : vector<16xf32>
        %add3A_453 = arith.constant 112 : i32
        %add3A_454 = arith.addi %mul3A_410, %add3A_453 : i32
        %get3A_455 = arith.index_cast %add3A_454 : i32 to index
        %get3A_456 = tpu.vector_load %arg4[%get3A_455] {strides = array<i32>} : memref<32000xf32, #tpu.memory_space<vmem>>, vector<16xf32>,
        %get3A_457 = vector.shape_cast %get3A_456 : vector<16xf32> to vector<16xf32>
        %add3A_458 = arith.addf %add3A_406, %get3A_457 : vector<16xf32>
        scf.yield %add3A_416, %add3A_422, %add3A_428, %add3A_434, %add3A_440, %add3A_446, %add3A_452, %add3A_458 : vector<16xf32>, vector<16xf32>, vector<16xf32>, vector<16xf32>, vector<16xf32>, vector<16xf32>, vector<16xf32>, vector<16xf32>
      }
      %scan3A_307 = arith.constant 250 : i32
      %dma_wait3A_308 = tpu.memref_slice %arg2[%mul3A_297] : memref<64000000xf32, #tpu.memory_space<hbm>> -> memref<32000xf32, #tpu.memory_space<hbm>>
      %dma_wait3A_309 = tpu.memref_slice %arg2[%mul3A_297] : memref<64000000xf32, #tpu.memory_space<hbm>> -> memref<32000xf32, #tpu.memory_space<hbm>>
      tpu.wait_dma2 semaphore(%arg8 : memref<!tpu.dma_semaphore, #tpu.memory_space<semaphore_mem>>) src(%dma_wait3A_309 : memref<32000xf32, #tpu.memory_space<hbm>>) dst(%arg5 : memref<32000xf32, #tpu.memory_space<vmem>>)
      %scan3A_310 = arith.constant 0 : i32
      %scan3A_311 = arith.constant 250 : i32
      %scan3A_312 = arith.addi %scan3A_310, %scan3A_311 : i32
      %scan3A_313 = arith.constant 2 : i32
      %scan3A_314:8 = scf.for %scan3A_349 = %scan3A_310 to %scan3A_312 step %scan3A_313 iter_args(%scan3A_350 = %scan3A_306#0, %scan3A_351 = %scan3A_306#1, %scan3A_352 = %scan3A_306#2, %scan3A_353 = %scan3A_306#3, %scan3A_354 = %scan3A_306#4, %scan3A_355 = %scan3A_306#5, %scan3A_356 = %scan3A_306#6, %scan3A_357 = %scan3A_306#7) -> (vector<16xf32>, vector<16xf32>, vector<16xf32>, vector<16xf32>, vector<16xf32>, vector<16xf32>, vector<16xf32>, vector<16xf32>)  : i32 {
        %mul3A_358 = arith.constant 128 : i32
        %mul3A_359 = arith.muli %scan3A_349, %mul3A_358 : i32
        %add3A_360 = arith.constant 0 : i32
        %add3A_361 = arith.addi %mul3A_359, %add3A_360 : i32
        %get3A = arith.index_cast %add3A_361 : i32 to index
        %get3A_362 = tpu.vector_load %arg5[%get3A] {strides = array<i32>} : memref<32000xf32, #tpu.memory_space<vmem>>, vector<16xf32>,
        %get3A_363 = vector.shape_cast %get3A_362 : vector<16xf32> to vector<16xf32>
        %add3A_364 = arith.addf %scan3A_350, %get3A_363 : vector<16xf32>
        %add3A_365 = arith.constant 16 : i32
        %add3A_366 = arith.addi %mul3A_359, %add3A_365 : i32
        %get3A_367 = arith.index_cast %add3A_366 : i32 to index
        %get3A_368 = tpu.vector_load %arg5[%get3A_367] {strides = array<i32>} : memref<32000xf32, #tpu.memory_space<vmem>>, vector<16xf32>,
        %get3A_369 = vector.shape_cast %get3A_368 : vector<16xf32> to vector<16xf32>
        %add3A_370 = arith.addf %scan3A_351, %get3A_369 : vector<16xf32>
        %add3A_371 = arith.constant 32 : i32
        %add3A_372 = arith.addi %mul3A_359, %add3A_371 : i32
        %get3A_373 = arith.index_cast %add3A_372 : i32 to index
        %get3A_374 = tpu.vector_load %arg5[%get3A_373] {strides = array<i32>} : memref<32000xf32, #tpu.memory_space<vmem>>, vector<16xf32>,
        %get3A_375 = vector.shape_cast %get3A_374 : vector<16xf32> to vector<16xf32>
        %add3A_376 = arith.addf %scan3A_352, %get3A_375 : vector<16xf32>
        %add3A_377 = arith.constant 48 : i32
        %add3A_378 = arith.addi %mul3A_359, %add3A_377 : i32
        %get3A_379 = arith.index_cast %add3A_378 : i32 to index
        %get3A_380 = tpu.vector_load %arg5[%get3A_379] {strides = array<i32>} : memref<32000xf32, #tpu.memory_space<vmem>>, vector<16xf32>,
        %get3A_381 = vector.shape_cast %get3A_380 : vector<16xf32> to vector<16xf32>
        %add3A_382 = arith.addf %scan3A_353, %get3A_381 : vector<16xf32>
        %add3A_383 = arith.constant 64 : i32
        %add3A_384 = arith.addi %mul3A_359, %add3A_383 : i32
        %get3A_385 = arith.index_cast %add3A_384 : i32 to index
        %get3A_386 = tpu.vector_load %arg5[%get3A_385] {strides = array<i32>} : memref<32000xf32, #tpu.memory_space<vmem>>, vector<16xf32>,
        %get3A_387 = vector.shape_cast %get3A_386 : vector<16xf32> to vector<16xf32>
        %add3A_388 = arith.addf %scan3A_354, %get3A_387 : vector<16xf32>
        %add3A_389 = arith.constant 80 : i32
        %add3A_390 = arith.addi %mul3A_359, %add3A_389 : i32
        %get3A_391 = arith.index_cast %add3A_390 : i32 to index
        %get3A_392 = tpu.vector_load %arg5[%get3A_391] {strides = array<i32>} : memref<32000xf32, #tpu.memory_space<vmem>>, vector<16xf32>,
        %get3A_393 = vector.shape_cast %get3A_392 : vector<16xf32> to vector<16xf32>
        %add3A_394 = arith.addf %scan3A_355, %get3A_393 : vector<16xf32>
        %add3A_395 = arith.constant 96 : i32
        %add3A_396 = arith.addi %mul3A_359, %add3A_395 : i32
        %get3A_397 = arith.index_cast %add3A_396 : i32 to index
        %get3A_398 = tpu.vector_load %arg5[%get3A_397] {strides = array<i32>} : memref<32000xf32, #tpu.memory_space<vmem>>, vector<16xf32>,
        %get3A_399 = vector.shape_cast %get3A_398 : vector<16xf32> to vector<16xf32>
        %add3A_400 = arith.addf %scan3A_356, %get3A_399 : vector<16xf32>
        %add3A_401 = arith.constant 112 : i32
        %add3A_402 = arith.addi %mul3A_359, %add3A_401 : i32
        %get3A_403 = arith.index_cast %add3A_402 : i32 to index
        %get3A_404 = tpu.vector_load %arg5[%get3A_403] {strides = array<i32>} : memref<32000xf32, #tpu.memory_space<vmem>>, vector<16xf32>,
        %get3A_405 = vector.shape_cast %get3A_404 : vector<16xf32> to vector<16xf32>
        %add3A_406 = arith.addf %scan3A_357, %get3A_405 : vector<16xf32>
        %scan3A_407 = arith.constant 1 : i32
        %scan3A_408 = arith.addi %scan3A_349, %scan3A_407 : i32
        %mul3A_409 = arith.constant 128 : i32
        %mul3A_410 = arith.muli %scan3A_408, %mul3A_409 : i32
        %add3A_411 = arith.constant 0 : i32
        %add3A_412 = arith.addi %mul3A_410, %add3A_411 : i32
        %get3A_413 = arith.index_cast %add3A_412 : i32 to index
        %get3A_414 = tpu.vector_load %arg5[%get3A_413] {strides = array<i32>} : memref<32000xf32, #tpu.memory_space<vmem>>, vector<16xf32>,
        %get3A_415 = vector.shape_cast %get3A_414 : vector<16xf32> to vector<16xf32>
        %add3A_416 = arith.addf %add3A_364, %get3A_415 : vector<16xf32>
        %add3A_417 = arith.constant 16 : i32
        %add3A_418 = arith.addi %mul3A_410, %add3A_417 : i32
        %get3A_419 = arith.index_cast %add3A_418 : i32 to index
        %get3A_420 = tpu.vector_load %arg5[%get3A_419] {strides = array<i32>} : memref<32000xf32, #tpu.memory_space<vmem>>, vector<16xf32>,
        %get3A_421 = vector.shape_cast %get3A_420 : vector<16xf32> to vector<16xf32>
        %add3A_422 = arith.addf %add3A_370, %get3A_421 : vector<16xf32>
        %add3A_423 = arith.constant 32 : i32
        %add3A_424 = arith.addi %mul3A_410, %add3A_423 : i32
        %get3A_425 = arith.index_cast %add3A_424 : i32 to index
        %get3A_426 = tpu.vector_load %arg5[%get3A_425] {strides = array<i32>} : memref<32000xf32, #tpu.memory_space<vmem>>, vector<16xf32>,
        %get3A_427 = vector.shape_cast %get3A_426 : vector<16xf32> to vector<16xf32>
        %add3A_428 = arith.addf %add3A_376, %get3A_427 : vector<16xf32>
        %add3A_429 = arith.constant 48 : i32
        %add3A_430 = arith.addi %mul3A_410, %add3A_429 : i32
        %get3A_431 = arith.index_cast %add3A_430 : i32 to index
        %get3A_432 = tpu.vector_load %arg5[%get3A_431] {strides = array<i32>} : memref<32000xf32, #tpu.memory_space<vmem>>, vector<16xf32>,
        %get3A_433 = vector.shape_cast %get3A_432 : vector<16xf32> to vector<16xf32>
        %add3A_434 = arith.addf %add3A_382, %get3A_433 : vector<16xf32>
        %add3A_435 = arith.constant 64 : i32
        %add3A_436 = arith.addi %mul3A_410, %add3A_435 : i32
        %get3A_437 = arith.index_cast %add3A_436 : i32 to index
        %get3A_438 = tpu.vector_load %arg5[%get3A_437] {strides = array<i32>} : memref<32000xf32, #tpu.memory_space<vmem>>, vector<16xf32>,
        %get3A_439 = vector.shape_cast %get3A_438 : vector<16xf32> to vector<16xf32>
        %add3A_440 = arith.addf %add3A_388, %get3A_439 : vector<16xf32>
        %add3A_441 = arith.constant 80 : i32
        %add3A_442 = arith.addi %mul3A_410, %add3A_441 : i32
        %get3A_443 = arith.index_cast %add3A_442 : i32 to index
        %get3A_444 = tpu.vector_load %arg5[%get3A_443] {strides = array<i32>} : memref<32000xf32, #tpu.memory_space<vmem>>, vector<16xf32>,
        %get3A_445 = vector.shape_cast %get3A_444 : vector<16xf32> to vector<16xf32>
        %add3A_446 = arith.addf %add3A_394, %get3A_445 : vector<16xf32>
        %add3A_447 = arith.constant 96 : i32
        %add3A_448 = arith.addi %mul3A_410, %add3A_447 : i32
        %get3A_449 = arith.index_cast %add3A_448 : i32 to index
        %get3A_450 = tpu.vector_load %arg5[%get3A_449] {strides = array<i32>} : memref<32000xf32, #tpu.memory_space<vmem>>, vector<16xf32>,
        %get3A_451 = vector.shape_cast %get3A_450 : vector<16xf32> to vector<16xf32>
        %add3A_452 = arith.addf %add3A_400, %get3A_451 : vector<16xf32>
        %add3A_453 = arith.constant 112 : i32
        %add3A_454 = arith.addi %mul3A_410, %add3A_453 : i32
        %get3A_455 = arith.index_cast %add3A_454 : i32 to index
        %get3A_456 = tpu.vector_load %arg5[%get3A_455] {strides = array<i32>} : memref<32000xf32, #tpu.memory_space<vmem>>, vector<16xf32>,
        %get3A_457 = vector.shape_cast %get3A_456 : vector<16xf32> to vector<16xf32>
        %add3A_458 = arith.addf %add3A_406, %get3A_457 : vector<16xf32>
        scf.yield %add3A_416, %add3A_422, %add3A_428, %add3A_434, %add3A_440, %add3A_446, %add3A_452, %add3A_458 : vector<16xf32>, vector<16xf32>, vector<16xf32>, vector<16xf32>, vector<16xf32>, vector<16xf32>, vector<16xf32>, vector<16xf32>
      }
      %scan3A_315 = arith.constant 250 : i32
      %swap3A = arith.constant 0 : index
      %swap3A_316 = tpu.vector_load %arg6[%swap3A] {strides = array<i32>} : memref<128xf32, #tpu.memory_space<vmem>>, vector<16xf32>,
      %swap3A_317 = vector.shape_cast %swap3A_316 : vector<16xf32> to vector<16xf32>
      %swap3A_318 = vector.shape_cast %scan3A_314#0 : vector<16xf32> to vector<16xf32>
      tpu.vector_store %arg6[%swap3A], %swap3A_318 {strides = array<i32>} : memref<128xf32, #tpu.memory_space<vmem>>, vector<16xf32>,
      %swap3A_319 = arith.constant 16 : index
      %swap3A_320 = tpu.vector_load %arg6[%swap3A_319] {strides = array<i32>} : memref<128xf32, #tpu.memory_space<vmem>>, vector<16xf32>,
      %swap3A_321 = vector.shape_cast %swap3A_320 : vector<16xf32> to vector<16xf32>
      %swap3A_322 = vector.shape_cast %scan3A_314#1 : vector<16xf32> to vector<16xf32>
      tpu.vector_store %arg6[%swap3A_319], %swap3A_322 {strides = array<i32>} : memref<128xf32, #tpu.memory_space<vmem>>, vector<16xf32>,
      %swap3A_323 = arith.constant 32 : index
      %swap3A_324 = tpu.vector_load %arg6[%swap3A_323] {strides = array<i32>} : memref<128xf32, #tpu.memory_space<vmem>>, vector<16xf32>,
      %swap3A_325 = vector.shape_cast %swap3A_324 : vector<16xf32> to vector<16xf32>
      %swap3A_326 = vector.shape_cast %scan3A_314#2 : vector<16xf32> to vector<16xf32>
      tpu.vector_store %arg6[%swap3A_323], %swap3A_326 {strides = array<i32>} : memref<128xf32, #tpu.memory_space<vmem>>, vector<16xf32>,
      %swap3A_327 = arith.constant 48 : index
      %swap3A_328 = tpu.vector_load %arg6[%swap3A_327] {strides = array<i32>} : memref<128xf32, #tpu.memory_space<vmem>>, vector<16xf32>,
      %swap3A_329 = vector.shape_cast %swap3A_328 : vector<16xf32> to vector<16xf32>
      %swap3A_330 = vector.shape_cast %scan3A_314#3 : vector<16xf32> to vector<16xf32>
      tpu.vector_store %arg6[%swap3A_327], %swap3A_330 {strides = array<i32>} : memref<128xf32, #tpu.memory_space<vmem>>, vector<16xf32>,
      %swap3A_331 = arith.constant 64 : index
      %swap3A_332 = tpu.vector_load %arg6[%swap3A_331] {strides = array<i32>} : memref<128xf32, #tpu.memory_space<vmem>>, vector<16xf32>,
      %swap3A_333 = vector.shape_cast %swap3A_332 : vector<16xf32> to vector<16xf32>
      %swap3A_334 = vector.shape_cast %scan3A_314#4 : vector<16xf32> to vector<16xf32>
      tpu.vector_store %arg6[%swap3A_331], %swap3A_334 {strides = array<i32>} : memref<128xf32, #tpu.memory_space<vmem>>, vector<16xf32>,
      %swap3A_335 = arith.constant 80 : index
      %swap3A_336 = tpu.vector_load %arg6[%swap3A_335] {strides = array<i32>} : memref<128xf32, #tpu.memory_space<vmem>>, vector<16xf32>,
      %swap3A_337 = vector.shape_cast %swap3A_336 : vector<16xf32> to vector<16xf32>
      %swap3A_338 = vector.shape_cast %scan3A_314#5 : vector<16xf32> to vector<16xf32>
      tpu.vector_store %arg6[%swap3A_335], %swap3A_338 {strides = array<i32>} : memref<128xf32, #tpu.memory_space<vmem>>, vector<16xf32>,
      %swap3A_339 = arith.constant 96 : index
      %swap3A_340 = tpu.vector_load %arg6[%swap3A_339] {strides = array<i32>} : memref<128xf32, #tpu.memory_space<vmem>>, vector<16xf32>,
      %swap3A_341 = vector.shape_cast %swap3A_340 : vector<16xf32> to vector<16xf32>
      %swap3A_342 = vector.shape_cast %scan3A_314#6 : vector<16xf32> to vector<16xf32>
      tpu.vector_store %arg6[%swap3A_339], %swap3A_342 {strides = array<i32>} : memref<128xf32, #tpu.memory_space<vmem>>, vector<16xf32>,
      %swap3A_343 = arith.constant 112 : index
      %swap3A_344 = tpu.vector_load %arg6[%swap3A_343] {strides = array<i32>} : memref<128xf32, #tpu.memory_space<vmem>>, vector<16xf32>,
      %swap3A_345 = vector.shape_cast %swap3A_344 : vector<16xf32> to vector<16xf32>
      %swap3A_346 = vector.shape_cast %scan3A_314#7 : vector<16xf32> to vector<16xf32>
      tpu.vector_store %arg6[%swap3A_343], %swap3A_346 {strides = array<i32>} : memref<128xf32, #tpu.memory_space<vmem>>, vector<16xf32>,
      %mul3A_347 = arith.constant 128 : i32
      %mul3A_348 = arith.muli %add3A_10, %mul3A_347 : i32
      "tpu.region"() ({
        %run_scoped3A = tpu.sem_alloc : memref<!tpu.dma_semaphore, #tpu.memory_space<semaphore_mem>>
        %dma_start3A_349 = tpu.memref_slice %arg3[%mul3A_348] : memref<16000xf32, #tpu.memory_space<hbm>> -> memref<128xf32, #tpu.memory_space<hbm>>
        %dma_start3A_350 = tpu.memref_slice %arg3[%mul3A_348] : memref<16000xf32, #tpu.memory_space<hbm>> -> memref<128xf32, #tpu.memory_space<hbm>>
        tpu.enqueue_dma source(%arg6 : memref<128xf32, #tpu.memory_space<vmem>>) target(%dma_start3A_350 : memref<128xf32, #tpu.memory_space<hbm>>) target_semaphore(%run_scoped3A : memref<!tpu.dma_semaphore, #tpu.memory_space<semaphore_mem>>)
        %dma_wait3A_351 = tpu.memref_slice %arg3[%mul3A_348] : memref<16000xf32, #tpu.memory_space<hbm>> -> memref<128xf32, #tpu.memory_space<hbm>>
        %dma_wait3A_352 = tpu.memref_slice %arg3[%mul3A_348] : memref<16000xf32, #tpu.memory_space<hbm>> -> memref<128xf32, #tpu.memory_space<hbm>>
        tpu.wait_dma2 semaphore(%run_scoped3A : memref<!tpu.dma_semaphore, #tpu.memory_space<semaphore_mem>>) src(%arg6 : memref<128xf32, #tpu.memory_space<vmem>>) dst(%dma_wait3A_352 : memref<128xf32, #tpu.memory_space<hbm>>)
        tpu.yield
      }) : () -> ()
    } else {
    }
    return
  }
}

module attributes {stable_mosaic.version = 14 : i64} {
  func.func @_tc_sum_kernel(%arg0: i32, %arg1: memref<2x1x2000x128xf32, #tpu.memory_space<vmem>>, %arg2: memref<1x1x128xf32, #tpu.memory_space<vmem>>) attributes {dimension_semantics = [#tpu.dimension_semantics<arbitrary>], iteration_bounds = array<i64: 61>, scalar_prefetch = 0 : i64, scratch_operands = 0 : i64, tpu.core_type = #tpu.core_type<tc>, window_params = [{transform_indices = @transform_0, window_bounds = array<i64: 2, 1, 2000, 128>}, {transform_indices = @transform_1, window_bounds = array<i64: 1, 1, 128>}]} {
    %get3A = arith.constant 0 : index
    %get3A_0 = arith.constant 0 : index
    %get3A_1 = arith.constant 0 : index
    %get3A_2 = arith.constant 0 : index
    %get3A_3 = vector.load %arg1[%get3A, %get3A_0, %get3A_1, %get3A_2] : memref<2x1x2000x128xf32, #tpu.memory_space<vmem>>, vector<1x1x2000x128xf32>
    %get3A_4 = vector.shape_cast %get3A_3 : vector<1x1x2000x128xf32> to vector<2000x128xf32>
    %get3A_5 = arith.constant 1 : index
    %get3A_6 = arith.constant 0 : index
    %get3A_7 = arith.constant 0 : index
    %get3A_8 = arith.constant 0 : index
    %get3A_9 = vector.load %arg1[%get3A_5, %get3A_6, %get3A_7, %get3A_8] : memref<2x1x2000x128xf32, #tpu.memory_space<vmem>>, vector<1x1x2000x128xf32>
    %get3A_10 = vector.shape_cast %get3A_9 : vector<1x1x2000x128xf32> to vector<2000x128xf32>
    %add3A = arith.addf %get3A_4, %get3A_10 : vector<2000x128xf32>
    %reduce_sum3A = arith.constant dense<0.000000e+00> : vector<128xf32>
    %reduce_sum3A_11 = vector.multi_reduction <add>, %add3A, %reduce_sum3A [0] : vector<2000x128xf32> to vector<128xf32>
    %broadcast_in_dim3A = vector.shape_cast %reduce_sum3A_11 : vector<128xf32> to vector<1x128xf32>
    %broadcast_in_dim3A_12 = vector.shape_cast %broadcast_in_dim3A : vector<1x128xf32> to vector<1x1x128xf32>
    %swap3A = arith.constant 0 : index
    %swap3A_13 = arith.constant 0 : index
    %swap3A_14 = arith.constant 0 : index
    %swap3A_15 = vector.load %arg2[%swap3A, %swap3A_13, %swap3A_14] : memref<1x1x128xf32, #tpu.memory_space<vmem>>, vector<1x1x128xf32>
    tpu.vector_store %arg2[%swap3A, %swap3A_13, %swap3A_14], %broadcast_in_dim3A_12 {strides = array<i32>} : memref<1x1x128xf32, #tpu.memory_space<vmem>>, vector<1x1x128xf32>,
    return
  }
  func.func @transform_0(%arg0: i32) -> (i32, i32, i32, i32) {
    %c0_i32 = arith.constant 0 : i32
    %c0_i32_0 = arith.constant 0 : i32
    %c0_i32_1 = arith.constant 0 : i32
    %c0_i32_2 = arith.constant 0 : i32
    return %c0_i32, %arg0, %c0_i32_0, %c0_i32_1 : i32, i32, i32, i32
  }
  func.func @transform_1(%arg0: i32) -> (i32, i32, i32) {
    %c0_i32 = arith.constant 0 : i32
    %c0_i32_0 = arith.constant 0 : i32
    %c0_i32_1 = arith.constant 0 : i32
    return %arg0, %c0_i32, %c0_i32_0 : i32, i32, i32
  }
}

module attributes {stable_mosaic.version = 14 : i64} {
  func.func @_mlp_kernel(%arg0: memref<61x1x128xf32, #tpu.memory_space<vmem>>, %arg1: memref<125x128xf32, #tpu.memory_space<vmem>>, %arg2: memref<125x1xf32, #tpu.memory_space<vmem>>, %arg3: memref<128x128xf32, #tpu.memory_space<vmem>>, %arg4: memref<1x128xf32, #tpu.memory_space<vmem>>, %arg5: memref<128x128xf32, #tpu.memory_space<vmem>>, %arg6: memref<1x128xf32, #tpu.memory_space<vmem>>, %arg7: memref<1x128xf32, #tpu.memory_space<vmem>>, %arg8: memref<1x1xf32, #tpu.memory_space<vmem>>, %arg9: memref<125x1xf32, #tpu.memory_space<vmem>>) attributes {dimension_semantics = [], scalar_prefetch = 0 : i64, scratch_operands = 0 : i64, tpu.core_type = #tpu.core_type<tc>} {
    %get3A = arith.constant 0 : index
    %get3A_0 = arith.constant 0 : index
    %get3A_1 = arith.constant 0 : index
    %get3A_2 = vector.load %arg0[%get3A, %get3A_0, %get3A_1] : memref<61x1x128xf32, #tpu.memory_space<vmem>>, vector<61x1x128xf32>
    %get3A_3 = vector.shape_cast %get3A_2 : vector<61x1x128xf32> to vector<61x128xf32>
    %get3A_4 = arith.constant 61 : index
    %get3A_5 = arith.constant 0 : index
    %get3A_6 = vector.load %arg1[%get3A_4, %get3A_5] : memref<125x128xf32, #tpu.memory_space<vmem>>, vector<64x128xf32>
    %concatenate3A = tpu.concatenate %get3A_3, %get3A_6 in 0 : vector<61x128xf32>, vector<64x128xf32> -> vector<125x128xf32>
    %get3A_7 = arith.constant 0 : index
    %get3A_8 = arith.constant 0 : index
    %get3A_9 = vector.load %arg2[%get3A_7, %get3A_8] : memref<125x1xf32, #tpu.memory_space<vmem>>, vector<125x1xf32>
    %div3A = arith.constant 5.000000e-01 : f32
    %div3A_10 = vector.broadcast %div3A : f32 to vector<125x1xf32>
    %div3A_11 = arith.divf %div3A_10, %get3A_9 : vector<125x1xf32>
    %mul3A = vector.broadcast %div3A_11 : vector<125x1xf32> to vector<125x128xf32>
    %mul3A_12 = arith.mulf %concatenate3A, %mul3A : vector<125x128xf32>
    %get3A_13 = arith.constant 0 : index
    %get3A_14 = arith.constant 0 : index
    %get3A_15 = vector.load %arg3[%get3A_13, %get3A_14] : memref<128x128xf32, #tpu.memory_space<vmem>>, vector<128x128xf32>
    %dot_general3A = arith.constant dense<0.000000e+00> : vector<125x128xf32>
    %dot_general3A_16 = tpu.matmul %mul3A_12, %get3A_15, %dot_general3A {dimension_numbers = #tpu.dot_dimension_numbers<[1], [0], [0], [1], [0, 0, 1, 1], [], []>, transpose_lhs_hint = false} : vector<125x128xf32>, vector<128x128xf32>, vector<125x128xf32> -> vector<125x128xf32>
    %get3A_17 = arith.constant 0 : index
    %get3A_18 = arith.constant 0 : index
    %get3A_19 = vector.load %arg4[%get3A_17, %get3A_18] : memref<1x128xf32, #tpu.memory_space<vmem>>, vector<1x128xf32>
    %add3A = vector.broadcast %get3A_19 : vector<1x128xf32> to vector<125x128xf32>
    %add3A_20 = arith.addf %dot_general3A_16, %add3A : vector<125x128xf32>
    %max3A = arith.constant 0.000000e+00 : f32
    %max3A_21 = vector.broadcast %max3A : f32 to vector<125x128xf32>
    %max3A_22 = arith.maximumf %add3A_20, %max3A_21 : vector<125x128xf32>
    %get3A_23 = arith.constant 0 : index
    %get3A_24 = arith.constant 0 : index
    %get3A_25 = vector.load %arg5[%get3A_23, %get3A_24] : memref<128x128xf32, #tpu.memory_space<vmem>>, vector<128x128xf32>
    %dot_general3A_26 = arith.constant dense<0.000000e+00> : vector<125x128xf32>
    %dot_general3A_27 = tpu.matmul %max3A_22, %get3A_25, %dot_general3A_26 {dimension_numbers = #tpu.dot_dimension_numbers<[1], [0], [0], [1], [0, 0, 1, 1], [], []>, transpose_lhs_hint = false} : vector<125x128xf32>, vector<128x128xf32>, vector<125x128xf32> -> vector<125x128xf32>
    %get3A_28 = arith.constant 0 : index
    %get3A_29 = arith.constant 0 : index
    %get3A_30 = vector.load %arg6[%get3A_28, %get3A_29] : memref<1x128xf32, #tpu.memory_space<vmem>>, vector<1x128xf32>
    %add3A_31 = vector.broadcast %get3A_30 : vector<1x128xf32> to vector<125x128xf32>
    %add3A_32 = arith.addf %dot_general3A_27, %add3A_31 : vector<125x128xf32>
    %max3A_33 = arith.constant 0.000000e+00 : f32
    %max3A_34 = vector.broadcast %max3A_33 : f32 to vector<125x128xf32>
    %max3A_35 = arith.maximumf %add3A_32, %max3A_34 : vector<125x128xf32>
    %get3A_36 = arith.constant 0 : index
    %get3A_37 = arith.constant 0 : index
    %get3A_38 = vector.load %arg7[%get3A_36, %get3A_37] : memref<1x128xf32, #tpu.memory_space<vmem>>, vector<1x128xf32>
    %mul3A_39 = vector.broadcast %get3A_38 : vector<1x128xf32> to vector<125x128xf32>
    %mul3A_40 = arith.mulf %max3A_35, %mul3A_39 : vector<125x128xf32>
    %reduce_sum3A = arith.constant dense<0.000000e+00> : vector<125xf32>
    %reduce_sum3A_41 = vector.multi_reduction <add>, %mul3A_40, %reduce_sum3A [1] : vector<125x128xf32> to vector<125xf32>
    %broadcast_in_dim3A = vector.shape_cast %reduce_sum3A_41 : vector<125xf32> to vector<125x1xf32>
    %get3A_42 = arith.constant 0 : index
    %get3A_43 = arith.constant 0 : index
    %get3A_44 = vector.load %arg8[%get3A_42, %get3A_43] : memref<1x1xf32, #tpu.memory_space<vmem>>, vector<1x1xf32>
    %add3A_45 = vector.broadcast %get3A_44 : vector<1x1xf32> to vector<125x1xf32>
    %add3A_46 = arith.addf %broadcast_in_dim3A, %add3A_45 : vector<125x1xf32>
    %logistic3A = arith.negf %add3A_46 : vector<125x1xf32>
    %logistic3A_47 = math.exp %logistic3A : vector<125x1xf32>
    %logistic3A_48 = arith.constant 1.000000e+00 : f32
    %logistic3A_49 = vector.broadcast %logistic3A_48 : f32 to vector<125x1xf32>
    %logistic3A_50 = arith.addf %logistic3A_49, %logistic3A_47 : vector<125x1xf32>
    %logistic3A_51 = arith.divf %logistic3A_49, %logistic3A_50 : vector<125x1xf32>
    %swap3A = arith.constant 0 : index
    %swap3A_52 = arith.constant 0 : index
    %swap3A_53 = vector.load %arg9[%swap3A, %swap3A_52] : memref<125x1xf32, #tpu.memory_space<vmem>>, vector<125x1xf32>
    tpu.vector_store %arg9[%swap3A, %swap3A_52], %logistic3A_51 {strides = array<i32>} : memref<125x1xf32, #tpu.memory_space<vmem>>, vector<125x1xf32>,
    return
  }
}

</mosaic_0001>

<sc_bundles>
// kernel: kernel.5.cloned.1.call-start
scs
__scs_entry_jumppad:
0x0: {  	(pc) =	sbr.rel $0x88, $3  }
0x1: {  	(tag) =	ssettag $0x0;
	lr =	simm.s32 $0x1  }
0x2: {  	[smem:$0x3F99] =	sst lr;
	_ =	strace $0xD0000000  }
0x3: {  	_ = 	snop  }
0x4: {  	_ = 	snop  }
0x5: {  	_ = 	snop  }
0x6: {  	_ = 	snop  }
0x7: {  	_ = 	snop  }
__scs_overlays_trampoline_lowered:
0x8: {  	[smem:$0x3FA8] =	sst s0  }
0x9: {  	[smem:$0x3FA9] =	sst s1  }
0xa: {  	[smem:$0x3FAA] =	sst s2  }
0xb: {  	[smem:$0x3FAB] =	sst s3  }
0xc: {  	[smem:$0x3FAC] =	sst s4  }
0xd: {  	[smem:$0x3FAD] =	sst s5  }
0xe: {  	[smem:$0x3FAE] =	sst s6  }
0xf: {  	[smem:$0x3FAF] =	sst s7  }
0x10: {  	[smem:$0x3FB0] =	sst s8  }
0x11: {  	[smem:$0x3FB1] =	sst s9;
	s0 =	simm.s32 @!p0 $0x0  }
0x12: {  	s1 =	sld [smem:$0x3F97];
	s0 =	simm.s32 @p0 $0x1  }
0x13: {  	[smem:$0x3FB2] =	sst s0;
	s0 =	simm.s32 @!p1 $0x0  }
0x14: {  	s2 =	sld [smem:$0x3F96];
	s0 =	simm.s32 @p1 $0x1  }
0x15: {  	[smem:$0x3FB3] =	sst s0;
	s0 =	simm.s32 @!p2 $0x0  }
0x16: {  	s3 =	sld [smem:$0x3FDB];
	s0 =	simm.s32 @p2 $0x1  }
0x17: {  	s4 =	simm.s32 $0x1BF5;
	[smem:$0x3FB5] =	sst s0  }
0x18: {  	s0 =	sld [smem:$0x3F98];
	_ =	swait.ge [sflag:s4], $0x0  }
0x19: {  	s7 =	sld [smem:$0x3F99]  }
0x1a: {  	s8 =	sadd.s32 $0xFFFFE003, lr  }
0x1b: {  	s9 =	sadd.s32 $0xFFFFFEF7, lr;
	s5 =	simm.s32 $0xFFFFFFFF;
	p2 =	slt.u32 s8, $0xFFFFF086  }
0x1c: {  	p1 =	slt.u32 s9, $0xF7A;
	s5 =	simm.s32 @!p2 $0x0  }
0x1d: {  	s5 =	simm.s32 @p1 $0x1;
	p0 =	seq.s32 s7, s2  }
0x1e: {  	s7 =	smul.u32 @!p0 $0xF7A, s2;
	p2 =	seq.s32 @!p0 s5, $0x0  }
0x1f: {  	s9 =	smul.u32 $0xF7A, s1;
	s8 =	simm.s32 @!p0 $0x1BF5;
	p2 =	por !p2, p0  }
0x20: {  	[sflag:s8] =	ssyncset.s32 @!p0 $0xFFFFF086;
	s6 =	sadd.s32 @!p0 s3, s7;
	s7 =	simm.s32 @!p0 $0x108  }
0x21: {  	s3 =	sadd.s32 s3, s9;
	s6 =	sadd.s32 @!p0 $0x88, s6;
	s7 =	simm.s32 @p2 $0x1082  }
0x22: {  	[simem:s7], [sflag:s8] =	dma.local @!p0 [hbm:s6], $0xF7A  }
0x23: {  	s9 =	sor.u32 $0xD0000000, s2;
	s6 =	simm.s32 $0x108;
	_ =	swait.ge @!p0 [sflag:s8], $0x0  }
0x24: {  	s3 =	sadd.s32 $0x88, s3;
	s6 =	simm.s32 @!p1 $0x1082;
	[sflag:s4] =	ssyncset.s32 $0xFFFFF086  }
0x25: {  	[simem:s6], [sflag:s4] =	dma.local [hbm:s3], $0xF7A  }
0x26: {  	[smem:$0x3F99] =	sst s1;
	(tag) =	ssettag s2;
	_ =	strace s9  }
0x27: {  	s1 =	sld [smem:$0x3FA9]  }
0x28: {  	s2 =	sld [smem:$0x3FAA]  }
0x29: {  	s4 =	sld [smem:$0x3FAC]  }
0x2a: {  	p0 =	seq.s32 s5, $0x0;
	s5 =	sld [smem:$0x3FAD]  }
0x2b: {  	s6 =	sld [smem:$0x3FAE]  }
0x2c: {  	s7 =	sld [smem:$0x3FAF]  }
0x2d: {  	s3 =	simm.s32 $0x108;
	s8 =	sld [smem:$0x3FB0]  }
0x2e: {  	s3 =	simm.s32 @!p0 $0x1082;
	s9 =	sld [smem:$0x3FB1]  }
0x2f: {  	lr =	sadd.s32 s0, s3;
	s0 =	sld [smem:$0x3FA8]  }
0x30: {  	s3 =	sld [smem:$0x3FAB]  }
0x31: {  	[smem:$0x3FB4] =	sst s10  }
0x32: {  	s10 =	sld [smem:$0x3FB2];
	_ =	sdelay $0x3  }
0x33: {  	p0 =	seq.s32 s10, $0x1;
	s10 =	sld [smem:$0x3FB4];
	_ =	sdelay $0x3  }
0x34: {  	[smem:$0x3FB4] =	sst s10  }
0x35: {  	s10 =	sld [smem:$0x3FB3];
	_ =	sdelay $0x3  }
0x36: {  	p1 =	seq.s32 s10, $0x1;
	s10 =	sld [smem:$0x3FB4];
	_ =	sdelay $0x3  }
0x37: {  	[smem:$0x3FB4] =	sst s10  }
0x38: {  	s10 =	sld [smem:$0x3FB5]  }
0x39: {  	_ = 	snop;
	(pc) =	sbr.ind lr, $3  }
0x3a: {  	_ = 	snop  }
0x3b: {  	_ = 	snop  }
0x3c: {  	p2 =	seq.s32 s10, $0x1;
	s10 =	sld [smem:$0x3FB4]  }
0x3d: {  	_ =	shalt  }
0x3e: {  	_ =	shalt  }
0x3f: {  	_ =	shalt  }
0x40: {  	_ =	shalt  }
0x41: {  	_ =	shalt  }
0x42: {  	_ =	shalt  }
0x43: {  	_ =	shalt  }
0x44: {  	_ =	shalt  }
0x45: {  	_ =	shalt  }
0x46: {  	_ =	shalt  }
0x47: {  	_ =	shalt  }
0x48: {  	_ =	shalt  }
0x49: {  	_ =	shalt  }
0x4a: {  	_ =	shalt  }
0x4b: {  	_ =	shalt  }
0x4c: {  	_ =	shalt  }
0x4d: {  	_ =	shalt  }
0x4e: {  	_ =	shalt  }
0x4f: {  	_ =	shalt  }
0x50: {  	_ =	shalt  }
0x51: {  	_ =	shalt  }
0x52: {  	_ =	shalt  }
0x53: {  	_ =	shalt  }
0x54: {  	_ =	shalt  }
0x55: {  	_ =	shalt  }
0x56: {  	_ =	shalt  }
0x57: {  	_ =	shalt  }
0x58: {  	_ =	shalt  }
0x59: {  	_ =	shalt  }
0x5a: {  	_ =	shalt  }
0x5b: {  	_ =	shalt  }
0x5c: {  	_ =	shalt  }
0x5d: {  	_ =	shalt  }
0x5e: {  	_ =	shalt  }
0x5f: {  	_ =	shalt  }
0x60: {  	_ =	shalt  }
0x61: {  	_ =	shalt  }
0x62: {  	_ =	shalt  }
0x63: {  	_ =	shalt  }
0x64: {  	_ =	shalt  }
0x65: {  	_ =	shalt  }
0x66: {  	_ =	shalt  }
0x67: {  	_ =	shalt  }
0x68: {  	_ =	shalt  }
0x69: {  	_ =	shalt  }
0x6a: {  	_ =	shalt  }
0x6b: {  	_ =	shalt  }
0x6c: {  	_ =	shalt  }
0x6d: {  	_ =	shalt  }
0x6e: {  	_ =	shalt  }
0x6f: {  	_ =	shalt  }
0x70: {  	_ =	shalt  }
0x71: {  	_ =	shalt  }
0x72: {  	_ =	shalt  }
0x73: {  	_ =	shalt  }
0x74: {  	_ =	shalt  }
0x75: {  	_ =	shalt  }
0x76: {  	_ =	shalt  }
0x77: {  	_ =	shalt  }
0x78: {  	_ =	shalt  }
0x79: {  	_ =	shalt  }
0x7a: {  	_ =	shalt  }
0x7b: {  	_ =	shalt  }
0x7c: {  	_ =	shalt  }
0x7d: {  	_ =	shalt  }
0x7e: {  	_ =	shalt  }
0x7f: {  	_ =	shalt  }
0x80: {  	_ =	shalt  }
0x81: {  	_ =	shalt  }
0x82: {  	_ =	shalt  }
0x83: {  	_ =	shalt  }
0x84: {  	_ =	shalt  }
0x85: {  	_ =	shalt  }
0x86: {  	_ =	shalt  }
0x87: {  	_ =	shalt  }
.Lfunc_end0:
.L_simem_size_0:
called_computation_lowered:
.L_overlay_start_0:
0x88: {  	s2 =	sld [smem:$0x3FD9]  }
0x89: {  	s3 =	sld [smem:$0x3FFE];
	_ =	sdelay $0x1  }
0x8a: {  	s1 =	srdreg.scid  }
0x8b: {  	s0 =	sand.u32 $0x1, s1  }
0x8c: {  	s17 =	sshll.u32 s0, $0xA;
	s2 =	sadd.s32 s3, s2  }
0x8d: {  	s2 =	sadd.s32 s2, s17  }
0x8e: {  	[smem:$0x3FC0] =	sst s2  }
0x8f: {  	_ = 	snop  }
0x90: {  	s2 =	sld [smem:$0x3FC9];
	(tm) =	ssettm $0x1  }
0x91: {  	s18 =	sld [smem:$0x3FFB];
	_ =	sdelay $0x3  }
0x92: {  	_ =	strace s18  }
0x93: {  	s3 =	sld [smem:$0x3FFC];
	_ =	sdelay $0x3  }
0x94: {  	_ =	strace s3  }
0x95: {  	s3 =	sld [smem:$0x3FFD];
	_ =	sdelay $0x3  }
0x96: {  	_ =	strace s3  }
0x97: {  	_ =	strace $0x8FFFFFFF  }
0x98: {  	s19 =	sld [smem:$0x3FDB];
	_ =	sdelay $0x1  }
0x99: {  	s4 =	simm.s32 $_scs_section_size  }
0x9a: {  	s5 =	simm.s32 $_size__tile_overlayer_lowered;
	s6 =	simm.s32 $_tile_overlayer_lowered  }
0x9b: {  	s22 =	simm.s32 $0x1BFF;
	s21 =	sshll.u32 s6, $0x1;
	s3 =	sadd.s32 s4, s19  }
0x9c: {  	s7 =	simm.s32 $0x0;
	s20 =	sshll.u32 s5, $0x1;
	s5 =	sadd.s32 s21, s3  }
0x9d: {  	[timem:s7], [sflag:s22] =	dma.local [hbm:s5], s20  }
0x9e: {  	_ =	swait.ge [sflag:s22], s20  }
0x9f: {  	s4 =	ssub.s32 $0x0, s20;
	[sflag:s22] =	ssyncset.done $0x0  }
0xa0: {  	[sflag:s22] =	ssyncadd.s32 s4;
	_ =	sdelay $0x1  }
0xa1: {  	s23 =	simm.s32 $0x1B8B  }
0xa2: {  	_ =	swait.ge [sflag:s23], $0x1  }
0xa3: {  	[sflag:s23] =	ssyncset.done $0x0  }
0xa4: {  	s25 =	simm.s32 $0x1B8E;
	s24 =	sld [smem:$0x3FFE];
	[sflag:s23] =	ssyncadd.s32 $0xFFFFFFFF  }
0xa5: {  	s26 =	simm.s32 $execute0_lowered;
	[smem:$0x3FD2] =	sst s25  }
0xa6: {  	s5 =	sshll.u32 s26, $0x1;
	_ =	strace $0x80000046;
	[dreg:$0x1] =	wrdreg $0xFFFFFFFF  }
0xa7: {  	s28 =	simm.s32 $_size_execute0_lowered;
	s3 =	sadd.s32 s3, s5;
	[dreg:$0x0] =	wrdreg $0x0  }
0xa8: {  	s5 =	sshll.u32 s28, $0x1;
	[dreg:$0x2] =	wrdreg s3  }
0xa9: {  	[dreg:$0x3] =	wrdreg s5  }
0xaa: {  	[dreg:$0x4] =	wrdreg $0xC0  }
0xab: {  	_ =	task [dreg:s7], $0x5FFFF  }
0xac: {  	[dreg:$0x1] =	wrdreg $0xFFFFFFFF  }
0xad: {  	[dreg:$0x0] =	wrdreg $0x60  }
0xae: {  	[dreg:$0x2] =	wrdreg s2  }
0xaf: {  	[dreg:$0x3] =	wrdreg s24  }
0xb0: {  	[dreg:$0x4] =	wrdreg $0x9  }
0xb1: {  	_ =	task.clear_ibuf [dreg:s7], $0x5FFFF;
	_ =	strace $0x90000046  }
0xb2: {  	s29 =	simm.s32 $0x9;
	_ =	strace $0x80000048  }
0xb3: {  	_ =	swait.ge [sflag:s29], $0x1  }
0xb4: {  	[sflag:s29] =	ssyncadd.s32 $0xFFFFFFFF  }
0xb5: {  	_ =	strace $0x90000048  }
0xb6: {  	_ =	sfence  }
0xb7: {  	s30 =	sld [smem:$0x0];
	_ =	sdelay $0x2  }
0xb8: {  	s31 =	sshll.u32 s1, $0xD;
	s1 =	sshrl.u32 s1, $0x2  }
0xb9: {  	s3 =	sand.u32 $0x4000, s31;
	s1 =	sadd.s32 s1, s30  }
0xba: {  	s0 =	sor.u32 s3, s0;
	s1 =	sshll.u32 s1, $0x11  }
0xbb: {  	s0 =	sor.u32 s1, s0  }
0xbc: {  	s0 =	sadd.s32 $0x8F2B, s0  }
0xbd: {  	[sflag:s0] =	ssyncadd.remote.s32 $0x1  }
0xbe: {  	_ =	sfence.sel $0xFFFF  }
0xbf: {  	[dreg:$0x0] =	wrdreg $0xFFFFFFFF;
	(pc) =	sbr.abs _section_cstart, $3  }
0xc0: {  	[dreg:$0x1] =	wrdreg $0xFFFFFFFF  }
0xc1: {  	_ =	task.clear_ibuf [dreg:s7], $0x2FFFF;
	_ =	strace $0x9FFFFFFF  }
0xc2: {  	(tm) =	ssettm $0x7FFFFFFF  }
0xc3: {  	_ =	shalt  }
tec
execute0_lowered:
.L_overlay_start_1:
0x0: {  	(tag) =	ssettag $0x1  }
0x1: {  	s1 =	srdreg.scid;
	s2 =	stileid.u32  }
0x2: {  	s0 =	rddreg [dreg:$0x0];
	s1 =	sand.u32 $0x1, s1;
	s4 =	sshll.u32 s2, $0x1  }
0x3: {  	s3 =	rddreg [dreg:$0x1];
	s2 =	simm.s32 $0x0;
	s4 =	sor.u32 s1, s4  }
0x4: {  	s3 =	sadd.s32 $0xE00, s3;
	s1 =	ssub.s32 $0x2, s1;
	s5 =	smul.u32 $0x3E800, s4  }
0x5: {  	[smem:$0x7FF] =	sst s2;
	s6 =	sshrl.u32 s1, $0x1;
	s7 =	smul.u32 $0x7D00, s4  }
0x6: {  	_ =	strace $0x80000047;
	s4 =	sshll.u32 s4, $0x4;
	s9 =	ssub.s32 s1, s6  }
0x7: {  	s14 =	sadd.s32 s3, s4;
	s8 =	sadd.s32 $0xEE4800, s5;
	s17 =	sadd.s32 s0, s7  }
0x8: {  	s26 =	sadd.s32 $0x16B4800, s5;
	s5 =	sadd.s32 $0x3D0, s14;
	s6 =	sadd.s32 $0x5D0, s14  }
0x9: {  	s16 =	sshrl.u32 s8, $0x3;
	s18 =	sadd.s32 $0x1DC900, s17;
	s1 =	sshrl.u32 s26, $0x3  }
0xa: {  	s15 =	sadd.s32 $0x2D6900, s17;
	s7 =	sadd.s32 s0, s16;
	[dreg:$0x3] =	wrdreg s18  }
0xb: {  	s13 =	sadd.s32 s0, s1;
	s19 =	sadd.s32 $0xFA0, s7;
	s20 =	sadd.s32 $0x1F40, s7  }
0xc: {  	s21 =	sadd.s32 $0x2EE0, s7;
	s22 =	sadd.s32 $0x3E80, s7;
	[dreg:$0x4] =	wrdreg s19  }
0xd: {  	s23 =	sadd.s32 $0x4E20, s7;
	s24 =	sadd.s32 $0x5DC0, s7;
	[dreg:$0x5] =	wrdreg s20  }
0xe: {  	s25 =	sadd.s32 $0x6D60, s7;
	s8 =	sadd.s32 $0x3D0900, s7;
	[dreg:$0x6] =	wrdreg s21  }
0xf: {  	s10 =	sadd.s32 $0x3D2840, s7;
	s11 =	sadd.s32 $0x3D4780, s7;
	[dreg:$0x7] =	wrdreg s22  }
0x10: {  	s12 =	sadd.s32 $0x3D66C0, s7;
	s16 =	sadd.s32 $0xFA0, s13;
	[dreg:$0x8] =	wrdreg s23  }
0x11: {  	s17 =	sadd.s32 $0x1F40, s13;
	s18 =	sadd.s32 $0x2EE0, s13;
	[dreg:$0x9] =	wrdreg s24  }
0x12: {  	s26 =	sadd.s32 $0x3D37E0, s7;
	s28 =	sadd.s32 $0x3D2840, s13;
	[dreg:$0xa] =	wrdreg s25  }
0x13: {  	s29 =	sadd.s32 $0x3D37E0, s13;
	s30 =	sadd.s32 $0x3D5720, s7;
	[dreg:$0xb] =	wrdreg s8  }
0x14: {  	s31 =	sadd.s32 $0x3D4780, s13;
	s1 =	sadd.s32 $0x3D5720, s13;
	[dreg:$0xc] =	wrdreg s10  }
0x15: {  	s0 =	sadd.s32 $0x3D7660, s7;
	s3 =	sadd.s32 $0x3D66C0, s13;
	[dreg:$0xd] =	wrdreg s11  }
0x16: {  	s4 =	sadd.s32 $0x3D7660, s13;
	[dreg:$0xe] =	wrdreg s12;
	s19 =	sadd.s32 $0x3E80, s13  }
0x17: {  	s20 =	sadd.s32 $0x4E20, s13;
	s21 =	sadd.s32 $0x5DC0, s13;
	s22 =	sadd.s32 $0x6D60, s13  }
0x18: {  	s23 =	sadd.s32 $0x3D18A0, s7;
	s24 =	sadd.s32 $0x3D0900, s13;
	s25 =	sadd.s32 $0x3D18A0, s13  }
0x19: {  	s7 =	smax.u32 s9, $0x1;
	s8 =	simm.s32 $0x7D00;
	s9 =	simm.s32 $0x1  }
0x1a: {  	s10 =	simm.s32 $0x2;
	s11 =	simm.s32 $0x3;
	s12 =	simm.s32 $0x0  }
.LBB2_1:
0x1b: {  	s13 =	rddreg [dreg:$0x3]  }
0x1c: {  	[tilespmem:s2], [sflag:$0x1] =	stream.linear.gather [hbm4b:s13+s2], $0x7D00, $0x38;
	[tilespmem:$0xFA80] =	vst v63  }
0x1d: {  	s14 =	rddreg [dreg:$0x4]  }
0x1e: {  	[tilespmem:s8], [sflag:$0x2] =	stream.linear.gather [hbm4b:s14+s2], $0x7D00, $0x38;
	[tilespmem:$0xFA80] =	vst v63  }
0x1f: {  	_ =	swait.ge [sflag:s9], $0x7D00  }
0x20: {  	[sflag:s9] =	ssyncset.done $0x0  }
0x21: {  	s14 =	simm.s32 $0x80;
	[sflag:s9] =	ssyncadd.s32 $0xFFFF8300  }
0x22: {  	v0 =	vld [tilespmem:s14+$0x0]  }
0x23: {  	v2 =	vld [tilespmem:s14+$0x10]  }
0x24: {  	v5 =	vld [tilespmem:s14+$0x20]  }
0x25: {  	v7 =	vld [tilespmem:s14+$0x30]  }
0x26: {  	v1 =	vld [tilespmem:s14+$0x40]  }
0x27: {  	v4 =	vld [tilespmem:s14+$0xFFFFFF80]  }
0x28: {  	v6 =	vld [tilespmem:s14+$0xFFFFFF90]  }
0x29: {  	v8 =	vld [tilespmem:s14+$0xFFFFFFA0]  }
0x2a: {  	v9 =	vld [tilespmem:s14+$0xFFFFFFB0]  }
0x2b: {  	v3 =	vld [tilespmem:s14+$0x50]  }
0x2c: {  	v14 =	vld [tilespmem:s14+$0xFFFFFFC0]  }
0x2d: {  	v16 =	vld [tilespmem:s14+$0xFFFFFFD0]  }
0x2e: {  	v10 =	vimm.f32 $0.0e+00;
	v15 =	vld [tilespmem:s14+$0xFFFFFFE0]  }
0x2f: {  	v13 =	vimm.f32 $0.0e+00;
	v18 =	vld [tilespmem:s14+$0xFFFFFFF0];
	v4 =	vadd.f32 v4, v10;
	v6 =	vadd.f32 v6, v10  }
0x30: {  	v11 =	vimm.f32 $0.0e+00;
	v17 =	vld [tilespmem:s14+$0x60];
	v20 =	vadd.f32 v8, v10;
	v21 =	vadd.f32 v9, v10  }
0x31: {  	v12 =	vimm.f32 $0.0e+00;
	s13 =	simm.s32 $0x0;
	v19 =	vld [tilespmem:s14+$0x70];
	s14 =	simm.s32 $0x180;
	v8 =	vadd.f32 v0, v4;
	v9 =	vadd.f32 v2, v6  }
.LBB2_2:
0x32: {  	v0 =	vld [tilespmem:s14+$0x0];
	v2 =	vadd.f32 v5, v20;
	v4 =	vadd.f32 v7, v21  }
0x33: {  	v10 =	vadd.f32 v14, v10;
	v13 =	vadd.f32 v16, v13;
	v6 =	vld [tilespmem:s14+$0x10]  }
0x34: {  	v11 =	vadd.f32 v15, v11;
	v5 =	vld [tilespmem:s14+$0x20];
	v12 =	vadd.f32 v18, v12  }
0x35: {  	v10 =	vadd.f32 v1, v10;
	v13 =	vadd.f32 v3, v13;
	v7 =	vld [tilespmem:s14+$0x30]  }
0x36: {  	v11 =	vadd.f32 v17, v11;
	v1 =	vld [tilespmem:s14+$0x40];
	v12 =	vadd.f32 v19, v12  }
0x37: {  	v3 =	vld [tilespmem:s14+$0x50]  }
0x38: {  	v17 =	vld [tilespmem:s14+$0xFFFFFF80]  }
0x39: {  	v18 =	vld [tilespmem:s14+$0xFFFFFF90]  }
0x3a: {  	v19 =	vld [tilespmem:s14+$0xFFFFFFA0]  }
0x3b: {  	s13 =	sadd.s32 $0x2, s13;
	v21 =	vld [tilespmem:s14+$0xFFFFFFB0]  }
0x3c: {  	p0 =	slt.u32 s13, $0xF8;
	v14 =	vld [tilespmem:s14+$0xFFFFFFC0]  }
.Ltmp0:
0x3d: {  	v16 =	vld [tilespmem:s14+$0xFFFFFFD0];
	(pc) =	sbr.rel @p0 .LBB2_2-.Ltmp0, $4  }
0x3e: {  	v15 =	vld [tilespmem:s14+$0xFFFFFFE0]  }
0x3f: {  	v8 =	vadd.f32 v17, v8;
	v9 =	vadd.f32 v18, v9;
	v18 =	vld [tilespmem:s14+$0xFFFFFFF0]  }
0x40: {  	v20 =	vadd.f32 v19, v2;
	v21 =	vadd.f32 v21, v4;
	v17 =	vld [tilespmem:s14+$0x60]  }
0x41: {  	v8 =	vadd.f32 v0, v8;
	v9 =	vadd.f32 v6, v9;
	v19 =	vld [tilespmem:s14+$0x70];
	s14 =	sadd.s32 $0x100, s14  }
0x42: {  	s13 =	rddreg [dreg:$0x5]  }
0x43: {  	[tilespmem:s2], [sflag:$0x1] =	stream.linear.gather [hbm4b:s13+s2], $0x7D00, $0x38;
	[tilespmem:$0xFA80] =	vst v63  }
0x44: {  	_ =	swait.ge [sflag:s10], $0x7D00  }
0x45: {  	[sflag:s10] =	ssyncset.done $0x0  }
0x46: {  	s14 =	simm.s32 $0x7D80;
	[sflag:s10] =	ssyncadd.s32 $0xFFFF8300  }
0x47: {  	v22 =	vld [tilespmem:s14+$0x0]  }
0x48: {  	v23 =	vld [tilespmem:s14+$0x10]  }
0x49: {  	v4 =	vld [tilespmem:s14+$0x20]  }
0x4a: {  	v6 =	vld [tilespmem:s14+$0x30]  }
0x4b: {  	v0 =	vld [tilespmem:s14+$0x40]  }
0x4c: {  	v2 =	vld [tilespmem:s14+$0x50]  }
0x4d: {  	v24 =	vld [tilespmem:s14+$0xFFFFFF80]  }
0x4e: {  	v25 =	vld [tilespmem:s14+$0xFFFFFF90]  }
0x4f: {  	v5 =	vadd.f32 v5, v20;
	v7 =	vadd.f32 v7, v21;
	v20 =	vld [tilespmem:s14+$0xFFFFFFA0]  }
0x50: {  	v10 =	vadd.f32 v14, v10;
	v13 =	vadd.f32 v16, v13;
	v14 =	vld [tilespmem:s14+$0xFFFFFFB0]  }
0x51: {  	v15 =	vadd.f32 v15, v11;
	v21 =	vadd.f32 v18, v12;
	v16 =	vld [tilespmem:s14+$0xFFFFFFC0]  }
0x52: {  	v10 =	vadd.f32 v1, v10;
	v11 =	vadd.f32 v3, v13;
	v18 =	vld [tilespmem:s14+$0xFFFFFFD0]  }
0x53: {  	v12 =	vadd.f32 v17, v15;
	v13 =	vadd.f32 v19, v21;
	v17 =	vld [tilespmem:s14+$0xFFFFFFE0]  }
0x54: {  	v1 =	vadd.f32 v24, v8;
	v3 =	vadd.f32 v25, v9;
	v8 =	vld [tilespmem:s14+$0xFFFFFFF0]  }
0x55: {  	v19 =	vld [tilespmem:s14+$0x60];
	v9 =	vadd.f32 v20, v5;
	v21 =	vadd.f32 v14, v7  }
0x56: {  	s13 =	simm.s32 $0x0;
	v20 =	vld [tilespmem:s14+$0x70];
	s14 =	simm.s32 $0x7E80;
	v14 =	vadd.f32 v22, v1;
	v15 =	vadd.f32 v23, v3  }
.LBB2_4:
0x57: {  	v1 =	vld [tilespmem:s14+$0x0];
	v3 =	vadd.f32 v4, v9;
	v5 =	vadd.f32 v6, v21  }
0x58: {  	v9 =	vadd.f32 v16, v10;
	v11 =	vadd.f32 v18, v11;
	v7 =	vld [tilespmem:s14+$0x10]  }
0x59: {  	v12 =	vadd.f32 v17, v12;
	v4 =	vld [tilespmem:s14+$0x20];
	v8 =	vadd.f32 v8, v13  }
0x5a: {  	v10 =	vadd.f32 v0, v9;
	v11 =	vadd.f32 v2, v11;
	v6 =	vld [tilespmem:s14+$0x30]  }
0x5b: {  	v12 =	vadd.f32 v19, v12;
	v0 =	vld [tilespmem:s14+$0x40];
	v13 =	vadd.f32 v20, v8  }
0x5c: {  	v2 =	vld [tilespmem:s14+$0x50]  }
0x5d: {  	v8 =	vld [tilespmem:s14+$0xFFFFFF80]  }
0x5e: {  	v9 =	vld [tilespmem:s14+$0xFFFFFF90]  }
0x5f: {  	v19 =	vld [tilespmem:s14+$0xFFFFFFA0]  }
0x60: {  	s13 =	sadd.s32 $0x2, s13;
	v20 =	vld [tilespmem:s14+$0xFFFFFFB0]  }
0x61: {  	p0 =	slt.u32 s13, $0xF8;
	v16 =	vld [tilespmem:s14+$0xFFFFFFC0]  }
.Ltmp1:
0x62: {  	v18 =	vld [tilespmem:s14+$0xFFFFFFD0];
	(pc) =	sbr.rel @p0 .LBB2_4-.Ltmp1, $4  }
0x63: {  	v17 =	vld [tilespmem:s14+$0xFFFFFFE0]  }
0x64: {  	v14 =	vadd.f32 v8, v14;
	v15 =	vadd.f32 v9, v15;
	v8 =	vld [tilespmem:s14+$0xFFFFFFF0]  }
0x65: {  	v9 =	vadd.f32 v19, v3;
	v21 =	vadd.f32 v20, v5;
	v19 =	vld [tilespmem:s14+$0x60]  }
0x66: {  	v14 =	vadd.f32 v1, v14;
	v15 =	vadd.f32 v7, v15;
	v20 =	vld [tilespmem:s14+$0x70];
	s14 =	sadd.s32 $0x100, s14  }
0x67: {  	s13 =	rddreg [dreg:$0x6]  }
0x68: {  	[tilespmem:s8], [sflag:$0x2] =	stream.linear.gather [hbm4b:s13+s2], $0x7D00, $0x38;
	[tilespmem:$0xFA80] =	vst v63  }
0x69: {  	_ =	swait.ge [sflag:s9], $0x7D00  }
0x6a: {  	[sflag:s9] =	ssyncset.done $0x0  }
0x6b: {  	s14 =	simm.s32 $0x80;
	[sflag:s9] =	ssyncadd.s32 $0xFFFF8300  }
0x6c: {  	v22 =	vld [tilespmem:s14+$0x0]  }
0x6d: {  	v23 =	vld [tilespmem:s14+$0x10]  }
0x6e: {  	v5 =	vld [tilespmem:s14+$0x20]  }
0x6f: {  	v7 =	vld [tilespmem:s14+$0x30]  }
0x70: {  	v1 =	vld [tilespmem:s14+$0x40]  }
0x71: {  	v3 =	vld [tilespmem:s14+$0x50]  }
0x72: {  	v24 =	vld [tilespmem:s14+$0xFFFFFF80]  }
0x73: {  	v25 =	vld [tilespmem:s14+$0xFFFFFF90]  }
0x74: {  	v4 =	vadd.f32 v4, v9;
	v6 =	vadd.f32 v6, v21;
	v21 =	vld [tilespmem:s14+$0xFFFFFFA0]  }
0x75: {  	v9 =	vadd.f32 v16, v10;
	v10 =	vadd.f32 v18, v11;
	v26 =	vld [tilespmem:s14+$0xFFFFFFB0]  }
0x76: {  	v11 =	vadd.f32 v17, v12;
	v12 =	vadd.f32 v8, v13;
	v16 =	vld [tilespmem:s14+$0xFFFFFFC0]  }
0x77: {  	v8 =	vadd.f32 v0, v9;
	v9 =	vadd.f32 v2, v10;
	v17 =	vld [tilespmem:s14+$0xFFFFFFD0]  }
0x78: {  	v10 =	vadd.f32 v19, v11;
	v11 =	vadd.f32 v20, v12;
	v18 =	vld [tilespmem:s14+$0xFFFFFFE0]  }
0x79: {  	v0 =	vadd.f32 v24, v14;
	v2 =	vadd.f32 v25, v15;
	v14 =	vld [tilespmem:s14+$0xFFFFFFF0]  }
0x7a: {  	v19 =	vld [tilespmem:s14+$0x60];
	v15 =	vadd.f32 v21, v4;
	v21 =	vadd.f32 v26, v6  }
0x7b: {  	s13 =	simm.s32 $0x0;
	v20 =	vld [tilespmem:s14+$0x70];
	s14 =	simm.s32 $0x180;
	v12 =	vadd.f32 v22, v0;
	v13 =	vadd.f32 v23, v2  }
.LBB2_6:
0x7c: {  	v0 =	vld [tilespmem:s14+$0x0];
	v2 =	vadd.f32 v5, v15;
	v4 =	vadd.f32 v7, v21  }
0x7d: {  	v8 =	vadd.f32 v16, v8;
	v9 =	vadd.f32 v17, v9;
	v6 =	vld [tilespmem:s14+$0x10]  }
0x7e: {  	v10 =	vadd.f32 v18, v10;
	v5 =	vld [tilespmem:s14+$0x20];
	v11 =	vadd.f32 v14, v11  }
0x7f: {  	v8 =	vadd.f32 v1, v8;
	v9 =	vadd.f32 v3, v9;
	v7 =	vld [tilespmem:s14+$0x30]  }
0x80: {  	v10 =	vadd.f32 v19, v10;
	v1 =	vld [tilespmem:s14+$0x40];
	v11 =	vadd.f32 v20, v11  }
0x81: {  	v3 =	vld [tilespmem:s14+$0x50]  }
0x82: {  	v14 =	vld [tilespmem:s14+$0xFFFFFF80]  }
0x83: {  	v15 =	vld [tilespmem:s14+$0xFFFFFF90]  }
0x84: {  	v19 =	vld [tilespmem:s14+$0xFFFFFFA0]  }
0x85: {  	s13 =	sadd.s32 $0x2, s13;
	v20 =	vld [tilespmem:s14+$0xFFFFFFB0]  }
0x86: {  	p0 =	slt.u32 s13, $0xF8;
	v16 =	vld [tilespmem:s14+$0xFFFFFFC0]  }
.Ltmp2:
0x87: {  	v17 =	vld [tilespmem:s14+$0xFFFFFFD0];
	(pc) =	sbr.rel @p0 .LBB2_6-.Ltmp2, $4  }
0x88: {  	v18 =	vld [tilespmem:s14+$0xFFFFFFE0]  }
0x89: {  	v12 =	vadd.f32 v14, v12;
	v13 =	vadd.f32 v15, v13;
	v14 =	vld [tilespmem:s14+$0xFFFFFFF0]  }
0x8a: {  	v15 =	vadd.f32 v19, v2;
	v21 =	vadd.f32 v20, v4;
	v19 =	vld [tilespmem:s14+$0x60]  }
0x8b: {  	v12 =	vadd.f32 v0, v12;
	v13 =	vadd.f32 v6, v13;
	v20 =	vld [tilespmem:s14+$0x70];
	s14 =	sadd.s32 $0x100, s14  }
0x8c: {  	s13 =	rddreg [dreg:$0x7]  }
0x8d: {  	[tilespmem:s2], [sflag:$0x1] =	stream.linear.gather [hbm4b:s13+s2], $0x7D00, $0x38;
	[tilespmem:$0xFA80] =	vst v63  }
0x8e: {  	_ =	swait.ge [sflag:s10], $0x7D00  }
0x8f: {  	[sflag:s10] =	ssyncset.done $0x0  }
0x90: {  	s14 =	simm.s32 $0x7D80;
	[sflag:s10] =	ssyncadd.s32 $0xFFFF8300  }
0x91: {  	v22 =	vld [tilespmem:s14+$0x0]  }
0x92: {  	v23 =	vld [tilespmem:s14+$0x10]  }
0x93: {  	v4 =	vld [tilespmem:s14+$0x20]  }
0x94: {  	v6 =	vld [tilespmem:s14+$0x30]  }
0x95: {  	v0 =	vld [tilespmem:s14+$0x40]  }
0x96: {  	v2 =	vld [tilespmem:s14+$0x50]  }
0x97: {  	v24 =	vld [tilespmem:s14+$0xFFFFFF80]  }
0x98: {  	v25 =	vld [tilespmem:s14+$0xFFFFFF90]  }
0x99: {  	v5 =	vadd.f32 v5, v15;
	v7 =	vadd.f32 v7, v21;
	v21 =	vld [tilespmem:s14+$0xFFFFFFA0]  }
0x9a: {  	v8 =	vadd.f32 v16, v8;
	v9 =	vadd.f32 v17, v9;
	v17 =	vld [tilespmem:s14+$0xFFFFFFB0]  }
0x9b: {  	v10 =	vadd.f32 v18, v10;
	v11 =	vadd.f32 v14, v11;
	v14 =	vld [tilespmem:s14+$0xFFFFFFC0]  }
0x9c: {  	v8 =	vadd.f32 v1, v8;
	v9 =	vadd.f32 v3, v9;
	v15 =	vld [tilespmem:s14+$0xFFFFFFD0]  }
0x9d: {  	v10 =	vadd.f32 v19, v10;
	v11 =	vadd.f32 v20, v11;
	v16 =	vld [tilespmem:s14+$0xFFFFFFE0]  }
0x9e: {  	v18 =	vld [tilespmem:s14+$0xFFFFFFF0];
	v1 =	vadd.f32 v24, v12;
	v3 =	vadd.f32 v25, v13  }
0x9f: {  	v19 =	vld [tilespmem:s14+$0x70];
	v20 =	vadd.f32 v21, v5;
	v21 =	vadd.f32 v17, v7  }
0xa0: {  	s13 =	simm.s32 $0x0;
	v17 =	vld [tilespmem:s14+$0x60];
	s14 =	simm.s32 $0x7E80;
	v12 =	vadd.f32 v22, v1;
	v13 =	vadd.f32 v23, v3  }
.LBB2_8:
0xa1: {  	v1 =	vld [tilespmem:s14+$0x0];
	v3 =	vadd.f32 v4, v20;
	v5 =	vadd.f32 v6, v21  }
0xa2: {  	v8 =	vadd.f32 v14, v8;
	v9 =	vadd.f32 v15, v9;
	v7 =	vld [tilespmem:s14+$0x10]  }
0xa3: {  	v10 =	vadd.f32 v16, v10;
	v4 =	vld [tilespmem:s14+$0x20];
	v11 =	vadd.f32 v18, v11  }
0xa4: {  	v8 =	vadd.f32 v0, v8;
	v9 =	vadd.f32 v2, v9;
	v6 =	vld [tilespmem:s14+$0x30]  }
0xa5: {  	v10 =	vadd.f32 v17, v10;
	v0 =	vld [tilespmem:s14+$0x40];
	v11 =	vadd.f32 v19, v11  }
0xa6: {  	v2 =	vld [tilespmem:s14+$0x50]  }
0xa7: {  	v17 =	vld [tilespmem:s14+$0xFFFFFF80]  }
0xa8: {  	v18 =	vld [tilespmem:s14+$0xFFFFFF90]  }
0xa9: {  	v19 =	vld [tilespmem:s14+$0xFFFFFFA0]  }
0xaa: {  	s13 =	sadd.s32 $0x2, s13;
	v21 =	vld [tilespmem:s14+$0xFFFFFFB0]  }
0xab: {  	p0 =	slt.u32 s13, $0xF8;
	v14 =	vld [tilespmem:s14+$0xFFFFFFC0]  }
.Ltmp3:
0xac: {  	v15 =	vld [tilespmem:s14+$0xFFFFFFD0];
	(pc) =	sbr.rel @p0 .LBB2_8-.Ltmp3, $4  }
0xad: {  	v16 =	vld [tilespmem:s14+$0xFFFFFFE0]  }
0xae: {  	v12 =	vadd.f32 v17, v12;
	v13 =	vadd.f32 v18, v13;
	v18 =	vld [tilespmem:s14+$0xFFFFFFF0]  }
0xaf: {  	v20 =	vadd.f32 v19, v3;
	v21 =	vadd.f32 v21, v5;
	v17 =	vld [tilespmem:s14+$0x60]  }
0xb0: {  	v12 =	vadd.f32 v1, v12;
	v13 =	vadd.f32 v7, v13;
	v19 =	vld [tilespmem:s14+$0x70];
	s14 =	sadd.s32 $0x100, s14  }
0xb1: {  	s13 =	rddreg [dreg:$0x8]  }
0xb2: {  	[tilespmem:s8], [sflag:$0x2] =	stream.linear.gather [hbm4b:s13+s2], $0x7D00, $0x38;
	[tilespmem:$0xFA80] =	vst v63  }
0xb3: {  	_ =	swait.ge [sflag:s9], $0x7D00  }
0xb4: {  	[sflag:s9] =	ssyncset.done $0x0  }
0xb5: {  	s14 =	simm.s32 $0x80;
	[sflag:s9] =	ssyncadd.s32 $0xFFFF8300  }
0xb6: {  	v22 =	vld [tilespmem:s14+$0x0]  }
0xb7: {  	v23 =	vld [tilespmem:s14+$0x10]  }
0xb8: {  	v5 =	vld [tilespmem:s14+$0x20]  }
0xb9: {  	v7 =	vld [tilespmem:s14+$0x30]  }
0xba: {  	v1 =	vld [tilespmem:s14+$0x40]  }
0xbb: {  	v3 =	vld [tilespmem:s14+$0x50]  }
0xbc: {  	v24 =	vld [tilespmem:s14+$0xFFFFFF80]  }
0xbd: {  	v25 =	vld [tilespmem:s14+$0xFFFFFF90]  }
0xbe: {  	v4 =	vadd.f32 v4, v20;
	v6 =	vadd.f32 v6, v21;
	v20 =	vld [tilespmem:s14+$0xFFFFFFA0]  }
0xbf: {  	v8 =	vadd.f32 v14, v8;
	v9 =	vadd.f32 v15, v9;
	v21 =	vld [tilespmem:s14+$0xFFFFFFB0]  }
0xc0: {  	v10 =	vadd.f32 v16, v10;
	v11 =	vadd.f32 v18, v11;
	v14 =	vld [tilespmem:s14+$0xFFFFFFC0]  }
0xc1: {  	v8 =	vadd.f32 v0, v8;
	v9 =	vadd.f32 v2, v9;
	v15 =	vld [tilespmem:s14+$0xFFFFFFD0]  }
0xc2: {  	v10 =	vadd.f32 v17, v10;
	v11 =	vadd.f32 v19, v11;
	v16 =	vld [tilespmem:s14+$0xFFFFFFE0]  }
0xc3: {  	v18 =	vld [tilespmem:s14+$0xFFFFFFF0];
	v0 =	vadd.f32 v24, v12;
	v2 =	vadd.f32 v25, v13  }
0xc4: {  	v17 =	vld [tilespmem:s14+$0x60];
	v20 =	vadd.f32 v20, v4;
	v21 =	vadd.f32 v21, v6  }
0xc5: {  	s13 =	simm.s32 $0x0;
	v19 =	vld [tilespmem:s14+$0x70];
	s14 =	simm.s32 $0x180;
	v12 =	vadd.f32 v22, v0;
	v13 =	vadd.f32 v23, v2  }
.LBB2_10:
0xc6: {  	v0 =	vld [tilespmem:s14+$0x0];
	v2 =	vadd.f32 v5, v20;
	v4 =	vadd.f32 v7, v21  }
0xc7: {  	v8 =	vadd.f32 v14, v8;
	v9 =	vadd.f32 v15, v9;
	v6 =	vld [tilespmem:s14+$0x10]  }
0xc8: {  	v10 =	vadd.f32 v16, v10;
	v5 =	vld [tilespmem:s14+$0x20];
	v11 =	vadd.f32 v18, v11  }
0xc9: {  	v8 =	vadd.f32 v1, v8;
	v9 =	vadd.f32 v3, v9;
	v7 =	vld [tilespmem:s14+$0x30]  }
0xca: {  	v10 =	vadd.f32 v17, v10;
	v1 =	vld [tilespmem:s14+$0x40];
	v11 =	vadd.f32 v19, v11  }
0xcb: {  	v3 =	vld [tilespmem:s14+$0x50]  }
0xcc: {  	v17 =	vld [tilespmem:s14+$0xFFFFFF80]  }
0xcd: {  	v18 =	vld [tilespmem:s14+$0xFFFFFF90]  }
0xce: {  	v19 =	vld [tilespmem:s14+$0xFFFFFFA0]  }
0xcf: {  	s13 =	sadd.s32 $0x2, s13;
	v21 =	vld [tilespmem:s14+$0xFFFFFFB0]  }
0xd0: {  	p0 =	slt.u32 s13, $0xF8;
	v14 =	vld [tilespmem:s14+$0xFFFFFFC0]  }
.Ltmp4:
0xd1: {  	v15 =	vld [tilespmem:s14+$0xFFFFFFD0];
	(pc) =	sbr.rel @p0 .LBB2_10-.Ltmp4, $4  }
0xd2: {  	v16 =	vld [tilespmem:s14+$0xFFFFFFE0]  }
0xd3: {  	v12 =	vadd.f32 v17, v12;
	v13 =	vadd.f32 v18, v13;
	v18 =	vld [tilespmem:s14+$0xFFFFFFF0]  }
0xd4: {  	v20 =	vadd.f32 v19, v2;
	v21 =	vadd.f32 v21, v4;
	v17 =	vld [tilespmem:s14+$0x60]  }
0xd5: {  	v12 =	vadd.f32 v0, v12;
	v13 =	vadd.f32 v6, v13;
	v19 =	vld [tilespmem:s14+$0x70];
	s14 =	sadd.s32 $0x100, s14  }
0xd6: {  	s13 =	rddreg [dreg:$0x9]  }
0xd7: {  	[tilespmem:s2], [sflag:$0x1] =	stream.linear.gather [hbm4b:s13+s2], $0x7D00, $0x38;
	[tilespmem:$0xFA80] =	vst v63  }
0xd8: {  	_ =	swait.ge [sflag:s10], $0x7D00  }
0xd9: {  	[sflag:s10] =	ssyncset.done $0x0  }
0xda: {  	s14 =	simm.s32 $0x7D80;
	[sflag:s10] =	ssyncadd.s32 $0xFFFF8300  }
0xdb: {  	v22 =	vld [tilespmem:s14+$0x0]  }
0xdc: {  	v23 =	vld [tilespmem:s14+$0x10]  }
0xdd: {  	v4 =	vld [tilespmem:s14+$0x20]  }
0xde: {  	v6 =	vld [tilespmem:s14+$0x30]  }
0xdf: {  	v0 =	vld [tilespmem:s14+$0x40]  }
0xe0: {  	v2 =	vld [tilespmem:s14+$0x50]  }
0xe1: {  	v24 =	vld [tilespmem:s14+$0xFFFFFF80]  }
0xe2: {  	v25 =	vld [tilespmem:s14+$0xFFFFFF90]  }
0xe3: {  	v5 =	vadd.f32 v5, v20;
	v7 =	vadd.f32 v7, v21;
	v20 =	vld [tilespmem:s14+$0xFFFFFFA0]  }
0xe4: {  	v8 =	vadd.f32 v14, v8;
	v9 =	vadd.f32 v15, v9;
	v21 =	vld [tilespmem:s14+$0xFFFFFFB0]  }
0xe5: {  	v10 =	vadd.f32 v16, v10;
	v11 =	vadd.f32 v18, v11;
	v14 =	vld [tilespmem:s14+$0xFFFFFFC0]  }
0xe6: {  	v8 =	vadd.f32 v1, v8;
	v9 =	vadd.f32 v3, v9;
	v15 =	vld [tilespmem:s14+$0xFFFFFFD0]  }
0xe7: {  	v10 =	vadd.f32 v17, v10;
	v11 =	vadd.f32 v19, v11;
	v16 =	vld [tilespmem:s14+$0xFFFFFFE0]  }
0xe8: {  	v18 =	vld [tilespmem:s14+$0xFFFFFFF0];
	v1 =	vadd.f32 v24, v12;
	v3 =	vadd.f32 v25, v13  }
0xe9: {  	v17 =	vld [tilespmem:s14+$0x60];
	v20 =	vadd.f32 v20, v5;
	v21 =	vadd.f32 v21, v7  }
0xea: {  	s13 =	simm.s32 $0x0;
	v19 =	vld [tilespmem:s14+$0x70];
	s14 =	simm.s32 $0x7E80;
	v12 =	vadd.f32 v22, v1;
	v13 =	vadd.f32 v23, v3  }
.LBB2_12:
0xeb: {  	v1 =	vld [tilespmem:s14+$0x0];
	v3 =	vadd.f32 v4, v20;
	v5 =	vadd.f32 v6, v21  }
0xec: {  	v8 =	vadd.f32 v14, v8;
	v9 =	vadd.f32 v15, v9;
	v7 =	vld [tilespmem:s14+$0x10]  }
0xed: {  	v10 =	vadd.f32 v16, v10;
	v4 =	vld [tilespmem:s14+$0x20];
	v11 =	vadd.f32 v18, v11  }
0xee: {  	v8 =	vadd.f32 v0, v8;
	v9 =	vadd.f32 v2, v9;
	v6 =	vld [tilespmem:s14+$0x30]  }
0xef: {  	v10 =	vadd.f32 v17, v10;
	v0 =	vld [tilespmem:s14+$0x40];
	v11 =	vadd.f32 v19, v11  }
0xf0: {  	v2 =	vld [tilespmem:s14+$0x50]  }
0xf1: {  	v17 =	vld [tilespmem:s14+$0xFFFFFF80]  }
0xf2: {  	v18 =	vld [tilespmem:s14+$0xFFFFFF90]  }
0xf3: {  	v19 =	vld [tilespmem:s14+$0xFFFFFFA0]  }
0xf4: {  	s13 =	sadd.s32 $0x2, s13;
	v21 =	vld [tilespmem:s14+$0xFFFFFFB0]  }
0xf5: {  	p0 =	slt.u32 s13, $0xF8;
	v14 =	vld [tilespmem:s14+$0xFFFFFFC0]  }
.Ltmp5:
0xf6: {  	v15 =	vld [tilespmem:s14+$0xFFFFFFD0];
	(pc) =	sbr.rel @p0 .LBB2_12-.Ltmp5, $4  }
0xf7: {  	v16 =	vld [tilespmem:s14+$0xFFFFFFE0]  }
0xf8: {  	v12 =	vadd.f32 v17, v12;
	v13 =	vadd.f32 v18, v13;
	v18 =	vld [tilespmem:s14+$0xFFFFFFF0]  }
0xf9: {  	v20 =	vadd.f32 v19, v3;
	v21 =	vadd.f32 v21, v5;
	v17 =	vld [tilespmem:s14+$0x60]  }
0xfa: {  	v12 =	vadd.f32 v1, v12;
	v13 =	vadd.f32 v7, v13;
	v19 =	vld [tilespmem:s14+$0x70];
	s14 =	sadd.s32 $0x100, s14  }
0xfb: {  	s13 =	rddreg [dreg:$0xa]  }
0xfc: {  	[tilespmem:s8], [sflag:$0x2] =	stream.linear.gather [hbm4b:s13+s2], $0x7D00, $0x38;
	[tilespmem:$0xFA80] =	vst v63  }
0xfd: {  	_ =	swait.ge [sflag:s9], $0x7D00  }
0xfe: {  	[sflag:s9] =	ssyncset.done $0x0  }
0xff: {  	s14 =	simm.s32 $0x80;
	[sflag:s9] =	ssyncadd.s32 $0xFFFF8300  }
0x100: {  	v22 =	vld [tilespmem:s14+$0x0]  }
0x101: {  	v23 =	vld [tilespmem:s14+$0x10]  }
0x102: {  	v5 =	vld [tilespmem:s14+$0x20]  }
0x103: {  	v7 =	vld [tilespmem:s14+$0x30]  }
0x104: {  	v1 =	vld [tilespmem:s14+$0x40]  }
0x105: {  	v3 =	vld [tilespmem:s14+$0x50]  }
0x106: {  	v24 =	vld [tilespmem:s14+$0xFFFFFF80]  }
0x107: {  	v25 =	vld [tilespmem:s14+$0xFFFFFF90]  }
0x108: {  	v4 =	vadd.f32 v4, v20;
	v6 =	vadd.f32 v6, v21;
	v20 =	vld [tilespmem:s14+$0xFFFFFFA0]  }
0x109: {  	v8 =	vadd.f32 v14, v8;
	v9 =	vadd.f32 v15, v9;
	v21 =	vld [tilespmem:s14+$0xFFFFFFB0]  }
0x10a: {  	v10 =	vadd.f32 v16, v10;
	v11 =	vadd.f32 v18, v11;
	v14 =	vld [tilespmem:s14+$0xFFFFFFC0]  }
0x10b: {  	v8 =	vadd.f32 v0, v8;
	v9 =	vadd.f32 v2, v9;
	v15 =	vld [tilespmem:s14+$0xFFFFFFD0]  }
0x10c: {  	v10 =	vadd.f32 v17, v10;
	v11 =	vadd.f32 v19, v11;
	v16 =	vld [tilespmem:s14+$0xFFFFFFE0]  }
0x10d: {  	v18 =	vld [tilespmem:s14+$0xFFFFFFF0];
	v0 =	vadd.f32 v24, v12;
	v2 =	vadd.f32 v25, v13  }
0x10e: {  	v17 =	vld [tilespmem:s14+$0x60];
	v20 =	vadd.f32 v20, v4;
	v21 =	vadd.f32 v21, v6  }
0x10f: {  	s13 =	simm.s32 $0x0;
	v19 =	vld [tilespmem:s14+$0x70];
	s14 =	simm.s32 $0x180;
	v12 =	vadd.f32 v22, v0;
	v13 =	vadd.f32 v23, v2  }
.LBB2_14:
0x110: {  	v0 =	vld [tilespmem:s14+$0x0];
	v2 =	vadd.f32 v5, v20;
	v4 =	vadd.f32 v7, v21  }
0x111: {  	v8 =	vadd.f32 v14, v8;
	v9 =	vadd.f32 v15, v9;
	v6 =	vld [tilespmem:s14+$0x10]  }
0x112: {  	v10 =	vadd.f32 v16, v10;
	v5 =	vld [tilespmem:s14+$0x20];
	v11 =	vadd.f32 v18, v11  }
0x113: {  	v8 =	vadd.f32 v1, v8;
	v9 =	vadd.f32 v3, v9;
	v7 =	vld [tilespmem:s14+$0x30]  }
0x114: {  	v10 =	vadd.f32 v17, v10;
	v1 =	vld [tilespmem:s14+$0x40];
	v11 =	vadd.f32 v19, v11  }
0x115: {  	v3 =	vld [tilespmem:s14+$0x50]  }
0x116: {  	v17 =	vld [tilespmem:s14+$0xFFFFFF80]  }
0x117: {  	v18 =	vld [tilespmem:s14+$0xFFFFFF90]  }
0x118: {  	v19 =	vld [tilespmem:s14+$0xFFFFFFA0]  }
0x119: {  	s13 =	sadd.s32 $0x2, s13;
	v21 =	vld [tilespmem:s14+$0xFFFFFFB0]  }
0x11a: {  	p0 =	slt.u32 s13, $0xF8;
	v14 =	vld [tilespmem:s14+$0xFFFFFFC0]  }
.Ltmp6:
0x11b: {  	v15 =	vld [tilespmem:s14+$0xFFFFFFD0];
	(pc) =	sbr.rel @p0 .LBB2_14-.Ltmp6, $4  }
0x11c: {  	v16 =	vld [tilespmem:s14+$0xFFFFFFE0]  }
0x11d: {  	v12 =	vadd.f32 v17, v12;
	v13 =	vadd.f32 v18, v13;
	v18 =	vld [tilespmem:s14+$0xFFFFFFF0]  }
0x11e: {  	v20 =	vadd.f32 v19, v2;
	v21 =	vadd.f32 v21, v4;
	v17 =	vld [tilespmem:s14+$0x60]  }
0x11f: {  	v12 =	vadd.f32 v0, v12;
	v13 =	vadd.f32 v6, v13;
	v19 =	vld [tilespmem:s14+$0x70];
	s14 =	sadd.s32 $0x100, s14  }
0x120: {  	s13 =	rddreg [dreg:$0xb]  }
0x121: {  	[tilespmem:s2], [sflag:$0x1] =	stream.linear.gather [hbm4b:s13+s2], $0x7D00, $0x38;
	[tilespmem:$0xFA80] =	vst v63  }
0x122: {  	_ =	swait.ge [sflag:s10], $0x7D00  }
0x123: {  	[sflag:s10] =	ssyncset.done $0x0  }
0x124: {  	s14 =	simm.s32 $0x7D80;
	[sflag:s10] =	ssyncadd.s32 $0xFFFF8300  }
0x125: {  	v22 =	vld [tilespmem:s14+$0x0]  }
0x126: {  	v23 =	vld [tilespmem:s14+$0x10]  }
0x127: {  	v4 =	vld [tilespmem:s14+$0x20]  }
0x128: {  	v6 =	vld [tilespmem:s14+$0x30]  }
0x129: {  	v0 =	vld [tilespmem:s14+$0x40]  }
0x12a: {  	v2 =	vld [tilespmem:s14+$0x50]  }
0x12b: {  	v24 =	vld [tilespmem:s14+$0xFFFFFF80]  }
0x12c: {  	v25 =	vld [tilespmem:s14+$0xFFFFFF90]  }
0x12d: {  	v5 =	vadd.f32 v5, v20;
	v7 =	vadd.f32 v7, v21;
	v20 =	vld [tilespmem:s14+$0xFFFFFFA0]  }
0x12e: {  	v8 =	vadd.f32 v14, v8;
	v9 =	vadd.f32 v15, v9;
	v21 =	vld [tilespmem:s14+$0xFFFFFFB0]  }
0x12f: {  	v10 =	vadd.f32 v16, v10;
	v11 =	vadd.f32 v18, v11;
	v14 =	vld [tilespmem:s14+$0xFFFFFFC0]  }
0x130: {  	v8 =	vadd.f32 v1, v8;
	v9 =	vadd.f32 v3, v9;
	v15 =	vld [tilespmem:s14+$0xFFFFFFD0]  }
0x131: {  	v10 =	vadd.f32 v17, v10;
	v11 =	vadd.f32 v19, v11;
	v16 =	vld [tilespmem:s14+$0xFFFFFFE0]  }
0x132: {  	v18 =	vld [tilespmem:s14+$0xFFFFFFF0];
	v1 =	vadd.f32 v24, v12;
	v3 =	vadd.f32 v25, v13  }
0x133: {  	v17 =	vld [tilespmem:s14+$0x60];
	v20 =	vadd.f32 v20, v5;
	v21 =	vadd.f32 v21, v7  }
0x134: {  	s13 =	simm.s32 $0x0;
	v19 =	vld [tilespmem:s14+$0x70];
	s14 =	simm.s32 $0x7E80;
	v12 =	vadd.f32 v22, v1;
	v13 =	vadd.f32 v23, v3  }
.LBB2_16:
0x135: {  	v1 =	vld [tilespmem:s14+$0x0];
	v3 =	vadd.f32 v4, v20;
	v5 =	vadd.f32 v6, v21  }
0x136: {  	v8 =	vadd.f32 v14, v8;
	v9 =	vadd.f32 v15, v9;
	v7 =	vld [tilespmem:s14+$0x10]  }
0x137: {  	v10 =	vadd.f32 v16, v10;
	v4 =	vld [tilespmem:s14+$0x20];
	v11 =	vadd.f32 v18, v11  }
0x138: {  	v8 =	vadd.f32 v0, v8;
	v9 =	vadd.f32 v2, v9;
	v6 =	vld [tilespmem:s14+$0x30]  }
0x139: {  	v10 =	vadd.f32 v17, v10;
	v0 =	vld [tilespmem:s14+$0x40];
	v11 =	vadd.f32 v19, v11  }
0x13a: {  	v2 =	vld [tilespmem:s14+$0x50]  }
0x13b: {  	v17 =	vld [tilespmem:s14+$0xFFFFFF80]  }
0x13c: {  	v18 =	vld [tilespmem:s14+$0xFFFFFF90]  }
0x13d: {  	v19 =	vld [tilespmem:s14+$0xFFFFFFA0]  }
0x13e: {  	s13 =	sadd.s32 $0x2, s13;
	v21 =	vld [tilespmem:s14+$0xFFFFFFB0]  }
0x13f: {  	p0 =	slt.u32 s13, $0xF8;
	v14 =	vld [tilespmem:s14+$0xFFFFFFC0]  }
.Ltmp7:
0x140: {  	v15 =	vld [tilespmem:s14+$0xFFFFFFD0];
	(pc) =	sbr.rel @p0 .LBB2_16-.Ltmp7, $4  }
0x141: {  	v16 =	vld [tilespmem:s14+$0xFFFFFFE0]  }
0x142: {  	v12 =	vadd.f32 v17, v12;
	v13 =	vadd.f32 v18, v13;
	v18 =	vld [tilespmem:s14+$0xFFFFFFF0]  }
0x143: {  	v20 =	vadd.f32 v19, v3;
	v21 =	vadd.f32 v21, v5;
	v17 =	vld [tilespmem:s14+$0x60]  }
0x144: {  	v12 =	vadd.f32 v1, v12;
	v13 =	vadd.f32 v7, v13;
	v19 =	vld [tilespmem:s14+$0x70];
	s14 =	sadd.s32 $0x100, s14  }
0x145: {  	[tilespmem:s8], [sflag:$0x2] =	stream.linear.gather [hbm4b:s23+s2], $0x7D00, $0x38;
	[tilespmem:$0xFA80] =	vst v63  }
0x146: {  	_ =	swait.ge [sflag:s9], $0x7D00  }
0x147: {  	[sflag:s9] =	ssyncset.done $0x0  }
0x148: {  	s14 =	simm.s32 $0x80;
	[sflag:s9] =	ssyncadd.s32 $0xFFFF8300  }
0x149: {  	v22 =	vld [tilespmem:s14+$0x0]  }
0x14a: {  	v23 =	vld [tilespmem:s14+$0x10]  }
0x14b: {  	v5 =	vld [tilespmem:s14+$0x20]  }
0x14c: {  	v7 =	vld [tilespmem:s14+$0x30]  }
0x14d: {  	v1 =	vld [tilespmem:s14+$0x40]  }
0x14e: {  	v3 =	vld [tilespmem:s14+$0x50]  }
0x14f: {  	v24 =	vld [tilespmem:s14+$0xFFFFFF80]  }
0x150: {  	v25 =	vld [tilespmem:s14+$0xFFFFFF90]  }
0x151: {  	v4 =	vadd.f32 v4, v20;
	v6 =	vadd.f32 v6, v21;
	v20 =	vld [tilespmem:s14+$0xFFFFFFA0]  }
0x152: {  	v8 =	vadd.f32 v14, v8;
	v9 =	vadd.f32 v15, v9;
	v21 =	vld [tilespmem:s14+$0xFFFFFFB0]  }
0x153: {  	v10 =	vadd.f32 v16, v10;
	v11 =	vadd.f32 v18, v11;
	v14 =	vld [tilespmem:s14+$0xFFFFFFC0]  }
0x154: {  	v8 =	vadd.f32 v0, v8;
	v9 =	vadd.f32 v2, v9;
	v15 =	vld [tilespmem:s14+$0xFFFFFFD0]  }
0x155: {  	v10 =	vadd.f32 v17, v10;
	v11 =	vadd.f32 v19, v11;
	v16 =	vld [tilespmem:s14+$0xFFFFFFE0]  }
0x156: {  	v18 =	vld [tilespmem:s14+$0xFFFFFFF0];
	v0 =	vadd.f32 v24, v12;
	v2 =	vadd.f32 v25, v13  }
0x157: {  	v17 =	vld [tilespmem:s14+$0x60];
	v20 =	vadd.f32 v20, v4;
	v21 =	vadd.f32 v21, v6  }
0x158: {  	s13 =	simm.s32 $0x0;
	v19 =	vld [tilespmem:s14+$0x70];
	s14 =	simm.s32 $0x180;
	v12 =	vadd.f32 v22, v0;
	v13 =	vadd.f32 v23, v2  }
.LBB2_18:
0x159: {  	v0 =	vld [tilespmem:s14+$0x0];
	v2 =	vadd.f32 v5, v20;
	v4 =	vadd.f32 v7, v21  }
0x15a: {  	v8 =	vadd.f32 v14, v8;
	v9 =	vadd.f32 v15, v9;
	v6 =	vld [tilespmem:s14+$0x10]  }
0x15b: {  	v10 =	vadd.f32 v16, v10;
	v5 =	vld [tilespmem:s14+$0x20];
	v11 =	vadd.f32 v18, v11  }
0x15c: {  	v8 =	vadd.f32 v1, v8;
	v9 =	vadd.f32 v3, v9;
	v7 =	vld [tilespmem:s14+$0x30]  }
0x15d: {  	v10 =	vadd.f32 v17, v10;
	v1 =	vld [tilespmem:s14+$0x40];
	v11 =	vadd.f32 v19, v11  }
0x15e: {  	v3 =	vld [tilespmem:s14+$0x50]  }
0x15f: {  	v17 =	vld [tilespmem:s14+$0xFFFFFF80]  }
0x160: {  	v18 =	vld [tilespmem:s14+$0xFFFFFF90]  }
0x161: {  	v19 =	vld [tilespmem:s14+$0xFFFFFFA0]  }
0x162: {  	s13 =	sadd.s32 $0x2, s13;
	v21 =	vld [tilespmem:s14+$0xFFFFFFB0]  }
0x163: {  	p0 =	slt.u32 s13, $0xF8;
	v14 =	vld [tilespmem:s14+$0xFFFFFFC0]  }
.Ltmp8:
0x164: {  	v15 =	vld [tilespmem:s14+$0xFFFFFFD0];
	(pc) =	sbr.rel @p0 .LBB2_18-.Ltmp8, $4  }
0x165: {  	v16 =	vld [tilespmem:s14+$0xFFFFFFE0]  }
0x166: {  	v12 =	vadd.f32 v17, v12;
	v13 =	vadd.f32 v18, v13;
	v18 =	vld [tilespmem:s14+$0xFFFFFFF0]  }
0x167: {  	v20 =	vadd.f32 v19, v2;
	v21 =	vadd.f32 v21, v4;
	v17 =	vld [tilespmem:s14+$0x60]  }
0x168: {  	v12 =	vadd.f32 v0, v12;
	v13 =	vadd.f32 v6, v13;
	v19 =	vld [tilespmem:s14+$0x70];
	s14 =	sadd.s32 $0x100, s14  }
0x169: {  	s13 =	rddreg [dreg:$0xc]  }
0x16a: {  	[tilespmem:s2], [sflag:$0x1] =	stream.linear.gather [hbm4b:s13+s2], $0x7D00, $0x38;
	[tilespmem:$0xFA80] =	vst v63  }
0x16b: {  	_ =	swait.ge [sflag:s10], $0x7D00  }
0x16c: {  	[sflag:s10] =	ssyncset.done $0x0  }
0x16d: {  	s14 =	simm.s32 $0x7D80;
	[sflag:s10] =	ssyncadd.s32 $0xFFFF8300  }
0x16e: {  	v22 =	vld [tilespmem:s14+$0x0]  }
0x16f: {  	v23 =	vld [tilespmem:s14+$0x10]  }
0x170: {  	v4 =	vld [tilespmem:s14+$0x20]  }
0x171: {  	v6 =	vld [tilespmem:s14+$0x30]  }
0x172: {  	v0 =	vld [tilespmem:s14+$0x40]  }
0x173: {  	v2 =	vld [tilespmem:s14+$0x50]  }
0x174: {  	v24 =	vld [tilespmem:s14+$0xFFFFFF80]  }
0x175: {  	v25 =	vld [tilespmem:s14+$0xFFFFFF90]  }
0x176: {  	v5 =	vadd.f32 v5, v20;
	v7 =	vadd.f32 v7, v21;
	v20 =	vld [tilespmem:s14+$0xFFFFFFA0]  }
0x177: {  	v8 =	vadd.f32 v14, v8;
	v9 =	vadd.f32 v15, v9;
	v21 =	vld [tilespmem:s14+$0xFFFFFFB0]  }
0x178: {  	v10 =	vadd.f32 v16, v10;
	v11 =	vadd.f32 v18, v11;
	v14 =	vld [tilespmem:s14+$0xFFFFFFC0]  }
0x179: {  	v8 =	vadd.f32 v1, v8;
	v9 =	vadd.f32 v3, v9;
	v15 =	vld [tilespmem:s14+$0xFFFFFFD0]  }
0x17a: {  	v10 =	vadd.f32 v17, v10;
	v11 =	vadd.f32 v19, v11;
	v16 =	vld [tilespmem:s14+$0xFFFFFFE0]  }
0x17b: {  	v18 =	vld [tilespmem:s14+$0xFFFFFFF0];
	v1 =	vadd.f32 v24, v12;
	v3 =	vadd.f32 v25, v13  }
0x17c: {  	v17 =	vld [tilespmem:s14+$0x60];
	v20 =	vadd.f32 v20, v5;
	v21 =	vadd.f32 v21, v7  }
0x17d: {  	s13 =	simm.s32 $0x0;
	v19 =	vld [tilespmem:s14+$0x70];
	s14 =	simm.s32 $0x7E80;
	v12 =	vadd.f32 v22, v1;
	v13 =	vadd.f32 v23, v3  }
.LBB2_20:
0x17e: {  	v1 =	vld [tilespmem:s14+$0x0];
	v3 =	vadd.f32 v4, v20;
	v5 =	vadd.f32 v6, v21  }
0x17f: {  	v8 =	vadd.f32 v14, v8;
	v9 =	vadd.f32 v15, v9;
	v7 =	vld [tilespmem:s14+$0x10]  }
0x180: {  	v10 =	vadd.f32 v16, v10;
	v4 =	vld [tilespmem:s14+$0x20];
	v11 =	vadd.f32 v18, v11  }
0x181: {  	v8 =	vadd.f32 v0, v8;
	v9 =	vadd.f32 v2, v9;
	v6 =	vld [tilespmem:s14+$0x30]  }
0x182: {  	v10 =	vadd.f32 v17, v10;
	v0 =	vld [tilespmem:s14+$0x40];
	v11 =	vadd.f32 v19, v11  }
0x183: {  	v2 =	vld [tilespmem:s14+$0x50]  }
0x184: {  	v17 =	vld [tilespmem:s14+$0xFFFFFF80]  }
0x185: {  	v18 =	vld [tilespmem:s14+$0xFFFFFF90]  }
0x186: {  	v19 =	vld [tilespmem:s14+$0xFFFFFFA0]  }
0x187: {  	s13 =	sadd.s32 $0x2, s13;
	v21 =	vld [tilespmem:s14+$0xFFFFFFB0]  }
0x188: {  	p0 =	slt.u32 s13, $0xF8;
	v14 =	vld [tilespmem:s14+$0xFFFFFFC0]  }
.Ltmp9:
0x189: {  	v15 =	vld [tilespmem:s14+$0xFFFFFFD0];
	(pc) =	sbr.rel @p0 .LBB2_20-.Ltmp9, $4  }
0x18a: {  	v16 =	vld [tilespmem:s14+$0xFFFFFFE0]  }
0x18b: {  	v12 =	vadd.f32 v17, v12;
	v13 =	vadd.f32 v18, v13;
	v18 =	vld [tilespmem:s14+$0xFFFFFFF0]  }
0x18c: {  	v20 =	vadd.f32 v19, v3;
	v21 =	vadd.f32 v21, v5;
	v17 =	vld [tilespmem:s14+$0x60]  }
0x18d: {  	v12 =	vadd.f32 v1, v12;
	v13 =	vadd.f32 v7, v13;
	v19 =	vld [tilespmem:s14+$0x70];
	s14 =	sadd.s32 $0x100, s14  }
0x18e: {  	[tilespmem:s8], [sflag:$0x2] =	stream.linear.gather [hbm4b:s26+s2], $0x7D00, $0x38;
	[tilespmem:$0xFA80] =	vst v63  }
0x18f: {  	_ =	swait.ge [sflag:s9], $0x7D00  }
0x190: {  	[sflag:s9] =	ssyncset.done $0x0  }
0x191: {  	s14 =	simm.s32 $0x80;
	[sflag:s9] =	ssyncadd.s32 $0xFFFF8300  }
0x192: {  	v22 =	vld [tilespmem:s14+$0x0]  }
0x193: {  	v23 =	vld [tilespmem:s14+$0x10]  }
0x194: {  	v5 =	vld [tilespmem:s14+$0x20]  }
0x195: {  	v7 =	vld [tilespmem:s14+$0x30]  }
0x196: {  	v1 =	vld [tilespmem:s14+$0x40]  }
0x197: {  	v3 =	vld [tilespmem:s14+$0x50]  }
0x198: {  	v24 =	vld [tilespmem:s14+$0xFFFFFF80]  }
0x199: {  	v25 =	vld [tilespmem:s14+$0xFFFFFF90]  }
0x19a: {  	v4 =	vadd.f32 v4, v20;
	v6 =	vadd.f32 v6, v21;
	v20 =	vld [tilespmem:s14+$0xFFFFFFA0]  }
0x19b: {  	v8 =	vadd.f32 v14, v8;
	v9 =	vadd.f32 v15, v9;
	v21 =	vld [tilespmem:s14+$0xFFFFFFB0]  }
0x19c: {  	v10 =	vadd.f32 v16, v10;
	v11 =	vadd.f32 v18, v11;
	v14 =	vld [tilespmem:s14+$0xFFFFFFC0]  }
0x19d: {  	v8 =	vadd.f32 v0, v8;
	v9 =	vadd.f32 v2, v9;
	v15 =	vld [tilespmem:s14+$0xFFFFFFD0]  }
0x19e: {  	v10 =	vadd.f32 v17, v10;
	v11 =	vadd.f32 v19, v11;
	v16 =	vld [tilespmem:s14+$0xFFFFFFE0]  }
0x19f: {  	v18 =	vld [tilespmem:s14+$0xFFFFFFF0];
	v0 =	vadd.f32 v24, v12;
	v2 =	vadd.f32 v25, v13  }
0x1a0: {  	v17 =	vld [tilespmem:s14+$0x60];
	v20 =	vadd.f32 v20, v4;
	v21 =	vadd.f32 v21, v6  }
0x1a1: {  	s13 =	simm.s32 $0x0;
	v19 =	vld [tilespmem:s14+$0x70];
	s14 =	simm.s32 $0x180;
	v12 =	vadd.f32 v22, v0;
	v13 =	vadd.f32 v23, v2  }
.LBB2_22:
0x1a2: {  	v0 =	vld [tilespmem:s14+$0x0];
	v2 =	vadd.f32 v5, v20;
	v4 =	vadd.f32 v7, v21  }
0x1a3: {  	v8 =	vadd.f32 v14, v8;
	v9 =	vadd.f32 v15, v9;
	v6 =	vld [tilespmem:s14+$0x10]  }
0x1a4: {  	v10 =	vadd.f32 v16, v10;
	v5 =	vld [tilespmem:s14+$0x20];
	v11 =	vadd.f32 v18, v11  }
0x1a5: {  	v8 =	vadd.f32 v1, v8;
	v9 =	vadd.f32 v3, v9;
	v7 =	vld [tilespmem:s14+$0x30]  }
0x1a6: {  	v10 =	vadd.f32 v17, v10;
	v1 =	vld [tilespmem:s14+$0x40];
	v11 =	vadd.f32 v19, v11  }
0x1a7: {  	v3 =	vld [tilespmem:s14+$0x50]  }
0x1a8: {  	v17 =	vld [tilespmem:s14+$0xFFFFFF80]  }
0x1a9: {  	v18 =	vld [tilespmem:s14+$0xFFFFFF90]  }
0x1aa: {  	v19 =	vld [tilespmem:s14+$0xFFFFFFA0]  }
0x1ab: {  	s13 =	sadd.s32 $0x2, s13;
	v21 =	vld [tilespmem:s14+$0xFFFFFFB0]  }
0x1ac: {  	p0 =	slt.u32 s13, $0xF8;
	v14 =	vld [tilespmem:s14+$0xFFFFFFC0]  }
.Ltmp10:
0x1ad: {  	v15 =	vld [tilespmem:s14+$0xFFFFFFD0];
	(pc) =	sbr.rel @p0 .LBB2_22-.Ltmp10, $4  }
0x1ae: {  	v16 =	vld [tilespmem:s14+$0xFFFFFFE0]  }
0x1af: {  	v12 =	vadd.f32 v17, v12;
	v13 =	vadd.f32 v18, v13;
	v18 =	vld [tilespmem:s14+$0xFFFFFFF0]  }
0x1b0: {  	v20 =	vadd.f32 v19, v2;
	v21 =	vadd.f32 v21, v4;
	v17 =	vld [tilespmem:s14+$0x60]  }
0x1b1: {  	v12 =	vadd.f32 v0, v12;
	v13 =	vadd.f32 v6, v13;
	v19 =	vld [tilespmem:s14+$0x70];
	s14 =	sadd.s32 $0x100, s14  }
0x1b2: {  	s13 =	rddreg [dreg:$0xd]  }
0x1b3: {  	[tilespmem:s2], [sflag:$0x1] =	stream.linear.gather [hbm4b:s13+s2], $0x7D00, $0x38;
	[tilespmem:$0xFA80] =	vst v63  }
0x1b4: {  	_ =	swait.ge [sflag:s10], $0x7D00  }
0x1b5: {  	[sflag:s10] =	ssyncset.done $0x0  }
0x1b6: {  	s14 =	simm.s32 $0x7D80;
	[sflag:s10] =	ssyncadd.s32 $0xFFFF8300  }
0x1b7: {  	v22 =	vld [tilespmem:s14+$0x0]  }
0x1b8: {  	v23 =	vld [tilespmem:s14+$0x10]  }
0x1b9: {  	v4 =	vld [tilespmem:s14+$0x20]  }
0x1ba: {  	v6 =	vld [tilespmem:s14+$0x30]  }
0x1bb: {  	v0 =	vld [tilespmem:s14+$0x40]  }
0x1bc: {  	v2 =	vld [tilespmem:s14+$0x50]  }
0x1bd: {  	v24 =	vld [tilespmem:s14+$0xFFFFFF80]  }
0x1be: {  	v25 =	vld [tilespmem:s14+$0xFFFFFF90]  }
0x1bf: {  	v5 =	vadd.f32 v5, v20;
	v7 =	vadd.f32 v7, v21;
	v20 =	vld [tilespmem:s14+$0xFFFFFFA0]  }
0x1c0: {  	v8 =	vadd.f32 v14, v8;
	v9 =	vadd.f32 v15, v9;
	v21 =	vld [tilespmem:s14+$0xFFFFFFB0]  }
0x1c1: {  	v10 =	vadd.f32 v16, v10;
	v11 =	vadd.f32 v18, v11;
	v14 =	vld [tilespmem:s14+$0xFFFFFFC0]  }
0x1c2: {  	v8 =	vadd.f32 v1, v8;
	v9 =	vadd.f32 v3, v9;
	v15 =	vld [tilespmem:s14+$0xFFFFFFD0]  }
0x1c3: {  	v10 =	vadd.f32 v17, v10;
	v11 =	vadd.f32 v19, v11;
	v16 =	vld [tilespmem:s14+$0xFFFFFFE0]  }
0x1c4: {  	v18 =	vld [tilespmem:s14+$0xFFFFFFF0];
	v1 =	vadd.f32 v24, v12;
	v3 =	vadd.f32 v25, v13  }
0x1c5: {  	v17 =	vld [tilespmem:s14+$0x60];
	v20 =	vadd.f32 v20, v5;
	v21 =	vadd.f32 v21, v7  }
0x1c6: {  	s13 =	simm.s32 $0x0;
	v19 =	vld [tilespmem:s14+$0x70];
	s14 =	simm.s32 $0x7E80;
	v12 =	vadd.f32 v22, v1;
	v13 =	vadd.f32 v23, v3  }
.LBB2_24:
0x1c7: {  	v1 =	vld [tilespmem:s14+$0x0];
	v3 =	vadd.f32 v4, v20;
	v5 =	vadd.f32 v6, v21  }
0x1c8: {  	v8 =	vadd.f32 v14, v8;
	v9 =	vadd.f32 v15, v9;
	v7 =	vld [tilespmem:s14+$0x10]  }
0x1c9: {  	v10 =	vadd.f32 v16, v10;
	v4 =	vld [tilespmem:s14+$0x20];
	v11 =	vadd.f32 v18, v11  }
0x1ca: {  	v8 =	vadd.f32 v0, v8;
	v9 =	vadd.f32 v2, v9;
	v6 =	vld [tilespmem:s14+$0x30]  }
0x1cb: {  	v10 =	vadd.f32 v17, v10;
	v0 =	vld [tilespmem:s14+$0x40];
	v11 =	vadd.f32 v19, v11  }
0x1cc: {  	v2 =	vld [tilespmem:s14+$0x50]  }
0x1cd: {  	v17 =	vld [tilespmem:s14+$0xFFFFFF80]  }
0x1ce: {  	v18 =	vld [tilespmem:s14+$0xFFFFFF90]  }
0x1cf: {  	v19 =	vld [tilespmem:s14+$0xFFFFFFA0]  }
0x1d0: {  	s13 =	sadd.s32 $0x2, s13;
	v21 =	vld [tilespmem:s14+$0xFFFFFFB0]  }
0x1d1: {  	p0 =	slt.u32 s13, $0xF8;
	v14 =	vld [tilespmem:s14+$0xFFFFFFC0]  }
.Ltmp11:
0x1d2: {  	v15 =	vld [tilespmem:s14+$0xFFFFFFD0];
	(pc) =	sbr.rel @p0 .LBB2_24-.Ltmp11, $4  }
0x1d3: {  	v16 =	vld [tilespmem:s14+$0xFFFFFFE0]  }
0x1d4: {  	v12 =	vadd.f32 v17, v12;
	v13 =	vadd.f32 v18, v13;
	v18 =	vld [tilespmem:s14+$0xFFFFFFF0]  }
0x1d5: {  	v20 =	vadd.f32 v19, v3;
	v21 =	vadd.f32 v21, v5;
	v17 =	vld [tilespmem:s14+$0x60]  }
0x1d6: {  	v12 =	vadd.f32 v1, v12;
	v13 =	vadd.f32 v7, v13;
	v19 =	vld [tilespmem:s14+$0x70];
	s14 =	sadd.s32 $0x100, s14  }
0x1d7: {  	[tilespmem:s8], [sflag:$0x2] =	stream.linear.gather [hbm4b:s30+s2], $0x7D00, $0x38;
	[tilespmem:$0xFA80] =	vst v63  }
0x1d8: {  	_ =	swait.ge [sflag:s9], $0x7D00  }
0x1d9: {  	[sflag:s9] =	ssyncset.done $0x0  }
0x1da: {  	s14 =	simm.s32 $0x80;
	[sflag:s9] =	ssyncadd.s32 $0xFFFF8300  }
0x1db: {  	v22 =	vld [tilespmem:s14+$0x0]  }
0x1dc: {  	v23 =	vld [tilespmem:s14+$0x10]  }
0x1dd: {  	v5 =	vld [tilespmem:s14+$0x20]  }
0x1de: {  	v7 =	vld [tilespmem:s14+$0x30]  }
0x1df: {  	v1 =	vld [tilespmem:s14+$0x40]  }
0x1e0: {  	v3 =	vld [tilespmem:s14+$0x50]  }
0x1e1: {  	v24 =	vld [tilespmem:s14+$0xFFFFFF80]  }
0x1e2: {  	v25 =	vld [tilespmem:s14+$0xFFFFFF90]  }
0x1e3: {  	v4 =	vadd.f32 v4, v20;
	v6 =	vadd.f32 v6, v21;
	v20 =	vld [tilespmem:s14+$0xFFFFFFA0]  }
0x1e4: {  	v8 =	vadd.f32 v14, v8;
	v9 =	vadd.f32 v15, v9;
	v21 =	vld [tilespmem:s14+$0xFFFFFFB0]  }
0x1e5: {  	v10 =	vadd.f32 v16, v10;
	v11 =	vadd.f32 v18, v11;
	v14 =	vld [tilespmem:s14+$0xFFFFFFC0]  }
0x1e6: {  	v8 =	vadd.f32 v0, v8;
	v9 =	vadd.f32 v2, v9;
	v15 =	vld [tilespmem:s14+$0xFFFFFFD0]  }
0x1e7: {  	v10 =	vadd.f32 v17, v10;
	v11 =	vadd.f32 v19, v11;
	v16 =	vld [tilespmem:s14+$0xFFFFFFE0]  }
0x1e8: {  	v18 =	vld [tilespmem:s14+$0xFFFFFFF0];
	v0 =	vadd.f32 v24, v12;
	v2 =	vadd.f32 v25, v13  }
0x1e9: {  	v17 =	vld [tilespmem:s14+$0x60];
	v20 =	vadd.f32 v20, v4;
	v21 =	vadd.f32 v21, v6  }
0x1ea: {  	s13 =	simm.s32 $0x0;
	v19 =	vld [tilespmem:s14+$0x70];
	s14 =	simm.s32 $0x180;
	v12 =	vadd.f32 v22, v0;
	v13 =	vadd.f32 v23, v2  }
.LBB2_26:
0x1eb: {  	v0 =	vld [tilespmem:s14+$0x0];
	v2 =	vadd.f32 v5, v20;
	v4 =	vadd.f32 v7, v21  }
0x1ec: {  	v8 =	vadd.f32 v14, v8;
	v9 =	vadd.f32 v15, v9;
	v6 =	vld [tilespmem:s14+$0x10]  }
0x1ed: {  	v10 =	vadd.f32 v16, v10;
	v5 =	vld [tilespmem:s14+$0x20];
	v11 =	vadd.f32 v18, v11  }
0x1ee: {  	v8 =	vadd.f32 v1, v8;
	v9 =	vadd.f32 v3, v9;
	v7 =	vld [tilespmem:s14+$0x30]  }
0x1ef: {  	v10 =	vadd.f32 v17, v10;
	v1 =	vld [tilespmem:s14+$0x40];
	v11 =	vadd.f32 v19, v11  }
0x1f0: {  	v3 =	vld [tilespmem:s14+$0x50]  }
0x1f1: {  	v17 =	vld [tilespmem:s14+$0xFFFFFF80]  }
0x1f2: {  	v18 =	vld [tilespmem:s14+$0xFFFFFF90]  }
0x1f3: {  	v19 =	vld [tilespmem:s14+$0xFFFFFFA0]  }
0x1f4: {  	s13 =	sadd.s32 $0x2, s13;
	v21 =	vld [tilespmem:s14+$0xFFFFFFB0]  }
0x1f5: {  	p0 =	slt.u32 s13, $0xF8;
	v14 =	vld [tilespmem:s14+$0xFFFFFFC0]  }
.Ltmp12:
0x1f6: {  	v15 =	vld [tilespmem:s14+$0xFFFFFFD0];
	(pc) =	sbr.rel @p0 .LBB2_26-.Ltmp12, $4  }
0x1f7: {  	v16 =	vld [tilespmem:s14+$0xFFFFFFE0]  }
0x1f8: {  	v12 =	vadd.f32 v17, v12;
	v13 =	vadd.f32 v18, v13;
	v18 =	vld [tilespmem:s14+$0xFFFFFFF0]  }
0x1f9: {  	v20 =	vadd.f32 v19, v2;
	v21 =	vadd.f32 v21, v4;
	v17 =	vld [tilespmem:s14+$0x60]  }
0x1fa: {  	v12 =	vadd.f32 v0, v12;
	v13 =	vadd.f32 v6, v13;
	v19 =	vld [tilespmem:s14+$0x70];
	s14 =	sadd.s32 $0x100, s14  }
0x1fb: {  	s13 =	rddreg [dreg:$0xe]  }
0x1fc: {  	[tilespmem:s2], [sflag:$0x1] =	stream.linear.gather [hbm4b:s13+s2], $0x7D00, $0x38;
	[tilespmem:$0xFA80] =	vst v63  }
0x1fd: {  	_ =	swait.ge [sflag:s10], $0x7D00  }
0x1fe: {  	[sflag:s10] =	ssyncset.done $0x0  }
0x1ff: {  	s14 =	simm.s32 $0x7D80;
	[sflag:s10] =	ssyncadd.s32 $0xFFFF8300  }
0x200: {  	v22 =	vld [tilespmem:s14+$0x0]  }
0x201: {  	v23 =	vld [tilespmem:s14+$0x10]  }
0x202: {  	v4 =	vld [tilespmem:s14+$0x20]  }
0x203: {  	v6 =	vld [tilespmem:s14+$0x30]  }
0x204: {  	v0 =	vld [tilespmem:s14+$0x40]  }
0x205: {  	v2 =	vld [tilespmem:s14+$0x50]  }
0x206: {  	v24 =	vld [tilespmem:s14+$0xFFFFFF80]  }
0x207: {  	v25 =	vld [tilespmem:s14+$0xFFFFFF90]  }
0x208: {  	v5 =	vadd.f32 v5, v20;
	v7 =	vadd.f32 v7, v21;
	v20 =	vld [tilespmem:s14+$0xFFFFFFA0]  }
0x209: {  	v8 =	vadd.f32 v14, v8;
	v9 =	vadd.f32 v15, v9;
	v21 =	vld [tilespmem:s14+$0xFFFFFFB0]  }
0x20a: {  	v10 =	vadd.f32 v16, v10;
	v11 =	vadd.f32 v18, v11;
	v14 =	vld [tilespmem:s14+$0xFFFFFFC0]  }
0x20b: {  	v8 =	vadd.f32 v1, v8;
	v9 =	vadd.f32 v3, v9;
	v15 =	vld [tilespmem:s14+$0xFFFFFFD0]  }
0x20c: {  	v10 =	vadd.f32 v17, v10;
	v11 =	vadd.f32 v19, v11;
	v16 =	vld [tilespmem:s14+$0xFFFFFFE0]  }
0x20d: {  	v18 =	vld [tilespmem:s14+$0xFFFFFFF0];
	v1 =	vadd.f32 v24, v12;
	v3 =	vadd.f32 v25, v13  }
0x20e: {  	v17 =	vld [tilespmem:s14+$0x60];
	v20 =	vadd.f32 v20, v5;
	v21 =	vadd.f32 v21, v7  }
0x20f: {  	s13 =	simm.s32 $0x0;
	v19 =	vld [tilespmem:s14+$0x70];
	s14 =	simm.s32 $0x7E80;
	v12 =	vadd.f32 v22, v1;
	v13 =	vadd.f32 v23, v3  }
.LBB2_28:
0x210: {  	v1 =	vld [tilespmem:s14+$0x0];
	v3 =	vadd.f32 v4, v20;
	v5 =	vadd.f32 v6, v21  }
0x211: {  	v8 =	vadd.f32 v14, v8;
	v9 =	vadd.f32 v15, v9;
	v7 =	vld [tilespmem:s14+$0x10]  }
0x212: {  	v10 =	vadd.f32 v16, v10;
	v4 =	vld [tilespmem:s14+$0x20];
	v11 =	vadd.f32 v18, v11  }
0x213: {  	v8 =	vadd.f32 v0, v8;
	v9 =	vadd.f32 v2, v9;
	v6 =	vld [tilespmem:s14+$0x30]  }
0x214: {  	v10 =	vadd.f32 v17, v10;
	v0 =	vld [tilespmem:s14+$0x40];
	v11 =	vadd.f32 v19, v11  }
0x215: {  	v2 =	vld [tilespmem:s14+$0x50]  }
0x216: {  	v17 =	vld [tilespmem:s14+$0xFFFFFF80]  }
0x217: {  	v18 =	vld [tilespmem:s14+$0xFFFFFF90]  }
0x218: {  	v19 =	vld [tilespmem:s14+$0xFFFFFFA0]  }
0x219: {  	s13 =	sadd.s32 $0x2, s13;
	v21 =	vld [tilespmem:s14+$0xFFFFFFB0]  }
0x21a: {  	p0 =	slt.u32 s13, $0xF8;
	v14 =	vld [tilespmem:s14+$0xFFFFFFC0]  }
.Ltmp13:
0x21b: {  	v15 =	vld [tilespmem:s14+$0xFFFFFFD0];
	(pc) =	sbr.rel @p0 .LBB2_28-.Ltmp13, $4  }
0x21c: {  	v16 =	vld [tilespmem:s14+$0xFFFFFFE0]  }
0x21d: {  	v12 =	vadd.f32 v17, v12;
	v13 =	vadd.f32 v18, v13;
	v18 =	vld [tilespmem:s14+$0xFFFFFFF0]  }
0x21e: {  	v20 =	vadd.f32 v19, v3;
	v21 =	vadd.f32 v21, v5;
	v17 =	vld [tilespmem:s14+$0x60]  }
0x21f: {  	v12 =	vadd.f32 v1, v12;
	v13 =	vadd.f32 v7, v13;
	v19 =	vld [tilespmem:s14+$0x70];
	s14 =	sadd.s32 $0x100, s14  }
0x220: {  	[tilespmem:s8], [sflag:$0x2] =	stream.linear.gather [hbm4b:s0+s2], $0x7D00, $0x38;
	[tilespmem:$0xFA80] =	vst v63  }
0x221: {  	_ =	swait.ge [sflag:s9], $0x7D00  }
0x222: {  	[sflag:s9] =	ssyncset.done $0x0  }
0x223: {  	s14 =	simm.s32 $0x80;
	[sflag:s9] =	ssyncadd.s32 $0xFFFF8300  }
0x224: {  	v22 =	vld [tilespmem:s14+$0x0]  }
0x225: {  	v23 =	vld [tilespmem:s14+$0x10]  }
0x226: {  	v5 =	vld [tilespmem:s14+$0x20]  }
0x227: {  	v7 =	vld [tilespmem:s14+$0x30]  }
0x228: {  	v1 =	vld [tilespmem:s14+$0x40]  }
0x229: {  	v3 =	vld [tilespmem:s14+$0x50]  }
0x22a: {  	v24 =	vld [tilespmem:s14+$0xFFFFFF80]  }
0x22b: {  	v25 =	vld [tilespmem:s14+$0xFFFFFF90]  }
0x22c: {  	v4 =	vadd.f32 v4, v20;
	v21 =	vadd.f32 v6, v21;
	v20 =	vld [tilespmem:s14+$0xFFFFFFA0]  }
0x22d: {  	v6 =	vadd.f32 v14, v8;
	v8 =	vadd.f32 v15, v9;
	v26 =	vld [tilespmem:s14+$0xFFFFFFB0]  }
0x22e: {  	v9 =	vadd.f32 v16, v10;
	v10 =	vadd.f32 v18, v11;
	v14 =	vld [tilespmem:s14+$0xFFFFFFC0]  }
0x22f: {  	v6 =	vadd.f32 v0, v6;
	v8 =	vadd.f32 v2, v8;
	v15 =	vld [tilespmem:s14+$0xFFFFFFD0]  }
0x230: {  	v9 =	vadd.f32 v17, v9;
	v10 =	vadd.f32 v19, v10;
	v16 =	vld [tilespmem:s14+$0xFFFFFFE0]  }
0x231: {  	v18 =	vld [tilespmem:s14+$0xFFFFFFF0];
	v0 =	vadd.f32 v24, v12;
	v2 =	vadd.f32 v25, v13  }
0x232: {  	v17 =	vld [tilespmem:s14+$0x60];
	v20 =	vadd.f32 v20, v4;
	v21 =	vadd.f32 v26, v21  }
0x233: {  	s13 =	simm.s32 $0x0;
	v19 =	vld [tilespmem:s14+$0x70];
	s14 =	simm.s32 $0x180;
	v12 =	vadd.f32 v22, v0;
	v13 =	vadd.f32 v23, v2  }
.LBB2_30:
0x234: {  	v0 =	vld [tilespmem:s14+$0x0];
	v2 =	vadd.f32 v5, v20;
	v4 =	vadd.f32 v7, v21  }
0x235: {  	v6 =	vadd.f32 v14, v6;
	v8 =	vadd.f32 v15, v8;
	v11 =	vld [tilespmem:s14+$0x10]  }
0x236: {  	v9 =	vadd.f32 v16, v9;
	v5 =	vld [tilespmem:s14+$0x20];
	v10 =	vadd.f32 v18, v10  }
0x237: {  	v6 =	vadd.f32 v1, v6;
	v8 =	vadd.f32 v3, v8;
	v7 =	vld [tilespmem:s14+$0x30]  }
0x238: {  	v9 =	vadd.f32 v17, v9;
	v1 =	vld [tilespmem:s14+$0x40];
	v10 =	vadd.f32 v19, v10  }
0x239: {  	v3 =	vld [tilespmem:s14+$0x50]  }
0x23a: {  	v17 =	vld [tilespmem:s14+$0xFFFFFF80]  }
0x23b: {  	v18 =	vld [tilespmem:s14+$0xFFFFFF90]  }
0x23c: {  	v19 =	vld [tilespmem:s14+$0xFFFFFFA0]  }
0x23d: {  	s13 =	sadd.s32 $0x2, s13;
	v21 =	vld [tilespmem:s14+$0xFFFFFFB0]  }
0x23e: {  	p0 =	slt.u32 s13, $0xF8;
	v14 =	vld [tilespmem:s14+$0xFFFFFFC0]  }
.Ltmp14:
0x23f: {  	v15 =	vld [tilespmem:s14+$0xFFFFFFD0];
	(pc) =	sbr.rel @p0 .LBB2_30-.Ltmp14, $4  }
0x240: {  	v16 =	vld [tilespmem:s14+$0xFFFFFFE0]  }
0x241: {  	v12 =	vadd.f32 v17, v12;
	v13 =	vadd.f32 v18, v13;
	v18 =	vld [tilespmem:s14+$0xFFFFFFF0]  }
0x242: {  	v20 =	vadd.f32 v19, v2;
	v21 =	vadd.f32 v21, v4;
	v17 =	vld [tilespmem:s14+$0x60]  }
0x243: {  	v12 =	vadd.f32 v0, v12;
	v13 =	vadd.f32 v11, v13;
	v19 =	vld [tilespmem:s14+$0x70];
	s14 =	sadd.s32 $0x100, s14  }
0x244: {  	_ =	swait.ge [sflag:s10], $0x7D00  }
0x245: {  	[sflag:s10] =	ssyncset.done $0x0  }
0x246: {  	s14 =	simm.s32 $0x7D80;
	[sflag:s10] =	ssyncadd.s32 $0xFFFF8300  }
0x247: {  	v22 =	vld [tilespmem:s14+$0x0]  }
0x248: {  	v23 =	vld [tilespmem:s14+$0x10]  }
0x249: {  	v4 =	vld [tilespmem:s14+$0x20]  }
0x24a: {  	v11 =	vld [tilespmem:s14+$0x30]  }
0x24b: {  	v0 =	vld [tilespmem:s14+$0x40]  }
0x24c: {  	v2 =	vld [tilespmem:s14+$0x50]  }
0x24d: {  	v24 =	vld [tilespmem:s14+$0xFFFFFF80]  }
0x24e: {  	v25 =	vld [tilespmem:s14+$0xFFFFFF90]  }
0x24f: {  	v20 =	vadd.f32 v5, v20;
	v7 =	vadd.f32 v7, v21;
	v63 =	vld [tilespmem:s14+$0xFFFFFFA0]  }
0x250: {  	v5 =	vadd.f32 v14, v6;
	v8 =	vadd.f32 v15, v8;
	v15 =	vld [tilespmem:s14+$0xFFFFFFB0]  }
0x251: {  	v14 =	vadd.f32 v16, v9;
	v16 =	vadd.f32 v18, v10;
	v9 =	vld [tilespmem:s14+$0xFFFFFFC0]  }
0x252: {  	v6 =	vadd.f32 v1, v5;
	v3 =	vadd.f32 v3, v8;
	v10 =	vld [tilespmem:s14+$0xFFFFFFD0]  }
0x253: {  	v5 =	vadd.f32 v17, v14;
	v14 =	vld [tilespmem:s14+$0xFFFFFFE0];
	v1 =	vadd.f32 v19, v16  }
0x254: {  	v8 =	vadd.f32 v24, v12;
	v18 =	vadd.f32 v25, v13;
	v13 =	vld [tilespmem:s14+$0xFFFFFFF0]  }
0x255: {  	v17 =	vadd.f32 v63, v20;
	v16 =	vadd.f32 v15, v7;
	v12 =	vld [tilespmem:s14+$0x60]  }
0x256: {  	s13 =	simm.s32 $0x0;
	v15 =	vld [tilespmem:s14+$0x70];
	s14 =	simm.s32 $0x7E80;
	v8 =	vadd.f32 v22, v8;
	v7 =	vadd.f32 v23, v18  }
.LBB2_32:
0x257: {  	v18 =	vld [tilespmem:s14+$0x0];
	v17 =	vadd.f32 v4, v17;
	v16 =	vadd.f32 v11, v16  }
0x258: {  	v6 =	vadd.f32 v9, v6;
	v3 =	vadd.f32 v10, v3;
	v19 =	vld [tilespmem:s14+$0x10]  }
0x259: {  	v5 =	vadd.f32 v14, v5;
	v4 =	vld [tilespmem:s14+$0x20];
	v1 =	vadd.f32 v13, v1  }
0x25a: {  	v6 =	vadd.f32 v0, v6;
	v3 =	vadd.f32 v2, v3;
	v11 =	vld [tilespmem:s14+$0x30]  }
0x25b: {  	v5 =	vadd.f32 v12, v5;
	v0 =	vld [tilespmem:s14+$0x40];
	v1 =	vadd.f32 v15, v1  }
0x25c: {  	v2 =	vld [tilespmem:s14+$0x50]  }
0x25d: {  	v12 =	vld [tilespmem:s14+$0xFFFFFF80]  }
0x25e: {  	v13 =	vld [tilespmem:s14+$0xFFFFFF90]  }
0x25f: {  	v15 =	vld [tilespmem:s14+$0xFFFFFFA0]  }
0x260: {  	s13 =	sadd.s32 $0x2, s13;
	v20 =	vld [tilespmem:s14+$0xFFFFFFB0]  }
0x261: {  	p0 =	slt.u32 s13, $0xF8;
	v9 =	vld [tilespmem:s14+$0xFFFFFFC0]  }
.Ltmp15:
0x262: {  	v10 =	vld [tilespmem:s14+$0xFFFFFFD0];
	(pc) =	sbr.rel @p0 .LBB2_32-.Ltmp15, $4  }
0x263: {  	v14 =	vld [tilespmem:s14+$0xFFFFFFE0]  }
0x264: {  	v8 =	vadd.f32 v12, v8;
	v7 =	vadd.f32 v13, v7;
	v13 =	vld [tilespmem:s14+$0xFFFFFFF0]  }
0x265: {  	v17 =	vadd.f32 v15, v17;
	v16 =	vadd.f32 v20, v16;
	v12 =	vld [tilespmem:s14+$0x60]  }
0x266: {  	v8 =	vadd.f32 v18, v8;
	v7 =	vadd.f32 v19, v7;
	v15 =	vld [tilespmem:s14+$0x70];
	s14 =	sadd.s32 $0x100, s14  }
0x267: {  	_ = 	snop  }
0x268: {  	v4 =	vadd.f32 v4, v17;
	v6 =	vadd.f32 v9, v6;
	[tilespmem:$0xFA00] =	vst v8  }
0x269: {  	v3 =	vadd.f32 v10, v3;
	v8 =	vadd.f32 v11, v16;
	[tilespmem:$0xFA10] =	vst v7  }
0x26a: {  	v5 =	vadd.f32 v14, v5;
	v0 =	vadd.f32 v0, v6;
	[tilespmem:$0xFA20] =	vst v4  }
0x26b: {  	v1 =	vadd.f32 v13, v1;
	v2 =	vadd.f32 v2, v3;
	[tilespmem:$0xFA30] =	vst v8  }
0x26c: {  	v3 =	vadd.f32 v12, v5;
	[tilespmem:$0xFA40] =	vst v0  }
0x26d: {  	v0 =	vadd.f32 v15, v1;
	[tilespmem:$0xFA50] =	vst v2  }
0x26e: {  	[tilespmem:$0xFA60] =	vst v3  }
0x26f: {  	s13 =	simm.s32 $0xFA00;
	[tilespmem:$0xFA70] =	vst v0  }
0x270: {  	[hbm4b:s5+s2] =	stream.linear.scatter [tilespmem:s13], [sflag:$0x3], $0x80, $0x38;
	[tilespmem:$0xFA80] =	vst v63  }
0x271: {  	_ =	swait.ge [sflag:s11], $0x80  }
0x272: {  	[sflag:s11] =	ssyncset.done $0x0  }
0x273: {  	[sflag:s11] =	ssyncadd.s32 $0xFFFFFF80  }
0x274: {  	[tilespmem:s2], [sflag:$0x1] =	stream.linear.gather [hbm4b:s15+s2], $0x7D00, $0x38;
	[tilespmem:$0xFA80] =	vst v63  }
0x275: {  	_ = 	snop  }
0x276: {  	[tilespmem:s8], [sflag:$0x2] =	stream.linear.gather [hbm4b:s16+s2], $0x7D00, $0x38;
	[tilespmem:$0xFA80] =	vst v63  }
0x277: {  	_ =	swait.ge [sflag:s9], $0x7D00  }
0x278: {  	[sflag:s9] =	ssyncset.done $0x0  }
0x279: {  	s14 =	simm.s32 $0x80;
	[sflag:s9] =	ssyncadd.s32 $0xFFFF8300  }
0x27a: {  	v0 =	vld [tilespmem:s14+$0x0]  }
0x27b: {  	v2 =	vld [tilespmem:s14+$0x10]  }
0x27c: {  	v5 =	vld [tilespmem:s14+$0x20]  }
0x27d: {  	v7 =	vld [tilespmem:s14+$0x30]  }
0x27e: {  	v1 =	vld [tilespmem:s14+$0x40]  }
0x27f: {  	v4 =	vld [tilespmem:s14+$0xFFFFFF80]  }
0x280: {  	v6 =	vld [tilespmem:s14+$0xFFFFFF90]  }
0x281: {  	v8 =	vld [tilespmem:s14+$0xFFFFFFA0]  }
0x282: {  	v9 =	vld [tilespmem:s14+$0xFFFFFFB0]  }
0x283: {  	v3 =	vld [tilespmem:s14+$0x50]  }
0x284: {  	v14 =	vld [tilespmem:s14+$0xFFFFFFC0]  }
0x285: {  	v16 =	vld [tilespmem:s14+$0xFFFFFFD0]  }
0x286: {  	v10 =	vimm.f32 $0.0e+00;
	v15 =	vld [tilespmem:s14+$0xFFFFFFE0]  }
0x287: {  	v11 =	vimm.f32 $0.0e+00;
	v18 =	vld [tilespmem:s14+$0xFFFFFFF0];
	v4 =	vadd.f32 v4, v10;
	v6 =	vadd.f32 v6, v10  }
0x288: {  	v13 =	vimm.f32 $0.0e+00;
	v17 =	vld [tilespmem:s14+$0x60];
	v20 =	vadd.f32 v8, v10;
	v21 =	vadd.f32 v9, v10  }
0x289: {  	v12 =	vimm.f32 $0.0e+00;
	s13 =	simm.s32 $0x0;
	v19 =	vld [tilespmem:s14+$0x70];
	s14 =	simm.s32 $0x180;
	v8 =	vadd.f32 v0, v4;
	v9 =	vadd.f32 v2, v6  }
.LBB2_34:
0x28a: {  	v0 =	vld [tilespmem:s14+$0x0];
	v2 =	vadd.f32 v5, v20;
	v4 =	vadd.f32 v7, v21  }
0x28b: {  	v10 =	vadd.f32 v14, v10;
	v13 =	vadd.f32 v16, v13;
	v6 =	vld [tilespmem:s14+$0x10]  }
0x28c: {  	v11 =	vadd.f32 v15, v11;
	v5 =	vld [tilespmem:s14+$0x20];
	v12 =	vadd.f32 v18, v12  }
0x28d: {  	v10 =	vadd.f32 v1, v10;
	v13 =	vadd.f32 v3, v13;
	v7 =	vld [tilespmem:s14+$0x30]  }
0x28e: {  	v11 =	vadd.f32 v17, v11;
	v1 =	vld [tilespmem:s14+$0x40];
	v12 =	vadd.f32 v19, v12  }
0x28f: {  	v3 =	vld [tilespmem:s14+$0x50]  }
0x290: {  	v17 =	vld [tilespmem:s14+$0xFFFFFF80]  }
0x291: {  	v18 =	vld [tilespmem:s14+$0xFFFFFF90]  }
0x292: {  	v19 =	vld [tilespmem:s14+$0xFFFFFFA0]  }
0x293: {  	s13 =	sadd.s32 $0x2, s13;
	v21 =	vld [tilespmem:s14+$0xFFFFFFB0]  }
0x294: {  	p0 =	slt.u32 s13, $0xF8;
	v14 =	vld [tilespmem:s14+$0xFFFFFFC0]  }
.Ltmp16:
0x295: {  	v16 =	vld [tilespmem:s14+$0xFFFFFFD0];
	(pc) =	sbr.rel @p0 .LBB2_34-.Ltmp16, $4  }
0x296: {  	v15 =	vld [tilespmem:s14+$0xFFFFFFE0]  }
0x297: {  	v8 =	vadd.f32 v17, v8;
	v9 =	vadd.f32 v18, v9;
	v18 =	vld [tilespmem:s14+$0xFFFFFFF0]  }
0x298: {  	v20 =	vadd.f32 v19, v2;
	v21 =	vadd.f32 v21, v4;
	v17 =	vld [tilespmem:s14+$0x60]  }
0x299: {  	v8 =	vadd.f32 v0, v8;
	v9 =	vadd.f32 v6, v9;
	v19 =	vld [tilespmem:s14+$0x70];
	s14 =	sadd.s32 $0x100, s14  }
0x29a: {  	[tilespmem:s2], [sflag:$0x1] =	stream.linear.gather [hbm4b:s17+s2], $0x7D00, $0x38;
	[tilespmem:$0xFA80] =	vst v63  }
0x29b: {  	_ =	swait.ge [sflag:s10], $0x7D00  }
0x29c: {  	[sflag:s10] =	ssyncset.done $0x0  }
0x29d: {  	s14 =	simm.s32 $0x7D80;
	[sflag:s10] =	ssyncadd.s32 $0xFFFF8300  }
0x29e: {  	v22 =	vld [tilespmem:s14+$0x0]  }
0x29f: {  	v23 =	vld [tilespmem:s14+$0x10]  }
0x2a0: {  	v4 =	vld [tilespmem:s14+$0x20]  }
0x2a1: {  	v6 =	vld [tilespmem:s14+$0x30]  }
0x2a2: {  	v0 =	vld [tilespmem:s14+$0x40]  }
0x2a3: {  	v2 =	vld [tilespmem:s14+$0x50]  }
0x2a4: {  	v24 =	vld [tilespmem:s14+$0xFFFFFF80]  }
0x2a5: {  	v25 =	vld [tilespmem:s14+$0xFFFFFF90]  }
0x2a6: {  	v5 =	vadd.f32 v5, v20;
	v7 =	vadd.f32 v7, v21;
	v20 =	vld [tilespmem:s14+$0xFFFFFFA0]  }
0x2a7: {  	v10 =	vadd.f32 v14, v10;
	v13 =	vadd.f32 v16, v13;
	v14 =	vld [tilespmem:s14+$0xFFFFFFB0]  }
0x2a8: {  	v15 =	vadd.f32 v15, v11;
	v21 =	vadd.f32 v18, v12;
	v16 =	vld [tilespmem:s14+$0xFFFFFFC0]  }
0x2a9: {  	v10 =	vadd.f32 v1, v10;
	v11 =	vadd.f32 v3, v13;
	v18 =	vld [tilespmem:s14+$0xFFFFFFD0]  }
0x2aa: {  	v12 =	vadd.f32 v17, v15;
	v13 =	vadd.f32 v19, v21;
	v17 =	vld [tilespmem:s14+$0xFFFFFFE0]  }
0x2ab: {  	v1 =	vadd.f32 v24, v8;
	v3 =	vadd.f32 v25, v9;
	v8 =	vld [tilespmem:s14+$0xFFFFFFF0]  }
0x2ac: {  	v19 =	vld [tilespmem:s14+$0x60];
	v9 =	vadd.f32 v20, v5;
	v21 =	vadd.f32 v14, v7  }
0x2ad: {  	s13 =	simm.s32 $0x0;
	v20 =	vld [tilespmem:s14+$0x70];
	s14 =	simm.s32 $0x7E80;
	v14 =	vadd.f32 v22, v1;
	v15 =	vadd.f32 v23, v3  }
.LBB2_36:
0x2ae: {  	v1 =	vld [tilespmem:s14+$0x0];
	v3 =	vadd.f32 v4, v9;
	v5 =	vadd.f32 v6, v21  }
0x2af: {  	v9 =	vadd.f32 v16, v10;
	v11 =	vadd.f32 v18, v11;
	v7 =	vld [tilespmem:s14+$0x10]  }
0x2b0: {  	v12 =	vadd.f32 v17, v12;
	v4 =	vld [tilespmem:s14+$0x20];
	v8 =	vadd.f32 v8, v13  }
0x2b1: {  	v10 =	vadd.f32 v0, v9;
	v11 =	vadd.f32 v2, v11;
	v6 =	vld [tilespmem:s14+$0x30]  }
0x2b2: {  	v12 =	vadd.f32 v19, v12;
	v0 =	vld [tilespmem:s14+$0x40];
	v13 =	vadd.f32 v20, v8  }
0x2b3: {  	v2 =	vld [tilespmem:s14+$0x50]  }
0x2b4: {  	v8 =	vld [tilespmem:s14+$0xFFFFFF80]  }
0x2b5: {  	v9 =	vld [tilespmem:s14+$0xFFFFFF90]  }
0x2b6: {  	v19 =	vld [tilespmem:s14+$0xFFFFFFA0]  }
0x2b7: {  	s13 =	sadd.s32 $0x2, s13;
	v20 =	vld [tilespmem:s14+$0xFFFFFFB0]  }
0x2b8: {  	p0 =	slt.u32 s13, $0xF8;
	v16 =	vld [tilespmem:s14+$0xFFFFFFC0]  }
.Ltmp17:
0x2b9: {  	v18 =	vld [tilespmem:s14+$0xFFFFFFD0];
	(pc) =	sbr.rel @p0 .LBB2_36-.Ltmp17, $4  }
0x2ba: {  	v17 =	vld [tilespmem:s14+$0xFFFFFFE0]  }
0x2bb: {  	v14 =	vadd.f32 v8, v14;
	v15 =	vadd.f32 v9, v15;
	v8 =	vld [tilespmem:s14+$0xFFFFFFF0]  }
0x2bc: {  	v9 =	vadd.f32 v19, v3;
	v21 =	vadd.f32 v20, v5;
	v19 =	vld [tilespmem:s14+$0x60]  }
0x2bd: {  	v14 =	vadd.f32 v1, v14;
	v15 =	vadd.f32 v7, v15;
	v20 =	vld [tilespmem:s14+$0x70];
	s14 =	sadd.s32 $0x100, s14  }
0x2be: {  	[tilespmem:s8], [sflag:$0x2] =	stream.linear.gather [hbm4b:s18+s2], $0x7D00, $0x38;
	[tilespmem:$0xFA80] =	vst v63  }
0x2bf: {  	_ =	swait.ge [sflag:s9], $0x7D00  }
0x2c0: {  	[sflag:s9] =	ssyncset.done $0x0  }
0x2c1: {  	s14 =	simm.s32 $0x80;
	[sflag:s9] =	ssyncadd.s32 $0xFFFF8300  }
0x2c2: {  	v22 =	vld [tilespmem:s14+$0x0]  }
0x2c3: {  	v23 =	vld [tilespmem:s14+$0x10]  }
0x2c4: {  	v5 =	vld [tilespmem:s14+$0x20]  }
0x2c5: {  	v7 =	vld [tilespmem:s14+$0x30]  }
0x2c6: {  	v1 =	vld [tilespmem:s14+$0x40]  }
0x2c7: {  	v3 =	vld [tilespmem:s14+$0x50]  }
0x2c8: {  	v24 =	vld [tilespmem:s14+$0xFFFFFF80]  }
0x2c9: {  	v25 =	vld [tilespmem:s14+$0xFFFFFF90]  }
0x2ca: {  	v4 =	vadd.f32 v4, v9;
	v6 =	vadd.f32 v6, v21;
	v21 =	vld [tilespmem:s14+$0xFFFFFFA0]  }
0x2cb: {  	v9 =	vadd.f32 v16, v10;
	v10 =	vadd.f32 v18, v11;
	v26 =	vld [tilespmem:s14+$0xFFFFFFB0]  }
0x2cc: {  	v11 =	vadd.f32 v17, v12;
	v12 =	vadd.f32 v8, v13;
	v16 =	vld [tilespmem:s14+$0xFFFFFFC0]  }
0x2cd: {  	v8 =	vadd.f32 v0, v9;
	v9 =	vadd.f32 v2, v10;
	v17 =	vld [tilespmem:s14+$0xFFFFFFD0]  }
0x2ce: {  	v10 =	vadd.f32 v19, v11;
	v11 =	vadd.f32 v20, v12;
	v18 =	vld [tilespmem:s14+$0xFFFFFFE0]  }
0x2cf: {  	v0 =	vadd.f32 v24, v14;
	v2 =	vadd.f32 v25, v15;
	v14 =	vld [tilespmem:s14+$0xFFFFFFF0]  }
0x2d0: {  	v19 =	vld [tilespmem:s14+$0x60];
	v15 =	vadd.f32 v21, v4;
	v21 =	vadd.f32 v26, v6  }
0x2d1: {  	s13 =	simm.s32 $0x0;
	v20 =	vld [tilespmem:s14+$0x70];
	s14 =	simm.s32 $0x180;
	v12 =	vadd.f32 v22, v0;
	v13 =	vadd.f32 v23, v2  }
.LBB2_38:
0x2d2: {  	v0 =	vld [tilespmem:s14+$0x0];
	v2 =	vadd.f32 v5, v15;
	v4 =	vadd.f32 v7, v21  }
0x2d3: {  	v8 =	vadd.f32 v16, v8;
	v9 =	vadd.f32 v17, v9;
	v6 =	vld [tilespmem:s14+$0x10]  }
0x2d4: {  	v10 =	vadd.f32 v18, v10;
	v5 =	vld [tilespmem:s14+$0x20];
	v11 =	vadd.f32 v14, v11  }
0x2d5: {  	v8 =	vadd.f32 v1, v8;
	v9 =	vadd.f32 v3, v9;
	v7 =	vld [tilespmem:s14+$0x30]  }
0x2d6: {  	v10 =	vadd.f32 v19, v10;
	v1 =	vld [tilespmem:s14+$0x40];
	v11 =	vadd.f32 v20, v11  }
0x2d7: {  	v3 =	vld [tilespmem:s14+$0x50]  }
0x2d8: {  	v14 =	vld [tilespmem:s14+$0xFFFFFF80]  }
0x2d9: {  	v15 =	vld [tilespmem:s14+$0xFFFFFF90]  }
0x2da: {  	v19 =	vld [tilespmem:s14+$0xFFFFFFA0]  }
0x2db: {  	s13 =	sadd.s32 $0x2, s13;
	v20 =	vld [tilespmem:s14+$0xFFFFFFB0]  }
0x2dc: {  	p0 =	slt.u32 s13, $0xF8;
	v16 =	vld [tilespmem:s14+$0xFFFFFFC0]  }
.Ltmp18:
0x2dd: {  	v17 =	vld [tilespmem:s14+$0xFFFFFFD0];
	(pc) =	sbr.rel @p0 .LBB2_38-.Ltmp18, $4  }
0x2de: {  	v18 =	vld [tilespmem:s14+$0xFFFFFFE0]  }
0x2df: {  	v12 =	vadd.f32 v14, v12;
	v13 =	vadd.f32 v15, v13;
	v14 =	vld [tilespmem:s14+$0xFFFFFFF0]  }
0x2e0: {  	v15 =	vadd.f32 v19, v2;
	v21 =	vadd.f32 v20, v4;
	v19 =	vld [tilespmem:s14+$0x60]  }
0x2e1: {  	v12 =	vadd.f32 v0, v12;
	v13 =	vadd.f32 v6, v13;
	v20 =	vld [tilespmem:s14+$0x70];
	s14 =	sadd.s32 $0x100, s14  }
0x2e2: {  	[tilespmem:s2], [sflag:$0x1] =	stream.linear.gather [hbm4b:s19+s2], $0x7D00, $0x38;
	[tilespmem:$0xFA80] =	vst v63  }
0x2e3: {  	_ =	swait.ge [sflag:s10], $0x7D00  }
0x2e4: {  	[sflag:s10] =	ssyncset.done $0x0  }
0x2e5: {  	s14 =	simm.s32 $0x7D80;
	[sflag:s10] =	ssyncadd.s32 $0xFFFF8300  }
0x2e6: {  	v22 =	vld [tilespmem:s14+$0x0]  }
0x2e7: {  	v23 =	vld [tilespmem:s14+$0x10]  }
0x2e8: {  	v4 =	vld [tilespmem:s14+$0x20]  }
0x2e9: {  	v6 =	vld [tilespmem:s14+$0x30]  }
0x2ea: {  	v0 =	vld [tilespmem:s14+$0x40]  }
0x2eb: {  	v2 =	vld [tilespmem:s14+$0x50]  }
0x2ec: {  	v24 =	vld [tilespmem:s14+$0xFFFFFF80]  }
0x2ed: {  	v25 =	vld [tilespmem:s14+$0xFFFFFF90]  }
0x2ee: {  	v5 =	vadd.f32 v5, v15;
	v7 =	vadd.f32 v7, v21;
	v21 =	vld [tilespmem:s14+$0xFFFFFFA0]  }
0x2ef: {  	v8 =	vadd.f32 v16, v8;
	v9 =	vadd.f32 v17, v9;
	v17 =	vld [tilespmem:s14+$0xFFFFFFB0]  }
0x2f0: {  	v10 =	vadd.f32 v18, v10;
	v11 =	vadd.f32 v14, v11;
	v14 =	vld [tilespmem:s14+$0xFFFFFFC0]  }
0x2f1: {  	v8 =	vadd.f32 v1, v8;
	v9 =	vadd.f32 v3, v9;
	v15 =	vld [tilespmem:s14+$0xFFFFFFD0]  }
0x2f2: {  	v10 =	vadd.f32 v19, v10;
	v11 =	vadd.f32 v20, v11;
	v16 =	vld [tilespmem:s14+$0xFFFFFFE0]  }
0x2f3: {  	v18 =	vld [tilespmem:s14+$0xFFFFFFF0];
	v1 =	vadd.f32 v24, v12;
	v3 =	vadd.f32 v25, v13  }
0x2f4: {  	v19 =	vld [tilespmem:s14+$0x70];
	v20 =	vadd.f32 v21, v5;
	v21 =	vadd.f32 v17, v7  }
0x2f5: {  	s13 =	simm.s32 $0x0;
	v17 =	vld [tilespmem:s14+$0x60];
	s14 =	simm.s32 $0x7E80;
	v12 =	vadd.f32 v22, v1;
	v13 =	vadd.f32 v23, v3  }
.LBB2_40:
0x2f6: {  	v1 =	vld [tilespmem:s14+$0x0];
	v3 =	vadd.f32 v4, v20;
	v5 =	vadd.f32 v6, v21  }
0x2f7: {  	v8 =	vadd.f32 v14, v8;
	v9 =	vadd.f32 v15, v9;
	v7 =	vld [tilespmem:s14+$0x10]  }
0x2f8: {  	v10 =	vadd.f32 v16, v10;
	v4 =	vld [tilespmem:s14+$0x20];
	v11 =	vadd.f32 v18, v11  }
0x2f9: {  	v8 =	vadd.f32 v0, v8;
	v9 =	vadd.f32 v2, v9;
	v6 =	vld [tilespmem:s14+$0x30]  }
0x2fa: {  	v10 =	vadd.f32 v17, v10;
	v0 =	vld [tilespmem:s14+$0x40];
	v11 =	vadd.f32 v19, v11  }
0x2fb: {  	v2 =	vld [tilespmem:s14+$0x50]  }
0x2fc: {  	v17 =	vld [tilespmem:s14+$0xFFFFFF80]  }
0x2fd: {  	v18 =	vld [tilespmem:s14+$0xFFFFFF90]  }
0x2fe: {  	v19 =	vld [tilespmem:s14+$0xFFFFFFA0]  }
0x2ff: {  	s13 =	sadd.s32 $0x2, s13;
	v21 =	vld [tilespmem:s14+$0xFFFFFFB0]  }
0x300: {  	p0 =	slt.u32 s13, $0xF8;
	v14 =	vld [tilespmem:s14+$0xFFFFFFC0]  }
.Ltmp19:
0x301: {  	v15 =	vld [tilespmem:s14+$0xFFFFFFD0];
	(pc) =	sbr.rel @p0 .LBB2_40-.Ltmp19, $4  }
0x302: {  	v16 =	vld [tilespmem:s14+$0xFFFFFFE0]  }
0x303: {  	v12 =	vadd.f32 v17, v12;
	v13 =	vadd.f32 v18, v13;
	v18 =	vld [tilespmem:s14+$0xFFFFFFF0]  }
0x304: {  	v20 =	vadd.f32 v19, v3;
	v21 =	vadd.f32 v21, v5;
	v17 =	vld [tilespmem:s14+$0x60]  }
0x305: {  	v12 =	vadd.f32 v1, v12;
	v13 =	vadd.f32 v7, v13;
	v19 =	vld [tilespmem:s14+$0x70];
	s14 =	sadd.s32 $0x100, s14  }
0x306: {  	[tilespmem:s8], [sflag:$0x2] =	stream.linear.gather [hbm4b:s20+s2], $0x7D00, $0x38;
	[tilespmem:$0xFA80] =	vst v63  }
0x307: {  	_ =	swait.ge [sflag:s9], $0x7D00  }
0x308: {  	[sflag:s9] =	ssyncset.done $0x0  }
0x309: {  	s14 =	simm.s32 $0x80;
	[sflag:s9] =	ssyncadd.s32 $0xFFFF8300  }
0x30a: {  	v22 =	vld [tilespmem:s14+$0x0]  }
0x30b: {  	v23 =	vld [tilespmem:s14+$0x10]  }
0x30c: {  	v5 =	vld [tilespmem:s14+$0x20]  }
0x30d: {  	v7 =	vld [tilespmem:s14+$0x30]  }
0x30e: {  	v1 =	vld [tilespmem:s14+$0x40]  }
0x30f: {  	v3 =	vld [tilespmem:s14+$0x50]  }
0x310: {  	v24 =	vld [tilespmem:s14+$0xFFFFFF80]  }
0x311: {  	v25 =	vld [tilespmem:s14+$0xFFFFFF90]  }
0x312: {  	v4 =	vadd.f32 v4, v20;
	v6 =	vadd.f32 v6, v21;
	v20 =	vld [tilespmem:s14+$0xFFFFFFA0]  }
0x313: {  	v8 =	vadd.f32 v14, v8;
	v9 =	vadd.f32 v15, v9;
	v21 =	vld [tilespmem:s14+$0xFFFFFFB0]  }
0x314: {  	v10 =	vadd.f32 v16, v10;
	v11 =	vadd.f32 v18, v11;
	v14 =	vld [tilespmem:s14+$0xFFFFFFC0]  }
0x315: {  	v8 =	vadd.f32 v0, v8;
	v9 =	vadd.f32 v2, v9;
	v15 =	vld [tilespmem:s14+$0xFFFFFFD0]  }
0x316: {  	v10 =	vadd.f32 v17, v10;
	v11 =	vadd.f32 v19, v11;
	v16 =	vld [tilespmem:s14+$0xFFFFFFE0]  }
0x317: {  	v18 =	vld [tilespmem:s14+$0xFFFFFFF0];
	v0 =	vadd.f32 v24, v12;
	v2 =	vadd.f32 v25, v13  }
0x318: {  	v17 =	vld [tilespmem:s14+$0x60];
	v20 =	vadd.f32 v20, v4;
	v21 =	vadd.f32 v21, v6  }
0x319: {  	s13 =	simm.s32 $0x0;
	v19 =	vld [tilespmem:s14+$0x70];
	s14 =	simm.s32 $0x180;
	v12 =	vadd.f32 v22, v0;
	v13 =	vadd.f32 v23, v2  }
.LBB2_42:
0x31a: {  	v0 =	vld [tilespmem:s14+$0x0];
	v2 =	vadd.f32 v5, v20;
	v4 =	vadd.f32 v7, v21  }
0x31b: {  	v8 =	vadd.f32 v14, v8;
	v9 =	vadd.f32 v15, v9;
	v6 =	vld [tilespmem:s14+$0x10]  }
0x31c: {  	v10 =	vadd.f32 v16, v10;
	v5 =	vld [tilespmem:s14+$0x20];
	v11 =	vadd.f32 v18, v11  }
0x31d: {  	v8 =	vadd.f32 v1, v8;
	v9 =	vadd.f32 v3, v9;
	v7 =	vld [tilespmem:s14+$0x30]  }
0x31e: {  	v10 =	vadd.f32 v17, v10;
	v1 =	vld [tilespmem:s14+$0x40];
	v11 =	vadd.f32 v19, v11  }
0x31f: {  	v3 =	vld [tilespmem:s14+$0x50]  }
0x320: {  	v17 =	vld [tilespmem:s14+$0xFFFFFF80]  }
0x321: {  	v18 =	vld [tilespmem:s14+$0xFFFFFF90]  }
0x322: {  	v19 =	vld [tilespmem:s14+$0xFFFFFFA0]  }
0x323: {  	s13 =	sadd.s32 $0x2, s13;
	v21 =	vld [tilespmem:s14+$0xFFFFFFB0]  }
0x324: {  	p0 =	slt.u32 s13, $0xF8;
	v14 =	vld [tilespmem:s14+$0xFFFFFFC0]  }
.Ltmp20:
0x325: {  	v15 =	vld [tilespmem:s14+$0xFFFFFFD0];
	(pc) =	sbr.rel @p0 .LBB2_42-.Ltmp20, $4  }
0x326: {  	v16 =	vld [tilespmem:s14+$0xFFFFFFE0]  }
0x327: {  	v12 =	vadd.f32 v17, v12;
	v13 =	vadd.f32 v18, v13;
	v18 =	vld [tilespmem:s14+$0xFFFFFFF0]  }
0x328: {  	v20 =	vadd.f32 v19, v2;
	v21 =	vadd.f32 v21, v4;
	v17 =	vld [tilespmem:s14+$0x60]  }
0x329: {  	v12 =	vadd.f32 v0, v12;
	v13 =	vadd.f32 v6, v13;
	v19 =	vld [tilespmem:s14+$0x70];
	s14 =	sadd.s32 $0x100, s14  }
0x32a: {  	[tilespmem:s2], [sflag:$0x1] =	stream.linear.gather [hbm4b:s21+s2], $0x7D00, $0x38;
	[tilespmem:$0xFA80] =	vst v63  }
0x32b: {  	_ =	swait.ge [sflag:s10], $0x7D00  }
0x32c: {  	[sflag:s10] =	ssyncset.done $0x0  }
0x32d: {  	s14 =	simm.s32 $0x7D80;
	[sflag:s10] =	ssyncadd.s32 $0xFFFF8300  }
0x32e: {  	v22 =	vld [tilespmem:s14+$0x0]  }
0x32f: {  	v23 =	vld [tilespmem:s14+$0x10]  }
0x330: {  	v4 =	vld [tilespmem:s14+$0x20]  }
0x331: {  	v6 =	vld [tilespmem:s14+$0x30]  }
0x332: {  	v0 =	vld [tilespmem:s14+$0x40]  }
0x333: {  	v2 =	vld [tilespmem:s14+$0x50]  }
0x334: {  	v24 =	vld [tilespmem:s14+$0xFFFFFF80]  }
0x335: {  	v25 =	vld [tilespmem:s14+$0xFFFFFF90]  }
0x336: {  	v5 =	vadd.f32 v5, v20;
	v7 =	vadd.f32 v7, v21;
	v20 =	vld [tilespmem:s14+$0xFFFFFFA0]  }
0x337: {  	v8 =	vadd.f32 v14, v8;
	v9 =	vadd.f32 v15, v9;
	v21 =	vld [tilespmem:s14+$0xFFFFFFB0]  }
0x338: {  	v10 =	vadd.f32 v16, v10;
	v11 =	vadd.f32 v18, v11;
	v14 =	vld [tilespmem:s14+$0xFFFFFFC0]  }
0x339: {  	v8 =	vadd.f32 v1, v8;
	v9 =	vadd.f32 v3, v9;
	v15 =	vld [tilespmem:s14+$0xFFFFFFD0]  }
0x33a: {  	v10 =	vadd.f32 v17, v10;
	v11 =	vadd.f32 v19, v11;
	v16 =	vld [tilespmem:s14+$0xFFFFFFE0]  }
0x33b: {  	v18 =	vld [tilespmem:s14+$0xFFFFFFF0];
	v1 =	vadd.f32 v24, v12;
	v3 =	vadd.f32 v25, v13  }
0x33c: {  	v17 =	vld [tilespmem:s14+$0x60];
	v20 =	vadd.f32 v20, v5;
	v21 =	vadd.f32 v21, v7  }
0x33d: {  	s13 =	simm.s32 $0x0;
	v19 =	vld [tilespmem:s14+$0x70];
	s14 =	simm.s32 $0x7E80;
	v12 =	vadd.f32 v22, v1;
	v13 =	vadd.f32 v23, v3  }
.LBB2_44:
0x33e: {  	v1 =	vld [tilespmem:s14+$0x0];
	v3 =	vadd.f32 v4, v20;
	v5 =	vadd.f32 v6, v21  }
0x33f: {  	v8 =	vadd.f32 v14, v8;
	v9 =	vadd.f32 v15, v9;
	v7 =	vld [tilespmem:s14+$0x10]  }
0x340: {  	v10 =	vadd.f32 v16, v10;
	v4 =	vld [tilespmem:s14+$0x20];
	v11 =	vadd.f32 v18, v11  }
0x341: {  	v8 =	vadd.f32 v0, v8;
	v9 =	vadd.f32 v2, v9;
	v6 =	vld [tilespmem:s14+$0x30]  }
0x342: {  	v10 =	vadd.f32 v17, v10;
	v0 =	vld [tilespmem:s14+$0x40];
	v11 =	vadd.f32 v19, v11  }
0x343: {  	v2 =	vld [tilespmem:s14+$0x50]  }
0x344: {  	v17 =	vld [tilespmem:s14+$0xFFFFFF80]  }
0x345: {  	v18 =	vld [tilespmem:s14+$0xFFFFFF90]  }
0x346: {  	v19 =	vld [tilespmem:s14+$0xFFFFFFA0]  }
0x347: {  	s13 =	sadd.s32 $0x2, s13;
	v21 =	vld [tilespmem:s14+$0xFFFFFFB0]  }
0x348: {  	p0 =	slt.u32 s13, $0xF8;
	v14 =	vld [tilespmem:s14+$0xFFFFFFC0]  }
.Ltmp21:
0x349: {  	v15 =	vld [tilespmem:s14+$0xFFFFFFD0];
	(pc) =	sbr.rel @p0 .LBB2_44-.Ltmp21, $4  }
0x34a: {  	v16 =	vld [tilespmem:s14+$0xFFFFFFE0]  }
0x34b: {  	v12 =	vadd.f32 v17, v12;
	v13 =	vadd.f32 v18, v13;
	v18 =	vld [tilespmem:s14+$0xFFFFFFF0]  }
0x34c: {  	v20 =	vadd.f32 v19, v3;
	v21 =	vadd.f32 v21, v5;
	v17 =	vld [tilespmem:s14+$0x60]  }
0x34d: {  	v12 =	vadd.f32 v1, v12;
	v13 =	vadd.f32 v7, v13;
	v19 =	vld [tilespmem:s14+$0x70];
	s14 =	sadd.s32 $0x100, s14  }
0x34e: {  	[tilespmem:s8], [sflag:$0x2] =	stream.linear.gather [hbm4b:s22+s2], $0x7D00, $0x38;
	[tilespmem:$0xFA80] =	vst v63  }
0x34f: {  	_ =	swait.ge [sflag:s9], $0x7D00  }
0x350: {  	[sflag:s9] =	ssyncset.done $0x0  }
0x351: {  	s14 =	simm.s32 $0x80;
	[sflag:s9] =	ssyncadd.s32 $0xFFFF8300  }
0x352: {  	v22 =	vld [tilespmem:s14+$0x0]  }
0x353: {  	v23 =	vld [tilespmem:s14+$0x10]  }
0x354: {  	v5 =	vld [tilespmem:s14+$0x20]  }
0x355: {  	v7 =	vld [tilespmem:s14+$0x30]  }
0x356: {  	v1 =	vld [tilespmem:s14+$0x40]  }
0x357: {  	v3 =	vld [tilespmem:s14+$0x50]  }
0x358: {  	v24 =	vld [tilespmem:s14+$0xFFFFFF80]  }
0x359: {  	v25 =	vld [tilespmem:s14+$0xFFFFFF90]  }
0x35a: {  	v4 =	vadd.f32 v4, v20;
	v6 =	vadd.f32 v6, v21;
	v20 =	vld [tilespmem:s14+$0xFFFFFFA0]  }
0x35b: {  	v8 =	vadd.f32 v14, v8;
	v9 =	vadd.f32 v15, v9;
	v21 =	vld [tilespmem:s14+$0xFFFFFFB0]  }
0x35c: {  	v10 =	vadd.f32 v16, v10;
	v11 =	vadd.f32 v18, v11;
	v14 =	vld [tilespmem:s14+$0xFFFFFFC0]  }
0x35d: {  	v8 =	vadd.f32 v0, v8;
	v9 =	vadd.f32 v2, v9;
	v15 =	vld [tilespmem:s14+$0xFFFFFFD0]  }
0x35e: {  	v10 =	vadd.f32 v17, v10;
	v11 =	vadd.f32 v19, v11;
	v16 =	vld [tilespmem:s14+$0xFFFFFFE0]  }
0x35f: {  	v18 =	vld [tilespmem:s14+$0xFFFFFFF0];
	v0 =	vadd.f32 v24, v12;
	v2 =	vadd.f32 v25, v13  }
0x360: {  	v17 =	vld [tilespmem:s14+$0x60];
	v20 =	vadd.f32 v20, v4;
	v21 =	vadd.f32 v21, v6  }
0x361: {  	s13 =	simm.s32 $0x0;
	v19 =	vld [tilespmem:s14+$0x70];
	s14 =	simm.s32 $0x180;
	v12 =	vadd.f32 v22, v0;
	v13 =	vadd.f32 v23, v2  }
.LBB2_46:
0x362: {  	v0 =	vld [tilespmem:s14+$0x0];
	v2 =	vadd.f32 v5, v20;
	v4 =	vadd.f32 v7, v21  }
0x363: {  	v8 =	vadd.f32 v14, v8;
	v9 =	vadd.f32 v15, v9;
	v6 =	vld [tilespmem:s14+$0x10]  }
0x364: {  	v10 =	vadd.f32 v16, v10;
	v5 =	vld [tilespmem:s14+$0x20];
	v11 =	vadd.f32 v18, v11  }
0x365: {  	v8 =	vadd.f32 v1, v8;
	v9 =	vadd.f32 v3, v9;
	v7 =	vld [tilespmem:s14+$0x30]  }
0x366: {  	v10 =	vadd.f32 v17, v10;
	v1 =	vld [tilespmem:s14+$0x40];
	v11 =	vadd.f32 v19, v11  }
0x367: {  	v3 =	vld [tilespmem:s14+$0x50]  }
0x368: {  	v17 =	vld [tilespmem:s14+$0xFFFFFF80]  }
0x369: {  	v18 =	vld [tilespmem:s14+$0xFFFFFF90]  }
0x36a: {  	v19 =	vld [tilespmem:s14+$0xFFFFFFA0]  }
0x36b: {  	s13 =	sadd.s32 $0x2, s13;
	v21 =	vld [tilespmem:s14+$0xFFFFFFB0]  }
0x36c: {  	p0 =	slt.u32 s13, $0xF8;
	v14 =	vld [tilespmem:s14+$0xFFFFFFC0]  }
.Ltmp22:
0x36d: {  	v15 =	vld [tilespmem:s14+$0xFFFFFFD0];
	(pc) =	sbr.rel @p0 .LBB2_46-.Ltmp22, $4  }
0x36e: {  	v16 =	vld [tilespmem:s14+$0xFFFFFFE0]  }
0x36f: {  	v12 =	vadd.f32 v17, v12;
	v13 =	vadd.f32 v18, v13;
	v18 =	vld [tilespmem:s14+$0xFFFFFFF0]  }
0x370: {  	v20 =	vadd.f32 v19, v2;
	v21 =	vadd.f32 v21, v4;
	v17 =	vld [tilespmem:s14+$0x60]  }
0x371: {  	v12 =	vadd.f32 v0, v12;
	v13 =	vadd.f32 v6, v13;
	v19 =	vld [tilespmem:s14+$0x70];
	s14 =	sadd.s32 $0x100, s14  }
0x372: {  	[tilespmem:s2], [sflag:$0x1] =	stream.linear.gather [hbm4b:s24+s2], $0x7D00, $0x38;
	[tilespmem:$0xFA80] =	vst v63  }
0x373: {  	_ =	swait.ge [sflag:s10], $0x7D00  }
0x374: {  	[sflag:s10] =	ssyncset.done $0x0  }
0x375: {  	s14 =	simm.s32 $0x7D80;
	[sflag:s10] =	ssyncadd.s32 $0xFFFF8300  }
0x376: {  	v22 =	vld [tilespmem:s14+$0x0]  }
0x377: {  	v23 =	vld [tilespmem:s14+$0x10]  }
0x378: {  	v4 =	vld [tilespmem:s14+$0x20]  }
0x379: {  	v6 =	vld [tilespmem:s14+$0x30]  }
0x37a: {  	v0 =	vld [tilespmem:s14+$0x40]  }
0x37b: {  	v2 =	vld [tilespmem:s14+$0x50]  }
0x37c: {  	v24 =	vld [tilespmem:s14+$0xFFFFFF80]  }
0x37d: {  	v25 =	vld [tilespmem:s14+$0xFFFFFF90]  }
0x37e: {  	v5 =	vadd.f32 v5, v20;
	v7 =	vadd.f32 v7, v21;
	v20 =	vld [tilespmem:s14+$0xFFFFFFA0]  }
0x37f: {  	v8 =	vadd.f32 v14, v8;
	v9 =	vadd.f32 v15, v9;
	v21 =	vld [tilespmem:s14+$0xFFFFFFB0]  }
0x380: {  	v10 =	vadd.f32 v16, v10;
	v11 =	vadd.f32 v18, v11;
	v14 =	vld [tilespmem:s14+$0xFFFFFFC0]  }
0x381: {  	v8 =	vadd.f32 v1, v8;
	v9 =	vadd.f32 v3, v9;
	v15 =	vld [tilespmem:s14+$0xFFFFFFD0]  }
0x382: {  	v10 =	vadd.f32 v17, v10;
	v11 =	vadd.f32 v19, v11;
	v16 =	vld [tilespmem:s14+$0xFFFFFFE0]  }
0x383: {  	v18 =	vld [tilespmem:s14+$0xFFFFFFF0];
	v1 =	vadd.f32 v24, v12;
	v3 =	vadd.f32 v25, v13  }
0x384: {  	v17 =	vld [tilespmem:s14+$0x60];
	v20 =	vadd.f32 v20, v5;
	v21 =	vadd.f32 v21, v7  }
0x385: {  	s13 =	simm.s32 $0x0;
	v19 =	vld [tilespmem:s14+$0x70];
	s14 =	simm.s32 $0x7E80;
	v12 =	vadd.f32 v22, v1;
	v13 =	vadd.f32 v23, v3  }
.LBB2_48:
0x386: {  	v1 =	vld [tilespmem:s14+$0x0];
	v3 =	vadd.f32 v4, v20;
	v5 =	vadd.f32 v6, v21  }
0x387: {  	v8 =	vadd.f32 v14, v8;
	v9 =	vadd.f32 v15, v9;
	v7 =	vld [tilespmem:s14+$0x10]  }
0x388: {  	v10 =	vadd.f32 v16, v10;
	v4 =	vld [tilespmem:s14+$0x20];
	v11 =	vadd.f32 v18, v11  }
0x389: {  	v8 =	vadd.f32 v0, v8;
	v9 =	vadd.f32 v2, v9;
	v6 =	vld [tilespmem:s14+$0x30]  }
0x38a: {  	v10 =	vadd.f32 v17, v10;
	v0 =	vld [tilespmem:s14+$0x40];
	v11 =	vadd.f32 v19, v11  }
0x38b: {  	v2 =	vld [tilespmem:s14+$0x50]  }
0x38c: {  	v17 =	vld [tilespmem:s14+$0xFFFFFF80]  }
0x38d: {  	v18 =	vld [tilespmem:s14+$0xFFFFFF90]  }
0x38e: {  	v19 =	vld [tilespmem:s14+$0xFFFFFFA0]  }
0x38f: {  	s13 =	sadd.s32 $0x2, s13;
	v21 =	vld [tilespmem:s14+$0xFFFFFFB0]  }
0x390: {  	p0 =	slt.u32 s13, $0xF8;
	v14 =	vld [tilespmem:s14+$0xFFFFFFC0]  }
.Ltmp23:
0x391: {  	v15 =	vld [tilespmem:s14+$0xFFFFFFD0];
	(pc) =	sbr.rel @p0 .LBB2_48-.Ltmp23, $4  }
0x392: {  	v16 =	vld [tilespmem:s14+$0xFFFFFFE0]  }
0x393: {  	v12 =	vadd.f32 v17, v12;
	v13 =	vadd.f32 v18, v13;
	v18 =	vld [tilespmem:s14+$0xFFFFFFF0]  }
0x394: {  	v20 =	vadd.f32 v19, v3;
	v21 =	vadd.f32 v21, v5;
	v17 =	vld [tilespmem:s14+$0x60]  }
0x395: {  	v12 =	vadd.f32 v1, v12;
	v13 =	vadd.f32 v7, v13;
	v19 =	vld [tilespmem:s14+$0x70];
	s14 =	sadd.s32 $0x100, s14  }
0x396: {  	[tilespmem:s8], [sflag:$0x2] =	stream.linear.gather [hbm4b:s25+s2], $0x7D00, $0x38;
	[tilespmem:$0xFA80] =	vst v63  }
0x397: {  	_ =	swait.ge [sflag:s9], $0x7D00  }
0x398: {  	[sflag:s9] =	ssyncset.done $0x0  }
0x399: {  	s14 =	simm.s32 $0x80;
	[sflag:s9] =	ssyncadd.s32 $0xFFFF8300  }
0x39a: {  	v22 =	vld [tilespmem:s14+$0x0]  }
0x39b: {  	v23 =	vld [tilespmem:s14+$0x10]  }
0x39c: {  	v5 =	vld [tilespmem:s14+$0x20]  }
0x39d: {  	v7 =	vld [tilespmem:s14+$0x30]  }
0x39e: {  	v1 =	vld [tilespmem:s14+$0x40]  }
0x39f: {  	v3 =	vld [tilespmem:s14+$0x50]  }
0x3a0: {  	v24 =	vld [tilespmem:s14+$0xFFFFFF80]  }
0x3a1: {  	v25 =	vld [tilespmem:s14+$0xFFFFFF90]  }
0x3a2: {  	v4 =	vadd.f32 v4, v20;
	v6 =	vadd.f32 v6, v21;
	v20 =	vld [tilespmem:s14+$0xFFFFFFA0]  }
0x3a3: {  	v8 =	vadd.f32 v14, v8;
	v9 =	vadd.f32 v15, v9;
	v21 =	vld [tilespmem:s14+$0xFFFFFFB0]  }
0x3a4: {  	v10 =	vadd.f32 v16, v10;
	v11 =	vadd.f32 v18, v11;
	v14 =	vld [tilespmem:s14+$0xFFFFFFC0]  }
0x3a5: {  	v8 =	vadd.f32 v0, v8;
	v9 =	vadd.f32 v2, v9;
	v15 =	vld [tilespmem:s14+$0xFFFFFFD0]  }
0x3a6: {  	v10 =	vadd.f32 v17, v10;
	v11 =	vadd.f32 v19, v11;
	v16 =	vld [tilespmem:s14+$0xFFFFFFE0]  }
0x3a7: {  	v18 =	vld [tilespmem:s14+$0xFFFFFFF0];
	v0 =	vadd.f32 v24, v12;
	v2 =	vadd.f32 v25, v13  }
0x3a8: {  	v17 =	vld [tilespmem:s14+$0x60];
	v20 =	vadd.f32 v20, v4;
	v21 =	vadd.f32 v21, v6  }
0x3a9: {  	s13 =	simm.s32 $0x0;
	v19 =	vld [tilespmem:s14+$0x70];
	s14 =	simm.s32 $0x180;
	v12 =	vadd.f32 v22, v0;
	v13 =	vadd.f32 v23, v2  }
.LBB2_50:
0x3aa: {  	v0 =	vld [tilespmem:s14+$0x0];
	v2 =	vadd.f32 v5, v20;
	v4 =	vadd.f32 v7, v21  }
0x3ab: {  	v8 =	vadd.f32 v14, v8;
	v9 =	vadd.f32 v15, v9;
	v6 =	vld [tilespmem:s14+$0x10]  }
0x3ac: {  	v10 =	vadd.f32 v16, v10;
	v5 =	vld [tilespmem:s14+$0x20];
	v11 =	vadd.f32 v18, v11  }
0x3ad: {  	v8 =	vadd.f32 v1, v8;
	v9 =	vadd.f32 v3, v9;
	v7 =	vld [tilespmem:s14+$0x30]  }
0x3ae: {  	v10 =	vadd.f32 v17, v10;
	v1 =	vld [tilespmem:s14+$0x40];
	v11 =	vadd.f32 v19, v11  }
0x3af: {  	v3 =	vld [tilespmem:s14+$0x50]  }
0x3b0: {  	v17 =	vld [tilespmem:s14+$0xFFFFFF80]  }
0x3b1: {  	v18 =	vld [tilespmem:s14+$0xFFFFFF90]  }
0x3b2: {  	v19 =	vld [tilespmem:s14+$0xFFFFFFA0]  }
0x3b3: {  	s13 =	sadd.s32 $0x2, s13;
	v21 =	vld [tilespmem:s14+$0xFFFFFFB0]  }
0x3b4: {  	p0 =	slt.u32 s13, $0xF8;
	v14 =	vld [tilespmem:s14+$0xFFFFFFC0]  }
.Ltmp24:
0x3b5: {  	v15 =	vld [tilespmem:s14+$0xFFFFFFD0];
	(pc) =	sbr.rel @p0 .LBB2_50-.Ltmp24, $4  }
0x3b6: {  	v16 =	vld [tilespmem:s14+$0xFFFFFFE0]  }
0x3b7: {  	v12 =	vadd.f32 v17, v12;
	v13 =	vadd.f32 v18, v13;
	v18 =	vld [tilespmem:s14+$0xFFFFFFF0]  }
0x3b8: {  	v20 =	vadd.f32 v19, v2;
	v21 =	vadd.f32 v21, v4;
	v17 =	vld [tilespmem:s14+$0x60]  }
0x3b9: {  	v12 =	vadd.f32 v0, v12;
	v13 =	vadd.f32 v6, v13;
	v19 =	vld [tilespmem:s14+$0x70];
	s14 =	sadd.s32 $0x100, s14  }
0x3ba: {  	[tilespmem:s2], [sflag:$0x1] =	stream.linear.gather [hbm4b:s28+s2], $0x7D00, $0x38;
	[tilespmem:$0xFA80] =	vst v63  }
0x3bb: {  	_ =	swait.ge [sflag:s10], $0x7D00  }
0x3bc: {  	[sflag:s10] =	ssyncset.done $0x0  }
0x3bd: {  	s14 =	simm.s32 $0x7D80;
	[sflag:s10] =	ssyncadd.s32 $0xFFFF8300  }
0x3be: {  	v22 =	vld [tilespmem:s14+$0x0]  }
0x3bf: {  	v23 =	vld [tilespmem:s14+$0x10]  }
0x3c0: {  	v4 =	vld [tilespmem:s14+$0x20]  }
0x3c1: {  	v6 =	vld [tilespmem:s14+$0x30]  }
0x3c2: {  	v0 =	vld [tilespmem:s14+$0x40]  }
0x3c3: {  	v2 =	vld [tilespmem:s14+$0x50]  }
0x3c4: {  	v24 =	vld [tilespmem:s14+$0xFFFFFF80]  }
0x3c5: {  	v25 =	vld [tilespmem:s14+$0xFFFFFF90]  }
0x3c6: {  	v5 =	vadd.f32 v5, v20;
	v7 =	vadd.f32 v7, v21;
	v20 =	vld [tilespmem:s14+$0xFFFFFFA0]  }
0x3c7: {  	v8 =	vadd.f32 v14, v8;
	v9 =	vadd.f32 v15, v9;
	v21 =	vld [tilespmem:s14+$0xFFFFFFB0]  }
0x3c8: {  	v10 =	vadd.f32 v16, v10;
	v11 =	vadd.f32 v18, v11;
	v14 =	vld [tilespmem:s14+$0xFFFFFFC0]  }
0x3c9: {  	v8 =	vadd.f32 v1, v8;
	v9 =	vadd.f32 v3, v9;
	v15 =	vld [tilespmem:s14+$0xFFFFFFD0]  }
0x3ca: {  	v10 =	vadd.f32 v17, v10;
	v11 =	vadd.f32 v19, v11;
	v16 =	vld [tilespmem:s14+$0xFFFFFFE0]  }
0x3cb: {  	v18 =	vld [tilespmem:s14+$0xFFFFFFF0];
	v1 =	vadd.f32 v24, v12;
	v3 =	vadd.f32 v25, v13  }
0x3cc: {  	v17 =	vld [tilespmem:s14+$0x60];
	v20 =	vadd.f32 v20, v5;
	v21 =	vadd.f32 v21, v7  }
0x3cd: {  	s13 =	simm.s32 $0x0;
	v19 =	vld [tilespmem:s14+$0x70];
	s14 =	simm.s32 $0x7E80;
	v12 =	vadd.f32 v22, v1;
	v13 =	vadd.f32 v23, v3  }
.LBB2_52:
0x3ce: {  	v1 =	vld [tilespmem:s14+$0x0];
	v3 =	vadd.f32 v4, v20;
	v5 =	vadd.f32 v6, v21  }
0x3cf: {  	v8 =	vadd.f32 v14, v8;
	v9 =	vadd.f32 v15, v9;
	v7 =	vld [tilespmem:s14+$0x10]  }
0x3d0: {  	v10 =	vadd.f32 v16, v10;
	v4 =	vld [tilespmem:s14+$0x20];
	v11 =	vadd.f32 v18, v11  }
0x3d1: {  	v8 =	vadd.f32 v0, v8;
	v9 =	vadd.f32 v2, v9;
	v6 =	vld [tilespmem:s14+$0x30]  }
0x3d2: {  	v10 =	vadd.f32 v17, v10;
	v0 =	vld [tilespmem:s14+$0x40];
	v11 =	vadd.f32 v19, v11  }
0x3d3: {  	v2 =	vld [tilespmem:s14+$0x50]  }
0x3d4: {  	v17 =	vld [tilespmem:s14+$0xFFFFFF80]  }
0x3d5: {  	v18 =	vld [tilespmem:s14+$0xFFFFFF90]  }
0x3d6: {  	v19 =	vld [tilespmem:s14+$0xFFFFFFA0]  }
0x3d7: {  	s13 =	sadd.s32 $0x2, s13;
	v21 =	vld [tilespmem:s14+$0xFFFFFFB0]  }
0x3d8: {  	p0 =	slt.u32 s13, $0xF8;
	v14 =	vld [tilespmem:s14+$0xFFFFFFC0]  }
.Ltmp25:
0x3d9: {  	v15 =	vld [tilespmem:s14+$0xFFFFFFD0];
	(pc) =	sbr.rel @p0 .LBB2_52-.Ltmp25, $4  }
0x3da: {  	v16 =	vld [tilespmem:s14+$0xFFFFFFE0]  }
0x3db: {  	v12 =	vadd.f32 v17, v12;
	v13 =	vadd.f32 v18, v13;
	v18 =	vld [tilespmem:s14+$0xFFFFFFF0]  }
0x3dc: {  	v20 =	vadd.f32 v19, v3;
	v21 =	vadd.f32 v21, v5;
	v17 =	vld [tilespmem:s14+$0x60]  }
0x3dd: {  	v12 =	vadd.f32 v1, v12;
	v13 =	vadd.f32 v7, v13;
	v19 =	vld [tilespmem:s14+$0x70];
	s14 =	sadd.s32 $0x100, s14  }
0x3de: {  	[tilespmem:s8], [sflag:$0x2] =	stream.linear.gather [hbm4b:s29+s2], $0x7D00, $0x38;
	[tilespmem:$0xFA80] =	vst v63  }
0x3df: {  	_ =	swait.ge [sflag:s9], $0x7D00  }
0x3e0: {  	[sflag:s9] =	ssyncset.done $0x0  }
0x3e1: {  	s14 =	simm.s32 $0x80;
	[sflag:s9] =	ssyncadd.s32 $0xFFFF8300  }
0x3e2: {  	v22 =	vld [tilespmem:s14+$0x0]  }
0x3e3: {  	v23 =	vld [tilespmem:s14+$0x10]  }
0x3e4: {  	v5 =	vld [tilespmem:s14+$0x20]  }
0x3e5: {  	v7 =	vld [tilespmem:s14+$0x30]  }
0x3e6: {  	v1 =	vld [tilespmem:s14+$0x40]  }
0x3e7: {  	v3 =	vld [tilespmem:s14+$0x50]  }
0x3e8: {  	v24 =	vld [tilespmem:s14+$0xFFFFFF80]  }
0x3e9: {  	v25 =	vld [tilespmem:s14+$0xFFFFFF90]  }
0x3ea: {  	v4 =	vadd.f32 v4, v20;
	v6 =	vadd.f32 v6, v21;
	v20 =	vld [tilespmem:s14+$0xFFFFFFA0]  }
0x3eb: {  	v8 =	vadd.f32 v14, v8;
	v9 =	vadd.f32 v15, v9;
	v21 =	vld [tilespmem:s14+$0xFFFFFFB0]  }
0x3ec: {  	v10 =	vadd.f32 v16, v10;
	v11 =	vadd.f32 v18, v11;
	v14 =	vld [tilespmem:s14+$0xFFFFFFC0]  }
0x3ed: {  	v8 =	vadd.f32 v0, v8;
	v9 =	vadd.f32 v2, v9;
	v15 =	vld [tilespmem:s14+$0xFFFFFFD0]  }
0x3ee: {  	v10 =	vadd.f32 v17, v10;
	v11 =	vadd.f32 v19, v11;
	v16 =	vld [tilespmem:s14+$0xFFFFFFE0]  }
0x3ef: {  	v18 =	vld [tilespmem:s14+$0xFFFFFFF0];
	v0 =	vadd.f32 v24, v12;
	v2 =	vadd.f32 v25, v13  }
0x3f0: {  	v17 =	vld [tilespmem:s14+$0x60];
	v20 =	vadd.f32 v20, v4;
	v21 =	vadd.f32 v21, v6  }
0x3f1: {  	s13 =	simm.s32 $0x0;
	v19 =	vld [tilespmem:s14+$0x70];
	s14 =	simm.s32 $0x180;
	v12 =	vadd.f32 v22, v0;
	v13 =	vadd.f32 v23, v2  }
.LBB2_54:
0x3f2: {  	v0 =	vld [tilespmem:s14+$0x0];
	v2 =	vadd.f32 v5, v20;
	v4 =	vadd.f32 v7, v21  }
0x3f3: {  	v8 =	vadd.f32 v14, v8;
	v9 =	vadd.f32 v15, v9;
	v6 =	vld [tilespmem:s14+$0x10]  }
0x3f4: {  	v10 =	vadd.f32 v16, v10;
	v5 =	vld [tilespmem:s14+$0x20];
	v11 =	vadd.f32 v18, v11  }
0x3f5: {  	v8 =	vadd.f32 v1, v8;
	v9 =	vadd.f32 v3, v9;
	v7 =	vld [tilespmem:s14+$0x30]  }
0x3f6: {  	v10 =	vadd.f32 v17, v10;
	v1 =	vld [tilespmem:s14+$0x40];
	v11 =	vadd.f32 v19, v11  }
0x3f7: {  	v3 =	vld [tilespmem:s14+$0x50]  }
0x3f8: {  	v17 =	vld [tilespmem:s14+$0xFFFFFF80]  }
0x3f9: {  	v18 =	vld [tilespmem:s14+$0xFFFFFF90]  }
0x3fa: {  	v19 =	vld [tilespmem:s14+$0xFFFFFFA0]  }
0x3fb: {  	s13 =	sadd.s32 $0x2, s13;
	v21 =	vld [tilespmem:s14+$0xFFFFFFB0]  }
0x3fc: {  	p0 =	slt.u32 s13, $0xF8;
	v14 =	vld [tilespmem:s14+$0xFFFFFFC0]  }
.Ltmp26:
0x3fd: {  	v15 =	vld [tilespmem:s14+$0xFFFFFFD0];
	(pc) =	sbr.rel @p0 .LBB2_54-.Ltmp26, $4  }
0x3fe: {  	v16 =	vld [tilespmem:s14+$0xFFFFFFE0]  }
0x3ff: {  	v12 =	vadd.f32 v17, v12;
	v13 =	vadd.f32 v18, v13;
	v18 =	vld [tilespmem:s14+$0xFFFFFFF0]  }
0x400: {  	v20 =	vadd.f32 v19, v2;
	v21 =	vadd.f32 v21, v4;
	v17 =	vld [tilespmem:s14+$0x60]  }
0x401: {  	v12 =	vadd.f32 v0, v12;
	v13 =	vadd.f32 v6, v13;
	v19 =	vld [tilespmem:s14+$0x70];
	s14 =	sadd.s32 $0x100, s14  }
0x402: {  	[tilespmem:s2], [sflag:$0x1] =	stream.linear.gather [hbm4b:s31+s2], $0x7D00, $0x38;
	[tilespmem:$0xFA80] =	vst v63  }
0x403: {  	_ =	swait.ge [sflag:s10], $0x7D00  }
0x404: {  	[sflag:s10] =	ssyncset.done $0x0  }
0x405: {  	s14 =	simm.s32 $0x7D80;
	[sflag:s10] =	ssyncadd.s32 $0xFFFF8300  }
0x406: {  	v22 =	vld [tilespmem:s14+$0x0]  }
0x407: {  	v23 =	vld [tilespmem:s14+$0x10]  }
0x408: {  	v4 =	vld [tilespmem:s14+$0x20]  }
0x409: {  	v6 =	vld [tilespmem:s14+$0x30]  }
0x40a: {  	v0 =	vld [tilespmem:s14+$0x40]  }
0x40b: {  	v2 =	vld [tilespmem:s14+$0x50]  }
0x40c: {  	v24 =	vld [tilespmem:s14+$0xFFFFFF80]  }
0x40d: {  	v25 =	vld [tilespmem:s14+$0xFFFFFF90]  }
0x40e: {  	v5 =	vadd.f32 v5, v20;
	v7 =	vadd.f32 v7, v21;
	v20 =	vld [tilespmem:s14+$0xFFFFFFA0]  }
0x40f: {  	v8 =	vadd.f32 v14, v8;
	v9 =	vadd.f32 v15, v9;
	v21 =	vld [tilespmem:s14+$0xFFFFFFB0]  }
0x410: {  	v10 =	vadd.f32 v16, v10;
	v11 =	vadd.f32 v18, v11;
	v14 =	vld [tilespmem:s14+$0xFFFFFFC0]  }
0x411: {  	v8 =	vadd.f32 v1, v8;
	v9 =	vadd.f32 v3, v9;
	v15 =	vld [tilespmem:s14+$0xFFFFFFD0]  }
0x412: {  	v10 =	vadd.f32 v17, v10;
	v11 =	vadd.f32 v19, v11;
	v16 =	vld [tilespmem:s14+$0xFFFFFFE0]  }
0x413: {  	v18 =	vld [tilespmem:s14+$0xFFFFFFF0];
	v1 =	vadd.f32 v24, v12;
	v3 =	vadd.f32 v25, v13  }
0x414: {  	v17 =	vld [tilespmem:s14+$0x60];
	v20 =	vadd.f32 v20, v5;
	v21 =	vadd.f32 v21, v7  }
0x415: {  	s13 =	simm.s32 $0x0;
	v19 =	vld [tilespmem:s14+$0x70];
	s14 =	simm.s32 $0x7E80;
	v12 =	vadd.f32 v22, v1;
	v13 =	vadd.f32 v23, v3  }
.LBB2_56:
0x416: {  	v1 =	vld [tilespmem:s14+$0x0];
	v3 =	vadd.f32 v4, v20;
	v5 =	vadd.f32 v6, v21  }
0x417: {  	v8 =	vadd.f32 v14, v8;
	v9 =	vadd.f32 v15, v9;
	v7 =	vld [tilespmem:s14+$0x10]  }
0x418: {  	v10 =	vadd.f32 v16, v10;
	v4 =	vld [tilespmem:s14+$0x20];
	v11 =	vadd.f32 v18, v11  }
0x419: {  	v8 =	vadd.f32 v0, v8;
	v9 =	vadd.f32 v2, v9;
	v6 =	vld [tilespmem:s14+$0x30]  }
0x41a: {  	v10 =	vadd.f32 v17, v10;
	v0 =	vld [tilespmem:s14+$0x40];
	v11 =	vadd.f32 v19, v11  }
0x41b: {  	v2 =	vld [tilespmem:s14+$0x50]  }
0x41c: {  	v17 =	vld [tilespmem:s14+$0xFFFFFF80]  }
0x41d: {  	v18 =	vld [tilespmem:s14+$0xFFFFFF90]  }
0x41e: {  	v19 =	vld [tilespmem:s14+$0xFFFFFFA0]  }
0x41f: {  	s13 =	sadd.s32 $0x2, s13;
	v21 =	vld [tilespmem:s14+$0xFFFFFFB0]  }
0x420: {  	p0 =	slt.u32 s13, $0xF8;
	v14 =	vld [tilespmem:s14+$0xFFFFFFC0]  }
.Ltmp27:
0x421: {  	v15 =	vld [tilespmem:s14+$0xFFFFFFD0];
	(pc) =	sbr.rel @p0 .LBB2_56-.Ltmp27, $4  }
0x422: {  	v16 =	vld [tilespmem:s14+$0xFFFFFFE0]  }
0x423: {  	v12 =	vadd.f32 v17, v12;
	v13 =	vadd.f32 v18, v13;
	v18 =	vld [tilespmem:s14+$0xFFFFFFF0]  }
0x424: {  	v20 =	vadd.f32 v19, v3;
	v21 =	vadd.f32 v21, v5;
	v17 =	vld [tilespmem:s14+$0x60]  }
0x425: {  	v12 =	vadd.f32 v1, v12;
	v13 =	vadd.f32 v7, v13;
	v19 =	vld [tilespmem:s14+$0x70];
	s14 =	sadd.s32 $0x100, s14  }
0x426: {  	[tilespmem:s8], [sflag:$0x2] =	stream.linear.gather [hbm4b:s1+s2], $0x7D00, $0x38;
	[tilespmem:$0xFA80] =	vst v63  }
0x427: {  	_ =	swait.ge [sflag:s9], $0x7D00  }
0x428: {  	[sflag:s9] =	ssyncset.done $0x0  }
0x429: {  	s14 =	simm.s32 $0x80;
	[sflag:s9] =	ssyncadd.s32 $0xFFFF8300  }
0x42a: {  	v22 =	vld [tilespmem:s14+$0x0]  }
0x42b: {  	v23 =	vld [tilespmem:s14+$0x10]  }
0x42c: {  	v5 =	vld [tilespmem:s14+$0x20]  }
0x42d: {  	v7 =	vld [tilespmem:s14+$0x30]  }
0x42e: {  	v1 =	vld [tilespmem:s14+$0x40]  }
0x42f: {  	v3 =	vld [tilespmem:s14+$0x50]  }
0x430: {  	v24 =	vld [tilespmem:s14+$0xFFFFFF80]  }
0x431: {  	v25 =	vld [tilespmem:s14+$0xFFFFFF90]  }
0x432: {  	v4 =	vadd.f32 v4, v20;
	v6 =	vadd.f32 v6, v21;
	v20 =	vld [tilespmem:s14+$0xFFFFFFA0]  }
0x433: {  	v8 =	vadd.f32 v14, v8;
	v9 =	vadd.f32 v15, v9;
	v21 =	vld [tilespmem:s14+$0xFFFFFFB0]  }
0x434: {  	v10 =	vadd.f32 v16, v10;
	v11 =	vadd.f32 v18, v11;
	v14 =	vld [tilespmem:s14+$0xFFFFFFC0]  }
0x435: {  	v8 =	vadd.f32 v0, v8;
	v9 =	vadd.f32 v2, v9;
	v15 =	vld [tilespmem:s14+$0xFFFFFFD0]  }
0x436: {  	v10 =	vadd.f32 v17, v10;
	v11 =	vadd.f32 v19, v11;
	v16 =	vld [tilespmem:s14+$0xFFFFFFE0]  }
0x437: {  	v18 =	vld [tilespmem:s14+$0xFFFFFFF0];
	v0 =	vadd.f32 v24, v12;
	v2 =	vadd.f32 v25, v13  }
0x438: {  	v17 =	vld [tilespmem:s14+$0x60];
	v20 =	vadd.f32 v20, v4;
	v21 =	vadd.f32 v21, v6  }
0x439: {  	s13 =	simm.s32 $0x0;
	v19 =	vld [tilespmem:s14+$0x70];
	s14 =	simm.s32 $0x180;
	v12 =	vadd.f32 v22, v0;
	v13 =	vadd.f32 v23, v2  }
.LBB2_58:
0x43a: {  	v0 =	vld [tilespmem:s14+$0x0];
	v2 =	vadd.f32 v5, v20;
	v4 =	vadd.f32 v7, v21  }
0x43b: {  	v8 =	vadd.f32 v14, v8;
	v9 =	vadd.f32 v15, v9;
	v6 =	vld [tilespmem:s14+$0x10]  }
0x43c: {  	v10 =	vadd.f32 v16, v10;
	v5 =	vld [tilespmem:s14+$0x20];
	v11 =	vadd.f32 v18, v11  }
0x43d: {  	v8 =	vadd.f32 v1, v8;
	v9 =	vadd.f32 v3, v9;
	v7 =	vld [tilespmem:s14+$0x30]  }
0x43e: {  	v10 =	vadd.f32 v17, v10;
	v1 =	vld [tilespmem:s14+$0x40];
	v11 =	vadd.f32 v19, v11  }
0x43f: {  	v3 =	vld [tilespmem:s14+$0x50]  }
0x440: {  	v17 =	vld [tilespmem:s14+$0xFFFFFF80]  }
0x441: {  	v18 =	vld [tilespmem:s14+$0xFFFFFF90]  }
0x442: {  	v19 =	vld [tilespmem:s14+$0xFFFFFFA0]  }
0x443: {  	s13 =	sadd.s32 $0x2, s13;
	v21 =	vld [tilespmem:s14+$0xFFFFFFB0]  }
0x444: {  	p0 =	slt.u32 s13, $0xF8;
	v14 =	vld [tilespmem:s14+$0xFFFFFFC0]  }
.Ltmp28:
0x445: {  	v15 =	vld [tilespmem:s14+$0xFFFFFFD0];
	(pc) =	sbr.rel @p0 .LBB2_58-.Ltmp28, $4  }
0x446: {  	v16 =	vld [tilespmem:s14+$0xFFFFFFE0]  }
0x447: {  	v12 =	vadd.f32 v17, v12;
	v13 =	vadd.f32 v18, v13;
	v18 =	vld [tilespmem:s14+$0xFFFFFFF0]  }
0x448: {  	v20 =	vadd.f32 v19, v2;
	v21 =	vadd.f32 v21, v4;
	v17 =	vld [tilespmem:s14+$0x60]  }
0x449: {  	v12 =	vadd.f32 v0, v12;
	v13 =	vadd.f32 v6, v13;
	v19 =	vld [tilespmem:s14+$0x70];
	s14 =	sadd.s32 $0x100, s14  }
0x44a: {  	[tilespmem:s2], [sflag:$0x1] =	stream.linear.gather [hbm4b:s3+s2], $0x7D00, $0x38;
	[tilespmem:$0xFA80] =	vst v63  }
0x44b: {  	_ =	swait.ge [sflag:s10], $0x7D00  }
0x44c: {  	[sflag:s10] =	ssyncset.done $0x0  }
0x44d: {  	s14 =	simm.s32 $0x7D80;
	[sflag:s10] =	ssyncadd.s32 $0xFFFF8300  }
0x44e: {  	v22 =	vld [tilespmem:s14+$0x0]  }
0x44f: {  	v23 =	vld [tilespmem:s14+$0x10]  }
0x450: {  	v4 =	vld [tilespmem:s14+$0x20]  }
0x451: {  	v6 =	vld [tilespmem:s14+$0x30]  }
0x452: {  	v0 =	vld [tilespmem:s14+$0x40]  }
0x453: {  	v2 =	vld [tilespmem:s14+$0x50]  }
0x454: {  	v24 =	vld [tilespmem:s14+$0xFFFFFF80]  }
0x455: {  	v25 =	vld [tilespmem:s14+$0xFFFFFF90]  }
0x456: {  	v5 =	vadd.f32 v5, v20;
	v7 =	vadd.f32 v7, v21;
	v20 =	vld [tilespmem:s14+$0xFFFFFFA0]  }
0x457: {  	v8 =	vadd.f32 v14, v8;
	v9 =	vadd.f32 v15, v9;
	v21 =	vld [tilespmem:s14+$0xFFFFFFB0]  }
0x458: {  	v10 =	vadd.f32 v16, v10;
	v11 =	vadd.f32 v18, v11;
	v14 =	vld [tilespmem:s14+$0xFFFFFFC0]  }
0x459: {  	v8 =	vadd.f32 v1, v8;
	v9 =	vadd.f32 v3, v9;
	v15 =	vld [tilespmem:s14+$0xFFFFFFD0]  }
0x45a: {  	v10 =	vadd.f32 v17, v10;
	v11 =	vadd.f32 v19, v11;
	v16 =	vld [tilespmem:s14+$0xFFFFFFE0]  }
0x45b: {  	v18 =	vld [tilespmem:s14+$0xFFFFFFF0];
	v1 =	vadd.f32 v24, v12;
	v3 =	vadd.f32 v25, v13  }
0x45c: {  	v17 =	vld [tilespmem:s14+$0x60];
	v20 =	vadd.f32 v20, v5;
	v21 =	vadd.f32 v21, v7  }
0x45d: {  	s13 =	simm.s32 $0x0;
	v19 =	vld [tilespmem:s14+$0x70];
	s14 =	simm.s32 $0x7E80;
	v12 =	vadd.f32 v22, v1;
	v13 =	vadd.f32 v23, v3  }
.LBB2_60:
0x45e: {  	v1 =	vld [tilespmem:s14+$0x0];
	v3 =	vadd.f32 v4, v20;
	v5 =	vadd.f32 v6, v21  }
0x45f: {  	v8 =	vadd.f32 v14, v8;
	v9 =	vadd.f32 v15, v9;
	v7 =	vld [tilespmem:s14+$0x10]  }
0x460: {  	v10 =	vadd.f32 v16, v10;
	v4 =	vld [tilespmem:s14+$0x20];
	v11 =	vadd.f32 v18, v11  }
0x461: {  	v8 =	vadd.f32 v0, v8;
	v9 =	vadd.f32 v2, v9;
	v6 =	vld [tilespmem:s14+$0x30]  }
0x462: {  	v10 =	vadd.f32 v17, v10;
	v0 =	vld [tilespmem:s14+$0x40];
	v11 =	vadd.f32 v19, v11  }
0x463: {  	v2 =	vld [tilespmem:s14+$0x50]  }
0x464: {  	v17 =	vld [tilespmem:s14+$0xFFFFFF80]  }
0x465: {  	v18 =	vld [tilespmem:s14+$0xFFFFFF90]  }
0x466: {  	v19 =	vld [tilespmem:s14+$0xFFFFFFA0]  }
0x467: {  	s13 =	sadd.s32 $0x2, s13;
	v21 =	vld [tilespmem:s14+$0xFFFFFFB0]  }
0x468: {  	p0 =	slt.u32 s13, $0xF8;
	v14 =	vld [tilespmem:s14+$0xFFFFFFC0]  }
.Ltmp29:
0x469: {  	v15 =	vld [tilespmem:s14+$0xFFFFFFD0];
	(pc) =	sbr.rel @p0 .LBB2_60-.Ltmp29, $4  }
0x46a: {  	v16 =	vld [tilespmem:s14+$0xFFFFFFE0]  }
0x46b: {  	v12 =	vadd.f32 v17, v12;
	v13 =	vadd.f32 v18, v13;
	v18 =	vld [tilespmem:s14+$0xFFFFFFF0]  }
0x46c: {  	v20 =	vadd.f32 v19, v3;
	v21 =	vadd.f32 v21, v5;
	v17 =	vld [tilespmem:s14+$0x60]  }
0x46d: {  	v12 =	vadd.f32 v1, v12;
	v13 =	vadd.f32 v7, v13;
	v19 =	vld [tilespmem:s14+$0x70];
	s14 =	sadd.s32 $0x100, s14  }
0x46e: {  	[tilespmem:s8], [sflag:$0x2] =	stream.linear.gather [hbm4b:s4+s2], $0x7D00, $0x38;
	[tilespmem:$0xFA80] =	vst v63  }
0x46f: {  	_ =	swait.ge [sflag:s9], $0x7D00  }
0x470: {  	[sflag:s9] =	ssyncset.done $0x0  }
0x471: {  	s14 =	simm.s32 $0x80;
	[sflag:s9] =	ssyncadd.s32 $0xFFFF8300  }
0x472: {  	v22 =	vld [tilespmem:s14+$0x0]  }
0x473: {  	v23 =	vld [tilespmem:s14+$0x10]  }
0x474: {  	v5 =	vld [tilespmem:s14+$0x20]  }
0x475: {  	v7 =	vld [tilespmem:s14+$0x30]  }
0x476: {  	v1 =	vld [tilespmem:s14+$0x40]  }
0x477: {  	v3 =	vld [tilespmem:s14+$0x50]  }
0x478: {  	v24 =	vld [tilespmem:s14+$0xFFFFFF80]  }
0x479: {  	v25 =	vld [tilespmem:s14+$0xFFFFFF90]  }
0x47a: {  	v4 =	vadd.f32 v4, v20;
	v21 =	vadd.f32 v6, v21;
	v20 =	vld [tilespmem:s14+$0xFFFFFFA0]  }
0x47b: {  	v6 =	vadd.f32 v14, v8;
	v8 =	vadd.f32 v15, v9;
	v26 =	vld [tilespmem:s14+$0xFFFFFFB0]  }
0x47c: {  	v9 =	vadd.f32 v16, v10;
	v10 =	vadd.f32 v18, v11;
	v14 =	vld [tilespmem:s14+$0xFFFFFFC0]  }
0x47d: {  	v6 =	vadd.f32 v0, v6;
	v8 =	vadd.f32 v2, v8;
	v15 =	vld [tilespmem:s14+$0xFFFFFFD0]  }
0x47e: {  	v9 =	vadd.f32 v17, v9;
	v10 =	vadd.f32 v19, v10;
	v16 =	vld [tilespmem:s14+$0xFFFFFFE0]  }
0x47f: {  	v18 =	vld [tilespmem:s14+$0xFFFFFFF0];
	v0 =	vadd.f32 v24, v12;
	v2 =	vadd.f32 v25, v13  }
0x480: {  	v17 =	vld [tilespmem:s14+$0x60];
	v20 =	vadd.f32 v20, v4;
	v21 =	vadd.f32 v26, v21  }
0x481: {  	s13 =	simm.s32 $0x0;
	v19 =	vld [tilespmem:s14+$0x70];
	s14 =	simm.s32 $0x180;
	v12 =	vadd.f32 v22, v0;
	v13 =	vadd.f32 v23, v2  }
.LBB2_62:
0x482: {  	v0 =	vld [tilespmem:s14+$0x0];
	v2 =	vadd.f32 v5, v20;
	v4 =	vadd.f32 v7, v21  }
0x483: {  	v6 =	vadd.f32 v14, v6;
	v8 =	vadd.f32 v15, v8;
	v11 =	vld [tilespmem:s14+$0x10]  }
0x484: {  	v9 =	vadd.f32 v16, v9;
	v5 =	vld [tilespmem:s14+$0x20];
	v10 =	vadd.f32 v18, v10  }
0x485: {  	v6 =	vadd.f32 v1, v6;
	v8 =	vadd.f32 v3, v8;
	v7 =	vld [tilespmem:s14+$0x30]  }
0x486: {  	v9 =	vadd.f32 v17, v9;
	v1 =	vld [tilespmem:s14+$0x40];
	v10 =	vadd.f32 v19, v10  }
0x487: {  	v3 =	vld [tilespmem:s14+$0x50]  }
0x488: {  	v17 =	vld [tilespmem:s14+$0xFFFFFF80]  }
0x489: {  	v18 =	vld [tilespmem:s14+$0xFFFFFF90]  }
0x48a: {  	v19 =	vld [tilespmem:s14+$0xFFFFFFA0]  }
0x48b: {  	s13 =	sadd.s32 $0x2, s13;
	v21 =	vld [tilespmem:s14+$0xFFFFFFB0]  }
0x48c: {  	p0 =	slt.u32 s13, $0xF8;
	v14 =	vld [tilespmem:s14+$0xFFFFFFC0]  }
.Ltmp30:
0x48d: {  	v15 =	vld [tilespmem:s14+$0xFFFFFFD0];
	(pc) =	sbr.rel @p0 .LBB2_62-.Ltmp30, $4  }
0x48e: {  	v16 =	vld [tilespmem:s14+$0xFFFFFFE0]  }
0x48f: {  	v12 =	vadd.f32 v17, v12;
	v13 =	vadd.f32 v18, v13;
	v18 =	vld [tilespmem:s14+$0xFFFFFFF0]  }
0x490: {  	v20 =	vadd.f32 v19, v2;
	v21 =	vadd.f32 v21, v4;
	v17 =	vld [tilespmem:s14+$0x60]  }
0x491: {  	v12 =	vadd.f32 v0, v12;
	v13 =	vadd.f32 v11, v13;
	v19 =	vld [tilespmem:s14+$0x70];
	s14 =	sadd.s32 $0x100, s14  }
0x492: {  	_ =	swait.ge [sflag:s10], $0x7D00  }
0x493: {  	[sflag:s10] =	ssyncset.done $0x0  }
0x494: {  	s14 =	simm.s32 $0x7D80;
	[sflag:s10] =	ssyncadd.s32 $0xFFFF8300  }
0x495: {  	v22 =	vld [tilespmem:s14+$0x0]  }
0x496: {  	v23 =	vld [tilespmem:s14+$0x10]  }
0x497: {  	v4 =	vld [tilespmem:s14+$0x20]  }
0x498: {  	v11 =	vld [tilespmem:s14+$0x30]  }
0x499: {  	v0 =	vld [tilespmem:s14+$0x40]  }
0x49a: {  	v2 =	vld [tilespmem:s14+$0x50]  }
0x49b: {  	v24 =	vld [tilespmem:s14+$0xFFFFFF80]  }
0x49c: {  	v25 =	vld [tilespmem:s14+$0xFFFFFF90]  }
0x49d: {  	v20 =	vadd.f32 v5, v20;
	v7 =	vadd.f32 v7, v21;
	v63 =	vld [tilespmem:s14+$0xFFFFFFA0]  }
0x49e: {  	v5 =	vadd.f32 v14, v6;
	v8 =	vadd.f32 v15, v8;
	v15 =	vld [tilespmem:s14+$0xFFFFFFB0]  }
0x49f: {  	v14 =	vadd.f32 v16, v9;
	v16 =	vadd.f32 v18, v10;
	v9 =	vld [tilespmem:s14+$0xFFFFFFC0]  }
0x4a0: {  	v6 =	vadd.f32 v1, v5;
	v3 =	vadd.f32 v3, v8;
	v10 =	vld [tilespmem:s14+$0xFFFFFFD0]  }
0x4a1: {  	v5 =	vadd.f32 v17, v14;
	v14 =	vld [tilespmem:s14+$0xFFFFFFE0];
	v1 =	vadd.f32 v19, v16  }
0x4a2: {  	v8 =	vadd.f32 v24, v12;
	v18 =	vadd.f32 v25, v13;
	v13 =	vld [tilespmem:s14+$0xFFFFFFF0]  }
0x4a3: {  	v17 =	vadd.f32 v63, v20;
	v16 =	vadd.f32 v15, v7;
	v12 =	vld [tilespmem:s14+$0x60]  }
0x4a4: {  	s13 =	simm.s32 $0x0;
	v15 =	vld [tilespmem:s14+$0x70];
	s14 =	simm.s32 $0x7E80;
	v8 =	vadd.f32 v22, v8;
	v7 =	vadd.f32 v23, v18  }
.LBB2_64:
0x4a5: {  	v18 =	vld [tilespmem:s14+$0x0];
	v17 =	vadd.f32 v4, v17;
	v16 =	vadd.f32 v11, v16  }
0x4a6: {  	v6 =	vadd.f32 v9, v6;
	v3 =	vadd.f32 v10, v3;
	v19 =	vld [tilespmem:s14+$0x10]  }
0x4a7: {  	v5 =	vadd.f32 v14, v5;
	v4 =	vld [tilespmem:s14+$0x20];
	v1 =	vadd.f32 v13, v1  }
0x4a8: {  	v6 =	vadd.f32 v0, v6;
	v3 =	vadd.f32 v2, v3;
	v11 =	vld [tilespmem:s14+$0x30]  }
0x4a9: {  	v5 =	vadd.f32 v12, v5;
	v0 =	vld [tilespmem:s14+$0x40];
	v1 =	vadd.f32 v15, v1  }
0x4aa: {  	v2 =	vld [tilespmem:s14+$0x50]  }
0x4ab: {  	v12 =	vld [tilespmem:s14+$0xFFFFFF80]  }
0x4ac: {  	v13 =	vld [tilespmem:s14+$0xFFFFFF90]  }
0x4ad: {  	v15 =	vld [tilespmem:s14+$0xFFFFFFA0]  }
0x4ae: {  	s13 =	sadd.s32 $0x2, s13;
	v20 =	vld [tilespmem:s14+$0xFFFFFFB0]  }
0x4af: {  	p0 =	slt.u32 s13, $0xF8;
	v9 =	vld [tilespmem:s14+$0xFFFFFFC0]  }
.Ltmp31:
0x4b0: {  	v10 =	vld [tilespmem:s14+$0xFFFFFFD0];
	(pc) =	sbr.rel @p0 .LBB2_64-.Ltmp31, $4  }
0x4b1: {  	v14 =	vld [tilespmem:s14+$0xFFFFFFE0]  }
0x4b2: {  	v8 =	vadd.f32 v12, v8;
	v7 =	vadd.f32 v13, v7;
	v13 =	vld [tilespmem:s14+$0xFFFFFFF0]  }
0x4b3: {  	v17 =	vadd.f32 v15, v17;
	v16 =	vadd.f32 v20, v16;
	v12 =	vld [tilespmem:s14+$0x60]  }
0x4b4: {  	v8 =	vadd.f32 v18, v8;
	v7 =	vadd.f32 v19, v7;
	v15 =	vld [tilespmem:s14+$0x70];
	s14 =	sadd.s32 $0x100, s14  }
0x4b5: {  	_ = 	snop  }
0x4b6: {  	v4 =	vadd.f32 v4, v17;
	v6 =	vadd.f32 v9, v6;
	[tilespmem:$0xFA00] =	vst v8  }
0x4b7: {  	v61 =	vadd.f32 v11, v16;
	v3 =	vadd.f32 v10, v3;
	[tilespmem:$0xFA10] =	vst v7  }
0x4b8: {  	v5 =	vadd.f32 v14, v5;
	v0 =	vadd.f32 v0, v6;
	[tilespmem:$0xFA20] =	vst v4  }
0x4b9: {  	v1 =	vadd.f32 v13, v1;
	v2 =	vadd.f32 v2, v3;
	[tilespmem:$0xFA30] =	vst v61  }
0x4ba: {  	v62 =	vadd.f32 v12, v5;
	[tilespmem:$0xFA40] =	vst v0  }
0x4bb: {  	s12 =	sadd.s32 $0x1, s12;
	v63 =	vadd.f32 v15, v1;
	[tilespmem:$0xFA50] =	vst v2  }
0x4bc: {  	p0 =	sne.s32 s12, s7;
	[tilespmem:$0xFA60] =	vst v62  }
.Ltmp32:
0x4bd: {  	s13 =	simm.s32 $0xFA00;
	[tilespmem:$0xFA70] =	vst v63;
	(pc) =	sbr.rel @p0 .LBB2_1-.Ltmp32, $4  }
0x4be: {  	[hbm4b:s6+s2] =	stream.linear.scatter [tilespmem:s13], [sflag:$0x3], $0x80, $0x38;
	[tilespmem:$0xFA80] =	vst v63  }
0x4bf: {  	_ =	swait.ge [sflag:s11], $0x80  }
0x4c0: {  	[sflag:s11] =	ssyncset.done $0x0  }
0x4c1: {  	[sflag:s11] =	ssyncadd.s32 $0xFFFFFF80  }
0x4c2: {  	_ =	sfence.sel $0x180000  }
0x4c3: {  	[bflag:$0x0] =	sbarrier.arrive $0xFFFF  }
0x4c4: {  	_ =	strace $0x90000047  }
0x4c5: {  	s0 =	stileid.u32;
	[bflag:$0x2] =	sbarrier.arrive $0xFFFF  }
0x4c6: {  	p0 =	sne.s32 s0, $0x0;
	s0 =	rddreg [dreg:$0x2]  }
0x4c7: {  	s0 =	sadd.s32 @!p0 $0x100000, s0  }
0x4c8: {  	[sflag:s0] =	ssyncadd.tile.s32 @!p0 $0x1;
	_ =	shalt  }
.Lfunc_end2:
_tile_overlayer_lowered:
.L_overlay_start_2:
0x4c9: {  	(tag) =	ssettag $0x2  }
0x4ca: {  	s0 =	rddreg [dreg:$0x0];
	s2 =	stileid.u32  }
0x4cb: {  	s1 =	rddreg [dreg:$0x1];
	p0 =	sne.s32 s2, $0x0  }
0x4cc: {  	s3 =	rddreg [dreg:$0x2];
	[bflag:$0x3] =	sbarrier.arrive $0xFFFF;
	s2 =	simm.s32 @!p0 $0x1C03  }
0x4cd: {  	[timem:s3], [sflag:s2] =	dma.local @!p0 [hbm:s0], s1  }
0x4ce: {  	s0 =	simm.s32 @!p0 $0x3  }
0x4cf: {  	_ =	swait.ge @!p0 [sflag:s0], s1  }
0x4d0: {  	s1 =	ssub.s32 @!p0 $0x0, s1;
	[sflag:s0] =	ssyncset.done @!p0 $0x0  }
0x4d1: {  	[sflag:s0] =	ssyncadd.s32 @!p0 s1  }
0x4d2: {  	[bflag:$0x3] =	sbarrier.arrive $0xFFFF  }
0x4d3: {  	_ =	shalt  }

</sc_bundles>
